<compile_context>
chip_gen: v7x
topology: tpu7x:2x2x1
jax: 0.10.2.dev20260603
libtpu: 0.0.44.dev20260713+nightly
codegen_flags: <defaults>
</compile_context>

<pallas_src>
import jax
import jax.numpy as jnp
from jax import lax
from jax.experimental import pallas as pl
from jax.experimental.pallas import tpu as pltpu
from jax.experimental.pallas import tpu_sc as plsc

NN = 10000
NPAD = 10240
EDGES = 320000
ETOT = EDGES + NN
NCORE = 2
NSUB = 16
NTILE = NCORE * NSUB
CHUNK = 128
CPT = 82
CPT0 = 100
CPT1 = 2 * CPT - CPT0
EPT = CPT * CHUNK
EPAD = (NSUB * (CPT0 + CPT1) + CPT0 - CPT1) * CHUNK
ROWS_PER_TILE = NPAD // NSUB

U1W = 80
U2W = 48
HBW = 64
BLK = 1024



def _tc_pre_body(x_ref, w1_ref, w1s_ref, acat_ref, hb_ref, asd_ref):
    h = jnp.dot(x_ref[...], w1_ref[...], preferred_element_type=jnp.float32)
    asd_ref[...] = jnp.dot(h, acat_ref[...], preferred_element_type=jnp.float32)
    hb_ref[...] = jnp.dot(x_ref[...], w1s_ref[...],
                          preferred_element_type=jnp.float32).astype(jnp.bfloat16)


def _tc_mid_body(u_ref, b1_ref, w2p_ref, w2s_ref, a2_ref, e16_ref,
                 hb_ref, asd2_ref):
    u = u_ref[0] + u_ref[1]
    den = jnp.dot(u[:, 64:80], e16_ref[...], preferred_element_type=jnp.float32)
    h1 = jnp.maximum(u[:, :64] / (den + 1e-16) + b1_ref[...], 0.0)
    h2 = jnp.dot(h1, w2p_ref[...], preferred_element_type=jnp.float32)
    asd2_ref[...] = jnp.dot(h2, a2_ref[...], preferred_element_type=jnp.float32)
    hb_ref[...] = jnp.dot(h1, w2s_ref[...],
                          preferred_element_type=jnp.float32).astype(jnp.bfloat16)


def _tc_post_body(u_ref, b2_ref, e1_ref, out_ref):
    u = u_ref[0] + u_ref[1]
    den = jnp.dot(u[:, 40:48], e1_ref[...], preferred_element_type=jnp.float32)
    logits = u[:, :40] / (den + 1e-16) + b2_ref[...]
    m = jnp.max(logits, axis=1, keepdims=True)
    p = logits - m
    out_ref[...] = p - jnp.log(jnp.sum(jnp.exp(p), axis=1, keepdims=True))


def _row_spec(width):
    return pl.BlockSpec((BLK, width), lambda i: (i, 0))


def _full_spec(shape):
    return pl.BlockSpec(shape, lambda i: tuple(0 for _ in shape))


def _tc_pre(xp, w1, w1s, acat):
    return pl.pallas_call(
        _tc_pre_body,
        grid=(NPAD // BLK,),
        in_specs=[_row_spec(128), _full_spec((128, 64)), _full_spec((128, 64)),
                  _full_spec((64, 16))],
        out_specs=[_row_spec(HBW), _row_spec(16)],
        out_shape=[jax.ShapeDtypeStruct((NPAD, HBW), jnp.bfloat16),
                   jax.ShapeDtypeStruct((NPAD, 16), jnp.float32)],
    )(xp, w1, w1s, acat)


def _tc_mid(u, b1r, w2p, w2s, a2, e16):
    return pl.pallas_call(
        _tc_mid_body,
        grid=(NPAD // BLK,),
        in_specs=[pl.BlockSpec((2, BLK, U1W), lambda i: (0, i, 0)),
                  _full_spec((1, 64)),
                  _full_spec((64, 48)), _full_spec((64, HBW)),
                  _full_spec((48, 16)), _full_spec((16, 64))],
        out_specs=[_row_spec(HBW), _row_spec(16)],
        out_shape=[jax.ShapeDtypeStruct((NPAD, HBW), jnp.bfloat16),
                   jax.ShapeDtypeStruct((NPAD, 16), jnp.float32)],
    )(u, b1r, w2p, w2s, a2, e16)


def _tc_post(u, b2r, e1):
    return pl.pallas_call(
        _tc_post_body,
        grid=(NPAD // BLK,),
        in_specs=[pl.BlockSpec((2, BLK, U2W), lambda i: (0, i, 0)),
                  _full_spec((1, 40)), _full_spec((8, 40))],
        out_specs=_row_spec(40),
        out_shape=jax.ShapeDtypeStruct((NPAD, 40), jnp.float32),
    )(u, b2r, e1)



def _vgather(v, idx):
    return v.at[idx].get(mode="promise_in_bounds")


def _edge1_compute(e, asds_v, asdd_v, hb_v, msg_v):
    iota = lax.iota(jnp.int32, 16)
    idx_hi = (iota & 7) + 8
    srow = asds_v[e]
    drow = asdd_v[e]
    ev = srow + _vgather(drow, idx_hi)
    ev = jnp.where(ev > 0, ev, 0.2 * ev)
    w = jnp.where(iota < 8, jnp.exp(ev), 0.0)
    for k in range(2):
        hb = hb_v[e, pl.ds(32 * k, 32)]
        a, b = plsc.unpack(hb, format=plsc.PackFormat.INTERLEAVED)
        wa = _vgather(w, jnp.right_shift(iota, 3) + 4 * k)
        wb = _vgather(w, jnp.right_shift(iota, 3) + 4 * k + 2)
        msg_v[e, pl.ds(32 * k, 16)] = a * wa
        msg_v[e, pl.ds(32 * k + 16, 16)] = b * wb
    msg_v[e, pl.ds(64, 16)] = w


def _edge2_compute(e, asds_v, asdd_v, hb_v, msg_v):
    iota = lax.iota(jnp.int32, 16)
    idx_hi = (iota & 7) + 8
    srow = asds_v[e]
    drow = asdd_v[e]
    ev = srow + _vgather(drow, idx_hi)
    ev = jnp.where(ev > 0, ev, 0.2 * ev)
    wb16 = _vgather(jnp.exp(ev), iota * 0)
    h0 = hb_v[e, pl.ds(0, 32)]
    a0, b0 = plsc.unpack(h0, format=plsc.PackFormat.INTERLEAVED)
    h1 = hb_v[e, pl.ds(32, 32)]
    a1, _b1 = plsc.unpack(h1, format=plsc.PackFormat.INTERLEAVED)
    msg_v[e, pl.ds(0, 16)] = a0 * wb16
    msg_v[e, pl.ds(16, 16)] = b0 * wb16
    msg_v[e, pl.ds(32, 16)] = a1 * wb16 + jnp.where(iota == 8, wb16, 0.0)


def _sc_edge_kernel(width_acc, per_edge_fn):

    def body(src_hbm, dst_hbm, asd_hbm, hb_hbm, out_hbm,
             src_v, dst_v, asds0_v, asds1_v, asdd0_v, asdd1_v,
             hb0_v, hb1_v, msg0_v, msg1_v,
             acc_sh, sg0, sg1, ss0, ss1):
        c = lax.axis_index("c")
        s = lax.axis_index("s")
        row_base = jnp.where(c == 0, s * CPT0, NSUB * CPT0 + s * CPT1)
        cpt_mine = jnp.where(c == 0, CPT0, CPT1)

        pltpu.sync_copy(src_hbm.at[pl.ds(row_base, CPT0)], src_v)
        pltpu.sync_copy(dst_hbm.at[pl.ds(row_base, CPT0)], dst_v)

        asdss = (asds0_v, asds1_v)
        asdds = (asdd0_v, asdd1_v)
        hbs = (hb0_v, hb1_v)
        msgs = (msg0_v, msg1_v)
        sgs = (sg0, sg1)
        sss = (ss0, ss1)

        def issue(j, b):
            pltpu.async_copy(asd_hbm.at[src_v.at[j]], asdss[b], sgs[b])
            pltpu.async_copy(asd_hbm.at[dst_v.at[j]], asdds[b], sgs[b])
            pltpu.async_copy(hb_hbm.at[src_v.at[j]], hbs[b], sgs[b])

        def drain(j, b):
            pltpu.make_async_copy(asd_hbm.at[src_v.at[j]], asdss[b],
                                  sgs[b]).wait()
            pltpu.make_async_copy(asd_hbm.at[dst_v.at[j]], asdds[b],
                                  sgs[b]).wait()
            pltpu.make_async_copy(hb_hbm.at[src_v.at[j]], hbs[b],
                                  sgs[b]).wait()

        @plsc.parallel_loop(0, CHUNK, 1, unroll=4)
        def _zero_row(r):
            for k in range(width_acc // 16):
                msg0_v[r, pl.ds(16 * k, 16)] = jnp.zeros((16,), jnp.float32)
        for i in range(ROWS_PER_TILE // CHUNK):
            pltpu.sync_copy(msg0_v,
                            acc_sh.at[pl.ds(s * ROWS_PER_TILE + i * CHUNK,
                                            CHUNK)])
        plsc.subcore_barrier()

        issue(0, 0)

        def do_chunk(j, b):
            drain(j, b)

            @pl.when(j >= 2)
            def _():
                pltpu.make_async_copy(msgs[b], acc_sh.at[dst_v.at[j - 2]],
                                      sss[b]).wait()

            @plsc.parallel_loop(0, CHUNK, 1, unroll=4)
            def edge_body(e):
                per_edge_fn(e, asdss[b], asdds[b], hbs[b], msgs[b])

            pltpu.async_copy(msgs[b], acc_sh.at[dst_v.at[j]], sss[b],
                             add=True)

        def pair_body(k, _):
            j0 = 2 * k
            issue(j0 + 1, 1)
            do_chunk(j0, 0)

            @pl.when(k + 1 < cpt_mine // 2)
            def _():
                issue(j0 + 2, 0)
            do_chunk(j0 + 1, 1)
            return 0

        lax.fori_loop(0, cpt_mine // 2, pair_body, 0)
        pltpu.make_async_copy(msgs[0], acc_sh.at[dst_v.at[cpt_mine - 2]],
                              sss[0]).wait()
        pltpu.make_async_copy(msgs[1], acc_sh.at[dst_v.at[cpt_mine - 1]],
                              sss[1]).wait()
        plsc.subcore_barrier()

        pltpu.sync_copy(acc_sh.at[pl.ds(s * ROWS_PER_TILE, ROWS_PER_TILE)],
                        out_hbm.at[c, pl.ds(s * ROWS_PER_TILE, ROWS_PER_TILE)])

    mesh = plsc.VectorSubcoreMesh(core_axis_name="c", subcore_axis_name="s",
                                  num_cores=NCORE, num_subcores=NSUB)
    return pl.kernel(
        body,
        out_type=jax.ShapeDtypeStruct((NCORE, NPAD, width_acc), jnp.float32),
        mesh=mesh,
        compiler_params=pltpu.CompilerParams(use_tc_tiling_on_sc=False,
                                             needs_layout_passes=False),
        scratch_types=[
            pltpu.VMEM((CPT0, CHUNK), jnp.int32),
            pltpu.VMEM((CPT0, CHUNK), jnp.int32),
            pltpu.VMEM((CHUNK, 16), jnp.float32),
            pltpu.VMEM((CHUNK, 16), jnp.float32),
            pltpu.VMEM((CHUNK, 16), jnp.float32),
            pltpu.VMEM((CHUNK, 16), jnp.float32),
            pltpu.VMEM((CHUNK, HBW), jnp.bfloat16),
            pltpu.VMEM((CHUNK, HBW), jnp.bfloat16),
            pltpu.VMEM((CHUNK, width_acc), jnp.float32),
            pltpu.VMEM((CHUNK, width_acc), jnp.float32),
            pltpu.VMEM_SHARED((NPAD, width_acc), jnp.float32),
            pltpu.SemaphoreType.DMA,
            pltpu.SemaphoreType.DMA,
            pltpu.SemaphoreType.DMA,
            pltpu.SemaphoreType.DMA,
        ],
    )



def kernel(x, edge_index, W1, as1, ad1, b1, W2, as2, ad2, b2):
    f32 = jnp.float32

    loop = jnp.arange(NN, dtype=jnp.int32)
    pad = jnp.full((EPAD - ETOT,), NN, jnp.int32)
    src = jnp.concatenate([edge_index[0], loop, pad]).reshape(-1, CHUNK)
    dst = jnp.concatenate([edge_index[1], loop, pad]).reshape(-1, CHUNK)

    p = jnp.arange(HBW)
    perm = 32 * (p // 32) + (p % 32) // 2 + jnp.where(p % 2 == 1, 16, 0)

    j = jnp.arange(64)
    hd = j // 8
    acat = jnp.zeros((64, 16), f32)
    acat = acat.at[j, hd].set(as1.reshape(-1))
    acat = acat.at[j, hd + 8].set(ad1.reshape(-1))
    w1s = W1[:, perm]

    w2p = jnp.zeros((64, 48), f32).at[:, :40].set(W2)
    w2pad64 = jnp.zeros((64, HBW), f32).at[:, :40].set(W2)
    w2s = w2pad64[:, perm]
    a2 = jnp.zeros((48, 16), f32)
    a2 = a2.at[:40, 0:8].set(as2[0][:, None] * jnp.ones((40, 8), f32))
    a2 = a2.at[:40, 8:16].set(ad2[0][:, None] * jnp.ones((40, 8), f32))

    e16 = (jnp.arange(64)[None, :] // 8
           == jnp.arange(16)[:, None]).astype(f32)
    e1 = (jnp.arange(8)[:, None] == 0).astype(f32) * jnp.ones((8, 40), f32)

    hb1, asd1 = _tc_pre(x, W1, w1s, acat)

    u1 = _sc_edge_kernel(U1W, _edge1_compute)(src, dst, asd1, hb1)
    hb2, asd2 = _tc_mid(u1, b1.reshape(1, 64), w2p, w2s, a2, e16)

    u2 = _sc_edge_kernel(U2W, _edge2_compute)(src, dst, asd2, hb2)
    out = _tc_post(u2, b2.reshape(1, 40), e1)
    return out[:NN]

# --- scband reference (transcript-rebuilt; emitter-appended) ---
"""Pipeline reference for scband-gat-48095043780693 (READ-ONLY COPY).

The authoritative reference and input builder live on the scoring server;
editing this copy changes nothing except your own understanding.
"""

import jax, jax.numpy as jnp
import numpy as np

N = 10000
E = 320000
F_IN = 128
HEADS = 8
HID = 8
NCLS = 40


def setup_inputs(seed: int = 0) -> dict:
    key = jax.random.key(seed)
    ks = jax.random.split(key, 12)
    x = jax.random.normal(ks[0], (N, F_IN), dtype=jnp.float32)
    edge_index = jax.random.randint(ks[1], (2, E), 0, N, dtype=jnp.int32)
    s = 0.1
    W1 = jax.random.normal(ks[2], (F_IN, HEADS * HID), dtype=jnp.float32) * s
    as1 = jax.random.normal(ks[3], (HEADS, HID), dtype=jnp.float32) * s
    ad1 = jax.random.normal(ks[4], (HEADS, HID), dtype=jnp.float32) * s
    b1 = jnp.zeros((HEADS * HID,), dtype=jnp.float32)
    W2 = jax.random.normal(ks[5], (HEADS * HID, NCLS), dtype=jnp.float32) * s
    as2 = jax.random.normal(ks[6], (1, NCLS), dtype=jnp.float32) * s
    ad2 = jax.random.normal(ks[7], (1, NCLS), dtype=jnp.float32) * s
    b2 = jnp.zeros((NCLS,), dtype=jnp.float32)
    return {"x": x, "edge_index": edge_index, "W1": W1, "as1": as1, "ad1": ad1,
            "b1": b1, "W2": W2, "as2": as2, "ad2": ad2, "b2": b2}


def gat_conv(x, edge_index, W, a_src_w, a_dst_w, b, heads, out_c, concat):
    n = x.shape[0]
    loop = jnp.arange(n, dtype=edge_index.dtype)
    src = jnp.concatenate([edge_index[0], loop])
    dst = jnp.concatenate([edge_index[1], loop])
    h = (x @ W).reshape(n, heads, out_c)
    a_src = (h * a_src_w[None]).sum(-1)  # [n, heads]
    a_dst = (h * a_dst_w[None]).sum(-1)  # [n, heads]
    e = jax.nn.leaky_relu(a_src[src] + a_dst[dst], negative_slope=0.2)
    m = jax.ops.segment_max(e, dst, num_segments=n)
    e = jnp.exp(e - m[dst])
    denom = jax.ops.segment_sum(e, dst, num_segments=n)
    alpha = e / (denom[dst] + 1e-16)
    out = jax.ops.segment_sum(h[src] * alpha[..., None], dst, num_segments=n)
    if concat:
        out = out.reshape(n, heads * out_c)
    else:
        out = out.mean(axis=1)
    return out + b


def reference(x, edge_index, W1, as1, ad1, b1, W2, as2, ad2, b2):
    # eval mode: dropout is identity
    h = gat_conv(x, edge_index, W1, as1, ad1, b1, HEADS, HID, True)
    h = jax.nn.relu(h)
    h = gat_conv(h, edge_index, W2, as2, ad2, b2, 1, NCLS, True)
    return jax.nn.log_softmax(h, axis=1)

if __name__ == "__main__":
    import jax
    _d = setup_inputs()
    print(jax.jit(kernel)(*tuple(_d.values())))

</pallas_src>

<mosaic_0001>
#map = affine_map<(d0, d1) -> (0, 0)>
#map1 = affine_map<(d0, d1) -> (0, 0, 0)>
module attributes {stable_mosaic.version = 14 : i64} {
  func.func @body(%arg0: i32, %arg1: i32, %arg2: memref<2660x128xi32, #tpu.memory_space<hbm>>, %arg3: memref<2660x128xi32, #tpu.memory_space<hbm>>, %arg4: memref<10240x16xf32, #tpu.memory_space<hbm>>, %arg5: memref<10240x64xbf16, #tpu.memory_space<hbm>>, %arg6: memref<2x10240x80xf32, #tpu.memory_space<hbm>>, %arg7: memref<100x128xi32, #tpu.memory_space<vmem>>, %arg8: memref<100x128xi32, #tpu.memory_space<vmem>>, %arg9: memref<128x16xf32, #tpu.memory_space<vmem>>, %arg10: memref<128x16xf32, #tpu.memory_space<vmem>>, %arg11: memref<128x16xf32, #tpu.memory_space<vmem>>, %arg12: memref<128x16xf32, #tpu.memory_space<vmem>>, %arg13: memref<128x64xbf16, #tpu.memory_space<vmem>>, %arg14: memref<128x64xbf16, #tpu.memory_space<vmem>>, %arg15: memref<128x80xf32, #tpu.memory_space<vmem>>, %arg16: memref<128x80xf32, #tpu.memory_space<vmem>>, %arg17: memref<10240x80xf32, #tpu.memory_space<vmem_shared>>, %arg18: memref<!tpu.dma_semaphore, #tpu.memory_space<semaphore_mem>>, %arg19: memref<!tpu.dma_semaphore, #tpu.memory_space<semaphore_mem>>, %arg20: memref<!tpu.dma_semaphore, #tpu.memory_space<semaphore_mem>>, %arg21: memref<!tpu.dma_semaphore, #tpu.memory_space<semaphore_mem>>) attributes {dimension_semantics = [#tpu.dimension_semantics<core_parallel>, #tpu.dimension_semantics<subcore_parallel>], iteration_bounds = array<i64: 2, 16>, scalar_prefetch = 0 : i64, scratch_operands = 15 : i64, tpu.core_type = #tpu.core_type<sc_vector_subcore>, window_params = [{transform_indices = #map}, {transform_indices = #map}, {transform_indices = #map}, {transform_indices = #map}, {transform_indices = #map1}]} {
    %eq3A = arith.constant 0 : i32
    %eq3A_0 = arith.cmpi eq, %arg0, %eq3A : i32
    %mul3A = arith.constant 100 : i32
    %mul3A_1 = arith.muli %arg1, %mul3A : i32
    %mul3A_2 = arith.constant 64 : i32
    %mul3A_3 = arith.muli %arg1, %mul3A_2 : i32
    %add3A = arith.constant 1600 : i32
    %add3A_4 = arith.addi %add3A, %mul3A_3 : i32
    %select_n3A = arith.select %eq3A_0, %mul3A_1, %add3A_4 : i32
    %eq3A_5 = arith.constant 0 : i32
    %eq3A_6 = arith.cmpi eq, %arg0, %eq3A_5 : i32
    %jit3A = arith.constant 100 : i32
    %jit3A_7 = arith.constant 64 : i32
    %select_n3A_8 = arith.select %eq3A_6, %jit3A, %jit3A_7 : i32
    "tpu.region"() ({
      %run_scoped3A = tpu.sem_alloc : memref<!tpu.dma_semaphore, #tpu.memory_space<semaphore_mem>>
      %dma_start3A_100 = arith.constant 0 : i32
      %dma_start3A_101 = tpu.memref_slice %arg2[%select_n3A, %dma_start3A_100] : memref<2660x128xi32, #tpu.memory_space<hbm>> -> memref<100x128xi32, #tpu.memory_space<hbm>>
      %dma_start3A_102 = arith.constant 0 : i32
      %dma_start3A_103 = tpu.memref_slice %arg2[%select_n3A, %dma_start3A_102] : memref<2660x128xi32, #tpu.memory_space<hbm>> -> memref<100x128xi32, #tpu.memory_space<hbm>>
      tpu.enqueue_dma source(%dma_start3A_103 : memref<100x128xi32, #tpu.memory_space<hbm>>) target(%arg7 : memref<100x128xi32, #tpu.memory_space<vmem>>) target_semaphore(%run_scoped3A : memref<!tpu.dma_semaphore, #tpu.memory_space<semaphore_mem>>)
      %dma_wait3A_104 = arith.constant 0 : i32
      %dma_wait3A_105 = tpu.memref_slice %arg2[%select_n3A, %dma_wait3A_104] : memref<2660x128xi32, #tpu.memory_space<hbm>> -> memref<100x128xi32, #tpu.memory_space<hbm>>
      %dma_wait3A_106 = arith.constant 0 : i32
      %dma_wait3A_107 = tpu.memref_slice %arg2[%select_n3A, %dma_wait3A_106] : memref<2660x128xi32, #tpu.memory_space<hbm>> -> memref<100x128xi32, #tpu.memory_space<hbm>>
      tpu.wait_dma2 semaphore(%run_scoped3A : memref<!tpu.dma_semaphore, #tpu.memory_space<semaphore_mem>>) src(%dma_wait3A_107 : memref<100x128xi32, #tpu.memory_space<hbm>>) dst(%arg7 : memref<100x128xi32, #tpu.memory_space<vmem>>)
      tpu.yield
    }) : () -> ()
    "tpu.region"() ({
      %run_scoped3A = tpu.sem_alloc : memref<!tpu.dma_semaphore, #tpu.memory_space<semaphore_mem>>
      %dma_start3A_100 = arith.constant 0 : i32
      %dma_start3A_101 = tpu.memref_slice %arg3[%select_n3A, %dma_start3A_100] : memref<2660x128xi32, #tpu.memory_space<hbm>> -> memref<100x128xi32, #tpu.memory_space<hbm>>
      %dma_start3A_102 = arith.constant 0 : i32
      %dma_start3A_103 = tpu.memref_slice %arg3[%select_n3A, %dma_start3A_102] : memref<2660x128xi32, #tpu.memory_space<hbm>> -> memref<100x128xi32, #tpu.memory_space<hbm>>
      tpu.enqueue_dma source(%dma_start3A_103 : memref<100x128xi32, #tpu.memory_space<hbm>>) target(%arg8 : memref<100x128xi32, #tpu.memory_space<vmem>>) target_semaphore(%run_scoped3A : memref<!tpu.dma_semaphore, #tpu.memory_space<semaphore_mem>>)
      %dma_wait3A_104 = arith.constant 0 : i32
      %dma_wait3A_105 = tpu.memref_slice %arg3[%select_n3A, %dma_wait3A_104] : memref<2660x128xi32, #tpu.memory_space<hbm>> -> memref<100x128xi32, #tpu.memory_space<hbm>>
      %dma_wait3A_106 = arith.constant 0 : i32
      %dma_wait3A_107 = tpu.memref_slice %arg3[%select_n3A, %dma_wait3A_106] : memref<2660x128xi32, #tpu.memory_space<hbm>> -> memref<100x128xi32, #tpu.memory_space<hbm>>
      tpu.wait_dma2 semaphore(%run_scoped3A : memref<!tpu.dma_semaphore, #tpu.memory_space<semaphore_mem>>) src(%dma_wait3A_107 : memref<100x128xi32, #tpu.memory_space<hbm>>) dst(%arg8 : memref<100x128xi32, #tpu.memory_space<vmem>>)
      tpu.yield
    }) : () -> ()
    %parallel_loop3A = arith.constant 0 : i32
    %parallel_loop3A_9 = arith.constant 128 : i32
    %parallel_loop3A_10 = arith.constant 1 : i32
    scf.for %parallel_loop3A_100 = %parallel_loop3A to %parallel_loop3A_9 step %parallel_loop3A_10  : i32 {
      %parallel_loop3A_101 = arith.constant 0.000000e+00 : f32
      %parallel_loop3A_102 = vector.broadcast %parallel_loop3A_101 : f32 to vector<16xf32>
      %parallel_loop3A_103 = arith.index_cast %parallel_loop3A_100 : i32 to index
      %parallel_loop3A_104 = arith.constant 0 : index
      %parallel_loop3A_105 = tpu.vector_load %arg15[%parallel_loop3A_103, %parallel_loop3A_104] {strides = array<i32>} : memref<128x80xf32, #tpu.memory_space<vmem>>, vector<16xf32>,
      tpu.vector_store %arg15[%parallel_loop3A_103, %parallel_loop3A_104], %parallel_loop3A_102 {strides = array<i32>} : memref<128x80xf32, #tpu.memory_space<vmem>>, vector<16xf32>,
      %parallel_loop3A_106 = arith.constant 0.000000e+00 : f32
      %parallel_loop3A_107 = vector.broadcast %parallel_loop3A_106 : f32 to vector<16xf32>
      %parallel_loop3A_108 = arith.index_cast %parallel_loop3A_100 : i32 to index
      %parallel_loop3A_109 = arith.constant 16 : index
      %parallel_loop3A_110 = tpu.vector_load %arg15[%parallel_loop3A_108, %parallel_loop3A_109] {strides = array<i32>} : memref<128x80xf32, #tpu.memory_space<vmem>>, vector<16xf32>,
      tpu.vector_store %arg15[%parallel_loop3A_108, %parallel_loop3A_109], %parallel_loop3A_107 {strides = array<i32>} : memref<128x80xf32, #tpu.memory_space<vmem>>, vector<16xf32>,
      %parallel_loop3A_111 = arith.constant 0.000000e+00 : f32
      %parallel_loop3A_112 = vector.broadcast %parallel_loop3A_111 : f32 to vector<16xf32>
      %parallel_loop3A_113 = arith.index_cast %parallel_loop3A_100 : i32 to index
      %parallel_loop3A_114 = arith.constant 32 : index
      %parallel_loop3A_115 = tpu.vector_load %arg15[%parallel_loop3A_113, %parallel_loop3A_114] {strides = array<i32>} : memref<128x80xf32, #tpu.memory_space<vmem>>, vector<16xf32>,
      tpu.vector_store %arg15[%parallel_loop3A_113, %parallel_loop3A_114], %parallel_loop3A_112 {strides = array<i32>} : memref<128x80xf32, #tpu.memory_space<vmem>>, vector<16xf32>,
      %parallel_loop3A_116 = arith.constant 0.000000e+00 : f32
      %parallel_loop3A_117 = vector.broadcast %parallel_loop3A_116 : f32 to vector<16xf32>
      %parallel_loop3A_118 = arith.index_cast %parallel_loop3A_100 : i32 to index
      %parallel_loop3A_119 = arith.constant 48 : index
      %parallel_loop3A_120 = tpu.vector_load %arg15[%parallel_loop3A_118, %parallel_loop3A_119] {strides = array<i32>} : memref<128x80xf32, #tpu.memory_space<vmem>>, vector<16xf32>,
      tpu.vector_store %arg15[%parallel_loop3A_118, %parallel_loop3A_119], %parallel_loop3A_117 {strides = array<i32>} : memref<128x80xf32, #tpu.memory_space<vmem>>, vector<16xf32>,
      %parallel_loop3A_121 = arith.constant 0.000000e+00 : f32
      %parallel_loop3A_122 = vector.broadcast %parallel_loop3A_121 : f32 to vector<16xf32>
      %parallel_loop3A_123 = arith.index_cast %parallel_loop3A_100 : i32 to index
      %parallel_loop3A_124 = arith.constant 64 : index
      %parallel_loop3A_125 = tpu.vector_load %arg15[%parallel_loop3A_123, %parallel_loop3A_124] {strides = array<i32>} : memref<128x80xf32, #tpu.memory_space<vmem>>, vector<16xf32>,
      tpu.vector_store %arg15[%parallel_loop3A_123, %parallel_loop3A_124], %parallel_loop3A_122 {strides = array<i32>} : memref<128x80xf32, #tpu.memory_space<vmem>>, vector<16xf32>,
    } {sc.loop_unroll_factor = 4 : i64, sc.parallel_access}
    %mul3A_11 = arith.constant 640 : i32
    %mul3A_12 = arith.muli %arg1, %mul3A_11 : i32
    %add3A_13 = arith.constant 0 : i32
    %add3A_14 = arith.addi %mul3A_12, %add3A_13 : i32
    "tpu.region"() ({
      %run_scoped3A = tpu.sem_alloc : memref<!tpu.dma_semaphore, #tpu.memory_space<semaphore_mem>>
      %dma_start3A_100 = arith.constant 0 : i32
      %dma_start3A_101 = tpu.memref_slice %arg17[%add3A_14, %dma_start3A_100] : memref<10240x80xf32, #tpu.memory_space<vmem_shared>> -> memref<128x80xf32, #tpu.memory_space<vmem_shared>>
      %dma_start3A_102 = arith.constant 0 : i32
      %dma_start3A_103 = tpu.memref_slice %arg17[%add3A_14, %dma_start3A_102] : memref<10240x80xf32, #tpu.memory_space<vmem_shared>> -> memref<128x80xf32, #tpu.memory_space<vmem_shared>>
      tpu.enqueue_dma source(%arg15 : memref<128x80xf32, #tpu.memory_space<vmem>>) target(%dma_start3A_103 : memref<128x80xf32, #tpu.memory_space<vmem_shared>>) target_semaphore(%run_scoped3A : memref<!tpu.dma_semaphore, #tpu.memory_space<semaphore_mem>>)
      %dma_wait3A_104 = arith.constant 0 : i32
      %dma_wait3A_105 = tpu.memref_slice %arg17[%add3A_14, %dma_wait3A_104] : memref<10240x80xf32, #tpu.memory_space<vmem_shared>> -> memref<128x80xf32, #tpu.memory_space<vmem_shared>>
      %dma_wait3A_106 = arith.constant 0 : i32
      %dma_wait3A_107 = tpu.memref_slice %arg17[%add3A_14, %dma_wait3A_106] : memref<10240x80xf32, #tpu.memory_space<vmem_shared>> -> memref<128x80xf32, #tpu.memory_space<vmem_shared>>
      tpu.wait_dma2 semaphore(%run_scoped3A : memref<!tpu.dma_semaphore, #tpu.memory_space<semaphore_mem>>) src(%arg15 : memref<128x80xf32, #tpu.memory_space<vmem>>) dst(%dma_wait3A_107 : memref<128x80xf32, #tpu.memory_space<vmem_shared>>)
      tpu.yield
    }) : () -> ()
    %mul3A_15 = arith.constant 640 : i32
    %mul3A_16 = arith.muli %arg1, %mul3A_15 : i32
    %add3A_17 = arith.constant 128 : i32
    %add3A_18 = arith.addi %mul3A_16, %add3A_17 : i32
    "tpu.region"() ({
      %run_scoped3A = tpu.sem_alloc : memref<!tpu.dma_semaphore, #tpu.memory_space<semaphore_mem>>
      %dma_start3A_100 = arith.constant 0 : i32
      %dma_start3A_101 = tpu.memref_slice %arg17[%add3A_18, %dma_start3A_100] : memref<10240x80xf32, #tpu.memory_space<vmem_shared>> -> memref<128x80xf32, #tpu.memory_space<vmem_shared>>
      %dma_start3A_102 = arith.constant 0 : i32
      %dma_start3A_103 = tpu.memref_slice %arg17[%add3A_18, %dma_start3A_102] : memref<10240x80xf32, #tpu.memory_space<vmem_shared>> -> memref<128x80xf32, #tpu.memory_space<vmem_shared>>
      tpu.enqueue_dma source(%arg15 : memref<128x80xf32, #tpu.memory_space<vmem>>) target(%dma_start3A_103 : memref<128x80xf32, #tpu.memory_space<vmem_shared>>) target_semaphore(%run_scoped3A : memref<!tpu.dma_semaphore, #tpu.memory_space<semaphore_mem>>)
      %dma_wait3A_104 = arith.constant 0 : i32
      %dma_wait3A_105 = tpu.memref_slice %arg17[%add3A_18, %dma_wait3A_104] : memref<10240x80xf32, #tpu.memory_space<vmem_shared>> -> memref<128x80xf32, #tpu.memory_space<vmem_shared>>
      %dma_wait3A_106 = arith.constant 0 : i32
      %dma_wait3A_107 = tpu.memref_slice %arg17[%add3A_18, %dma_wait3A_106] : memref<10240x80xf32, #tpu.memory_space<vmem_shared>> -> memref<128x80xf32, #tpu.memory_space<vmem_shared>>
      tpu.wait_dma2 semaphore(%run_scoped3A : memref<!tpu.dma_semaphore, #tpu.memory_space<semaphore_mem>>) src(%arg15 : memref<128x80xf32, #tpu.memory_space<vmem>>) dst(%dma_wait3A_107 : memref<128x80xf32, #tpu.memory_space<vmem_shared>>)
      tpu.yield
    }) : () -> ()
    %mul3A_19 = arith.constant 640 : i32
    %mul3A_20 = arith.muli %arg1, %mul3A_19 : i32
    %add3A_21 = arith.constant 256 : i32
    %add3A_22 = arith.addi %mul3A_20, %add3A_21 : i32
    "tpu.region"() ({
      %run_scoped3A = tpu.sem_alloc : memref<!tpu.dma_semaphore, #tpu.memory_space<semaphore_mem>>
      %dma_start3A_100 = arith.constant 0 : i32
      %dma_start3A_101 = tpu.memref_slice %arg17[%add3A_22, %dma_start3A_100] : memref<10240x80xf32, #tpu.memory_space<vmem_shared>> -> memref<128x80xf32, #tpu.memory_space<vmem_shared>>
      %dma_start3A_102 = arith.constant 0 : i32
      %dma_start3A_103 = tpu.memref_slice %arg17[%add3A_22, %dma_start3A_102] : memref<10240x80xf32, #tpu.memory_space<vmem_shared>> -> memref<128x80xf32, #tpu.memory_space<vmem_shared>>
      tpu.enqueue_dma source(%arg15 : memref<128x80xf32, #tpu.memory_space<vmem>>) target(%dma_start3A_103 : memref<128x80xf32, #tpu.memory_space<vmem_shared>>) target_semaphore(%run_scoped3A : memref<!tpu.dma_semaphore, #tpu.memory_space<semaphore_mem>>)
      %dma_wait3A_104 = arith.constant 0 : i32
      %dma_wait3A_105 = tpu.memref_slice %arg17[%add3A_22, %dma_wait3A_104] : memref<10240x80xf32, #tpu.memory_space<vmem_shared>> -> memref<128x80xf32, #tpu.memory_space<vmem_shared>>
      %dma_wait3A_106 = arith.constant 0 : i32
      %dma_wait3A_107 = tpu.memref_slice %arg17[%add3A_22, %dma_wait3A_106] : memref<10240x80xf32, #tpu.memory_space<vmem_shared>> -> memref<128x80xf32, #tpu.memory_space<vmem_shared>>
      tpu.wait_dma2 semaphore(%run_scoped3A : memref<!tpu.dma_semaphore, #tpu.memory_space<semaphore_mem>>) src(%arg15 : memref<128x80xf32, #tpu.memory_space<vmem>>) dst(%dma_wait3A_107 : memref<128x80xf32, #tpu.memory_space<vmem_shared>>)
      tpu.yield
    }) : () -> ()
    %mul3A_23 = arith.constant 640 : i32
    %mul3A_24 = arith.muli %arg1, %mul3A_23 : i32
    %add3A_25 = arith.constant 384 : i32
    %add3A_26 = arith.addi %mul3A_24, %add3A_25 : i32
    "tpu.region"() ({
      %run_scoped3A = tpu.sem_alloc : memref<!tpu.dma_semaphore, #tpu.memory_space<semaphore_mem>>
      %dma_start3A_100 = arith.constant 0 : i32
      %dma_start3A_101 = tpu.memref_slice %arg17[%add3A_26, %dma_start3A_100] : memref<10240x80xf32, #tpu.memory_space<vmem_shared>> -> memref<128x80xf32, #tpu.memory_space<vmem_shared>>
      %dma_start3A_102 = arith.constant 0 : i32
      %dma_start3A_103 = tpu.memref_slice %arg17[%add3A_26, %dma_start3A_102] : memref<10240x80xf32, #tpu.memory_space<vmem_shared>> -> memref<128x80xf32, #tpu.memory_space<vmem_shared>>
      tpu.enqueue_dma source(%arg15 : memref<128x80xf32, #tpu.memory_space<vmem>>) target(%dma_start3A_103 : memref<128x80xf32, #tpu.memory_space<vmem_shared>>) target_semaphore(%run_scoped3A : memref<!tpu.dma_semaphore, #tpu.memory_space<semaphore_mem>>)
      %dma_wait3A_104 = arith.constant 0 : i32
      %dma_wait3A_105 = tpu.memref_slice %arg17[%add3A_26, %dma_wait3A_104] : memref<10240x80xf32, #tpu.memory_space<vmem_shared>> -> memref<128x80xf32, #tpu.memory_space<vmem_shared>>
      %dma_wait3A_106 = arith.constant 0 : i32
      %dma_wait3A_107 = tpu.memref_slice %arg17[%add3A_26, %dma_wait3A_106] : memref<10240x80xf32, #tpu.memory_space<vmem_shared>> -> memref<128x80xf32, #tpu.memory_space<vmem_shared>>
      tpu.wait_dma2 semaphore(%run_scoped3A : memref<!tpu.dma_semaphore, #tpu.memory_space<semaphore_mem>>) src(%arg15 : memref<128x80xf32, #tpu.memory_space<vmem>>) dst(%dma_wait3A_107 : memref<128x80xf32, #tpu.memory_space<vmem_shared>>)
      tpu.yield
    }) : () -> ()
    %mul3A_27 = arith.constant 640 : i32
    %mul3A_28 = arith.muli %arg1, %mul3A_27 : i32
    %add3A_29 = arith.constant 512 : i32
    %add3A_30 = arith.addi %mul3A_28, %add3A_29 : i32
    "tpu.region"() ({
      %run_scoped3A = tpu.sem_alloc : memref<!tpu.dma_semaphore, #tpu.memory_space<semaphore_mem>>
      %dma_start3A_100 = arith.constant 0 : i32
      %dma_start3A_101 = tpu.memref_slice %arg17[%add3A_30, %dma_start3A_100] : memref<10240x80xf32, #tpu.memory_space<vmem_shared>> -> memref<128x80xf32, #tpu.memory_space<vmem_shared>>
      %dma_start3A_102 = arith.constant 0 : i32
      %dma_start3A_103 = tpu.memref_slice %arg17[%add3A_30, %dma_start3A_102] : memref<10240x80xf32, #tpu.memory_space<vmem_shared>> -> memref<128x80xf32, #tpu.memory_space<vmem_shared>>
      tpu.enqueue_dma source(%arg15 : memref<128x80xf32, #tpu.memory_space<vmem>>) target(%dma_start3A_103 : memref<128x80xf32, #tpu.memory_space<vmem_shared>>) target_semaphore(%run_scoped3A : memref<!tpu.dma_semaphore, #tpu.memory_space<semaphore_mem>>)
      %dma_wait3A_104 = arith.constant 0 : i32
      %dma_wait3A_105 = tpu.memref_slice %arg17[%add3A_30, %dma_wait3A_104] : memref<10240x80xf32, #tpu.memory_space<vmem_shared>> -> memref<128x80xf32, #tpu.memory_space<vmem_shared>>
      %dma_wait3A_106 = arith.constant 0 : i32
      %dma_wait3A_107 = tpu.memref_slice %arg17[%add3A_30, %dma_wait3A_106] : memref<10240x80xf32, #tpu.memory_space<vmem_shared>> -> memref<128x80xf32, #tpu.memory_space<vmem_shared>>
      tpu.wait_dma2 semaphore(%run_scoped3A : memref<!tpu.dma_semaphore, #tpu.memory_space<semaphore_mem>>) src(%arg15 : memref<128x80xf32, #tpu.memory_space<vmem>>) dst(%dma_wait3A_107 : memref<128x80xf32, #tpu.memory_space<vmem_shared>>)
      tpu.yield
    }) : () -> ()
    %barrier3A = arith.constant 0 : index
    tpu.barrier barrier_id(%barrier3A)
    %dma_start3A = arith.constant 0 : i32
    %dma_start3A_31 = arith.constant 0 : i32
    %dma_start3A_32 = tpu.memref_slice %arg7[%dma_start3A, %dma_start3A_31] : memref<100x128xi32, #tpu.memory_space<vmem>> -> memref<1x128xi32, #tpu.memory_space<vmem>>
    %dma_start3A_33 = tpu.memref_squeeze %dma_start3A_32 : memref<1x128xi32, #tpu.memory_space<vmem>> -> memref<128xi32, #tpu.memory_space<vmem>>
    %dma_start3A_34 = arith.constant 0 : i32
    %dma_start3A_35 = arith.constant 0 : i32
    %dma_start3A_36 = tpu.memref_slice %arg4[%dma_start3A_34, %dma_start3A_35] : memref<10240x16xf32, #tpu.memory_space<hbm>> -> memref<10240x16xf32, #tpu.memory_space<hbm>>
    tpu.enqueue_indirect_dma source(%dma_start3A_36 : memref<10240x16xf32, #tpu.memory_space<hbm>>) target(%arg9 : memref<128x16xf32, #tpu.memory_space<vmem>>) offsets(%dma_start3A_33 : memref<128xi32, #tpu.memory_space<vmem>>) semaphore(%arg18 : memref<!tpu.dma_semaphore, #tpu.memory_space<semaphore_mem>>)
    %dma_start3A_37 = arith.constant 0 : i32
    %dma_start3A_38 = arith.constant 0 : i32
    %dma_start3A_39 = tpu.memref_slice %arg8[%dma_start3A_37, %dma_start3A_38] : memref<100x128xi32, #tpu.memory_space<vmem>> -> memref<1x128xi32, #tpu.memory_space<vmem>>
    %dma_start3A_40 = tpu.memref_squeeze %dma_start3A_39 : memref<1x128xi32, #tpu.memory_space<vmem>> -> memref<128xi32, #tpu.memory_space<vmem>>
    %dma_start3A_41 = arith.constant 0 : i32
    %dma_start3A_42 = arith.constant 0 : i32
    %dma_start3A_43 = tpu.memref_slice %arg4[%dma_start3A_41, %dma_start3A_42] : memref<10240x16xf32, #tpu.memory_space<hbm>> -> memref<10240x16xf32, #tpu.memory_space<hbm>>
    tpu.enqueue_indirect_dma source(%dma_start3A_43 : memref<10240x16xf32, #tpu.memory_space<hbm>>) target(%arg11 : memref<128x16xf32, #tpu.memory_space<vmem>>) offsets(%dma_start3A_40 : memref<128xi32, #tpu.memory_space<vmem>>) semaphore(%arg18 : memref<!tpu.dma_semaphore, #tpu.memory_space<semaphore_mem>>)
    %dma_start3A_44 = arith.constant 0 : i32
    %dma_start3A_45 = arith.constant 0 : i32
    %dma_start3A_46 = tpu.memref_slice %arg7[%dma_start3A_44, %dma_start3A_45] : memref<100x128xi32, #tpu.memory_space<vmem>> -> memref<1x128xi32, #tpu.memory_space<vmem>>
    %dma_start3A_47 = tpu.memref_squeeze %dma_start3A_46 : memref<1x128xi32, #tpu.memory_space<vmem>> -> memref<128xi32, #tpu.memory_space<vmem>>
    %dma_start3A_48 = arith.constant 0 : i32
    %dma_start3A_49 = arith.constant 0 : i32
    %dma_start3A_50 = tpu.memref_slice %arg5[%dma_start3A_48, %dma_start3A_49] : memref<10240x64xbf16, #tpu.memory_space<hbm>> -> memref<10240x64xbf16, #tpu.memory_space<hbm>>
    tpu.enqueue_indirect_dma source(%dma_start3A_50 : memref<10240x64xbf16, #tpu.memory_space<hbm>>) target(%arg13 : memref<128x64xbf16, #tpu.memory_space<vmem>>) offsets(%dma_start3A_47 : memref<128xi32, #tpu.memory_space<vmem>>) semaphore(%arg18 : memref<!tpu.dma_semaphore, #tpu.memory_space<semaphore_mem>>)
    %jit3A_51 = arith.constant 2 : i32
    %div3A = arith.divsi %select_n3A_8, %jit3A_51 : i32
    %sign3A = arith.constant 0 : i32
    %sign3A_52 = arith.cmpi sgt, %select_n3A_8, %sign3A : i32
    %sign3A_53 = arith.extui %sign3A_52 : i1 to i32
    %sign3A_54 = arith.constant 0 : i32
    %sign3A_55 = arith.cmpi slt, %select_n3A_8, %sign3A_54 : i32
    %sign3A_56 = arith.extui %sign3A_55 : i1 to i32
    %sign3A_57 = arith.subi %sign3A_53, %sign3A_56 : i32
    %sign3A_58 = arith.constant 0 : i32
    %sign3A_59 = arith.cmpi sgt, %jit3A_51, %sign3A_58 : i32
    %sign3A_60 = arith.extui %sign3A_59 : i1 to i32
    %sign3A_61 = arith.constant 0 : i32
    %sign3A_62 = arith.cmpi slt, %jit3A_51, %sign3A_61 : i32
    %sign3A_63 = arith.extui %sign3A_62 : i1 to i32
    %sign3A_64 = arith.subi %sign3A_60, %sign3A_63 : i32
    %ne3A = arith.cmpi ne, %sign3A_57, %sign3A_64 : i32
    %rem3A = arith.remsi %select_n3A_8, %jit3A_51 : i32
    %ne3A_65 = arith.constant 0 : i32
    %ne3A_66 = arith.cmpi ne, %rem3A, %ne3A_65 : i32
    %and3A = arith.andi %ne3A, %ne3A_66 : i1
    %sub3A = arith.constant 1 : i32
    %sub3A_67 = arith.subi %div3A, %sub3A : i32
    %select_n3A_68 = arith.select %and3A, %sub3A_67, %div3A : i32
    %while3A = arith.constant 0 : i32
    %while3A_69 = arith.constant 0 : i32
    %while3A_70 = arith.subi %select_n3A_68, %while3A : i32
    %while3A_71 = arith.addi %while3A, %while3A_70 : i32
    %while3A_72 = arith.constant 1 : i32
    %while3A_73 = arith.divsi %while3A_70, %while3A_72 : i32
    %while3A_74 = arith.muli %while3A_73, %while3A_72 : i32
    %while3A_75 = arith.addi %while3A, %while3A_74 : i32
    %while3A_76 = arith.constant 1 : i32
    %while3A_77 = scf.for %while3A_100 = %while3A to %while3A_75 step %while3A_76 iter_args(%while3A_101 = %while3A_69) -> (i32)  : i32 {
      %mul3A_102 = arith.constant 2 : i32
      %mul3A_103 = arith.muli %mul3A_102, %while3A_100 : i32
      %add3A_104 = arith.constant 1 : i32
      %add3A_105 = arith.addi %mul3A_103, %add3A_104 : i32
      %dma_start3A_106 = arith.constant 0 : i32
      %dma_start3A_107 = tpu.memref_slice %arg7[%add3A_105, %dma_start3A_106] : memref<100x128xi32, #tpu.memory_space<vmem>> -> memref<1x128xi32, #tpu.memory_space<vmem>>
      %dma_start3A_108 = tpu.memref_squeeze %dma_start3A_107 : memref<1x128xi32, #tpu.memory_space<vmem>> -> memref<128xi32, #tpu.memory_space<vmem>>
      %dma_start3A_109 = arith.constant 0 : i32
      %dma_start3A_110 = arith.constant 0 : i32
      %dma_start3A_111 = tpu.memref_slice %arg4[%dma_start3A_109, %dma_start3A_110] : memref<10240x16xf32, #tpu.memory_space<hbm>> -> memref<10240x16xf32, #tpu.memory_space<hbm>>
      tpu.enqueue_indirect_dma source(%dma_start3A_111 : memref<10240x16xf32, #tpu.memory_space<hbm>>) target(%arg10 : memref<128x16xf32, #tpu.memory_space<vmem>>) offsets(%dma_start3A_108 : memref<128xi32, #tpu.memory_space<vmem>>) semaphore(%arg19 : memref<!tpu.dma_semaphore, #tpu.memory_space<semaphore_mem>>)
      %dma_start3A_112 = arith.constant 0 : i32
      %dma_start3A_113 = tpu.memref_slice %arg8[%add3A_105, %dma_start3A_112] : memref<100x128xi32, #tpu.memory_space<vmem>> -> memref<1x128xi32, #tpu.memory_space<vmem>>
      %dma_start3A_114 = tpu.memref_squeeze %dma_start3A_113 : memref<1x128xi32, #tpu.memory_space<vmem>> -> memref<128xi32, #tpu.memory_space<vmem>>
      %dma_start3A_115 = arith.constant 0 : i32
      %dma_start3A_116 = arith.constant 0 : i32
      %dma_start3A_117 = tpu.memref_slice %arg4[%dma_start3A_115, %dma_start3A_116] : memref<10240x16xf32, #tpu.memory_space<hbm>> -> memref<10240x16xf32, #tpu.memory_space<hbm>>
      tpu.enqueue_indirect_dma source(%dma_start3A_117 : memref<10240x16xf32, #tpu.memory_space<hbm>>) target(%arg12 : memref<128x16xf32, #tpu.memory_space<vmem>>) offsets(%dma_start3A_114 : memref<128xi32, #tpu.memory_space<vmem>>) semaphore(%arg19 : memref<!tpu.dma_semaphore, #tpu.memory_space<semaphore_mem>>)
      %dma_start3A_118 = arith.constant 0 : i32
      %dma_start3A_119 = tpu.memref_slice %arg7[%add3A_105, %dma_start3A_118] : memref<100x128xi32, #tpu.memory_space<vmem>> -> memref<1x128xi32, #tpu.memory_space<vmem>>
      %dma_start3A_120 = tpu.memref_squeeze %dma_start3A_119 : memref<1x128xi32, #tpu.memory_space<vmem>> -> memref<128xi32, #tpu.memory_space<vmem>>
      %dma_start3A_121 = arith.constant 0 : i32
      %dma_start3A_122 = arith.constant 0 : i32
      %dma_start3A_123 = tpu.memref_slice %arg5[%dma_start3A_121, %dma_start3A_122] : memref<10240x64xbf16, #tpu.memory_space<hbm>> -> memref<10240x64xbf16, #tpu.memory_space<hbm>>
      tpu.enqueue_indirect_dma source(%dma_start3A_123 : memref<10240x64xbf16, #tpu.memory_space<hbm>>) target(%arg14 : memref<128x64xbf16, #tpu.memory_space<vmem>>) offsets(%dma_start3A_120 : memref<128xi32, #tpu.memory_space<vmem>>) semaphore(%arg19 : memref<!tpu.dma_semaphore, #tpu.memory_space<semaphore_mem>>)
      %dma_wait3A_124 = arith.constant 0 : i32
      %dma_wait3A_125 = tpu.memref_slice %arg7[%mul3A_103, %dma_wait3A_124] : memref<100x128xi32, #tpu.memory_space<vmem>> -> memref<1x128xi32, #tpu.memory_space<vmem>>
      %dma_wait3A_126 = tpu.memref_squeeze %dma_wait3A_125 : memref<1x128xi32, #tpu.memory_space<vmem>> -> memref<128xi32, #tpu.memory_space<vmem>>
      %dma_wait3A_127 = arith.constant 0 : i32
      %dma_wait3A_128 = arith.constant 0 : i32
      %dma_wait3A_129 = tpu.memref_slice %arg4[%dma_wait3A_127, %dma_wait3A_128] : memref<10240x16xf32, #tpu.memory_space<hbm>> -> memref<10240x16xf32, #tpu.memory_space<hbm>>
      tpu.wait_indirect_dma semaphore(%arg18 : memref<!tpu.dma_semaphore, #tpu.memory_space<semaphore_mem>>) src(%dma_wait3A_129 : memref<10240x16xf32, #tpu.memory_space<hbm>>) dst(%arg9 : memref<128x16xf32, #tpu.memory_space<vmem>>)
      %dma_wait3A_130 = arith.constant 0 : i32
      %dma_wait3A_131 = tpu.memref_slice %arg8[%mul3A_103, %dma_wait3A_130] : memref<100x128xi32, #tpu.memory_space<vmem>> -> memref<1x128xi32, #tpu.memory_space<vmem>>
      %dma_wait3A_132 = tpu.memref_squeeze %dma_wait3A_131 : memref<1x128xi32, #tpu.memory_space<vmem>> -> memref<128xi32, #tpu.memory_space<vmem>>
      %dma_wait3A_133 = arith.constant 0 : i32
      %dma_wait3A_134 = arith.constant 0 : i32
      %dma_wait3A_135 = tpu.memref_slice %arg4[%dma_wait3A_133, %dma_wait3A_134] : memref<10240x16xf32, #tpu.memory_space<hbm>> -> memref<10240x16xf32, #tpu.memory_space<hbm>>
      tpu.wait_indirect_dma semaphore(%arg18 : memref<!tpu.dma_semaphore, #tpu.memory_space<semaphore_mem>>) src(%dma_wait3A_135 : memref<10240x16xf32, #tpu.memory_space<hbm>>) dst(%arg11 : memref<128x16xf32, #tpu.memory_space<vmem>>)
      %dma_wait3A_136 = arith.constant 0 : i32
      %dma_wait3A_137 = tpu.memref_slice %arg7[%mul3A_103, %dma_wait3A_136] : memref<100x128xi32, #tpu.memory_space<vmem>> -> memref<1x128xi32, #tpu.memory_space<vmem>>
      %dma_wait3A_138 = tpu.memref_squeeze %dma_wait3A_137 : memref<1x128xi32, #tpu.memory_space<vmem>> -> memref<128xi32, #tpu.memory_space<vmem>>
      %dma_wait3A_139 = arith.constant 0 : i32
      %dma_wait3A_140 = arith.constant 0 : i32
      %dma_wait3A_141 = tpu.memref_slice %arg5[%dma_wait3A_139, %dma_wait3A_140] : memref<10240x64xbf16, #tpu.memory_space<hbm>> -> memref<10240x64xbf16, #tpu.memory_space<hbm>>
      tpu.wait_indirect_dma semaphore(%arg18 : memref<!tpu.dma_semaphore, #tpu.memory_space<semaphore_mem>>) src(%dma_wait3A_141 : memref<10240x64xbf16, #tpu.memory_space<hbm>>) dst(%arg13 : memref<128x64xbf16, #tpu.memory_space<vmem>>)
      %ge3A = arith.constant 2 : i32
      %ge3A_142 = arith.cmpi sge, %mul3A_103, %ge3A : i32
      %convert_element_type3A = arith.extui %ge3A_142 : i1 to i32
      %cond3A = arith.constant 0 : i32
      %cond3A_143 = arith.cmpi ne, %convert_element_type3A, %cond3A : i32
      scf.if %cond3A_143 {
        %sub3A_217 = arith.constant 2 : i32
        %sub3A_218 = arith.subi %mul3A_103, %sub3A_217 : i32
        %dma_wait3A_219 = arith.constant 0 : i32
        %dma_wait3A_220 = tpu.memref_slice %arg8[%sub3A_218, %dma_wait3A_219] : memref<100x128xi32, #tpu.memory_space<vmem>> -> memref<1x128xi32, #tpu.memory_space<vmem>>
        %dma_wait3A_221 = tpu.memref_squeeze %dma_wait3A_220 : memref<1x128xi32, #tpu.memory_space<vmem>> -> memref<128xi32, #tpu.memory_space<vmem>>
        %dma_wait3A_222 = arith.constant 0 : i32
        %dma_wait3A_223 = arith.constant 0 : i32
        %dma_wait3A_224 = tpu.memref_slice %arg17[%dma_wait3A_222, %dma_wait3A_223] : memref<10240x80xf32, #tpu.memory_space<vmem_shared>> -> memref<10240x80xf32, #tpu.memory_space<vmem_shared>>
        tpu.wait_indirect_dma semaphore(%arg20 : memref<!tpu.dma_semaphore, #tpu.memory_space<semaphore_mem>>) src(%arg15 : memref<128x80xf32, #tpu.memory_space<vmem>>) dst(%dma_wait3A_224 : memref<10240x80xf32, #tpu.memory_space<vmem_shared>>)
      } else {
      }
      %parallel_loop3A_144 = arith.constant 0 : i32
      %parallel_loop3A_145 = arith.constant 128 : i32
      %parallel_loop3A_146 = arith.constant 1 : i32
      scf.for %parallel_loop3A_217 = %parallel_loop3A_144 to %parallel_loop3A_145 step %parallel_loop3A_146  : i32 {
        %parallel_loop3A_218 = tpu.iota {dimensions = array<i32: 0>} : vector<16xi32>
        %parallel_loop3A_219 = arith.constant 7 : i32
        %parallel_loop3A_220 = vector.broadcast %parallel_loop3A_219 : i32 to vector<16xi32>
        %parallel_loop3A_221 = arith.andi %parallel_loop3A_218, %parallel_loop3A_220 : vector<16xi32>
        %parallel_loop3A_222 = arith.constant 8 : i32
        %parallel_loop3A_223 = vector.broadcast %parallel_loop3A_222 : i32 to vector<16xi32>
        %parallel_loop3A_224 = arith.addi %parallel_loop3A_221, %parallel_loop3A_223 : vector<16xi32>
        %parallel_loop3A_225 = arith.index_cast %parallel_loop3A_217 : i32 to index
        %parallel_loop3A_226 = arith.constant 0 : index
        %parallel_loop3A_227 = tpu.vector_load %arg9[%parallel_loop3A_225, %parallel_loop3A_226] {strides = array<i32>} : memref<128x16xf32, #tpu.memory_space<vmem>>, vector<16xf32>,
        %parallel_loop3A_228 = arith.index_cast %parallel_loop3A_217 : i32 to index
        %parallel_loop3A_229 = arith.constant 0 : index
        %parallel_loop3A_230 = tpu.vector_load %arg11[%parallel_loop3A_228, %parallel_loop3A_229] {strides = array<i32>} : memref<128x16xf32, #tpu.memory_space<vmem>>, vector<16xf32>,
        %parallel_loop3A_231 = arith.constant 0 : i32
        %parallel_loop3A_232 = vector.broadcast %parallel_loop3A_231 : i32 to vector<16xi32>
        %parallel_loop3A_233 = arith.cmpi slt, %parallel_loop3A_224, %parallel_loop3A_232 : vector<16xi32>
        %parallel_loop3A_234 = arith.constant 16 : i32
        %parallel_loop3A_235 = vector.broadcast %parallel_loop3A_234 : i32 to vector<16xi32>
        %parallel_loop3A_236 = arith.addi %parallel_loop3A_224, %parallel_loop3A_235 : vector<16xi32>
        %parallel_loop3A_237 = arith.select %parallel_loop3A_233, %parallel_loop3A_236, %parallel_loop3A_224 : vector<16xi1>, vector<16xi32>
        %parallel_loop3A_238 = vector.shape_cast %parallel_loop3A_237 : vector<16xi32> to vector<16x1xi32>
        %parallel_loop3A_239 = vector.shape_cast %parallel_loop3A_238 : vector<16x1xi32> to vector<16xi32>
        %parallel_loop3A_240 = tpu.dynamic_gather %parallel_loop3A_230[%parallel_loop3A_239] in [0] : vector<16xf32>, vector<16xi32> -> vector<16xf32>
        %parallel_loop3A_241 = arith.addf %parallel_loop3A_227, %parallel_loop3A_240 : vector<16xf32>
        %parallel_loop3A_242 = arith.constant 0.000000e+00 : f32
        %parallel_loop3A_243 = vector.broadcast %parallel_loop3A_242 : f32 to vector<16xf32>
        %parallel_loop3A_244 = arith.cmpf ogt, %parallel_loop3A_241, %parallel_loop3A_243 : vector<16xf32>
        %parallel_loop3A_245 = arith.constant 2.000000e-01 : f32
        %parallel_loop3A_246 = vector.broadcast %parallel_loop3A_245 : f32 to vector<16xf32>
        %parallel_loop3A_247 = arith.mulf %parallel_loop3A_246, %parallel_loop3A_241 : vector<16xf32>
        %parallel_loop3A_248 = arith.select %parallel_loop3A_244, %parallel_loop3A_241, %parallel_loop3A_247 : vector<16xi1>, vector<16xf32>
        %parallel_loop3A_249 = arith.constant 8 : i32
        %parallel_loop3A_250 = vector.broadcast %parallel_loop3A_249 : i32 to vector<16xi32>
        %parallel_loop3A_251 = arith.cmpi slt, %parallel_loop3A_218, %parallel_loop3A_250 : vector<16xi32>
        %parallel_loop3A_252 = math.exp %parallel_loop3A_248 : vector<16xf32>
        %parallel_loop3A_253 = arith.constant 0.000000e+00 : f32
        %parallel_loop3A_254 = vector.broadcast %parallel_loop3A_253 : f32 to vector<16xf32>
        %parallel_loop3A_255 = arith.select %parallel_loop3A_251, %parallel_loop3A_252, %parallel_loop3A_254 : vector<16xi1>, vector<16xf32>
        %parallel_loop3A_256 = arith.index_cast %parallel_loop3A_217 : i32 to index
        %parallel_loop3A_257 = arith.constant 0 : index
        %parallel_loop3A_258 = tpu.vector_load %arg13[%parallel_loop3A_256, %parallel_loop3A_257] {strides = array<i32>} : memref<128x64xbf16, #tpu.memory_space<vmem>>, vector<32xbf16>,
        %parallel_loop3A_259 = tpu.unpack_subelements %parallel_loop3A_258, 0 {pack_format = #tpu.pack_format<interleaved>} : vector<32xbf16> -> vector<16xf32>
        %parallel_loop3A_260 = tpu.unpack_subelements %parallel_loop3A_258, 1 {pack_format = #tpu.pack_format<interleaved>} : vector<32xbf16> -> vector<16xf32>
        %parallel_loop3A_261 = arith.constant 3 : i32
        %parallel_loop3A_262 = vector.broadcast %parallel_loop3A_261 : i32 to vector<16xi32>
        %parallel_loop3A_263 = arith.shrsi %parallel_loop3A_218, %parallel_loop3A_262 : vector<16xi32>
        %parallel_loop3A_264 = arith.constant 0 : i32
        %parallel_loop3A_265 = vector.broadcast %parallel_loop3A_264 : i32 to vector<16xi32>
        %parallel_loop3A_266 = arith.addi %parallel_loop3A_263, %parallel_loop3A_265 : vector<16xi32>
        %parallel_loop3A_267 = arith.constant 0 : i32
        %parallel_loop3A_268 = vector.broadcast %parallel_loop3A_267 : i32 to vector<16xi32>
        %parallel_loop3A_269 = arith.cmpi slt, %parallel_loop3A_266, %parallel_loop3A_268 : vector<16xi32>
        %parallel_loop3A_270 = arith.constant 16 : i32
        %parallel_loop3A_271 = vector.broadcast %parallel_loop3A_270 : i32 to vector<16xi32>
        %parallel_loop3A_272 = arith.addi %parallel_loop3A_266, %parallel_loop3A_271 : vector<16xi32>
        %parallel_loop3A_273 = arith.select %parallel_loop3A_269, %parallel_loop3A_272, %parallel_loop3A_266 : vector<16xi1>, vector<16xi32>
        %parallel_loop3A_274 = vector.shape_cast %parallel_loop3A_273 : vector<16xi32> to vector<16x1xi32>
        %parallel_loop3A_275 = vector.shape_cast %parallel_loop3A_274 : vector<16x1xi32> to vector<16xi32>
        %parallel_loop3A_276 = tpu.dynamic_gather %parallel_loop3A_255[%parallel_loop3A_275] in [0] : vector<16xf32>, vector<16xi32> -> vector<16xf32>
        %parallel_loop3A_277 = arith.constant 3 : i32
        %parallel_loop3A_278 = vector.broadcast %parallel_loop3A_277 : i32 to vector<16xi32>
        %parallel_loop3A_279 = arith.shrsi %parallel_loop3A_218, %parallel_loop3A_278 : vector<16xi32>
        %parallel_loop3A_280 = arith.constant 0 : i32
        %parallel_loop3A_281 = vector.broadcast %parallel_loop3A_280 : i32 to vector<16xi32>
        %parallel_loop3A_282 = arith.addi %parallel_loop3A_279, %parallel_loop3A_281 : vector<16xi32>
        %parallel_loop3A_283 = arith.constant 2 : i32
        %parallel_loop3A_284 = vector.broadcast %parallel_loop3A_283 : i32 to vector<16xi32>
        %parallel_loop3A_285 = arith.addi %parallel_loop3A_282, %parallel_loop3A_284 : vector<16xi32>
        %parallel_loop3A_286 = arith.constant 0 : i32
        %parallel_loop3A_287 = vector.broadcast %parallel_loop3A_286 : i32 to vector<16xi32>
        %parallel_loop3A_288 = arith.cmpi slt, %parallel_loop3A_285, %parallel_loop3A_287 : vector<16xi32>
        %parallel_loop3A_289 = arith.constant 16 : i32
        %parallel_loop3A_290 = vector.broadcast %parallel_loop3A_289 : i32 to vector<16xi32>
        %parallel_loop3A_291 = arith.addi %parallel_loop3A_285, %parallel_loop3A_290 : vector<16xi32>
        %parallel_loop3A_292 = arith.select %parallel_loop3A_288, %parallel_loop3A_291, %parallel_loop3A_285 : vector<16xi1>, vector<16xi32>
        %parallel_loop3A_293 = vector.shape_cast %parallel_loop3A_292 : vector<16xi32> to vector<16x1xi32>
        %parallel_loop3A_294 = vector.shape_cast %parallel_loop3A_293 : vector<16x1xi32> to vector<16xi32>
        %parallel_loop3A_295 = tpu.dynamic_gather %parallel_loop3A_255[%parallel_loop3A_294] in [0] : vector<16xf32>, vector<16xi32> -> vector<16xf32>
        %parallel_loop3A_296 = arith.mulf %parallel_loop3A_259, %parallel_loop3A_276 : vector<16xf32>
        %parallel_loop3A_297 = arith.index_cast %parallel_loop3A_217 : i32 to index
        %parallel_loop3A_298 = arith.constant 0 : index
        %parallel_loop3A_299 = tpu.vector_load %arg15[%parallel_loop3A_297, %parallel_loop3A_298] {strides = array<i32>} : memref<128x80xf32, #tpu.memory_space<vmem>>, vector<16xf32>,
        tpu.vector_store %arg15[%parallel_loop3A_297, %parallel_loop3A_298], %parallel_loop3A_296 {strides = array<i32>} : memref<128x80xf32, #tpu.memory_space<vmem>>, vector<16xf32>,
        %parallel_loop3A_300 = arith.mulf %parallel_loop3A_260, %parallel_loop3A_295 : vector<16xf32>
        %parallel_loop3A_301 = arith.index_cast %parallel_loop3A_217 : i32 to index
        %parallel_loop3A_302 = arith.constant 16 : index
        %parallel_loop3A_303 = tpu.vector_load %arg15[%parallel_loop3A_301, %parallel_loop3A_302] {strides = array<i32>} : memref<128x80xf32, #tpu.memory_space<vmem>>, vector<16xf32>,
        tpu.vector_store %arg15[%parallel_loop3A_301, %parallel_loop3A_302], %parallel_loop3A_300 {strides = array<i32>} : memref<128x80xf32, #tpu.memory_space<vmem>>, vector<16xf32>,
        %parallel_loop3A_304 = arith.index_cast %parallel_loop3A_217 : i32 to index
        %parallel_loop3A_305 = arith.constant 32 : index
        %parallel_loop3A_306 = tpu.vector_load %arg13[%parallel_loop3A_304, %parallel_loop3A_305] {strides = array<i32>} : memref<128x64xbf16, #tpu.memory_space<vmem>>, vector<32xbf16>,
        %parallel_loop3A_307 = tpu.unpack_subelements %parallel_loop3A_306, 0 {pack_format = #tpu.pack_format<interleaved>} : vector<32xbf16> -> vector<16xf32>
        %parallel_loop3A_308 = tpu.unpack_subelements %parallel_loop3A_306, 1 {pack_format = #tpu.pack_format<interleaved>} : vector<32xbf16> -> vector<16xf32>
        %parallel_loop3A_309 = arith.constant 3 : i32
        %parallel_loop3A_310 = vector.broadcast %parallel_loop3A_309 : i32 to vector<16xi32>
        %parallel_loop3A_311 = arith.shrsi %parallel_loop3A_218, %parallel_loop3A_310 : vector<16xi32>
        %parallel_loop3A_312 = arith.constant 4 : i32
        %parallel_loop3A_313 = vector.broadcast %parallel_loop3A_312 : i32 to vector<16xi32>
        %parallel_loop3A_314 = arith.addi %parallel_loop3A_311, %parallel_loop3A_313 : vector<16xi32>
        %parallel_loop3A_315 = arith.constant 0 : i32
        %parallel_loop3A_316 = vector.broadcast %parallel_loop3A_315 : i32 to vector<16xi32>
        %parallel_loop3A_317 = arith.cmpi slt, %parallel_loop3A_314, %parallel_loop3A_316 : vector<16xi32>
        %parallel_loop3A_318 = arith.constant 16 : i32
        %parallel_loop3A_319 = vector.broadcast %parallel_loop3A_318 : i32 to vector<16xi32>
        %parallel_loop3A_320 = arith.addi %parallel_loop3A_314, %parallel_loop3A_319 : vector<16xi32>
        %parallel_loop3A_321 = arith.select %parallel_loop3A_317, %parallel_loop3A_320, %parallel_loop3A_314 : vector<16xi1>, vector<16xi32>
        %parallel_loop3A_322 = vector.shape_cast %parallel_loop3A_321 : vector<16xi32> to vector<16x1xi32>
        %parallel_loop3A_323 = vector.shape_cast %parallel_loop3A_322 : vector<16x1xi32> to vector<16xi32>
        %parallel_loop3A_324 = tpu.dynamic_gather %parallel_loop3A_255[%parallel_loop3A_323] in [0] : vector<16xf32>, vector<16xi32> -> vector<16xf32>
        %parallel_loop3A_325 = arith.constant 3 : i32
        %parallel_loop3A_326 = vector.broadcast %parallel_loop3A_325 : i32 to vector<16xi32>
        %parallel_loop3A_327 = arith.shrsi %parallel_loop3A_218, %parallel_loop3A_326 : vector<16xi32>
        %parallel_loop3A_328 = arith.constant 4 : i32
        %parallel_loop3A_329 = vector.broadcast %parallel_loop3A_328 : i32 to vector<16xi32>
        %parallel_loop3A_330 = arith.addi %parallel_loop3A_327, %parallel_loop3A_329 : vector<16xi32>
        %parallel_loop3A_331 = arith.constant 2 : i32
        %parallel_loop3A_332 = vector.broadcast %parallel_loop3A_331 : i32 to vector<16xi32>
        %parallel_loop3A_333 = arith.addi %parallel_loop3A_330, %parallel_loop3A_332 : vector<16xi32>
        %parallel_loop3A_334 = arith.constant 0 : i32
        %parallel_loop3A_335 = vector.broadcast %parallel_loop3A_334 : i32 to vector<16xi32>
        %parallel_loop3A_336 = arith.cmpi slt, %parallel_loop3A_333, %parallel_loop3A_335 : vector<16xi32>
        %parallel_loop3A_337 = arith.constant 16 : i32
        %parallel_loop3A_338 = vector.broadcast %parallel_loop3A_337 : i32 to vector<16xi32>
        %parallel_loop3A_339 = arith.addi %parallel_loop3A_333, %parallel_loop3A_338 : vector<16xi32>
        %parallel_loop3A_340 = arith.select %parallel_loop3A_336, %parallel_loop3A_339, %parallel_loop3A_333 : vector<16xi1>, vector<16xi32>
        %parallel_loop3A_341 = vector.shape_cast %parallel_loop3A_340 : vector<16xi32> to vector<16x1xi32>
        %parallel_loop3A_342 = vector.shape_cast %parallel_loop3A_341 : vector<16x1xi32> to vector<16xi32>
        %parallel_loop3A_343 = tpu.dynamic_gather %parallel_loop3A_255[%parallel_loop3A_342] in [0] : vector<16xf32>, vector<16xi32> -> vector<16xf32>
        %parallel_loop3A_344 = arith.mulf %parallel_loop3A_307, %parallel_loop3A_324 : vector<16xf32>
        %parallel_loop3A_345 = arith.index_cast %parallel_loop3A_217 : i32 to index
        %parallel_loop3A_346 = arith.constant 32 : index
        %parallel_loop3A_347 = tpu.vector_load %arg15[%parallel_loop3A_345, %parallel_loop3A_346] {strides = array<i32>} : memref<128x80xf32, #tpu.memory_space<vmem>>, vector<16xf32>,
        tpu.vector_store %arg15[%parallel_loop3A_345, %parallel_loop3A_346], %parallel_loop3A_344 {strides = array<i32>} : memref<128x80xf32, #tpu.memory_space<vmem>>, vector<16xf32>,
        %parallel_loop3A_348 = arith.mulf %parallel_loop3A_308, %parallel_loop3A_343 : vector<16xf32>
        %parallel_loop3A_349 = arith.index_cast %parallel_loop3A_217 : i32 to index
        %parallel_loop3A_350 = arith.constant 48 : index
        %parallel_loop3A_351 = tpu.vector_load %arg15[%parallel_loop3A_349, %parallel_loop3A_350] {strides = array<i32>} : memref<128x80xf32, #tpu.memory_space<vmem>>, vector<16xf32>,
        tpu.vector_store %arg15[%parallel_loop3A_349, %parallel_loop3A_350], %parallel_loop3A_348 {strides = array<i32>} : memref<128x80xf32, #tpu.memory_space<vmem>>, vector<16xf32>,
        %parallel_loop3A_352 = arith.index_cast %parallel_loop3A_217 : i32 to index
        %parallel_loop3A_353 = arith.constant 64 : index
        %parallel_loop3A_354 = tpu.vector_load %arg15[%parallel_loop3A_352, %parallel_loop3A_353] {strides = array<i32>} : memref<128x80xf32, #tpu.memory_space<vmem>>, vector<16xf32>,
        tpu.vector_store %arg15[%parallel_loop3A_352, %parallel_loop3A_353], %parallel_loop3A_255 {strides = array<i32>} : memref<128x80xf32, #tpu.memory_space<vmem>>, vector<16xf32>,
      } {sc.loop_unroll_factor = 4 : i64, sc.parallel_access}
      %dma_start3A_147 = arith.constant 0 : i32
      %dma_start3A_148 = tpu.memref_slice %arg8[%mul3A_103, %dma_start3A_147] : memref<100x128xi32, #tpu.memory_space<vmem>> -> memref<1x128xi32, #tpu.memory_space<vmem>>
      %dma_start3A_149 = tpu.memref_squeeze %dma_start3A_148 : memref<1x128xi32, #tpu.memory_space<vmem>> -> memref<128xi32, #tpu.memory_space<vmem>>
      %dma_start3A_150 = arith.constant 0 : i32
      %dma_start3A_151 = arith.constant 0 : i32
      %dma_start3A_152 = tpu.memref_slice %arg17[%dma_start3A_150, %dma_start3A_151] : memref<10240x80xf32, #tpu.memory_space<vmem_shared>> -> memref<10240x80xf32, #tpu.memory_space<vmem_shared>>
      tpu.enqueue_indirect_dma source(%arg15 : memref<128x80xf32, #tpu.memory_space<vmem>>) target(%dma_start3A_152 : memref<10240x80xf32, #tpu.memory_space<vmem_shared>>) offsets(%dma_start3A_149 : memref<128xi32, #tpu.memory_space<vmem>>) semaphore(%arg20 : memref<!tpu.dma_semaphore, #tpu.memory_space<semaphore_mem>>) {add = true}
      %add3A_153 = arith.constant 1 : i32
      %add3A_154 = arith.addi %while3A_100, %add3A_153 : i32
      %jit3A_155 = arith.constant 2 : i32
      %div3A_156 = arith.divsi %select_n3A_8, %jit3A_155 : i32
      %sign3A_157 = arith.constant 0 : i32
      %sign3A_158 = arith.cmpi sgt, %select_n3A_8, %sign3A_157 : i32
      %sign3A_159 = arith.extui %sign3A_158 : i1 to i32
      %sign3A_160 = arith.constant 0 : i32
      %sign3A_161 = arith.cmpi slt, %select_n3A_8, %sign3A_160 : i32
      %sign3A_162 = arith.extui %sign3A_161 : i1 to i32
      %sign3A_163 = arith.subi %sign3A_159, %sign3A_162 : i32
      %sign3A_164 = arith.constant 0 : i32
      %sign3A_165 = arith.cmpi sgt, %jit3A_155, %sign3A_164 : i32
      %sign3A_166 = arith.extui %sign3A_165 : i1 to i32
      %sign3A_167 = arith.constant 0 : i32
      %sign3A_168 = arith.cmpi slt, %jit3A_155, %sign3A_167 : i32
      %sign3A_169 = arith.extui %sign3A_168 : i1 to i32
      %sign3A_170 = arith.subi %sign3A_166, %sign3A_169 : i32
      %ne3A_171 = arith.cmpi ne, %sign3A_163, %sign3A_170 : i32
      %rem3A_172 = arith.remsi %select_n3A_8, %jit3A_155 : i32
      %ne3A_173 = arith.constant 0 : i32
      %ne3A_174 = arith.cmpi ne, %rem3A_172, %ne3A_173 : i32
      %and3A_175 = arith.andi %ne3A_171, %ne3A_174 : i1
      %sub3A_176 = arith.constant 1 : i32
      %sub3A_177 = arith.subi %div3A_156, %sub3A_176 : i32
      %select_n3A_178 = arith.select %and3A_175, %sub3A_177, %div3A_156 : i32
      %lt3A = arith.cmpi slt, %add3A_154, %select_n3A_178 : i32
      %convert_element_type3A_179 = arith.extui %lt3A : i1 to i32
      %cond3A_180 = arith.constant 0 : i32
      %cond3A_181 = arith.cmpi ne, %convert_element_type3A_179, %cond3A_180 : i32
      scf.if %cond3A_181 {
        %add3A_217 = arith.constant 2 : i32
        %add3A_218 = arith.addi %mul3A_103, %add3A_217 : i32
        %dma_start3A_219 = arith.constant 0 : i32
        %dma_start3A_220 = tpu.memref_slice %arg7[%add3A_218, %dma_start3A_219] : memref<100x128xi32, #tpu.memory_space<vmem>> -> memref<1x128xi32, #tpu.memory_space<vmem>>
        %dma_start3A_221 = tpu.memref_squeeze %dma_start3A_220 : memref<1x128xi32, #tpu.memory_space<vmem>> -> memref<128xi32, #tpu.memory_space<vmem>>
        %dma_start3A_222 = arith.constant 0 : i32
        %dma_start3A_223 = arith.constant 0 : i32
        %dma_start3A_224 = tpu.memref_slice %arg4[%dma_start3A_222, %dma_start3A_223] : memref<10240x16xf32, #tpu.memory_space<hbm>> -> memref<10240x16xf32, #tpu.memory_space<hbm>>
        tpu.enqueue_indirect_dma source(%dma_start3A_224 : memref<10240x16xf32, #tpu.memory_space<hbm>>) target(%arg9 : memref<128x16xf32, #tpu.memory_space<vmem>>) offsets(%dma_start3A_221 : memref<128xi32, #tpu.memory_space<vmem>>) semaphore(%arg18 : memref<!tpu.dma_semaphore, #tpu.memory_space<semaphore_mem>>)
        %dma_start3A_225 = arith.constant 0 : i32
        %dma_start3A_226 = tpu.memref_slice %arg8[%add3A_218, %dma_start3A_225] : memref<100x128xi32, #tpu.memory_space<vmem>> -> memref<1x128xi32, #tpu.memory_space<vmem>>
        %dma_start3A_227 = tpu.memref_squeeze %dma_start3A_226 : memref<1x128xi32, #tpu.memory_space<vmem>> -> memref<128xi32, #tpu.memory_space<vmem>>
        %dma_start3A_228 = arith.constant 0 : i32
        %dma_start3A_229 = arith.constant 0 : i32
        %dma_start3A_230 = tpu.memref_slice %arg4[%dma_start3A_228, %dma_start3A_229] : memref<10240x16xf32, #tpu.memory_space<hbm>> -> memref<10240x16xf32, #tpu.memory_space<hbm>>
        tpu.enqueue_indirect_dma source(%dma_start3A_230 : memref<10240x16xf32, #tpu.memory_space<hbm>>) target(%arg11 : memref<128x16xf32, #tpu.memory_space<vmem>>) offsets(%dma_start3A_227 : memref<128xi32, #tpu.memory_space<vmem>>) semaphore(%arg18 : memref<!tpu.dma_semaphore, #tpu.memory_space<semaphore_mem>>)
        %dma_start3A_231 = arith.constant 0 : i32
        %dma_start3A_232 = tpu.memref_slice %arg7[%add3A_218, %dma_start3A_231] : memref<100x128xi32, #tpu.memory_space<vmem>> -> memref<1x128xi32, #tpu.memory_space<vmem>>
        %dma_start3A_233 = tpu.memref_squeeze %dma_start3A_232 : memref<1x128xi32, #tpu.memory_space<vmem>> -> memref<128xi32, #tpu.memory_space<vmem>>
        %dma_start3A_234 = arith.constant 0 : i32
        %dma_start3A_235 = arith.constant 0 : i32
        %dma_start3A_236 = tpu.memref_slice %arg5[%dma_start3A_234, %dma_start3A_235] : memref<10240x64xbf16, #tpu.memory_space<hbm>> -> memref<10240x64xbf16, #tpu.memory_space<hbm>>
        tpu.enqueue_indirect_dma source(%dma_start3A_236 : memref<10240x64xbf16, #tpu.memory_space<hbm>>) target(%arg13 : memref<128x64xbf16, #tpu.memory_space<vmem>>) offsets(%dma_start3A_233 : memref<128xi32, #tpu.memory_space<vmem>>) semaphore(%arg18 : memref<!tpu.dma_semaphore, #tpu.memory_space<semaphore_mem>>)
      } else {
      }
      %add3A_182 = arith.constant 1 : i32
      %add3A_183 = arith.addi %mul3A_103, %add3A_182 : i32
      %dma_wait3A_184 = arith.constant 0 : i32
      %dma_wait3A_185 = tpu.memref_slice %arg7[%add3A_183, %dma_wait3A_184] : memref<100x128xi32, #tpu.memory_space<vmem>> -> memref<1x128xi32, #tpu.memory_space<vmem>>
      %dma_wait3A_186 = tpu.memref_squeeze %dma_wait3A_185 : memref<1x128xi32, #tpu.memory_space<vmem>> -> memref<128xi32, #tpu.memory_space<vmem>>
      %dma_wait3A_187 = arith.constant 0 : i32
      %dma_wait3A_188 = arith.constant 0 : i32
      %dma_wait3A_189 = tpu.memref_slice %arg4[%dma_wait3A_187, %dma_wait3A_188] : memref<10240x16xf32, #tpu.memory_space<hbm>> -> memref<10240x16xf32, #tpu.memory_space<hbm>>
      tpu.wait_indirect_dma semaphore(%arg19 : memref<!tpu.dma_semaphore, #tpu.memory_space<semaphore_mem>>) src(%dma_wait3A_189 : memref<10240x16xf32, #tpu.memory_space<hbm>>) dst(%arg10 : memref<128x16xf32, #tpu.memory_space<vmem>>)
      %dma_wait3A_190 = arith.constant 0 : i32
      %dma_wait3A_191 = tpu.memref_slice %arg8[%add3A_183, %dma_wait3A_190] : memref<100x128xi32, #tpu.memory_space<vmem>> -> memref<1x128xi32, #tpu.memory_space<vmem>>
      %dma_wait3A_192 = tpu.memref_squeeze %dma_wait3A_191 : memref<1x128xi32, #tpu.memory_space<vmem>> -> memref<128xi32, #tpu.memory_space<vmem>>
      %dma_wait3A_193 = arith.constant 0 : i32
      %dma_wait3A_194 = arith.constant 0 : i32
      %dma_wait3A_195 = tpu.memref_slice %arg4[%dma_wait3A_193, %dma_wait3A_194] : memref<10240x16xf32, #tpu.memory_space<hbm>> -> memref<10240x16xf32, #tpu.memory_space<hbm>>
      tpu.wait_indirect_dma semaphore(%arg19 : memref<!tpu.dma_semaphore, #tpu.memory_space<semaphore_mem>>) src(%dma_wait3A_195 : memref<10240x16xf32, #tpu.memory_space<hbm>>) dst(%arg12 : memref<128x16xf32, #tpu.memory_space<vmem>>)
      %dma_wait3A_196 = arith.constant 0 : i32
      %dma_wait3A_197 = tpu.memref_slice %arg7[%add3A_183, %dma_wait3A_196] : memref<100x128xi32, #tpu.memory_space<vmem>> -> memref<1x128xi32, #tpu.memory_space<vmem>>
      %dma_wait3A_198 = tpu.memref_squeeze %dma_wait3A_197 : memref<1x128xi32, #tpu.memory_space<vmem>> -> memref<128xi32, #tpu.memory_space<vmem>>
      %dma_wait3A_199 = arith.constant 0 : i32
      %dma_wait3A_200 = arith.constant 0 : i32
      %dma_wait3A_201 = tpu.memref_slice %arg5[%dma_wait3A_199, %dma_wait3A_200] : memref<10240x64xbf16, #tpu.memory_space<hbm>> -> memref<10240x64xbf16, #tpu.memory_space<hbm>>
      tpu.wait_indirect_dma semaphore(%arg19 : memref<!tpu.dma_semaphore, #tpu.memory_space<semaphore_mem>>) src(%dma_wait3A_201 : memref<10240x64xbf16, #tpu.memory_space<hbm>>) dst(%arg14 : memref<128x64xbf16, #tpu.memory_space<vmem>>)
      %ge3A_202 = arith.constant 2 : i32
      %ge3A_203 = arith.cmpi sge, %add3A_183, %ge3A_202 : i32
      %convert_element_type3A_204 = arith.extui %ge3A_203 : i1 to i32
      %cond3A_205 = arith.constant 0 : i32
      %cond3A_206 = arith.cmpi ne, %convert_element_type3A_204, %cond3A_205 : i32
      scf.if %cond3A_206 {
        %sub3A_217 = arith.constant 2 : i32
        %sub3A_218 = arith.subi %add3A_183, %sub3A_217 : i32
        %dma_wait3A_219 = arith.constant 0 : i32
        %dma_wait3A_220 = tpu.memref_slice %arg8[%sub3A_218, %dma_wait3A_219] : memref<100x128xi32, #tpu.memory_space<vmem>> -> memref<1x128xi32, #tpu.memory_space<vmem>>
        %dma_wait3A_221 = tpu.memref_squeeze %dma_wait3A_220 : memref<1x128xi32, #tpu.memory_space<vmem>> -> memref<128xi32, #tpu.memory_space<vmem>>
        %dma_wait3A_222 = arith.constant 0 : i32
        %dma_wait3A_223 = arith.constant 0 : i32
        %dma_wait3A_224 = tpu.memref_slice %arg17[%dma_wait3A_222, %dma_wait3A_223] : memref<10240x80xf32, #tpu.memory_space<vmem_shared>> -> memref<10240x80xf32, #tpu.memory_space<vmem_shared>>
        tpu.wait_indirect_dma semaphore(%arg21 : memref<!tpu.dma_semaphore, #tpu.memory_space<semaphore_mem>>) src(%arg16 : memref<128x80xf32, #tpu.memory_space<vmem>>) dst(%dma_wait3A_224 : memref<10240x80xf32, #tpu.memory_space<vmem_shared>>)
      } else {
      }
      %parallel_loop3A_207 = arith.constant 0 : i32
      %parallel_loop3A_208 = arith.constant 128 : i32
      %parallel_loop3A_209 = arith.constant 1 : i32
      scf.for %parallel_loop3A_217 = %parallel_loop3A_207 to %parallel_loop3A_208 step %parallel_loop3A_209  : i32 {
        %parallel_loop3A_218 = tpu.iota {dimensions = array<i32: 0>} : vector<16xi32>
        %parallel_loop3A_219 = arith.constant 7 : i32
        %parallel_loop3A_220 = vector.broadcast %parallel_loop3A_219 : i32 to vector<16xi32>
        %parallel_loop3A_221 = arith.andi %parallel_loop3A_218, %parallel_loop3A_220 : vector<16xi32>
        %parallel_loop3A_222 = arith.constant 8 : i32
        %parallel_loop3A_223 = vector.broadcast %parallel_loop3A_222 : i32 to vector<16xi32>
        %parallel_loop3A_224 = arith.addi %parallel_loop3A_221, %parallel_loop3A_223 : vector<16xi32>
        %parallel_loop3A_225 = arith.index_cast %parallel_loop3A_217 : i32 to index
        %parallel_loop3A_226 = arith.constant 0 : index
        %parallel_loop3A_227 = tpu.vector_load %arg10[%parallel_loop3A_225, %parallel_loop3A_226] {strides = array<i32>} : memref<128x16xf32, #tpu.memory_space<vmem>>, vector<16xf32>,
        %parallel_loop3A_228 = arith.index_cast %parallel_loop3A_217 : i32 to index
        %parallel_loop3A_229 = arith.constant 0 : index
        %parallel_loop3A_230 = tpu.vector_load %arg12[%parallel_loop3A_228, %parallel_loop3A_229] {strides = array<i32>} : memref<128x16xf32, #tpu.memory_space<vmem>>, vector<16xf32>,
        %parallel_loop3A_231 = arith.constant 0 : i32
        %parallel_loop3A_232 = vector.broadcast %parallel_loop3A_231 : i32 to vector<16xi32>
        %parallel_loop3A_233 = arith.cmpi slt, %parallel_loop3A_224, %parallel_loop3A_232 : vector<16xi32>
        %parallel_loop3A_234 = arith.constant 16 : i32
        %parallel_loop3A_235 = vector.broadcast %parallel_loop3A_234 : i32 to vector<16xi32>
        %parallel_loop3A_236 = arith.addi %parallel_loop3A_224, %parallel_loop3A_235 : vector<16xi32>
        %parallel_loop3A_237 = arith.select %parallel_loop3A_233, %parallel_loop3A_236, %parallel_loop3A_224 : vector<16xi1>, vector<16xi32>
        %parallel_loop3A_238 = vector.shape_cast %parallel_loop3A_237 : vector<16xi32> to vector<16x1xi32>
        %parallel_loop3A_239 = vector.shape_cast %parallel_loop3A_238 : vector<16x1xi32> to vector<16xi32>
        %parallel_loop3A_240 = tpu.dynamic_gather %parallel_loop3A_230[%parallel_loop3A_239] in [0] : vector<16xf32>, vector<16xi32> -> vector<16xf32>
        %parallel_loop3A_241 = arith.addf %parallel_loop3A_227, %parallel_loop3A_240 : vector<16xf32>
        %parallel_loop3A_242 = arith.constant 0.000000e+00 : f32
        %parallel_loop3A_243 = vector.broadcast %parallel_loop3A_242 : f32 to vector<16xf32>
        %parallel_loop3A_244 = arith.cmpf ogt, %parallel_loop3A_241, %parallel_loop3A_243 : vector<16xf32>
        %parallel_loop3A_245 = arith.constant 2.000000e-01 : f32
        %parallel_loop3A_246 = vector.broadcast %parallel_loop3A_245 : f32 to vector<16xf32>
        %parallel_loop3A_247 = arith.mulf %parallel_loop3A_246, %parallel_loop3A_241 : vector<16xf32>
        %parallel_loop3A_248 = arith.select %parallel_loop3A_244, %parallel_loop3A_241, %parallel_loop3A_247 : vector<16xi1>, vector<16xf32>
        %parallel_loop3A_249 = arith.constant 8 : i32
        %parallel_loop3A_250 = vector.broadcast %parallel_loop3A_249 : i32 to vector<16xi32>
        %parallel_loop3A_251 = arith.cmpi slt, %parallel_loop3A_218, %parallel_loop3A_250 : vector<16xi32>
        %parallel_loop3A_252 = math.exp %parallel_loop3A_248 : vector<16xf32>
        %parallel_loop3A_253 = arith.constant 0.000000e+00 : f32
        %parallel_loop3A_254 = vector.broadcast %parallel_loop3A_253 : f32 to vector<16xf32>
        %parallel_loop3A_255 = arith.select %parallel_loop3A_251, %parallel_loop3A_252, %parallel_loop3A_254 : vector<16xi1>, vector<16xf32>
        %parallel_loop3A_256 = arith.index_cast %parallel_loop3A_217 : i32 to index
        %parallel_loop3A_257 = arith.constant 0 : index
        %parallel_loop3A_258 = tpu.vector_load %arg14[%parallel_loop3A_256, %parallel_loop3A_257] {strides = array<i32>} : memref<128x64xbf16, #tpu.memory_space<vmem>>, vector<32xbf16>,
        %parallel_loop3A_259 = tpu.unpack_subelements %parallel_loop3A_258, 0 {pack_format = #tpu.pack_format<interleaved>} : vector<32xbf16> -> vector<16xf32>
        %parallel_loop3A_260 = tpu.unpack_subelements %parallel_loop3A_258, 1 {pack_format = #tpu.pack_format<interleaved>} : vector<32xbf16> -> vector<16xf32>
        %parallel_loop3A_261 = arith.constant 3 : i32
        %parallel_loop3A_262 = vector.broadcast %parallel_loop3A_261 : i32 to vector<16xi32>
        %parallel_loop3A_263 = arith.shrsi %parallel_loop3A_218, %parallel_loop3A_262 : vector<16xi32>
        %parallel_loop3A_264 = arith.constant 0 : i32
        %parallel_loop3A_265 = vector.broadcast %parallel_loop3A_264 : i32 to vector<16xi32>
        %parallel_loop3A_266 = arith.addi %parallel_loop3A_263, %parallel_loop3A_265 : vector<16xi32>
        %parallel_loop3A_267 = arith.constant 0 : i32
        %parallel_loop3A_268 = vector.broadcast %parallel_loop3A_267 : i32 to vector<16xi32>
        %parallel_loop3A_269 = arith.cmpi slt, %parallel_loop3A_266, %parallel_loop3A_268 : vector<16xi32>
        %parallel_loop3A_270 = arith.constant 16 : i32
        %parallel_loop3A_271 = vector.broadcast %parallel_loop3A_270 : i32 to vector<16xi32>
        %parallel_loop3A_272 = arith.addi %parallel_loop3A_266, %parallel_loop3A_271 : vector<16xi32>
        %parallel_loop3A_273 = arith.select %parallel_loop3A_269, %parallel_loop3A_272, %parallel_loop3A_266 : vector<16xi1>, vector<16xi32>
        %parallel_loop3A_274 = vector.shape_cast %parallel_loop3A_273 : vector<16xi32> to vector<16x1xi32>
        %parallel_loop3A_275 = vector.shape_cast %parallel_loop3A_274 : vector<16x1xi32> to vector<16xi32>
        %parallel_loop3A_276 = tpu.dynamic_gather %parallel_loop3A_255[%parallel_loop3A_275] in [0] : vector<16xf32>, vector<16xi32> -> vector<16xf32>
        %parallel_loop3A_277 = arith.constant 3 : i32
        %parallel_loop3A_278 = vector.broadcast %parallel_loop3A_277 : i32 to vector<16xi32>
        %parallel_loop3A_279 = arith.shrsi %parallel_loop3A_218, %parallel_loop3A_278 : vector<16xi32>
        %parallel_loop3A_280 = arith.constant 0 : i32
        %parallel_loop3A_281 = vector.broadcast %parallel_loop3A_280 : i32 to vector<16xi32>
        %parallel_loop3A_282 = arith.addi %parallel_loop3A_279, %parallel_loop3A_281 : vector<16xi32>
        %parallel_loop3A_283 = arith.constant 2 : i32
        %parallel_loop3A_284 = vector.broadcast %parallel_loop3A_283 : i32 to vector<16xi32>
        %parallel_loop3A_285 = arith.addi %parallel_loop3A_282, %parallel_loop3A_284 : vector<16xi32>
        %parallel_loop3A_286 = arith.constant 0 : i32
        %parallel_loop3A_287 = vector.broadcast %parallel_loop3A_286 : i32 to vector<16xi32>
        %parallel_loop3A_288 = arith.cmpi slt, %parallel_loop3A_285, %parallel_loop3A_287 : vector<16xi32>
        %parallel_loop3A_289 = arith.constant 16 : i32
        %parallel_loop3A_290 = vector.broadcast %parallel_loop3A_289 : i32 to vector<16xi32>
        %parallel_loop3A_291 = arith.addi %parallel_loop3A_285, %parallel_loop3A_290 : vector<16xi32>
        %parallel_loop3A_292 = arith.select %parallel_loop3A_288, %parallel_loop3A_291, %parallel_loop3A_285 : vector<16xi1>, vector<16xi32>
        %parallel_loop3A_293 = vector.shape_cast %parallel_loop3A_292 : vector<16xi32> to vector<16x1xi32>
        %parallel_loop3A_294 = vector.shape_cast %parallel_loop3A_293 : vector<16x1xi32> to vector<16xi32>
        %parallel_loop3A_295 = tpu.dynamic_gather %parallel_loop3A_255[%parallel_loop3A_294] in [0] : vector<16xf32>, vector<16xi32> -> vector<16xf32>
        %parallel_loop3A_296 = arith.mulf %parallel_loop3A_259, %parallel_loop3A_276 : vector<16xf32>
        %parallel_loop3A_297 = arith.index_cast %parallel_loop3A_217 : i32 to index
        %parallel_loop3A_298 = arith.constant 0 : index
        %parallel_loop3A_299 = tpu.vector_load %arg16[%parallel_loop3A_297, %parallel_loop3A_298] {strides = array<i32>} : memref<128x80xf32, #tpu.memory_space<vmem>>, vector<16xf32>,
        tpu.vector_store %arg16[%parallel_loop3A_297, %parallel_loop3A_298], %parallel_loop3A_296 {strides = array<i32>} : memref<128x80xf32, #tpu.memory_space<vmem>>, vector<16xf32>,
        %parallel_loop3A_300 = arith.mulf %parallel_loop3A_260, %parallel_loop3A_295 : vector<16xf32>
        %parallel_loop3A_301 = arith.index_cast %parallel_loop3A_217 : i32 to index
        %parallel_loop3A_302 = arith.constant 16 : index
        %parallel_loop3A_303 = tpu.vector_load %arg16[%parallel_loop3A_301, %parallel_loop3A_302] {strides = array<i32>} : memref<128x80xf32, #tpu.memory_space<vmem>>, vector<16xf32>,
        tpu.vector_store %arg16[%parallel_loop3A_301, %parallel_loop3A_302], %parallel_loop3A_300 {strides = array<i32>} : memref<128x80xf32, #tpu.memory_space<vmem>>, vector<16xf32>,
        %parallel_loop3A_304 = arith.index_cast %parallel_loop3A_217 : i32 to index
        %parallel_loop3A_305 = arith.constant 32 : index
        %parallel_loop3A_306 = tpu.vector_load %arg14[%parallel_loop3A_304, %parallel_loop3A_305] {strides = array<i32>} : memref<128x64xbf16, #tpu.memory_space<vmem>>, vector<32xbf16>,
        %parallel_loop3A_307 = tpu.unpack_subelements %parallel_loop3A_306, 0 {pack_format = #tpu.pack_format<interleaved>} : vector<32xbf16> -> vector<16xf32>
        %parallel_loop3A_308 = tpu.unpack_subelements %parallel_loop3A_306, 1 {pack_format = #tpu.pack_format<interleaved>} : vector<32xbf16> -> vector<16xf32>
        %parallel_loop3A_309 = arith.constant 3 : i32
        %parallel_loop3A_310 = vector.broadcast %parallel_loop3A_309 : i32 to vector<16xi32>
        %parallel_loop3A_311 = arith.shrsi %parallel_loop3A_218, %parallel_loop3A_310 : vector<16xi32>
        %parallel_loop3A_312 = arith.constant 4 : i32
        %parallel_loop3A_313 = vector.broadcast %parallel_loop3A_312 : i32 to vector<16xi32>
        %parallel_loop3A_314 = arith.addi %parallel_loop3A_311, %parallel_loop3A_313 : vector<16xi32>
        %parallel_loop3A_315 = arith.constant 0 : i32
        %parallel_loop3A_316 = vector.broadcast %parallel_loop3A_315 : i32 to vector<16xi32>
        %parallel_loop3A_317 = arith.cmpi slt, %parallel_loop3A_314, %parallel_loop3A_316 : vector<16xi32>
        %parallel_loop3A_318 = arith.constant 16 : i32
        %parallel_loop3A_319 = vector.broadcast %parallel_loop3A_318 : i32 to vector<16xi32>
        %parallel_loop3A_320 = arith.addi %parallel_loop3A_314, %parallel_loop3A_319 : vector<16xi32>
        %parallel_loop3A_321 = arith.select %parallel_loop3A_317, %parallel_loop3A_320, %parallel_loop3A_314 : vector<16xi1>, vector<16xi32>
        %parallel_loop3A_322 = vector.shape_cast %parallel_loop3A_321 : vector<16xi32> to vector<16x1xi32>
        %parallel_loop3A_323 = vector.shape_cast %parallel_loop3A_322 : vector<16x1xi32> to vector<16xi32>
        %parallel_loop3A_324 = tpu.dynamic_gather %parallel_loop3A_255[%parallel_loop3A_323] in [0] : vector<16xf32>, vector<16xi32> -> vector<16xf32>
        %parallel_loop3A_325 = arith.constant 3 : i32
        %parallel_loop3A_326 = vector.broadcast %parallel_loop3A_325 : i32 to vector<16xi32>
        %parallel_loop3A_327 = arith.shrsi %parallel_loop3A_218, %parallel_loop3A_326 : vector<16xi32>
        %parallel_loop3A_328 = arith.constant 4 : i32
        %parallel_loop3A_329 = vector.broadcast %parallel_loop3A_328 : i32 to vector<16xi32>
        %parallel_loop3A_330 = arith.addi %parallel_loop3A_327, %parallel_loop3A_329 : vector<16xi32>
        %parallel_loop3A_331 = arith.constant 2 : i32
        %parallel_loop3A_332 = vector.broadcast %parallel_loop3A_331 : i32 to vector<16xi32>
        %parallel_loop3A_333 = arith.addi %parallel_loop3A_330, %parallel_loop3A_332 : vector<16xi32>
        %parallel_loop3A_334 = arith.constant 0 : i32
        %parallel_loop3A_335 = vector.broadcast %parallel_loop3A_334 : i32 to vector<16xi32>
        %parallel_loop3A_336 = arith.cmpi slt, %parallel_loop3A_333, %parallel_loop3A_335 : vector<16xi32>
        %parallel_loop3A_337 = arith.constant 16 : i32
        %parallel_loop3A_338 = vector.broadcast %parallel_loop3A_337 : i32 to vector<16xi32>
        %parallel_loop3A_339 = arith.addi %parallel_loop3A_333, %parallel_loop3A_338 : vector<16xi32>
        %parallel_loop3A_340 = arith.select %parallel_loop3A_336, %parallel_loop3A_339, %parallel_loop3A_333 : vector<16xi1>, vector<16xi32>
        %parallel_loop3A_341 = vector.shape_cast %parallel_loop3A_340 : vector<16xi32> to vector<16x1xi32>
        %parallel_loop3A_342 = vector.shape_cast %parallel_loop3A_341 : vector<16x1xi32> to vector<16xi32>
        %parallel_loop3A_343 = tpu.dynamic_gather %parallel_loop3A_255[%parallel_loop3A_342] in [0] : vector<16xf32>, vector<16xi32> -> vector<16xf32>
        %parallel_loop3A_344 = arith.mulf %parallel_loop3A_307, %parallel_loop3A_324 : vector<16xf32>
        %parallel_loop3A_345 = arith.index_cast %parallel_loop3A_217 : i32 to index
        %parallel_loop3A_346 = arith.constant 32 : index
        %parallel_loop3A_347 = tpu.vector_load %arg16[%parallel_loop3A_345, %parallel_loop3A_346] {strides = array<i32>} : memref<128x80xf32, #tpu.memory_space<vmem>>, vector<16xf32>,
        tpu.vector_store %arg16[%parallel_loop3A_345, %parallel_loop3A_346], %parallel_loop3A_344 {strides = array<i32>} : memref<128x80xf32, #tpu.memory_space<vmem>>, vector<16xf32>,
        %parallel_loop3A_348 = arith.mulf %parallel_loop3A_308, %parallel_loop3A_343 : vector<16xf32>
        %parallel_loop3A_349 = arith.index_cast %parallel_loop3A_217 : i32 to index
        %parallel_loop3A_350 = arith.constant 48 : index
        %parallel_loop3A_351 = tpu.vector_load %arg16[%parallel_loop3A_349, %parallel_loop3A_350] {strides = array<i32>} : memref<128x80xf32, #tpu.memory_space<vmem>>, vector<16xf32>,
        tpu.vector_store %arg16[%parallel_loop3A_349, %parallel_loop3A_350], %parallel_loop3A_348 {strides = array<i32>} : memref<128x80xf32, #tpu.memory_space<vmem>>, vector<16xf32>,
        %parallel_loop3A_352 = arith.index_cast %parallel_loop3A_217 : i32 to index
        %parallel_loop3A_353 = arith.constant 64 : index
        %parallel_loop3A_354 = tpu.vector_load %arg16[%parallel_loop3A_352, %parallel_loop3A_353] {strides = array<i32>} : memref<128x80xf32, #tpu.memory_space<vmem>>, vector<16xf32>,
        tpu.vector_store %arg16[%parallel_loop3A_352, %parallel_loop3A_353], %parallel_loop3A_255 {strides = array<i32>} : memref<128x80xf32, #tpu.memory_space<vmem>>, vector<16xf32>,
      } {sc.loop_unroll_factor = 4 : i64, sc.parallel_access}
      %dma_start3A_210 = arith.constant 0 : i32
      %dma_start3A_211 = tpu.memref_slice %arg8[%add3A_183, %dma_start3A_210] : memref<100x128xi32, #tpu.memory_space<vmem>> -> memref<1x128xi32, #tpu.memory_space<vmem>>
      %dma_start3A_212 = tpu.memref_squeeze %dma_start3A_211 : memref<1x128xi32, #tpu.memory_space<vmem>> -> memref<128xi32, #tpu.memory_space<vmem>>
      %dma_start3A_213 = arith.constant 0 : i32
      %dma_start3A_214 = arith.constant 0 : i32
      %dma_start3A_215 = tpu.memref_slice %arg17[%dma_start3A_213, %dma_start3A_214] : memref<10240x80xf32, #tpu.memory_space<vmem_shared>> -> memref<10240x80xf32, #tpu.memory_space<vmem_shared>>
      tpu.enqueue_indirect_dma source(%arg16 : memref<128x80xf32, #tpu.memory_space<vmem>>) target(%dma_start3A_215 : memref<10240x80xf32, #tpu.memory_space<vmem_shared>>) offsets(%dma_start3A_212 : memref<128xi32, #tpu.memory_space<vmem>>) semaphore(%arg21 : memref<!tpu.dma_semaphore, #tpu.memory_space<semaphore_mem>>) {add = true}
      %while3A_216 = arith.constant 0 : i32
      scf.yield %while3A_216 : i32
    }
    %while3A_78 = arith.constant 1 : i32
    %while3A_79 = scf.for %while3A_100 = %while3A_75 to %while3A_71 step %while3A_78 iter_args(%while3A_101 = %while3A_77) -> (i32)  : i32 {
      %mul3A_102 = arith.constant 2 : i32
      %mul3A_103 = arith.muli %mul3A_102, %while3A_100 : i32
      %add3A_104 = arith.constant 1 : i32
      %add3A_105 = arith.addi %mul3A_103, %add3A_104 : i32
      %dma_start3A_106 = arith.constant 0 : i32
      %dma_start3A_107 = tpu.memref_slice %arg7[%add3A_105, %dma_start3A_106] : memref<100x128xi32, #tpu.memory_space<vmem>> -> memref<1x128xi32, #tpu.memory_space<vmem>>
      %dma_start3A_108 = tpu.memref_squeeze %dma_start3A_107 : memref<1x128xi32, #tpu.memory_space<vmem>> -> memref<128xi32, #tpu.memory_space<vmem>>
      %dma_start3A_109 = arith.constant 0 : i32
      %dma_start3A_110 = arith.constant 0 : i32
      %dma_start3A_111 = tpu.memref_slice %arg4[%dma_start3A_109, %dma_start3A_110] : memref<10240x16xf32, #tpu.memory_space<hbm>> -> memref<10240x16xf32, #tpu.memory_space<hbm>>
      tpu.enqueue_indirect_dma source(%dma_start3A_111 : memref<10240x16xf32, #tpu.memory_space<hbm>>) target(%arg10 : memref<128x16xf32, #tpu.memory_space<vmem>>) offsets(%dma_start3A_108 : memref<128xi32, #tpu.memory_space<vmem>>) semaphore(%arg19 : memref<!tpu.dma_semaphore, #tpu.memory_space<semaphore_mem>>)
      %dma_start3A_112 = arith.constant 0 : i32
      %dma_start3A_113 = tpu.memref_slice %arg8[%add3A_105, %dma_start3A_112] : memref<100x128xi32, #tpu.memory_space<vmem>> -> memref<1x128xi32, #tpu.memory_space<vmem>>
      %dma_start3A_114 = tpu.memref_squeeze %dma_start3A_113 : memref<1x128xi32, #tpu.memory_space<vmem>> -> memref<128xi32, #tpu.memory_space<vmem>>
      %dma_start3A_115 = arith.constant 0 : i32
      %dma_start3A_116 = arith.constant 0 : i32
      %dma_start3A_117 = tpu.memref_slice %arg4[%dma_start3A_115, %dma_start3A_116] : memref<10240x16xf32, #tpu.memory_space<hbm>> -> memref<10240x16xf32, #tpu.memory_space<hbm>>
      tpu.enqueue_indirect_dma source(%dma_start3A_117 : memref<10240x16xf32, #tpu.memory_space<hbm>>) target(%arg12 : memref<128x16xf32, #tpu.memory_space<vmem>>) offsets(%dma_start3A_114 : memref<128xi32, #tpu.memory_space<vmem>>) semaphore(%arg19 : memref<!tpu.dma_semaphore, #tpu.memory_space<semaphore_mem>>)
      %dma_start3A_118 = arith.constant 0 : i32
      %dma_start3A_119 = tpu.memref_slice %arg7[%add3A_105, %dma_start3A_118] : memref<100x128xi32, #tpu.memory_space<vmem>> -> memref<1x128xi32, #tpu.memory_space<vmem>>
      %dma_start3A_120 = tpu.memref_squeeze %dma_start3A_119 : memref<1x128xi32, #tpu.memory_space<vmem>> -> memref<128xi32, #tpu.memory_space<vmem>>
      %dma_start3A_121 = arith.constant 0 : i32
      %dma_start3A_122 = arith.constant 0 : i32
      %dma_start3A_123 = tpu.memref_slice %arg5[%dma_start3A_121, %dma_start3A_122] : memref<10240x64xbf16, #tpu.memory_space<hbm>> -> memref<10240x64xbf16, #tpu.memory_space<hbm>>
      tpu.enqueue_indirect_dma source(%dma_start3A_123 : memref<10240x64xbf16, #tpu.memory_space<hbm>>) target(%arg14 : memref<128x64xbf16, #tpu.memory_space<vmem>>) offsets(%dma_start3A_120 : memref<128xi32, #tpu.memory_space<vmem>>) semaphore(%arg19 : memref<!tpu.dma_semaphore, #tpu.memory_space<semaphore_mem>>)
      %dma_wait3A_124 = arith.constant 0 : i32
      %dma_wait3A_125 = tpu.memref_slice %arg7[%mul3A_103, %dma_wait3A_124] : memref<100x128xi32, #tpu.memory_space<vmem>> -> memref<1x128xi32, #tpu.memory_space<vmem>>
      %dma_wait3A_126 = tpu.memref_squeeze %dma_wait3A_125 : memref<1x128xi32, #tpu.memory_space<vmem>> -> memref<128xi32, #tpu.memory_space<vmem>>
      %dma_wait3A_127 = arith.constant 0 : i32
      %dma_wait3A_128 = arith.constant 0 : i32
      %dma_wait3A_129 = tpu.memref_slice %arg4[%dma_wait3A_127, %dma_wait3A_128] : memref<10240x16xf32, #tpu.memory_space<hbm>> -> memref<10240x16xf32, #tpu.memory_space<hbm>>
      tpu.wait_indirect_dma semaphore(%arg18 : memref<!tpu.dma_semaphore, #tpu.memory_space<semaphore_mem>>) src(%dma_wait3A_129 : memref<10240x16xf32, #tpu.memory_space<hbm>>) dst(%arg9 : memref<128x16xf32, #tpu.memory_space<vmem>>)
      %dma_wait3A_130 = arith.constant 0 : i32
      %dma_wait3A_131 = tpu.memref_slice %arg8[%mul3A_103, %dma_wait3A_130] : memref<100x128xi32, #tpu.memory_space<vmem>> -> memref<1x128xi32, #tpu.memory_space<vmem>>
      %dma_wait3A_132 = tpu.memref_squeeze %dma_wait3A_131 : memref<1x128xi32, #tpu.memory_space<vmem>> -> memref<128xi32, #tpu.memory_space<vmem>>
      %dma_wait3A_133 = arith.constant 0 : i32
      %dma_wait3A_134 = arith.constant 0 : i32
      %dma_wait3A_135 = tpu.memref_slice %arg4[%dma_wait3A_133, %dma_wait3A_134] : memref<10240x16xf32, #tpu.memory_space<hbm>> -> memref<10240x16xf32, #tpu.memory_space<hbm>>
      tpu.wait_indirect_dma semaphore(%arg18 : memref<!tpu.dma_semaphore, #tpu.memory_space<semaphore_mem>>) src(%dma_wait3A_135 : memref<10240x16xf32, #tpu.memory_space<hbm>>) dst(%arg11 : memref<128x16xf32, #tpu.memory_space<vmem>>)
      %dma_wait3A_136 = arith.constant 0 : i32
      %dma_wait3A_137 = tpu.memref_slice %arg7[%mul3A_103, %dma_wait3A_136] : memref<100x128xi32, #tpu.memory_space<vmem>> -> memref<1x128xi32, #tpu.memory_space<vmem>>
      %dma_wait3A_138 = tpu.memref_squeeze %dma_wait3A_137 : memref<1x128xi32, #tpu.memory_space<vmem>> -> memref<128xi32, #tpu.memory_space<vmem>>
      %dma_wait3A_139 = arith.constant 0 : i32
      %dma_wait3A_140 = arith.constant 0 : i32
      %dma_wait3A_141 = tpu.memref_slice %arg5[%dma_wait3A_139, %dma_wait3A_140] : memref<10240x64xbf16, #tpu.memory_space<hbm>> -> memref<10240x64xbf16, #tpu.memory_space<hbm>>
      tpu.wait_indirect_dma semaphore(%arg18 : memref<!tpu.dma_semaphore, #tpu.memory_space<semaphore_mem>>) src(%dma_wait3A_141 : memref<10240x64xbf16, #tpu.memory_space<hbm>>) dst(%arg13 : memref<128x64xbf16, #tpu.memory_space<vmem>>)
      %ge3A = arith.constant 2 : i32
      %ge3A_142 = arith.cmpi sge, %mul3A_103, %ge3A : i32
      %convert_element_type3A = arith.extui %ge3A_142 : i1 to i32
      %cond3A = arith.constant 0 : i32
      %cond3A_143 = arith.cmpi ne, %convert_element_type3A, %cond3A : i32
      scf.if %cond3A_143 {
        %sub3A_217 = arith.constant 2 : i32
        %sub3A_218 = arith.subi %mul3A_103, %sub3A_217 : i32
        %dma_wait3A_219 = arith.constant 0 : i32
        %dma_wait3A_220 = tpu.memref_slice %arg8[%sub3A_218, %dma_wait3A_219] : memref<100x128xi32, #tpu.memory_space<vmem>> -> memref<1x128xi32, #tpu.memory_space<vmem>>
        %dma_wait3A_221 = tpu.memref_squeeze %dma_wait3A_220 : memref<1x128xi32, #tpu.memory_space<vmem>> -> memref<128xi32, #tpu.memory_space<vmem>>
        %dma_wait3A_222 = arith.constant 0 : i32
        %dma_wait3A_223 = arith.constant 0 : i32
        %dma_wait3A_224 = tpu.memref_slice %arg17[%dma_wait3A_222, %dma_wait3A_223] : memref<10240x80xf32, #tpu.memory_space<vmem_shared>> -> memref<10240x80xf32, #tpu.memory_space<vmem_shared>>
        tpu.wait_indirect_dma semaphore(%arg20 : memref<!tpu.dma_semaphore, #tpu.memory_space<semaphore_mem>>) src(%arg15 : memref<128x80xf32, #tpu.memory_space<vmem>>) dst(%dma_wait3A_224 : memref<10240x80xf32, #tpu.memory_space<vmem_shared>>)
      } else {
      }
      %parallel_loop3A_144 = arith.constant 0 : i32
      %parallel_loop3A_145 = arith.constant 128 : i32
      %parallel_loop3A_146 = arith.constant 1 : i32
      scf.for %parallel_loop3A_217 = %parallel_loop3A_144 to %parallel_loop3A_145 step %parallel_loop3A_146  : i32 {
        %parallel_loop3A_218 = tpu.iota {dimensions = array<i32: 0>} : vector<16xi32>
        %parallel_loop3A_219 = arith.constant 7 : i32
        %parallel_loop3A_220 = vector.broadcast %parallel_loop3A_219 : i32 to vector<16xi32>
        %parallel_loop3A_221 = arith.andi %parallel_loop3A_218, %parallel_loop3A_220 : vector<16xi32>
        %parallel_loop3A_222 = arith.constant 8 : i32
        %parallel_loop3A_223 = vector.broadcast %parallel_loop3A_222 : i32 to vector<16xi32>
        %parallel_loop3A_224 = arith.addi %parallel_loop3A_221, %parallel_loop3A_223 : vector<16xi32>
        %parallel_loop3A_225 = arith.index_cast %parallel_loop3A_217 : i32 to index
        %parallel_loop3A_226 = arith.constant 0 : index
        %parallel_loop3A_227 = tpu.vector_load %arg9[%parallel_loop3A_225, %parallel_loop3A_226] {strides = array<i32>} : memref<128x16xf32, #tpu.memory_space<vmem>>, vector<16xf32>,
        %parallel_loop3A_228 = arith.index_cast %parallel_loop3A_217 : i32 to index
        %parallel_loop3A_229 = arith.constant 0 : index
        %parallel_loop3A_230 = tpu.vector_load %arg11[%parallel_loop3A_228, %parallel_loop3A_229] {strides = array<i32>} : memref<128x16xf32, #tpu.memory_space<vmem>>, vector<16xf32>,
        %parallel_loop3A_231 = arith.constant 0 : i32
        %parallel_loop3A_232 = vector.broadcast %parallel_loop3A_231 : i32 to vector<16xi32>
        %parallel_loop3A_233 = arith.cmpi slt, %parallel_loop3A_224, %parallel_loop3A_232 : vector<16xi32>
        %parallel_loop3A_234 = arith.constant 16 : i32
        %parallel_loop3A_235 = vector.broadcast %parallel_loop3A_234 : i32 to vector<16xi32>
        %parallel_loop3A_236 = arith.addi %parallel_loop3A_224, %parallel_loop3A_235 : vector<16xi32>
        %parallel_loop3A_237 = arith.select %parallel_loop3A_233, %parallel_loop3A_236, %parallel_loop3A_224 : vector<16xi1>, vector<16xi32>
        %parallel_loop3A_238 = vector.shape_cast %parallel_loop3A_237 : vector<16xi32> to vector<16x1xi32>
        %parallel_loop3A_239 = vector.shape_cast %parallel_loop3A_238 : vector<16x1xi32> to vector<16xi32>
        %parallel_loop3A_240 = tpu.dynamic_gather %parallel_loop3A_230[%parallel_loop3A_239] in [0] : vector<16xf32>, vector<16xi32> -> vector<16xf32>
        %parallel_loop3A_241 = arith.addf %parallel_loop3A_227, %parallel_loop3A_240 : vector<16xf32>
        %parallel_loop3A_242 = arith.constant 0.000000e+00 : f32
        %parallel_loop3A_243 = vector.broadcast %parallel_loop3A_242 : f32 to vector<16xf32>
        %parallel_loop3A_244 = arith.cmpf ogt, %parallel_loop3A_241, %parallel_loop3A_243 : vector<16xf32>
        %parallel_loop3A_245 = arith.constant 2.000000e-01 : f32
        %parallel_loop3A_246 = vector.broadcast %parallel_loop3A_245 : f32 to vector<16xf32>
        %parallel_loop3A_247 = arith.mulf %parallel_loop3A_246, %parallel_loop3A_241 : vector<16xf32>
        %parallel_loop3A_248 = arith.select %parallel_loop3A_244, %parallel_loop3A_241, %parallel_loop3A_247 : vector<16xi1>, vector<16xf32>
        %parallel_loop3A_249 = arith.constant 8 : i32
        %parallel_loop3A_250 = vector.broadcast %parallel_loop3A_249 : i32 to vector<16xi32>
        %parallel_loop3A_251 = arith.cmpi slt, %parallel_loop3A_218, %parallel_loop3A_250 : vector<16xi32>
        %parallel_loop3A_252 = math.exp %parallel_loop3A_248 : vector<16xf32>
        %parallel_loop3A_253 = arith.constant 0.000000e+00 : f32
        %parallel_loop3A_254 = vector.broadcast %parallel_loop3A_253 : f32 to vector<16xf32>
        %parallel_loop3A_255 = arith.select %parallel_loop3A_251, %parallel_loop3A_252, %parallel_loop3A_254 : vector<16xi1>, vector<16xf32>
        %parallel_loop3A_256 = arith.index_cast %parallel_loop3A_217 : i32 to index
        %parallel_loop3A_257 = arith.constant 0 : index
        %parallel_loop3A_258 = tpu.vector_load %arg13[%parallel_loop3A_256, %parallel_loop3A_257] {strides = array<i32>} : memref<128x64xbf16, #tpu.memory_space<vmem>>, vector<32xbf16>,
        %parallel_loop3A_259 = tpu.unpack_subelements %parallel_loop3A_258, 0 {pack_format = #tpu.pack_format<interleaved>} : vector<32xbf16> -> vector<16xf32>
        %parallel_loop3A_260 = tpu.unpack_subelements %parallel_loop3A_258, 1 {pack_format = #tpu.pack_format<interleaved>} : vector<32xbf16> -> vector<16xf32>
        %parallel_loop3A_261 = arith.constant 3 : i32
        %parallel_loop3A_262 = vector.broadcast %parallel_loop3A_261 : i32 to vector<16xi32>
        %parallel_loop3A_263 = arith.shrsi %parallel_loop3A_218, %parallel_loop3A_262 : vector<16xi32>
        %parallel_loop3A_264 = arith.constant 0 : i32
        %parallel_loop3A_265 = vector.broadcast %parallel_loop3A_264 : i32 to vector<16xi32>
        %parallel_loop3A_266 = arith.addi %parallel_loop3A_263, %parallel_loop3A_265 : vector<16xi32>
        %parallel_loop3A_267 = arith.constant 0 : i32
        %parallel_loop3A_268 = vector.broadcast %parallel_loop3A_267 : i32 to vector<16xi32>
        %parallel_loop3A_269 = arith.cmpi slt, %parallel_loop3A_266, %parallel_loop3A_268 : vector<16xi32>
        %parallel_loop3A_270 = arith.constant 16 : i32
        %parallel_loop3A_271 = vector.broadcast %parallel_loop3A_270 : i32 to vector<16xi32>
        %parallel_loop3A_272 = arith.addi %parallel_loop3A_266, %parallel_loop3A_271 : vector<16xi32>
        %parallel_loop3A_273 = arith.select %parallel_loop3A_269, %parallel_loop3A_272, %parallel_loop3A_266 : vector<16xi1>, vector<16xi32>
        %parallel_loop3A_274 = vector.shape_cast %parallel_loop3A_273 : vector<16xi32> to vector<16x1xi32>
        %parallel_loop3A_275 = vector.shape_cast %parallel_loop3A_274 : vector<16x1xi32> to vector<16xi32>
        %parallel_loop3A_276 = tpu.dynamic_gather %parallel_loop3A_255[%parallel_loop3A_275] in [0] : vector<16xf32>, vector<16xi32> -> vector<16xf32>
        %parallel_loop3A_277 = arith.constant 3 : i32
        %parallel_loop3A_278 = vector.broadcast %parallel_loop3A_277 : i32 to vector<16xi32>
        %parallel_loop3A_279 = arith.shrsi %parallel_loop3A_218, %parallel_loop3A_278 : vector<16xi32>
        %parallel_loop3A_280 = arith.constant 0 : i32
        %parallel_loop3A_281 = vector.broadcast %parallel_loop3A_280 : i32 to vector<16xi32>
        %parallel_loop3A_282 = arith.addi %parallel_loop3A_279, %parallel_loop3A_281 : vector<16xi32>
        %parallel_loop3A_283 = arith.constant 2 : i32
        %parallel_loop3A_284 = vector.broadcast %parallel_loop3A_283 : i32 to vector<16xi32>
        %parallel_loop3A_285 = arith.addi %parallel_loop3A_282, %parallel_loop3A_284 : vector<16xi32>
        %parallel_loop3A_286 = arith.constant 0 : i32
        %parallel_loop3A_287 = vector.broadcast %parallel_loop3A_286 : i32 to vector<16xi32>
        %parallel_loop3A_288 = arith.cmpi slt, %parallel_loop3A_285, %parallel_loop3A_287 : vector<16xi32>
        %parallel_loop3A_289 = arith.constant 16 : i32
        %parallel_loop3A_290 = vector.broadcast %parallel_loop3A_289 : i32 to vector<16xi32>
        %parallel_loop3A_291 = arith.addi %parallel_loop3A_285, %parallel_loop3A_290 : vector<16xi32>
        %parallel_loop3A_292 = arith.select %parallel_loop3A_288, %parallel_loop3A_291, %parallel_loop3A_285 : vector<16xi1>, vector<16xi32>
        %parallel_loop3A_293 = vector.shape_cast %parallel_loop3A_292 : vector<16xi32> to vector<16x1xi32>
        %parallel_loop3A_294 = vector.shape_cast %parallel_loop3A_293 : vector<16x1xi32> to vector<16xi32>
        %parallel_loop3A_295 = tpu.dynamic_gather %parallel_loop3A_255[%parallel_loop3A_294] in [0] : vector<16xf32>, vector<16xi32> -> vector<16xf32>
        %parallel_loop3A_296 = arith.mulf %parallel_loop3A_259, %parallel_loop3A_276 : vector<16xf32>
        %parallel_loop3A_297 = arith.index_cast %parallel_loop3A_217 : i32 to index
        %parallel_loop3A_298 = arith.constant 0 : index
        %parallel_loop3A_299 = tpu.vector_load %arg15[%parallel_loop3A_297, %parallel_loop3A_298] {strides = array<i32>} : memref<128x80xf32, #tpu.memory_space<vmem>>, vector<16xf32>,
        tpu.vector_store %arg15[%parallel_loop3A_297, %parallel_loop3A_298], %parallel_loop3A_296 {strides = array<i32>} : memref<128x80xf32, #tpu.memory_space<vmem>>, vector<16xf32>,
        %parallel_loop3A_300 = arith.mulf %parallel_loop3A_260, %parallel_loop3A_295 : vector<16xf32>
        %parallel_loop3A_301 = arith.index_cast %parallel_loop3A_217 : i32 to index
        %parallel_loop3A_302 = arith.constant 16 : index
        %parallel_loop3A_303 = tpu.vector_load %arg15[%parallel_loop3A_301, %parallel_loop3A_302] {strides = array<i32>} : memref<128x80xf32, #tpu.memory_space<vmem>>, vector<16xf32>,
        tpu.vector_store %arg15[%parallel_loop3A_301, %parallel_loop3A_302], %parallel_loop3A_300 {strides = array<i32>} : memref<128x80xf32, #tpu.memory_space<vmem>>, vector<16xf32>,
        %parallel_loop3A_304 = arith.index_cast %parallel_loop3A_217 : i32 to index
        %parallel_loop3A_305 = arith.constant 32 : index
        %parallel_loop3A_306 = tpu.vector_load %arg13[%parallel_loop3A_304, %parallel_loop3A_305] {strides = array<i32>} : memref<128x64xbf16, #tpu.memory_space<vmem>>, vector<32xbf16>,
        %parallel_loop3A_307 = tpu.unpack_subelements %parallel_loop3A_306, 0 {pack_format = #tpu.pack_format<interleaved>} : vector<32xbf16> -> vector<16xf32>
        %parallel_loop3A_308 = tpu.unpack_subelements %parallel_loop3A_306, 1 {pack_format = #tpu.pack_format<interleaved>} : vector<32xbf16> -> vector<16xf32>
        %parallel_loop3A_309 = arith.constant 3 : i32
        %parallel_loop3A_310 = vector.broadcast %parallel_loop3A_309 : i32 to vector<16xi32>
        %parallel_loop3A_311 = arith.shrsi %parallel_loop3A_218, %parallel_loop3A_310 : vector<16xi32>
        %parallel_loop3A_312 = arith.constant 4 : i32
        %parallel_loop3A_313 = vector.broadcast %parallel_loop3A_312 : i32 to vector<16xi32>
        %parallel_loop3A_314 = arith.addi %parallel_loop3A_311, %parallel_loop3A_313 : vector<16xi32>
        %parallel_loop3A_315 = arith.constant 0 : i32
        %parallel_loop3A_316 = vector.broadcast %parallel_loop3A_315 : i32 to vector<16xi32>
        %parallel_loop3A_317 = arith.cmpi slt, %parallel_loop3A_314, %parallel_loop3A_316 : vector<16xi32>
        %parallel_loop3A_318 = arith.constant 16 : i32
        %parallel_loop3A_319 = vector.broadcast %parallel_loop3A_318 : i32 to vector<16xi32>
        %parallel_loop3A_320 = arith.addi %parallel_loop3A_314, %parallel_loop3A_319 : vector<16xi32>
        %parallel_loop3A_321 = arith.select %parallel_loop3A_317, %parallel_loop3A_320, %parallel_loop3A_314 : vector<16xi1>, vector<16xi32>
        %parallel_loop3A_322 = vector.shape_cast %parallel_loop3A_321 : vector<16xi32> to vector<16x1xi32>
        %parallel_loop3A_323 = vector.shape_cast %parallel_loop3A_322 : vector<16x1xi32> to vector<16xi32>
        %parallel_loop3A_324 = tpu.dynamic_gather %parallel_loop3A_255[%parallel_loop3A_323] in [0] : vector<16xf32>, vector<16xi32> -> vector<16xf32>
        %parallel_loop3A_325 = arith.constant 3 : i32
        %parallel_loop3A_326 = vector.broadcast %parallel_loop3A_325 : i32 to vector<16xi32>
        %parallel_loop3A_327 = arith.shrsi %parallel_loop3A_218, %parallel_loop3A_326 : vector<16xi32>
        %parallel_loop3A_328 = arith.constant 4 : i32
        %parallel_loop3A_329 = vector.broadcast %parallel_loop3A_328 : i32 to vector<16xi32>
        %parallel_loop3A_330 = arith.addi %parallel_loop3A_327, %parallel_loop3A_329 : vector<16xi32>
        %parallel_loop3A_331 = arith.constant 2 : i32
        %parallel_loop3A_332 = vector.broadcast %parallel_loop3A_331 : i32 to vector<16xi32>
        %parallel_loop3A_333 = arith.addi %parallel_loop3A_330, %parallel_loop3A_332 : vector<16xi32>
        %parallel_loop3A_334 = arith.constant 0 : i32
        %parallel_loop3A_335 = vector.broadcast %parallel_loop3A_334 : i32 to vector<16xi32>
        %parallel_loop3A_336 = arith.cmpi slt, %parallel_loop3A_333, %parallel_loop3A_335 : vector<16xi32>
        %parallel_loop3A_337 = arith.constant 16 : i32
        %parallel_loop3A_338 = vector.broadcast %parallel_loop3A_337 : i32 to vector<16xi32>
        %parallel_loop3A_339 = arith.addi %parallel_loop3A_333, %parallel_loop3A_338 : vector<16xi32>
        %parallel_loop3A_340 = arith.select %parallel_loop3A_336, %parallel_loop3A_339, %parallel_loop3A_333 : vector<16xi1>, vector<16xi32>
        %parallel_loop3A_341 = vector.shape_cast %parallel_loop3A_340 : vector<16xi32> to vector<16x1xi32>
        %parallel_loop3A_342 = vector.shape_cast %parallel_loop3A_341 : vector<16x1xi32> to vector<16xi32>
        %parallel_loop3A_343 = tpu.dynamic_gather %parallel_loop3A_255[%parallel_loop3A_342] in [0] : vector<16xf32>, vector<16xi32> -> vector<16xf32>
        %parallel_loop3A_344 = arith.mulf %parallel_loop3A_307, %parallel_loop3A_324 : vector<16xf32>
        %parallel_loop3A_345 = arith.index_cast %parallel_loop3A_217 : i32 to index
        %parallel_loop3A_346 = arith.constant 32 : index
        %parallel_loop3A_347 = tpu.vector_load %arg15[%parallel_loop3A_345, %parallel_loop3A_346] {strides = array<i32>} : memref<128x80xf32, #tpu.memory_space<vmem>>, vector<16xf32>,
        tpu.vector_store %arg15[%parallel_loop3A_345, %parallel_loop3A_346], %parallel_loop3A_344 {strides = array<i32>} : memref<128x80xf32, #tpu.memory_space<vmem>>, vector<16xf32>,
        %parallel_loop3A_348 = arith.mulf %parallel_loop3A_308, %parallel_loop3A_343 : vector<16xf32>
        %parallel_loop3A_349 = arith.index_cast %parallel_loop3A_217 : i32 to index
        %parallel_loop3A_350 = arith.constant 48 : index
        %parallel_loop3A_351 = tpu.vector_load %arg15[%parallel_loop3A_349, %parallel_loop3A_350] {strides = array<i32>} : memref<128x80xf32, #tpu.memory_space<vmem>>, vector<16xf32>,
        tpu.vector_store %arg15[%parallel_loop3A_349, %parallel_loop3A_350], %parallel_loop3A_348 {strides = array<i32>} : memref<128x80xf32, #tpu.memory_space<vmem>>, vector<16xf32>,
        %parallel_loop3A_352 = arith.index_cast %parallel_loop3A_217 : i32 to index
        %parallel_loop3A_353 = arith.constant 64 : index
        %parallel_loop3A_354 = tpu.vector_load %arg15[%parallel_loop3A_352, %parallel_loop3A_353] {strides = array<i32>} : memref<128x80xf32, #tpu.memory_space<vmem>>, vector<16xf32>,
        tpu.vector_store %arg15[%parallel_loop3A_352, %parallel_loop3A_353], %parallel_loop3A_255 {strides = array<i32>} : memref<128x80xf32, #tpu.memory_space<vmem>>, vector<16xf32>,
      } {sc.loop_unroll_factor = 4 : i64, sc.parallel_access}
      %dma_start3A_147 = arith.constant 0 : i32
      %dma_start3A_148 = tpu.memref_slice %arg8[%mul3A_103, %dma_start3A_147] : memref<100x128xi32, #tpu.memory_space<vmem>> -> memref<1x128xi32, #tpu.memory_space<vmem>>
      %dma_start3A_149 = tpu.memref_squeeze %dma_start3A_148 : memref<1x128xi32, #tpu.memory_space<vmem>> -> memref<128xi32, #tpu.memory_space<vmem>>
      %dma_start3A_150 = arith.constant 0 : i32
      %dma_start3A_151 = arith.constant 0 : i32
      %dma_start3A_152 = tpu.memref_slice %arg17[%dma_start3A_150, %dma_start3A_151] : memref<10240x80xf32, #tpu.memory_space<vmem_shared>> -> memref<10240x80xf32, #tpu.memory_space<vmem_shared>>
      tpu.enqueue_indirect_dma source(%arg15 : memref<128x80xf32, #tpu.memory_space<vmem>>) target(%dma_start3A_152 : memref<10240x80xf32, #tpu.memory_space<vmem_shared>>) offsets(%dma_start3A_149 : memref<128xi32, #tpu.memory_space<vmem>>) semaphore(%arg20 : memref<!tpu.dma_semaphore, #tpu.memory_space<semaphore_mem>>) {add = true}
      %add3A_153 = arith.constant 1 : i32
      %add3A_154 = arith.addi %while3A_100, %add3A_153 : i32
      %jit3A_155 = arith.constant 2 : i32
      %div3A_156 = arith.divsi %select_n3A_8, %jit3A_155 : i32
      %sign3A_157 = arith.constant 0 : i32
      %sign3A_158 = arith.cmpi sgt, %select_n3A_8, %sign3A_157 : i32
      %sign3A_159 = arith.extui %sign3A_158 : i1 to i32
      %sign3A_160 = arith.constant 0 : i32
      %sign3A_161 = arith.cmpi slt, %select_n3A_8, %sign3A_160 : i32
      %sign3A_162 = arith.extui %sign3A_161 : i1 to i32
      %sign3A_163 = arith.subi %sign3A_159, %sign3A_162 : i32
      %sign3A_164 = arith.constant 0 : i32
      %sign3A_165 = arith.cmpi sgt, %jit3A_155, %sign3A_164 : i32
      %sign3A_166 = arith.extui %sign3A_165 : i1 to i32
      %sign3A_167 = arith.constant 0 : i32
      %sign3A_168 = arith.cmpi slt, %jit3A_155, %sign3A_167 : i32
      %sign3A_169 = arith.extui %sign3A_168 : i1 to i32
      %sign3A_170 = arith.subi %sign3A_166, %sign3A_169 : i32
      %ne3A_171 = arith.cmpi ne, %sign3A_163, %sign3A_170 : i32
      %rem3A_172 = arith.remsi %select_n3A_8, %jit3A_155 : i32
      %ne3A_173 = arith.constant 0 : i32
      %ne3A_174 = arith.cmpi ne, %rem3A_172, %ne3A_173 : i32
      %and3A_175 = arith.andi %ne3A_171, %ne3A_174 : i1
      %sub3A_176 = arith.constant 1 : i32
      %sub3A_177 = arith.subi %div3A_156, %sub3A_176 : i32
      %select_n3A_178 = arith.select %and3A_175, %sub3A_177, %div3A_156 : i32
      %lt3A = arith.cmpi slt, %add3A_154, %select_n3A_178 : i32
      %convert_element_type3A_179 = arith.extui %lt3A : i1 to i32
      %cond3A_180 = arith.constant 0 : i32
      %cond3A_181 = arith.cmpi ne, %convert_element_type3A_179, %cond3A_180 : i32
      scf.if %cond3A_181 {
        %add3A_217 = arith.constant 2 : i32
        %add3A_218 = arith.addi %mul3A_103, %add3A_217 : i32
        %dma_start3A_219 = arith.constant 0 : i32
        %dma_start3A_220 = tpu.memref_slice %arg7[%add3A_218, %dma_start3A_219] : memref<100x128xi32, #tpu.memory_space<vmem>> -> memref<1x128xi32, #tpu.memory_space<vmem>>
        %dma_start3A_221 = tpu.memref_squeeze %dma_start3A_220 : memref<1x128xi32, #tpu.memory_space<vmem>> -> memref<128xi32, #tpu.memory_space<vmem>>
        %dma_start3A_222 = arith.constant 0 : i32
        %dma_start3A_223 = arith.constant 0 : i32
        %dma_start3A_224 = tpu.memref_slice %arg4[%dma_start3A_222, %dma_start3A_223] : memref<10240x16xf32, #tpu.memory_space<hbm>> -> memref<10240x16xf32, #tpu.memory_space<hbm>>
        tpu.enqueue_indirect_dma source(%dma_start3A_224 : memref<10240x16xf32, #tpu.memory_space<hbm>>) target(%arg9 : memref<128x16xf32, #tpu.memory_space<vmem>>) offsets(%dma_start3A_221 : memref<128xi32, #tpu.memory_space<vmem>>) semaphore(%arg18 : memref<!tpu.dma_semaphore, #tpu.memory_space<semaphore_mem>>)
        %dma_start3A_225 = arith.constant 0 : i32
        %dma_start3A_226 = tpu.memref_slice %arg8[%add3A_218, %dma_start3A_225] : memref<100x128xi32, #tpu.memory_space<vmem>> -> memref<1x128xi32, #tpu.memory_space<vmem>>
        %dma_start3A_227 = tpu.memref_squeeze %dma_start3A_226 : memref<1x128xi32, #tpu.memory_space<vmem>> -> memref<128xi32, #tpu.memory_space<vmem>>
        %dma_start3A_228 = arith.constant 0 : i32
        %dma_start3A_229 = arith.constant 0 : i32
        %dma_start3A_230 = tpu.memref_slice %arg4[%dma_start3A_228, %dma_start3A_229] : memref<10240x16xf32, #tpu.memory_space<hbm>> -> memref<10240x16xf32, #tpu.memory_space<hbm>>
        tpu.enqueue_indirect_dma source(%dma_start3A_230 : memref<10240x16xf32, #tpu.memory_space<hbm>>) target(%arg11 : memref<128x16xf32, #tpu.memory_space<vmem>>) offsets(%dma_start3A_227 : memref<128xi32, #tpu.memory_space<vmem>>) semaphore(%arg18 : memref<!tpu.dma_semaphore, #tpu.memory_space<semaphore_mem>>)
        %dma_start3A_231 = arith.constant 0 : i32
        %dma_start3A_232 = tpu.memref_slice %arg7[%add3A_218, %dma_start3A_231] : memref<100x128xi32, #tpu.memory_space<vmem>> -> memref<1x128xi32, #tpu.memory_space<vmem>>
        %dma_start3A_233 = tpu.memref_squeeze %dma_start3A_232 : memref<1x128xi32, #tpu.memory_space<vmem>> -> memref<128xi32, #tpu.memory_space<vmem>>
        %dma_start3A_234 = arith.constant 0 : i32
        %dma_start3A_235 = arith.constant 0 : i32
        %dma_start3A_236 = tpu.memref_slice %arg5[%dma_start3A_234, %dma_start3A_235] : memref<10240x64xbf16, #tpu.memory_space<hbm>> -> memref<10240x64xbf16, #tpu.memory_space<hbm>>
        tpu.enqueue_indirect_dma source(%dma_start3A_236 : memref<10240x64xbf16, #tpu.memory_space<hbm>>) target(%arg13 : memref<128x64xbf16, #tpu.memory_space<vmem>>) offsets(%dma_start3A_233 : memref<128xi32, #tpu.memory_space<vmem>>) semaphore(%arg18 : memref<!tpu.dma_semaphore, #tpu.memory_space<semaphore_mem>>)
      } else {
      }
      %add3A_182 = arith.constant 1 : i32
      %add3A_183 = arith.addi %mul3A_103, %add3A_182 : i32
      %dma_wait3A_184 = arith.constant 0 : i32
      %dma_wait3A_185 = tpu.memref_slice %arg7[%add3A_183, %dma_wait3A_184] : memref<100x128xi32, #tpu.memory_space<vmem>> -> memref<1x128xi32, #tpu.memory_space<vmem>>
      %dma_wait3A_186 = tpu.memref_squeeze %dma_wait3A_185 : memref<1x128xi32, #tpu.memory_space<vmem>> -> memref<128xi32, #tpu.memory_space<vmem>>
      %dma_wait3A_187 = arith.constant 0 : i32
      %dma_wait3A_188 = arith.constant 0 : i32
      %dma_wait3A_189 = tpu.memref_slice %arg4[%dma_wait3A_187, %dma_wait3A_188] : memref<10240x16xf32, #tpu.memory_space<hbm>> -> memref<10240x16xf32, #tpu.memory_space<hbm>>
      tpu.wait_indirect_dma semaphore(%arg19 : memref<!tpu.dma_semaphore, #tpu.memory_space<semaphore_mem>>) src(%dma_wait3A_189 : memref<10240x16xf32, #tpu.memory_space<hbm>>) dst(%arg10 : memref<128x16xf32, #tpu.memory_space<vmem>>)
      %dma_wait3A_190 = arith.constant 0 : i32
      %dma_wait3A_191 = tpu.memref_slice %arg8[%add3A_183, %dma_wait3A_190] : memref<100x128xi32, #tpu.memory_space<vmem>> -> memref<1x128xi32, #tpu.memory_space<vmem>>
      %dma_wait3A_192 = tpu.memref_squeeze %dma_wait3A_191 : memref<1x128xi32, #tpu.memory_space<vmem>> -> memref<128xi32, #tpu.memory_space<vmem>>
      %dma_wait3A_193 = arith.constant 0 : i32
      %dma_wait3A_194 = arith.constant 0 : i32
      %dma_wait3A_195 = tpu.memref_slice %arg4[%dma_wait3A_193, %dma_wait3A_194] : memref<10240x16xf32, #tpu.memory_space<hbm>> -> memref<10240x16xf32, #tpu.memory_space<hbm>>
      tpu.wait_indirect_dma semaphore(%arg19 : memref<!tpu.dma_semaphore, #tpu.memory_space<semaphore_mem>>) src(%dma_wait3A_195 : memref<10240x16xf32, #tpu.memory_space<hbm>>) dst(%arg12 : memref<128x16xf32, #tpu.memory_space<vmem>>)
      %dma_wait3A_196 = arith.constant 0 : i32
      %dma_wait3A_197 = tpu.memref_slice %arg7[%add3A_183, %dma_wait3A_196] : memref<100x128xi32, #tpu.memory_space<vmem>> -> memref<1x128xi32, #tpu.memory_space<vmem>>
      %dma_wait3A_198 = tpu.memref_squeeze %dma_wait3A_197 : memref<1x128xi32, #tpu.memory_space<vmem>> -> memref<128xi32, #tpu.memory_space<vmem>>
      %dma_wait3A_199 = arith.constant 0 : i32
      %dma_wait3A_200 = arith.constant 0 : i32
      %dma_wait3A_201 = tpu.memref_slice %arg5[%dma_wait3A_199, %dma_wait3A_200] : memref<10240x64xbf16, #tpu.memory_space<hbm>> -> memref<10240x64xbf16, #tpu.memory_space<hbm>>
      tpu.wait_indirect_dma semaphore(%arg19 : memref<!tpu.dma_semaphore, #tpu.memory_space<semaphore_mem>>) src(%dma_wait3A_201 : memref<10240x64xbf16, #tpu.memory_space<hbm>>) dst(%arg14 : memref<128x64xbf16, #tpu.memory_space<vmem>>)
      %ge3A_202 = arith.constant 2 : i32
      %ge3A_203 = arith.cmpi sge, %add3A_183, %ge3A_202 : i32
      %convert_element_type3A_204 = arith.extui %ge3A_203 : i1 to i32
      %cond3A_205 = arith.constant 0 : i32
      %cond3A_206 = arith.cmpi ne, %convert_element_type3A_204, %cond3A_205 : i32
      scf.if %cond3A_206 {
        %sub3A_217 = arith.constant 2 : i32
        %sub3A_218 = arith.subi %add3A_183, %sub3A_217 : i32
        %dma_wait3A_219 = arith.constant 0 : i32
        %dma_wait3A_220 = tpu.memref_slice %arg8[%sub3A_218, %dma_wait3A_219] : memref<100x128xi32, #tpu.memory_space<vmem>> -> memref<1x128xi32, #tpu.memory_space<vmem>>
        %dma_wait3A_221 = tpu.memref_squeeze %dma_wait3A_220 : memref<1x128xi32, #tpu.memory_space<vmem>> -> memref<128xi32, #tpu.memory_space<vmem>>
        %dma_wait3A_222 = arith.constant 0 : i32
        %dma_wait3A_223 = arith.constant 0 : i32
        %dma_wait3A_224 = tpu.memref_slice %arg17[%dma_wait3A_222, %dma_wait3A_223] : memref<10240x80xf32, #tpu.memory_space<vmem_shared>> -> memref<10240x80xf32, #tpu.memory_space<vmem_shared>>
        tpu.wait_indirect_dma semaphore(%arg21 : memref<!tpu.dma_semaphore, #tpu.memory_space<semaphore_mem>>) src(%arg16 : memref<128x80xf32, #tpu.memory_space<vmem>>) dst(%dma_wait3A_224 : memref<10240x80xf32, #tpu.memory_space<vmem_shared>>)
      } else {
      }
      %parallel_loop3A_207 = arith.constant 0 : i32
      %parallel_loop3A_208 = arith.constant 128 : i32
      %parallel_loop3A_209 = arith.constant 1 : i32
      scf.for %parallel_loop3A_217 = %parallel_loop3A_207 to %parallel_loop3A_208 step %parallel_loop3A_209  : i32 {
        %parallel_loop3A_218 = tpu.iota {dimensions = array<i32: 0>} : vector<16xi32>
        %parallel_loop3A_219 = arith.constant 7 : i32
        %parallel_loop3A_220 = vector.broadcast %parallel_loop3A_219 : i32 to vector<16xi32>
        %parallel_loop3A_221 = arith.andi %parallel_loop3A_218, %parallel_loop3A_220 : vector<16xi32>
        %parallel_loop3A_222 = arith.constant 8 : i32
        %parallel_loop3A_223 = vector.broadcast %parallel_loop3A_222 : i32 to vector<16xi32>
        %parallel_loop3A_224 = arith.addi %parallel_loop3A_221, %parallel_loop3A_223 : vector<16xi32>
        %parallel_loop3A_225 = arith.index_cast %parallel_loop3A_217 : i32 to index
        %parallel_loop3A_226 = arith.constant 0 : index
        %parallel_loop3A_227 = tpu.vector_load %arg10[%parallel_loop3A_225, %parallel_loop3A_226] {strides = array<i32>} : memref<128x16xf32, #tpu.memory_space<vmem>>, vector<16xf32>,
        %parallel_loop3A_228 = arith.index_cast %parallel_loop3A_217 : i32 to index
        %parallel_loop3A_229 = arith.constant 0 : index
        %parallel_loop3A_230 = tpu.vector_load %arg12[%parallel_loop3A_228, %parallel_loop3A_229] {strides = array<i32>} : memref<128x16xf32, #tpu.memory_space<vmem>>, vector<16xf32>,
        %parallel_loop3A_231 = arith.constant 0 : i32
        %parallel_loop3A_232 = vector.broadcast %parallel_loop3A_231 : i32 to vector<16xi32>
        %parallel_loop3A_233 = arith.cmpi slt, %parallel_loop3A_224, %parallel_loop3A_232 : vector<16xi32>
        %parallel_loop3A_234 = arith.constant 16 : i32
        %parallel_loop3A_235 = vector.broadcast %parallel_loop3A_234 : i32 to vector<16xi32>
        %parallel_loop3A_236 = arith.addi %parallel_loop3A_224, %parallel_loop3A_235 : vector<16xi32>
        %parallel_loop3A_237 = arith.select %parallel_loop3A_233, %parallel_loop3A_236, %parallel_loop3A_224 : vector<16xi1>, vector<16xi32>
        %parallel_loop3A_238 = vector.shape_cast %parallel_loop3A_237 : vector<16xi32> to vector<16x1xi32>
        %parallel_loop3A_239 = vector.shape_cast %parallel_loop3A_238 : vector<16x1xi32> to vector<16xi32>
        %parallel_loop3A_240 = tpu.dynamic_gather %parallel_loop3A_230[%parallel_loop3A_239] in [0] : vector<16xf32>, vector<16xi32> -> vector<16xf32>
        %parallel_loop3A_241 = arith.addf %parallel_loop3A_227, %parallel_loop3A_240 : vector<16xf32>
        %parallel_loop3A_242 = arith.constant 0.000000e+00 : f32
        %parallel_loop3A_243 = vector.broadcast %parallel_loop3A_242 : f32 to vector<16xf32>
        %parallel_loop3A_244 = arith.cmpf ogt, %parallel_loop3A_241, %parallel_loop3A_243 : vector<16xf32>
        %parallel_loop3A_245 = arith.constant 2.000000e-01 : f32
        %parallel_loop3A_246 = vector.broadcast %parallel_loop3A_245 : f32 to vector<16xf32>
        %parallel_loop3A_247 = arith.mulf %parallel_loop3A_246, %parallel_loop3A_241 : vector<16xf32>
        %parallel_loop3A_248 = arith.select %parallel_loop3A_244, %parallel_loop3A_241, %parallel_loop3A_247 : vector<16xi1>, vector<16xf32>
        %parallel_loop3A_249 = arith.constant 8 : i32
        %parallel_loop3A_250 = vector.broadcast %parallel_loop3A_249 : i32 to vector<16xi32>
        %parallel_loop3A_251 = arith.cmpi slt, %parallel_loop3A_218, %parallel_loop3A_250 : vector<16xi32>
        %parallel_loop3A_252 = math.exp %parallel_loop3A_248 : vector<16xf32>
        %parallel_loop3A_253 = arith.constant 0.000000e+00 : f32
        %parallel_loop3A_254 = vector.broadcast %parallel_loop3A_253 : f32 to vector<16xf32>
        %parallel_loop3A_255 = arith.select %parallel_loop3A_251, %parallel_loop3A_252, %parallel_loop3A_254 : vector<16xi1>, vector<16xf32>
        %parallel_loop3A_256 = arith.index_cast %parallel_loop3A_217 : i32 to index
        %parallel_loop3A_257 = arith.constant 0 : index
        %parallel_loop3A_258 = tpu.vector_load %arg14[%parallel_loop3A_256, %parallel_loop3A_257] {strides = array<i32>} : memref<128x64xbf16, #tpu.memory_space<vmem>>, vector<32xbf16>,
        %parallel_loop3A_259 = tpu.unpack_subelements %parallel_loop3A_258, 0 {pack_format = #tpu.pack_format<interleaved>} : vector<32xbf16> -> vector<16xf32>
        %parallel_loop3A_260 = tpu.unpack_subelements %parallel_loop3A_258, 1 {pack_format = #tpu.pack_format<interleaved>} : vector<32xbf16> -> vector<16xf32>
        %parallel_loop3A_261 = arith.constant 3 : i32
        %parallel_loop3A_262 = vector.broadcast %parallel_loop3A_261 : i32 to vector<16xi32>
        %parallel_loop3A_263 = arith.shrsi %parallel_loop3A_218, %parallel_loop3A_262 : vector<16xi32>
        %parallel_loop3A_264 = arith.constant 0 : i32
        %parallel_loop3A_265 = vector.broadcast %parallel_loop3A_264 : i32 to vector<16xi32>
        %parallel_loop3A_266 = arith.addi %parallel_loop3A_263, %parallel_loop3A_265 : vector<16xi32>
        %parallel_loop3A_267 = arith.constant 0 : i32
        %parallel_loop3A_268 = vector.broadcast %parallel_loop3A_267 : i32 to vector<16xi32>
        %parallel_loop3A_269 = arith.cmpi slt, %parallel_loop3A_266, %parallel_loop3A_268 : vector<16xi32>
        %parallel_loop3A_270 = arith.constant 16 : i32
        %parallel_loop3A_271 = vector.broadcast %parallel_loop3A_270 : i32 to vector<16xi32>
        %parallel_loop3A_272 = arith.addi %parallel_loop3A_266, %parallel_loop3A_271 : vector<16xi32>
        %parallel_loop3A_273 = arith.select %parallel_loop3A_269, %parallel_loop3A_272, %parallel_loop3A_266 : vector<16xi1>, vector<16xi32>
        %parallel_loop3A_274 = vector.shape_cast %parallel_loop3A_273 : vector<16xi32> to vector<16x1xi32>
        %parallel_loop3A_275 = vector.shape_cast %parallel_loop3A_274 : vector<16x1xi32> to vector<16xi32>
        %parallel_loop3A_276 = tpu.dynamic_gather %parallel_loop3A_255[%parallel_loop3A_275] in [0] : vector<16xf32>, vector<16xi32> -> vector<16xf32>
        %parallel_loop3A_277 = arith.constant 3 : i32
        %parallel_loop3A_278 = vector.broadcast %parallel_loop3A_277 : i32 to vector<16xi32>
        %parallel_loop3A_279 = arith.shrsi %parallel_loop3A_218, %parallel_loop3A_278 : vector<16xi32>
        %parallel_loop3A_280 = arith.constant 0 : i32
        %parallel_loop3A_281 = vector.broadcast %parallel_loop3A_280 : i32 to vector<16xi32>
        %parallel_loop3A_282 = arith.addi %parallel_loop3A_279, %parallel_loop3A_281 : vector<16xi32>
        %parallel_loop3A_283 = arith.constant 2 : i32
        %parallel_loop3A_284 = vector.broadcast %parallel_loop3A_283 : i32 to vector<16xi32>
        %parallel_loop3A_285 = arith.addi %parallel_loop3A_282, %parallel_loop3A_284 : vector<16xi32>
        %parallel_loop3A_286 = arith.constant 0 : i32
        %parallel_loop3A_287 = vector.broadcast %parallel_loop3A_286 : i32 to vector<16xi32>
        %parallel_loop3A_288 = arith.cmpi slt, %parallel_loop3A_285, %parallel_loop3A_287 : vector<16xi32>
        %parallel_loop3A_289 = arith.constant 16 : i32
        %parallel_loop3A_290 = vector.broadcast %parallel_loop3A_289 : i32 to vector<16xi32>
        %parallel_loop3A_291 = arith.addi %parallel_loop3A_285, %parallel_loop3A_290 : vector<16xi32>
        %parallel_loop3A_292 = arith.select %parallel_loop3A_288, %parallel_loop3A_291, %parallel_loop3A_285 : vector<16xi1>, vector<16xi32>
        %parallel_loop3A_293 = vector.shape_cast %parallel_loop3A_292 : vector<16xi32> to vector<16x1xi32>
        %parallel_loop3A_294 = vector.shape_cast %parallel_loop3A_293 : vector<16x1xi32> to vector<16xi32>
        %parallel_loop3A_295 = tpu.dynamic_gather %parallel_loop3A_255[%parallel_loop3A_294] in [0] : vector<16xf32>, vector<16xi32> -> vector<16xf32>
        %parallel_loop3A_296 = arith.mulf %parallel_loop3A_259, %parallel_loop3A_276 : vector<16xf32>
        %parallel_loop3A_297 = arith.index_cast %parallel_loop3A_217 : i32 to index
        %parallel_loop3A_298 = arith.constant 0 : index
        %parallel_loop3A_299 = tpu.vector_load %arg16[%parallel_loop3A_297, %parallel_loop3A_298] {strides = array<i32>} : memref<128x80xf32, #tpu.memory_space<vmem>>, vector<16xf32>,
        tpu.vector_store %arg16[%parallel_loop3A_297, %parallel_loop3A_298], %parallel_loop3A_296 {strides = array<i32>} : memref<128x80xf32, #tpu.memory_space<vmem>>, vector<16xf32>,
        %parallel_loop3A_300 = arith.mulf %parallel_loop3A_260, %parallel_loop3A_295 : vector<16xf32>
        %parallel_loop3A_301 = arith.index_cast %parallel_loop3A_217 : i32 to index
        %parallel_loop3A_302 = arith.constant 16 : index
        %parallel_loop3A_303 = tpu.vector_load %arg16[%parallel_loop3A_301, %parallel_loop3A_302] {strides = array<i32>} : memref<128x80xf32, #tpu.memory_space<vmem>>, vector<16xf32>,
        tpu.vector_store %arg16[%parallel_loop3A_301, %parallel_loop3A_302], %parallel_loop3A_300 {strides = array<i32>} : memref<128x80xf32, #tpu.memory_space<vmem>>, vector<16xf32>,
        %parallel_loop3A_304 = arith.index_cast %parallel_loop3A_217 : i32 to index
        %parallel_loop3A_305 = arith.constant 32 : index
        %parallel_loop3A_306 = tpu.vector_load %arg14[%parallel_loop3A_304, %parallel_loop3A_305] {strides = array<i32>} : memref<128x64xbf16, #tpu.memory_space<vmem>>, vector<32xbf16>,
        %parallel_loop3A_307 = tpu.unpack_subelements %parallel_loop3A_306, 0 {pack_format = #tpu.pack_format<interleaved>} : vector<32xbf16> -> vector<16xf32>
        %parallel_loop3A_308 = tpu.unpack_subelements %parallel_loop3A_306, 1 {pack_format = #tpu.pack_format<interleaved>} : vector<32xbf16> -> vector<16xf32>
        %parallel_loop3A_309 = arith.constant 3 : i32
        %parallel_loop3A_310 = vector.broadcast %parallel_loop3A_309 : i32 to vector<16xi32>
        %parallel_loop3A_311 = arith.shrsi %parallel_loop3A_218, %parallel_loop3A_310 : vector<16xi32>
        %parallel_loop3A_312 = arith.constant 4 : i32
        %parallel_loop3A_313 = vector.broadcast %parallel_loop3A_312 : i32 to vector<16xi32>
        %parallel_loop3A_314 = arith.addi %parallel_loop3A_311, %parallel_loop3A_313 : vector<16xi32>
        %parallel_loop3A_315 = arith.constant 0 : i32
        %parallel_loop3A_316 = vector.broadcast %parallel_loop3A_315 : i32 to vector<16xi32>
        %parallel_loop3A_317 = arith.cmpi slt, %parallel_loop3A_314, %parallel_loop3A_316 : vector<16xi32>
        %parallel_loop3A_318 = arith.constant 16 : i32
        %parallel_loop3A_319 = vector.broadcast %parallel_loop3A_318 : i32 to vector<16xi32>
        %parallel_loop3A_320 = arith.addi %parallel_loop3A_314, %parallel_loop3A_319 : vector<16xi32>
        %parallel_loop3A_321 = arith.select %parallel_loop3A_317, %parallel_loop3A_320, %parallel_loop3A_314 : vector<16xi1>, vector<16xi32>
        %parallel_loop3A_322 = vector.shape_cast %parallel_loop3A_321 : vector<16xi32> to vector<16x1xi32>
        %parallel_loop3A_323 = vector.shape_cast %parallel_loop3A_322 : vector<16x1xi32> to vector<16xi32>
        %parallel_loop3A_324 = tpu.dynamic_gather %parallel_loop3A_255[%parallel_loop3A_323] in [0] : vector<16xf32>, vector<16xi32> -> vector<16xf32>
        %parallel_loop3A_325 = arith.constant 3 : i32
        %parallel_loop3A_326 = vector.broadcast %parallel_loop3A_325 : i32 to vector<16xi32>
        %parallel_loop3A_327 = arith.shrsi %parallel_loop3A_218, %parallel_loop3A_326 : vector<16xi32>
        %parallel_loop3A_328 = arith.constant 4 : i32
        %parallel_loop3A_329 = vector.broadcast %parallel_loop3A_328 : i32 to vector<16xi32>
        %parallel_loop3A_330 = arith.addi %parallel_loop3A_327, %parallel_loop3A_329 : vector<16xi32>
        %parallel_loop3A_331 = arith.constant 2 : i32
        %parallel_loop3A_332 = vector.broadcast %parallel_loop3A_331 : i32 to vector<16xi32>
        %parallel_loop3A_333 = arith.addi %parallel_loop3A_330, %parallel_loop3A_332 : vector<16xi32>
        %parallel_loop3A_334 = arith.constant 0 : i32
        %parallel_loop3A_335 = vector.broadcast %parallel_loop3A_334 : i32 to vector<16xi32>
        %parallel_loop3A_336 = arith.cmpi slt, %parallel_loop3A_333, %parallel_loop3A_335 : vector<16xi32>
        %parallel_loop3A_337 = arith.constant 16 : i32
        %parallel_loop3A_338 = vector.broadcast %parallel_loop3A_337 : i32 to vector<16xi32>
        %parallel_loop3A_339 = arith.addi %parallel_loop3A_333, %parallel_loop3A_338 : vector<16xi32>
        %parallel_loop3A_340 = arith.select %parallel_loop3A_336, %parallel_loop3A_339, %parallel_loop3A_333 : vector<16xi1>, vector<16xi32>
        %parallel_loop3A_341 = vector.shape_cast %parallel_loop3A_340 : vector<16xi32> to vector<16x1xi32>
        %parallel_loop3A_342 = vector.shape_cast %parallel_loop3A_341 : vector<16x1xi32> to vector<16xi32>
        %parallel_loop3A_343 = tpu.dynamic_gather %parallel_loop3A_255[%parallel_loop3A_342] in [0] : vector<16xf32>, vector<16xi32> -> vector<16xf32>
        %parallel_loop3A_344 = arith.mulf %parallel_loop3A_307, %parallel_loop3A_324 : vector<16xf32>
        %parallel_loop3A_345 = arith.index_cast %parallel_loop3A_217 : i32 to index
        %parallel_loop3A_346 = arith.constant 32 : index
        %parallel_loop3A_347 = tpu.vector_load %arg16[%parallel_loop3A_345, %parallel_loop3A_346] {strides = array<i32>} : memref<128x80xf32, #tpu.memory_space<vmem>>, vector<16xf32>,
        tpu.vector_store %arg16[%parallel_loop3A_345, %parallel_loop3A_346], %parallel_loop3A_344 {strides = array<i32>} : memref<128x80xf32, #tpu.memory_space<vmem>>, vector<16xf32>,
        %parallel_loop3A_348 = arith.mulf %parallel_loop3A_308, %parallel_loop3A_343 : vector<16xf32>
        %parallel_loop3A_349 = arith.index_cast %parallel_loop3A_217 : i32 to index
        %parallel_loop3A_350 = arith.constant 48 : index
        %parallel_loop3A_351 = tpu.vector_load %arg16[%parallel_loop3A_349, %parallel_loop3A_350] {strides = array<i32>} : memref<128x80xf32, #tpu.memory_space<vmem>>, vector<16xf32>,
        tpu.vector_store %arg16[%parallel_loop3A_349, %parallel_loop3A_350], %parallel_loop3A_348 {strides = array<i32>} : memref<128x80xf32, #tpu.memory_space<vmem>>, vector<16xf32>,
        %parallel_loop3A_352 = arith.index_cast %parallel_loop3A_217 : i32 to index
        %parallel_loop3A_353 = arith.constant 64 : index
        %parallel_loop3A_354 = tpu.vector_load %arg16[%parallel_loop3A_352, %parallel_loop3A_353] {strides = array<i32>} : memref<128x80xf32, #tpu.memory_space<vmem>>, vector<16xf32>,
        tpu.vector_store %arg16[%parallel_loop3A_352, %parallel_loop3A_353], %parallel_loop3A_255 {strides = array<i32>} : memref<128x80xf32, #tpu.memory_space<vmem>>, vector<16xf32>,
      } {sc.loop_unroll_factor = 4 : i64, sc.parallel_access}
      %dma_start3A_210 = arith.constant 0 : i32
      %dma_start3A_211 = tpu.memref_slice %arg8[%add3A_183, %dma_start3A_210] : memref<100x128xi32, #tpu.memory_space<vmem>> -> memref<1x128xi32, #tpu.memory_space<vmem>>
      %dma_start3A_212 = tpu.memref_squeeze %dma_start3A_211 : memref<1x128xi32, #tpu.memory_space<vmem>> -> memref<128xi32, #tpu.memory_space<vmem>>
      %dma_start3A_213 = arith.constant 0 : i32
      %dma_start3A_214 = arith.constant 0 : i32
      %dma_start3A_215 = tpu.memref_slice %arg17[%dma_start3A_213, %dma_start3A_214] : memref<10240x80xf32, #tpu.memory_space<vmem_shared>> -> memref<10240x80xf32, #tpu.memory_space<vmem_shared>>
      tpu.enqueue_indirect_dma source(%arg16 : memref<128x80xf32, #tpu.memory_space<vmem>>) target(%dma_start3A_215 : memref<10240x80xf32, #tpu.memory_space<vmem_shared>>) offsets(%dma_start3A_212 : memref<128xi32, #tpu.memory_space<vmem>>) semaphore(%arg21 : memref<!tpu.dma_semaphore, #tpu.memory_space<semaphore_mem>>) {add = true}
      %while3A_216 = arith.constant 0 : i32
      scf.yield %while3A_216 : i32
    }
    %sub3A_80 = arith.constant 2 : i32
    %sub3A_81 = arith.subi %select_n3A_8, %sub3A_80 : i32
    %dma_wait3A = arith.constant 0 : i32
    %dma_wait3A_82 = tpu.memref_slice %arg8[%sub3A_81, %dma_wait3A] : memref<100x128xi32, #tpu.memory_space<vmem>> -> memref<1x128xi32, #tpu.memory_space<vmem>>
    %dma_wait3A_83 = tpu.memref_squeeze %dma_wait3A_82 : memref<1x128xi32, #tpu.memory_space<vmem>> -> memref<128xi32, #tpu.memory_space<vmem>>
    %dma_wait3A_84 = arith.constant 0 : i32
    %dma_wait3A_85 = arith.constant 0 : i32
    %dma_wait3A_86 = tpu.memref_slice %arg17[%dma_wait3A_84, %dma_wait3A_85] : memref<10240x80xf32, #tpu.memory_space<vmem_shared>> -> memref<10240x80xf32, #tpu.memory_space<vmem_shared>>
    tpu.wait_indirect_dma semaphore(%arg20 : memref<!tpu.dma_semaphore, #tpu.memory_space<semaphore_mem>>) src(%arg15 : memref<128x80xf32, #tpu.memory_space<vmem>>) dst(%dma_wait3A_86 : memref<10240x80xf32, #tpu.memory_space<vmem_shared>>)
    %sub3A_87 = arith.constant 1 : i32
    %sub3A_88 = arith.subi %select_n3A_8, %sub3A_87 : i32
    %dma_wait3A_89 = arith.constant 0 : i32
    %dma_wait3A_90 = tpu.memref_slice %arg8[%sub3A_88, %dma_wait3A_89] : memref<100x128xi32, #tpu.memory_space<vmem>> -> memref<1x128xi32, #tpu.memory_space<vmem>>
    %dma_wait3A_91 = tpu.memref_squeeze %dma_wait3A_90 : memref<1x128xi32, #tpu.memory_space<vmem>> -> memref<128xi32, #tpu.memory_space<vmem>>
    %dma_wait3A_92 = arith.constant 0 : i32
    %dma_wait3A_93 = arith.constant 0 : i32
    %dma_wait3A_94 = tpu.memref_slice %arg17[%dma_wait3A_92, %dma_wait3A_93] : memref<10240x80xf32, #tpu.memory_space<vmem_shared>> -> memref<10240x80xf32, #tpu.memory_space<vmem_shared>>
    tpu.wait_indirect_dma semaphore(%arg21 : memref<!tpu.dma_semaphore, #tpu.memory_space<semaphore_mem>>) src(%arg16 : memref<128x80xf32, #tpu.memory_space<vmem>>) dst(%dma_wait3A_94 : memref<10240x80xf32, #tpu.memory_space<vmem_shared>>)
    %barrier3A_95 = arith.constant 0 : index
    tpu.barrier barrier_id(%barrier3A_95)
    %mul3A_96 = arith.constant 640 : i32
    %mul3A_97 = arith.muli %arg1, %mul3A_96 : i32
    %mul3A_98 = arith.constant 640 : i32
    %mul3A_99 = arith.muli %arg1, %mul3A_98 : i32
    "tpu.region"() ({
      %run_scoped3A = tpu.sem_alloc : memref<!tpu.dma_semaphore, #tpu.memory_space<semaphore_mem>>
      %dma_start3A_100 = arith.constant 0 : i32
      %dma_start3A_101 = tpu.memref_slice %arg6[%arg0, %mul3A_99, %dma_start3A_100] : memref<2x10240x80xf32, #tpu.memory_space<hbm>> -> memref<1x640x80xf32, #tpu.memory_space<hbm>>
      %dma_start3A_102 = tpu.memref_squeeze %dma_start3A_101 : memref<1x640x80xf32, #tpu.memory_space<hbm>> -> memref<640x80xf32, #tpu.memory_space<hbm>>
      %dma_start3A_103 = arith.constant 0 : i32
      %dma_start3A_104 = tpu.memref_slice %arg17[%mul3A_97, %dma_start3A_103] : memref<10240x80xf32, #tpu.memory_space<vmem_shared>> -> memref<640x80xf32, #tpu.memory_space<vmem_shared>>
      tpu.enqueue_dma source(%dma_start3A_104 : memref<640x80xf32, #tpu.memory_space<vmem_shared>>) target(%dma_start3A_102 : memref<640x80xf32, #tpu.memory_space<hbm>>) target_semaphore(%run_scoped3A : memref<!tpu.dma_semaphore, #tpu.memory_space<semaphore_mem>>)
      %dma_wait3A_105 = arith.constant 0 : i32
      %dma_wait3A_106 = tpu.memref_slice %arg6[%arg0, %mul3A_99, %dma_wait3A_105] : memref<2x10240x80xf32, #tpu.memory_space<hbm>> -> memref<1x640x80xf32, #tpu.memory_space<hbm>>
      %dma_wait3A_107 = tpu.memref_squeeze %dma_wait3A_106 : memref<1x640x80xf32, #tpu.memory_space<hbm>> -> memref<640x80xf32, #tpu.memory_space<hbm>>
      %dma_wait3A_108 = arith.constant 0 : i32
      %dma_wait3A_109 = tpu.memref_slice %arg17[%mul3A_97, %dma_wait3A_108] : memref<10240x80xf32, #tpu.memory_space<vmem_shared>> -> memref<640x80xf32, #tpu.memory_space<vmem_shared>>
      tpu.wait_dma2 semaphore(%run_scoped3A : memref<!tpu.dma_semaphore, #tpu.memory_space<semaphore_mem>>) src(%dma_wait3A_109 : memref<640x80xf32, #tpu.memory_space<vmem_shared>>) dst(%dma_wait3A_107 : memref<640x80xf32, #tpu.memory_space<hbm>>)
      tpu.yield
    }) : () -> ()
    return
  }
}

#map = affine_map<(d0, d1) -> (0, 0)>
#map1 = affine_map<(d0, d1) -> (0, 0, 0)>
module attributes {stable_mosaic.version = 14 : i64} {
  func.func @body(%arg0: i32, %arg1: i32, %arg2: memref<2660x128xi32, #tpu.memory_space<hbm>>, %arg3: memref<2660x128xi32, #tpu.memory_space<hbm>>, %arg4: memref<10240x16xf32, #tpu.memory_space<hbm>>, %arg5: memref<10240x64xbf16, #tpu.memory_space<hbm>>, %arg6: memref<2x10240x48xf32, #tpu.memory_space<hbm>>, %arg7: memref<100x128xi32, #tpu.memory_space<vmem>>, %arg8: memref<100x128xi32, #tpu.memory_space<vmem>>, %arg9: memref<128x16xf32, #tpu.memory_space<vmem>>, %arg10: memref<128x16xf32, #tpu.memory_space<vmem>>, %arg11: memref<128x16xf32, #tpu.memory_space<vmem>>, %arg12: memref<128x16xf32, #tpu.memory_space<vmem>>, %arg13: memref<128x64xbf16, #tpu.memory_space<vmem>>, %arg14: memref<128x64xbf16, #tpu.memory_space<vmem>>, %arg15: memref<128x48xf32, #tpu.memory_space<vmem>>, %arg16: memref<128x48xf32, #tpu.memory_space<vmem>>, %arg17: memref<10240x48xf32, #tpu.memory_space<vmem_shared>>, %arg18: memref<!tpu.dma_semaphore, #tpu.memory_space<semaphore_mem>>, %arg19: memref<!tpu.dma_semaphore, #tpu.memory_space<semaphore_mem>>, %arg20: memref<!tpu.dma_semaphore, #tpu.memory_space<semaphore_mem>>, %arg21: memref<!tpu.dma_semaphore, #tpu.memory_space<semaphore_mem>>) attributes {dimension_semantics = [#tpu.dimension_semantics<core_parallel>, #tpu.dimension_semantics<subcore_parallel>], iteration_bounds = array<i64: 2, 16>, scalar_prefetch = 0 : i64, scratch_operands = 15 : i64, tpu.core_type = #tpu.core_type<sc_vector_subcore>, window_params = [{transform_indices = #map}, {transform_indices = #map}, {transform_indices = #map}, {transform_indices = #map}, {transform_indices = #map1}]} {
    %eq3A = arith.constant 0 : i32
    %eq3A_0 = arith.cmpi eq, %arg0, %eq3A : i32
    %mul3A = arith.constant 100 : i32
    %mul3A_1 = arith.muli %arg1, %mul3A : i32
    %mul3A_2 = arith.constant 64 : i32
    %mul3A_3 = arith.muli %arg1, %mul3A_2 : i32
    %add3A = arith.constant 1600 : i32
    %add3A_4 = arith.addi %add3A, %mul3A_3 : i32
    %select_n3A = arith.select %eq3A_0, %mul3A_1, %add3A_4 : i32
    %eq3A_5 = arith.constant 0 : i32
    %eq3A_6 = arith.cmpi eq, %arg0, %eq3A_5 : i32
    %jit3A = arith.constant 100 : i32
    %jit3A_7 = arith.constant 64 : i32
    %select_n3A_8 = arith.select %eq3A_6, %jit3A, %jit3A_7 : i32
    "tpu.region"() ({
      %run_scoped3A = tpu.sem_alloc : memref<!tpu.dma_semaphore, #tpu.memory_space<semaphore_mem>>
      %dma_start3A_100 = arith.constant 0 : i32
      %dma_start3A_101 = tpu.memref_slice %arg2[%select_n3A, %dma_start3A_100] : memref<2660x128xi32, #tpu.memory_space<hbm>> -> memref<100x128xi32, #tpu.memory_space<hbm>>
      %dma_start3A_102 = arith.constant 0 : i32
      %dma_start3A_103 = tpu.memref_slice %arg2[%select_n3A, %dma_start3A_102] : memref<2660x128xi32, #tpu.memory_space<hbm>> -> memref<100x128xi32, #tpu.memory_space<hbm>>
      tpu.enqueue_dma source(%dma_start3A_103 : memref<100x128xi32, #tpu.memory_space<hbm>>) target(%arg7 : memref<100x128xi32, #tpu.memory_space<vmem>>) target_semaphore(%run_scoped3A : memref<!tpu.dma_semaphore, #tpu.memory_space<semaphore_mem>>)
      %dma_wait3A_104 = arith.constant 0 : i32
      %dma_wait3A_105 = tpu.memref_slice %arg2[%select_n3A, %dma_wait3A_104] : memref<2660x128xi32, #tpu.memory_space<hbm>> -> memref<100x128xi32, #tpu.memory_space<hbm>>
      %dma_wait3A_106 = arith.constant 0 : i32
      %dma_wait3A_107 = tpu.memref_slice %arg2[%select_n3A, %dma_wait3A_106] : memref<2660x128xi32, #tpu.memory_space<hbm>> -> memref<100x128xi32, #tpu.memory_space<hbm>>
      tpu.wait_dma2 semaphore(%run_scoped3A : memref<!tpu.dma_semaphore, #tpu.memory_space<semaphore_mem>>) src(%dma_wait3A_107 : memref<100x128xi32, #tpu.memory_space<hbm>>) dst(%arg7 : memref<100x128xi32, #tpu.memory_space<vmem>>)
      tpu.yield
    }) : () -> ()
    "tpu.region"() ({
      %run_scoped3A = tpu.sem_alloc : memref<!tpu.dma_semaphore, #tpu.memory_space<semaphore_mem>>
      %dma_start3A_100 = arith.constant 0 : i32
      %dma_start3A_101 = tpu.memref_slice %arg3[%select_n3A, %dma_start3A_100] : memref<2660x128xi32, #tpu.memory_space<hbm>> -> memref<100x128xi32, #tpu.memory_space<hbm>>
      %dma_start3A_102 = arith.constant 0 : i32
      %dma_start3A_103 = tpu.memref_slice %arg3[%select_n3A, %dma_start3A_102] : memref<2660x128xi32, #tpu.memory_space<hbm>> -> memref<100x128xi32, #tpu.memory_space<hbm>>
      tpu.enqueue_dma source(%dma_start3A_103 : memref<100x128xi32, #tpu.memory_space<hbm>>) target(%arg8 : memref<100x128xi32, #tpu.memory_space<vmem>>) target_semaphore(%run_scoped3A : memref<!tpu.dma_semaphore, #tpu.memory_space<semaphore_mem>>)
      %dma_wait3A_104 = arith.constant 0 : i32
      %dma_wait3A_105 = tpu.memref_slice %arg3[%select_n3A, %dma_wait3A_104] : memref<2660x128xi32, #tpu.memory_space<hbm>> -> memref<100x128xi32, #tpu.memory_space<hbm>>
      %dma_wait3A_106 = arith.constant 0 : i32
      %dma_wait3A_107 = tpu.memref_slice %arg3[%select_n3A, %dma_wait3A_106] : memref<2660x128xi32, #tpu.memory_space<hbm>> -> memref<100x128xi32, #tpu.memory_space<hbm>>
      tpu.wait_dma2 semaphore(%run_scoped3A : memref<!tpu.dma_semaphore, #tpu.memory_space<semaphore_mem>>) src(%dma_wait3A_107 : memref<100x128xi32, #tpu.memory_space<hbm>>) dst(%arg8 : memref<100x128xi32, #tpu.memory_space<vmem>>)
      tpu.yield
    }) : () -> ()
    %parallel_loop3A = arith.constant 0 : i32
    %parallel_loop3A_9 = arith.constant 128 : i32
    %parallel_loop3A_10 = arith.constant 1 : i32
    scf.for %parallel_loop3A_100 = %parallel_loop3A to %parallel_loop3A_9 step %parallel_loop3A_10  : i32 {
      %parallel_loop3A_101 = arith.constant 0.000000e+00 : f32
      %parallel_loop3A_102 = vector.broadcast %parallel_loop3A_101 : f32 to vector<16xf32>
      %parallel_loop3A_103 = arith.index_cast %parallel_loop3A_100 : i32 to index
      %parallel_loop3A_104 = arith.constant 0 : index
      %parallel_loop3A_105 = tpu.vector_load %arg15[%parallel_loop3A_103, %parallel_loop3A_104] {strides = array<i32>} : memref<128x48xf32, #tpu.memory_space<vmem>>, vector<16xf32>,
      tpu.vector_store %arg15[%parallel_loop3A_103, %parallel_loop3A_104], %parallel_loop3A_102 {strides = array<i32>} : memref<128x48xf32, #tpu.memory_space<vmem>>, vector<16xf32>,
      %parallel_loop3A_106 = arith.constant 0.000000e+00 : f32
      %parallel_loop3A_107 = vector.broadcast %parallel_loop3A_106 : f32 to vector<16xf32>
      %parallel_loop3A_108 = arith.index_cast %parallel_loop3A_100 : i32 to index
      %parallel_loop3A_109 = arith.constant 16 : index
      %parallel_loop3A_110 = tpu.vector_load %arg15[%parallel_loop3A_108, %parallel_loop3A_109] {strides = array<i32>} : memref<128x48xf32, #tpu.memory_space<vmem>>, vector<16xf32>,
      tpu.vector_store %arg15[%parallel_loop3A_108, %parallel_loop3A_109], %parallel_loop3A_107 {strides = array<i32>} : memref<128x48xf32, #tpu.memory_space<vmem>>, vector<16xf32>,
      %parallel_loop3A_111 = arith.constant 0.000000e+00 : f32
      %parallel_loop3A_112 = vector.broadcast %parallel_loop3A_111 : f32 to vector<16xf32>
      %parallel_loop3A_113 = arith.index_cast %parallel_loop3A_100 : i32 to index
      %parallel_loop3A_114 = arith.constant 32 : index
      %parallel_loop3A_115 = tpu.vector_load %arg15[%parallel_loop3A_113, %parallel_loop3A_114] {strides = array<i32>} : memref<128x48xf32, #tpu.memory_space<vmem>>, vector<16xf32>,
      tpu.vector_store %arg15[%parallel_loop3A_113, %parallel_loop3A_114], %parallel_loop3A_112 {strides = array<i32>} : memref<128x48xf32, #tpu.memory_space<vmem>>, vector<16xf32>,
    } {sc.loop_unroll_factor = 4 : i64, sc.parallel_access}
    %mul3A_11 = arith.constant 640 : i32
    %mul3A_12 = arith.muli %arg1, %mul3A_11 : i32
    %add3A_13 = arith.constant 0 : i32
    %add3A_14 = arith.addi %mul3A_12, %add3A_13 : i32
    "tpu.region"() ({
      %run_scoped3A = tpu.sem_alloc : memref<!tpu.dma_semaphore, #tpu.memory_space<semaphore_mem>>
      %dma_start3A_100 = arith.constant 0 : i32
      %dma_start3A_101 = tpu.memref_slice %arg17[%add3A_14, %dma_start3A_100] : memref<10240x48xf32, #tpu.memory_space<vmem_shared>> -> memref<128x48xf32, #tpu.memory_space<vmem_shared>>
      %dma_start3A_102 = arith.constant 0 : i32
      %dma_start3A_103 = tpu.memref_slice %arg17[%add3A_14, %dma_start3A_102] : memref<10240x48xf32, #tpu.memory_space<vmem_shared>> -> memref<128x48xf32, #tpu.memory_space<vmem_shared>>
      tpu.enqueue_dma source(%arg15 : memref<128x48xf32, #tpu.memory_space<vmem>>) target(%dma_start3A_103 : memref<128x48xf32, #tpu.memory_space<vmem_shared>>) target_semaphore(%run_scoped3A : memref<!tpu.dma_semaphore, #tpu.memory_space<semaphore_mem>>)
      %dma_wait3A_104 = arith.constant 0 : i32
      %dma_wait3A_105 = tpu.memref_slice %arg17[%add3A_14, %dma_wait3A_104] : memref<10240x48xf32, #tpu.memory_space<vmem_shared>> -> memref<128x48xf32, #tpu.memory_space<vmem_shared>>
      %dma_wait3A_106 = arith.constant 0 : i32
      %dma_wait3A_107 = tpu.memref_slice %arg17[%add3A_14, %dma_wait3A_106] : memref<10240x48xf32, #tpu.memory_space<vmem_shared>> -> memref<128x48xf32, #tpu.memory_space<vmem_shared>>
      tpu.wait_dma2 semaphore(%run_scoped3A : memref<!tpu.dma_semaphore, #tpu.memory_space<semaphore_mem>>) src(%arg15 : memref<128x48xf32, #tpu.memory_space<vmem>>) dst(%dma_wait3A_107 : memref<128x48xf32, #tpu.memory_space<vmem_shared>>)
      tpu.yield
    }) : () -> ()
    %mul3A_15 = arith.constant 640 : i32
    %mul3A_16 = arith.muli %arg1, %mul3A_15 : i32
    %add3A_17 = arith.constant 128 : i32
    %add3A_18 = arith.addi %mul3A_16, %add3A_17 : i32
    "tpu.region"() ({
      %run_scoped3A = tpu.sem_alloc : memref<!tpu.dma_semaphore, #tpu.memory_space<semaphore_mem>>
      %dma_start3A_100 = arith.constant 0 : i32
      %dma_start3A_101 = tpu.memref_slice %arg17[%add3A_18, %dma_start3A_100] : memref<10240x48xf32, #tpu.memory_space<vmem_shared>> -> memref<128x48xf32, #tpu.memory_space<vmem_shared>>
      %dma_start3A_102 = arith.constant 0 : i32
      %dma_start3A_103 = tpu.memref_slice %arg17[%add3A_18, %dma_start3A_102] : memref<10240x48xf32, #tpu.memory_space<vmem_shared>> -> memref<128x48xf32, #tpu.memory_space<vmem_shared>>
      tpu.enqueue_dma source(%arg15 : memref<128x48xf32, #tpu.memory_space<vmem>>) target(%dma_start3A_103 : memref<128x48xf32, #tpu.memory_space<vmem_shared>>) target_semaphore(%run_scoped3A : memref<!tpu.dma_semaphore, #tpu.memory_space<semaphore_mem>>)
      %dma_wait3A_104 = arith.constant 0 : i32
      %dma_wait3A_105 = tpu.memref_slice %arg17[%add3A_18, %dma_wait3A_104] : memref<10240x48xf32, #tpu.memory_space<vmem_shared>> -> memref<128x48xf32, #tpu.memory_space<vmem_shared>>
      %dma_wait3A_106 = arith.constant 0 : i32
      %dma_wait3A_107 = tpu.memref_slice %arg17[%add3A_18, %dma_wait3A_106] : memref<10240x48xf32, #tpu.memory_space<vmem_shared>> -> memref<128x48xf32, #tpu.memory_space<vmem_shared>>
      tpu.wait_dma2 semaphore(%run_scoped3A : memref<!tpu.dma_semaphore, #tpu.memory_space<semaphore_mem>>) src(%arg15 : memref<128x48xf32, #tpu.memory_space<vmem>>) dst(%dma_wait3A_107 : memref<128x48xf32, #tpu.memory_space<vmem_shared>>)
      tpu.yield
    }) : () -> ()
    %mul3A_19 = arith.constant 640 : i32
    %mul3A_20 = arith.muli %arg1, %mul3A_19 : i32
    %add3A_21 = arith.constant 256 : i32
    %add3A_22 = arith.addi %mul3A_20, %add3A_21 : i32
    "tpu.region"() ({
      %run_scoped3A = tpu.sem_alloc : memref<!tpu.dma_semaphore, #tpu.memory_space<semaphore_mem>>
      %dma_start3A_100 = arith.constant 0 : i32
      %dma_start3A_101 = tpu.memref_slice %arg17[%add3A_22, %dma_start3A_100] : memref<10240x48xf32, #tpu.memory_space<vmem_shared>> -> memref<128x48xf32, #tpu.memory_space<vmem_shared>>
      %dma_start3A_102 = arith.constant 0 : i32
      %dma_start3A_103 = tpu.memref_slice %arg17[%add3A_22, %dma_start3A_102] : memref<10240x48xf32, #tpu.memory_space<vmem_shared>> -> memref<128x48xf32, #tpu.memory_space<vmem_shared>>
      tpu.enqueue_dma source(%arg15 : memref<128x48xf32, #tpu.memory_space<vmem>>) target(%dma_start3A_103 : memref<128x48xf32, #tpu.memory_space<vmem_shared>>) target_semaphore(%run_scoped3A : memref<!tpu.dma_semaphore, #tpu.memory_space<semaphore_mem>>)
      %dma_wait3A_104 = arith.constant 0 : i32
      %dma_wait3A_105 = tpu.memref_slice %arg17[%add3A_22, %dma_wait3A_104] : memref<10240x48xf32, #tpu.memory_space<vmem_shared>> -> memref<128x48xf32, #tpu.memory_space<vmem_shared>>
      %dma_wait3A_106 = arith.constant 0 : i32
      %dma_wait3A_107 = tpu.memref_slice %arg17[%add3A_22, %dma_wait3A_106] : memref<10240x48xf32, #tpu.memory_space<vmem_shared>> -> memref<128x48xf32, #tpu.memory_space<vmem_shared>>
      tpu.wait_dma2 semaphore(%run_scoped3A : memref<!tpu.dma_semaphore, #tpu.memory_space<semaphore_mem>>) src(%arg15 : memref<128x48xf32, #tpu.memory_space<vmem>>) dst(%dma_wait3A_107 : memref<128x48xf32, #tpu.memory_space<vmem_shared>>)
      tpu.yield
    }) : () -> ()
    %mul3A_23 = arith.constant 640 : i32
    %mul3A_24 = arith.muli %arg1, %mul3A_23 : i32
    %add3A_25 = arith.constant 384 : i32
    %add3A_26 = arith.addi %mul3A_24, %add3A_25 : i32
    "tpu.region"() ({
      %run_scoped3A = tpu.sem_alloc : memref<!tpu.dma_semaphore, #tpu.memory_space<semaphore_mem>>
      %dma_start3A_100 = arith.constant 0 : i32
      %dma_start3A_101 = tpu.memref_slice %arg17[%add3A_26, %dma_start3A_100] : memref<10240x48xf32, #tpu.memory_space<vmem_shared>> -> memref<128x48xf32, #tpu.memory_space<vmem_shared>>
      %dma_start3A_102 = arith.constant 0 : i32
      %dma_start3A_103 = tpu.memref_slice %arg17[%add3A_26, %dma_start3A_102] : memref<10240x48xf32, #tpu.memory_space<vmem_shared>> -> memref<128x48xf32, #tpu.memory_space<vmem_shared>>
      tpu.enqueue_dma source(%arg15 : memref<128x48xf32, #tpu.memory_space<vmem>>) target(%dma_start3A_103 : memref<128x48xf32, #tpu.memory_space<vmem_shared>>) target_semaphore(%run_scoped3A : memref<!tpu.dma_semaphore, #tpu.memory_space<semaphore_mem>>)
      %dma_wait3A_104 = arith.constant 0 : i32
      %dma_wait3A_105 = tpu.memref_slice %arg17[%add3A_26, %dma_wait3A_104] : memref<10240x48xf32, #tpu.memory_space<vmem_shared>> -> memref<128x48xf32, #tpu.memory_space<vmem_shared>>
      %dma_wait3A_106 = arith.constant 0 : i32
      %dma_wait3A_107 = tpu.memref_slice %arg17[%add3A_26, %dma_wait3A_106] : memref<10240x48xf32, #tpu.memory_space<vmem_shared>> -> memref<128x48xf32, #tpu.memory_space<vmem_shared>>
      tpu.wait_dma2 semaphore(%run_scoped3A : memref<!tpu.dma_semaphore, #tpu.memory_space<semaphore_mem>>) src(%arg15 : memref<128x48xf32, #tpu.memory_space<vmem>>) dst(%dma_wait3A_107 : memref<128x48xf32, #tpu.memory_space<vmem_shared>>)
      tpu.yield
    }) : () -> ()
    %mul3A_27 = arith.constant 640 : i32
    %mul3A_28 = arith.muli %arg1, %mul3A_27 : i32
    %add3A_29 = arith.constant 512 : i32
    %add3A_30 = arith.addi %mul3A_28, %add3A_29 : i32
    "tpu.region"() ({
      %run_scoped3A = tpu.sem_alloc : memref<!tpu.dma_semaphore, #tpu.memory_space<semaphore_mem>>
      %dma_start3A_100 = arith.constant 0 : i32
      %dma_start3A_101 = tpu.memref_slice %arg17[%add3A_30, %dma_start3A_100] : memref<10240x48xf32, #tpu.memory_space<vmem_shared>> -> memref<128x48xf32, #tpu.memory_space<vmem_shared>>
      %dma_start3A_102 = arith.constant 0 : i32
      %dma_start3A_103 = tpu.memref_slice %arg17[%add3A_30, %dma_start3A_102] : memref<10240x48xf32, #tpu.memory_space<vmem_shared>> -> memref<128x48xf32, #tpu.memory_space<vmem_shared>>
      tpu.enqueue_dma source(%arg15 : memref<128x48xf32, #tpu.memory_space<vmem>>) target(%dma_start3A_103 : memref<128x48xf32, #tpu.memory_space<vmem_shared>>) target_semaphore(%run_scoped3A : memref<!tpu.dma_semaphore, #tpu.memory_space<semaphore_mem>>)
      %dma_wait3A_104 = arith.constant 0 : i32
      %dma_wait3A_105 = tpu.memref_slice %arg17[%add3A_30, %dma_wait3A_104] : memref<10240x48xf32, #tpu.memory_space<vmem_shared>> -> memref<128x48xf32, #tpu.memory_space<vmem_shared>>
      %dma_wait3A_106 = arith.constant 0 : i32
      %dma_wait3A_107 = tpu.memref_slice %arg17[%add3A_30, %dma_wait3A_106] : memref<10240x48xf32, #tpu.memory_space<vmem_shared>> -> memref<128x48xf32, #tpu.memory_space<vmem_shared>>
      tpu.wait_dma2 semaphore(%run_scoped3A : memref<!tpu.dma_semaphore, #tpu.memory_space<semaphore_mem>>) src(%arg15 : memref<128x48xf32, #tpu.memory_space<vmem>>) dst(%dma_wait3A_107 : memref<128x48xf32, #tpu.memory_space<vmem_shared>>)
      tpu.yield
    }) : () -> ()
    %barrier3A = arith.constant 0 : index
    tpu.barrier barrier_id(%barrier3A)
    %dma_start3A = arith.constant 0 : i32
    %dma_start3A_31 = arith.constant 0 : i32
    %dma_start3A_32 = tpu.memref_slice %arg7[%dma_start3A, %dma_start3A_31] : memref<100x128xi32, #tpu.memory_space<vmem>> -> memref<1x128xi32, #tpu.memory_space<vmem>>
    %dma_start3A_33 = tpu.memref_squeeze %dma_start3A_32 : memref<1x128xi32, #tpu.memory_space<vmem>> -> memref<128xi32, #tpu.memory_space<vmem>>
    %dma_start3A_34 = arith.constant 0 : i32
    %dma_start3A_35 = arith.constant 0 : i32
    %dma_start3A_36 = tpu.memref_slice %arg4[%dma_start3A_34, %dma_start3A_35] : memref<10240x16xf32, #tpu.memory_space<hbm>> -> memref<10240x16xf32, #tpu.memory_space<hbm>>
    tpu.enqueue_indirect_dma source(%dma_start3A_36 : memref<10240x16xf32, #tpu.memory_space<hbm>>) target(%arg9 : memref<128x16xf32, #tpu.memory_space<vmem>>) offsets(%dma_start3A_33 : memref<128xi32, #tpu.memory_space<vmem>>) semaphore(%arg18 : memref<!tpu.dma_semaphore, #tpu.memory_space<semaphore_mem>>)
    %dma_start3A_37 = arith.constant 0 : i32
    %dma_start3A_38 = arith.constant 0 : i32
    %dma_start3A_39 = tpu.memref_slice %arg8[%dma_start3A_37, %dma_start3A_38] : memref<100x128xi32, #tpu.memory_space<vmem>> -> memref<1x128xi32, #tpu.memory_space<vmem>>
    %dma_start3A_40 = tpu.memref_squeeze %dma_start3A_39 : memref<1x128xi32, #tpu.memory_space<vmem>> -> memref<128xi32, #tpu.memory_space<vmem>>
    %dma_start3A_41 = arith.constant 0 : i32
    %dma_start3A_42 = arith.constant 0 : i32
    %dma_start3A_43 = tpu.memref_slice %arg4[%dma_start3A_41, %dma_start3A_42] : memref<10240x16xf32, #tpu.memory_space<hbm>> -> memref<10240x16xf32, #tpu.memory_space<hbm>>
    tpu.enqueue_indirect_dma source(%dma_start3A_43 : memref<10240x16xf32, #tpu.memory_space<hbm>>) target(%arg11 : memref<128x16xf32, #tpu.memory_space<vmem>>) offsets(%dma_start3A_40 : memref<128xi32, #tpu.memory_space<vmem>>) semaphore(%arg18 : memref<!tpu.dma_semaphore, #tpu.memory_space<semaphore_mem>>)
    %dma_start3A_44 = arith.constant 0 : i32
    %dma_start3A_45 = arith.constant 0 : i32
    %dma_start3A_46 = tpu.memref_slice %arg7[%dma_start3A_44, %dma_start3A_45] : memref<100x128xi32, #tpu.memory_space<vmem>> -> memref<1x128xi32, #tpu.memory_space<vmem>>
    %dma_start3A_47 = tpu.memref_squeeze %dma_start3A_46 : memref<1x128xi32, #tpu.memory_space<vmem>> -> memref<128xi32, #tpu.memory_space<vmem>>
    %dma_start3A_48 = arith.constant 0 : i32
    %dma_start3A_49 = arith.constant 0 : i32
    %dma_start3A_50 = tpu.memref_slice %arg5[%dma_start3A_48, %dma_start3A_49] : memref<10240x64xbf16, #tpu.memory_space<hbm>> -> memref<10240x64xbf16, #tpu.memory_space<hbm>>
    tpu.enqueue_indirect_dma source(%dma_start3A_50 : memref<10240x64xbf16, #tpu.memory_space<hbm>>) target(%arg13 : memref<128x64xbf16, #tpu.memory_space<vmem>>) offsets(%dma_start3A_47 : memref<128xi32, #tpu.memory_space<vmem>>) semaphore(%arg18 : memref<!tpu.dma_semaphore, #tpu.memory_space<semaphore_mem>>)
    %jit3A_51 = arith.constant 2 : i32
    %div3A = arith.divsi %select_n3A_8, %jit3A_51 : i32
    %sign3A = arith.constant 0 : i32
    %sign3A_52 = arith.cmpi sgt, %select_n3A_8, %sign3A : i32
    %sign3A_53 = arith.extui %sign3A_52 : i1 to i32
    %sign3A_54 = arith.constant 0 : i32
    %sign3A_55 = arith.cmpi slt, %select_n3A_8, %sign3A_54 : i32
    %sign3A_56 = arith.extui %sign3A_55 : i1 to i32
    %sign3A_57 = arith.subi %sign3A_53, %sign3A_56 : i32
    %sign3A_58 = arith.constant 0 : i32
    %sign3A_59 = arith.cmpi sgt, %jit3A_51, %sign3A_58 : i32
    %sign3A_60 = arith.extui %sign3A_59 : i1 to i32
    %sign3A_61 = arith.constant 0 : i32
    %sign3A_62 = arith.cmpi slt, %jit3A_51, %sign3A_61 : i32
    %sign3A_63 = arith.extui %sign3A_62 : i1 to i32
    %sign3A_64 = arith.subi %sign3A_60, %sign3A_63 : i32
    %ne3A = arith.cmpi ne, %sign3A_57, %sign3A_64 : i32
    %rem3A = arith.remsi %select_n3A_8, %jit3A_51 : i32
    %ne3A_65 = arith.constant 0 : i32
    %ne3A_66 = arith.cmpi ne, %rem3A, %ne3A_65 : i32
    %and3A = arith.andi %ne3A, %ne3A_66 : i1
    %sub3A = arith.constant 1 : i32
    %sub3A_67 = arith.subi %div3A, %sub3A : i32
    %select_n3A_68 = arith.select %and3A, %sub3A_67, %div3A : i32
    %while3A = arith.constant 0 : i32
    %while3A_69 = arith.constant 0 : i32
    %while3A_70 = arith.subi %select_n3A_68, %while3A : i32
    %while3A_71 = arith.addi %while3A, %while3A_70 : i32
    %while3A_72 = arith.constant 1 : i32
    %while3A_73 = arith.divsi %while3A_70, %while3A_72 : i32
    %while3A_74 = arith.muli %while3A_73, %while3A_72 : i32
    %while3A_75 = arith.addi %while3A, %while3A_74 : i32
    %while3A_76 = arith.constant 1 : i32
    %while3A_77 = scf.for %while3A_100 = %while3A to %while3A_75 step %while3A_76 iter_args(%while3A_101 = %while3A_69) -> (i32)  : i32 {
      %mul3A_102 = arith.constant 2 : i32
      %mul3A_103 = arith.muli %mul3A_102, %while3A_100 : i32
      %add3A_104 = arith.constant 1 : i32
      %add3A_105 = arith.addi %mul3A_103, %add3A_104 : i32
      %dma_start3A_106 = arith.constant 0 : i32
      %dma_start3A_107 = tpu.memref_slice %arg7[%add3A_105, %dma_start3A_106] : memref<100x128xi32, #tpu.memory_space<vmem>> -> memref<1x128xi32, #tpu.memory_space<vmem>>
      %dma_start3A_108 = tpu.memref_squeeze %dma_start3A_107 : memref<1x128xi32, #tpu.memory_space<vmem>> -> memref<128xi32, #tpu.memory_space<vmem>>
      %dma_start3A_109 = arith.constant 0 : i32
      %dma_start3A_110 = arith.constant 0 : i32
      %dma_start3A_111 = tpu.memref_slice %arg4[%dma_start3A_109, %dma_start3A_110] : memref<10240x16xf32, #tpu.memory_space<hbm>> -> memref<10240x16xf32, #tpu.memory_space<hbm>>
      tpu.enqueue_indirect_dma source(%dma_start3A_111 : memref<10240x16xf32, #tpu.memory_space<hbm>>) target(%arg10 : memref<128x16xf32, #tpu.memory_space<vmem>>) offsets(%dma_start3A_108 : memref<128xi32, #tpu.memory_space<vmem>>) semaphore(%arg19 : memref<!tpu.dma_semaphore, #tpu.memory_space<semaphore_mem>>)
      %dma_start3A_112 = arith.constant 0 : i32
      %dma_start3A_113 = tpu.memref_slice %arg8[%add3A_105, %dma_start3A_112] : memref<100x128xi32, #tpu.memory_space<vmem>> -> memref<1x128xi32, #tpu.memory_space<vmem>>
      %dma_start3A_114 = tpu.memref_squeeze %dma_start3A_113 : memref<1x128xi32, #tpu.memory_space<vmem>> -> memref<128xi32, #tpu.memory_space<vmem>>
      %dma_start3A_115 = arith.constant 0 : i32
      %dma_start3A_116 = arith.constant 0 : i32
      %dma_start3A_117 = tpu.memref_slice %arg4[%dma_start3A_115, %dma_start3A_116] : memref<10240x16xf32, #tpu.memory_space<hbm>> -> memref<10240x16xf32, #tpu.memory_space<hbm>>
      tpu.enqueue_indirect_dma source(%dma_start3A_117 : memref<10240x16xf32, #tpu.memory_space<hbm>>) target(%arg12 : memref<128x16xf32, #tpu.memory_space<vmem>>) offsets(%dma_start3A_114 : memref<128xi32, #tpu.memory_space<vmem>>) semaphore(%arg19 : memref<!tpu.dma_semaphore, #tpu.memory_space<semaphore_mem>>)
      %dma_start3A_118 = arith.constant 0 : i32
      %dma_start3A_119 = tpu.memref_slice %arg7[%add3A_105, %dma_start3A_118] : memref<100x128xi32, #tpu.memory_space<vmem>> -> memref<1x128xi32, #tpu.memory_space<vmem>>
      %dma_start3A_120 = tpu.memref_squeeze %dma_start3A_119 : memref<1x128xi32, #tpu.memory_space<vmem>> -> memref<128xi32, #tpu.memory_space<vmem>>
      %dma_start3A_121 = arith.constant 0 : i32
      %dma_start3A_122 = arith.constant 0 : i32
      %dma_start3A_123 = tpu.memref_slice %arg5[%dma_start3A_121, %dma_start3A_122] : memref<10240x64xbf16, #tpu.memory_space<hbm>> -> memref<10240x64xbf16, #tpu.memory_space<hbm>>
      tpu.enqueue_indirect_dma source(%dma_start3A_123 : memref<10240x64xbf16, #tpu.memory_space<hbm>>) target(%arg14 : memref<128x64xbf16, #tpu.memory_space<vmem>>) offsets(%dma_start3A_120 : memref<128xi32, #tpu.memory_space<vmem>>) semaphore(%arg19 : memref<!tpu.dma_semaphore, #tpu.memory_space<semaphore_mem>>)
      %dma_wait3A_124 = arith.constant 0 : i32
      %dma_wait3A_125 = tpu.memref_slice %arg7[%mul3A_103, %dma_wait3A_124] : memref<100x128xi32, #tpu.memory_space<vmem>> -> memref<1x128xi32, #tpu.memory_space<vmem>>
      %dma_wait3A_126 = tpu.memref_squeeze %dma_wait3A_125 : memref<1x128xi32, #tpu.memory_space<vmem>> -> memref<128xi32, #tpu.memory_space<vmem>>
      %dma_wait3A_127 = arith.constant 0 : i32
      %dma_wait3A_128 = arith.constant 0 : i32
      %dma_wait3A_129 = tpu.memref_slice %arg4[%dma_wait3A_127, %dma_wait3A_128] : memref<10240x16xf32, #tpu.memory_space<hbm>> -> memref<10240x16xf32, #tpu.memory_space<hbm>>
      tpu.wait_indirect_dma semaphore(%arg18 : memref<!tpu.dma_semaphore, #tpu.memory_space<semaphore_mem>>) src(%dma_wait3A_129 : memref<10240x16xf32, #tpu.memory_space<hbm>>) dst(%arg9 : memref<128x16xf32, #tpu.memory_space<vmem>>)
      %dma_wait3A_130 = arith.constant 0 : i32
      %dma_wait3A_131 = tpu.memref_slice %arg8[%mul3A_103, %dma_wait3A_130] : memref<100x128xi32, #tpu.memory_space<vmem>> -> memref<1x128xi32, #tpu.memory_space<vmem>>
      %dma_wait3A_132 = tpu.memref_squeeze %dma_wait3A_131 : memref<1x128xi32, #tpu.memory_space<vmem>> -> memref<128xi32, #tpu.memory_space<vmem>>
      %dma_wait3A_133 = arith.constant 0 : i32
      %dma_wait3A_134 = arith.constant 0 : i32
      %dma_wait3A_135 = tpu.memref_slice %arg4[%dma_wait3A_133, %dma_wait3A_134] : memref<10240x16xf32, #tpu.memory_space<hbm>> -> memref<10240x16xf32, #tpu.memory_space<hbm>>
      tpu.wait_indirect_dma semaphore(%arg18 : memref<!tpu.dma_semaphore, #tpu.memory_space<semaphore_mem>>) src(%dma_wait3A_135 : memref<10240x16xf32, #tpu.memory_space<hbm>>) dst(%arg11 : memref<128x16xf32, #tpu.memory_space<vmem>>)
      %dma_wait3A_136 = arith.constant 0 : i32
      %dma_wait3A_137 = tpu.memref_slice %arg7[%mul3A_103, %dma_wait3A_136] : memref<100x128xi32, #tpu.memory_space<vmem>> -> memref<1x128xi32, #tpu.memory_space<vmem>>
      %dma_wait3A_138 = tpu.memref_squeeze %dma_wait3A_137 : memref<1x128xi32, #tpu.memory_space<vmem>> -> memref<128xi32, #tpu.memory_space<vmem>>
      %dma_wait3A_139 = arith.constant 0 : i32
      %dma_wait3A_140 = arith.constant 0 : i32
      %dma_wait3A_141 = tpu.memref_slice %arg5[%dma_wait3A_139, %dma_wait3A_140] : memref<10240x64xbf16, #tpu.memory_space<hbm>> -> memref<10240x64xbf16, #tpu.memory_space<hbm>>
      tpu.wait_indirect_dma semaphore(%arg18 : memref<!tpu.dma_semaphore, #tpu.memory_space<semaphore_mem>>) src(%dma_wait3A_141 : memref<10240x64xbf16, #tpu.memory_space<hbm>>) dst(%arg13 : memref<128x64xbf16, #tpu.memory_space<vmem>>)
      %ge3A = arith.constant 2 : i32
      %ge3A_142 = arith.cmpi sge, %mul3A_103, %ge3A : i32
      %convert_element_type3A = arith.extui %ge3A_142 : i1 to i32
      %cond3A = arith.constant 0 : i32
      %cond3A_143 = arith.cmpi ne, %convert_element_type3A, %cond3A : i32
      scf.if %cond3A_143 {
        %sub3A_217 = arith.constant 2 : i32
        %sub3A_218 = arith.subi %mul3A_103, %sub3A_217 : i32
        %dma_wait3A_219 = arith.constant 0 : i32
        %dma_wait3A_220 = tpu.memref_slice %arg8[%sub3A_218, %dma_wait3A_219] : memref<100x128xi32, #tpu.memory_space<vmem>> -> memref<1x128xi32, #tpu.memory_space<vmem>>
        %dma_wait3A_221 = tpu.memref_squeeze %dma_wait3A_220 : memref<1x128xi32, #tpu.memory_space<vmem>> -> memref<128xi32, #tpu.memory_space<vmem>>
        %dma_wait3A_222 = arith.constant 0 : i32
        %dma_wait3A_223 = arith.constant 0 : i32
        %dma_wait3A_224 = tpu.memref_slice %arg17[%dma_wait3A_222, %dma_wait3A_223] : memref<10240x48xf32, #tpu.memory_space<vmem_shared>> -> memref<10240x48xf32, #tpu.memory_space<vmem_shared>>
        tpu.wait_indirect_dma semaphore(%arg20 : memref<!tpu.dma_semaphore, #tpu.memory_space<semaphore_mem>>) src(%arg15 : memref<128x48xf32, #tpu.memory_space<vmem>>) dst(%dma_wait3A_224 : memref<10240x48xf32, #tpu.memory_space<vmem_shared>>)
      } else {
      }
      %parallel_loop3A_144 = arith.constant 0 : i32
      %parallel_loop3A_145 = arith.constant 128 : i32
      %parallel_loop3A_146 = arith.constant 1 : i32
      scf.for %parallel_loop3A_217 = %parallel_loop3A_144 to %parallel_loop3A_145 step %parallel_loop3A_146  : i32 {
        %parallel_loop3A_218 = tpu.iota {dimensions = array<i32: 0>} : vector<16xi32>
        %parallel_loop3A_219 = arith.constant 7 : i32
        %parallel_loop3A_220 = vector.broadcast %parallel_loop3A_219 : i32 to vector<16xi32>
        %parallel_loop3A_221 = arith.andi %parallel_loop3A_218, %parallel_loop3A_220 : vector<16xi32>
        %parallel_loop3A_222 = arith.constant 8 : i32
        %parallel_loop3A_223 = vector.broadcast %parallel_loop3A_222 : i32 to vector<16xi32>
        %parallel_loop3A_224 = arith.addi %parallel_loop3A_221, %parallel_loop3A_223 : vector<16xi32>
        %parallel_loop3A_225 = arith.index_cast %parallel_loop3A_217 : i32 to index
        %parallel_loop3A_226 = arith.constant 0 : index
        %parallel_loop3A_227 = tpu.vector_load %arg9[%parallel_loop3A_225, %parallel_loop3A_226] {strides = array<i32>} : memref<128x16xf32, #tpu.memory_space<vmem>>, vector<16xf32>,
        %parallel_loop3A_228 = arith.index_cast %parallel_loop3A_217 : i32 to index
        %parallel_loop3A_229 = arith.constant 0 : index
        %parallel_loop3A_230 = tpu.vector_load %arg11[%parallel_loop3A_228, %parallel_loop3A_229] {strides = array<i32>} : memref<128x16xf32, #tpu.memory_space<vmem>>, vector<16xf32>,
        %parallel_loop3A_231 = arith.constant 0 : i32
        %parallel_loop3A_232 = vector.broadcast %parallel_loop3A_231 : i32 to vector<16xi32>
        %parallel_loop3A_233 = arith.cmpi slt, %parallel_loop3A_224, %parallel_loop3A_232 : vector<16xi32>
        %parallel_loop3A_234 = arith.constant 16 : i32
        %parallel_loop3A_235 = vector.broadcast %parallel_loop3A_234 : i32 to vector<16xi32>
        %parallel_loop3A_236 = arith.addi %parallel_loop3A_224, %parallel_loop3A_235 : vector<16xi32>
        %parallel_loop3A_237 = arith.select %parallel_loop3A_233, %parallel_loop3A_236, %parallel_loop3A_224 : vector<16xi1>, vector<16xi32>
        %parallel_loop3A_238 = vector.shape_cast %parallel_loop3A_237 : vector<16xi32> to vector<16x1xi32>
        %parallel_loop3A_239 = vector.shape_cast %parallel_loop3A_238 : vector<16x1xi32> to vector<16xi32>
        %parallel_loop3A_240 = tpu.dynamic_gather %parallel_loop3A_230[%parallel_loop3A_239] in [0] : vector<16xf32>, vector<16xi32> -> vector<16xf32>
        %parallel_loop3A_241 = arith.addf %parallel_loop3A_227, %parallel_loop3A_240 : vector<16xf32>
        %parallel_loop3A_242 = arith.constant 0.000000e+00 : f32
        %parallel_loop3A_243 = vector.broadcast %parallel_loop3A_242 : f32 to vector<16xf32>
        %parallel_loop3A_244 = arith.cmpf ogt, %parallel_loop3A_241, %parallel_loop3A_243 : vector<16xf32>
        %parallel_loop3A_245 = arith.constant 2.000000e-01 : f32
        %parallel_loop3A_246 = vector.broadcast %parallel_loop3A_245 : f32 to vector<16xf32>
        %parallel_loop3A_247 = arith.mulf %parallel_loop3A_246, %parallel_loop3A_241 : vector<16xf32>
        %parallel_loop3A_248 = arith.select %parallel_loop3A_244, %parallel_loop3A_241, %parallel_loop3A_247 : vector<16xi1>, vector<16xf32>
        %parallel_loop3A_249 = math.exp %parallel_loop3A_248 : vector<16xf32>
        %parallel_loop3A_250 = arith.constant 0 : i32
        %parallel_loop3A_251 = vector.broadcast %parallel_loop3A_250 : i32 to vector<16xi32>
        %parallel_loop3A_252 = arith.muli %parallel_loop3A_218, %parallel_loop3A_251 : vector<16xi32>
        %parallel_loop3A_253 = arith.constant 0 : i32
        %parallel_loop3A_254 = vector.broadcast %parallel_loop3A_253 : i32 to vector<16xi32>
        %parallel_loop3A_255 = arith.cmpi slt, %parallel_loop3A_252, %parallel_loop3A_254 : vector<16xi32>
        %parallel_loop3A_256 = arith.constant 16 : i32
        %parallel_loop3A_257 = vector.broadcast %parallel_loop3A_256 : i32 to vector<16xi32>
        %parallel_loop3A_258 = arith.addi %parallel_loop3A_252, %parallel_loop3A_257 : vector<16xi32>
        %parallel_loop3A_259 = arith.select %parallel_loop3A_255, %parallel_loop3A_258, %parallel_loop3A_252 : vector<16xi1>, vector<16xi32>
        %parallel_loop3A_260 = vector.shape_cast %parallel_loop3A_259 : vector<16xi32> to vector<16x1xi32>
        %parallel_loop3A_261 = vector.shape_cast %parallel_loop3A_260 : vector<16x1xi32> to vector<16xi32>
        %parallel_loop3A_262 = tpu.dynamic_gather %parallel_loop3A_249[%parallel_loop3A_261] in [0] : vector<16xf32>, vector<16xi32> -> vector<16xf32>
        %parallel_loop3A_263 = arith.index_cast %parallel_loop3A_217 : i32 to index
        %parallel_loop3A_264 = arith.constant 0 : index
        %parallel_loop3A_265 = tpu.vector_load %arg13[%parallel_loop3A_263, %parallel_loop3A_264] {strides = array<i32>} : memref<128x64xbf16, #tpu.memory_space<vmem>>, vector<32xbf16>,
        %parallel_loop3A_266 = tpu.unpack_subelements %parallel_loop3A_265, 0 {pack_format = #tpu.pack_format<interleaved>} : vector<32xbf16> -> vector<16xf32>
        %parallel_loop3A_267 = tpu.unpack_subelements %parallel_loop3A_265, 1 {pack_format = #tpu.pack_format<interleaved>} : vector<32xbf16> -> vector<16xf32>
        %parallel_loop3A_268 = arith.index_cast %parallel_loop3A_217 : i32 to index
        %parallel_loop3A_269 = arith.constant 32 : index
        %parallel_loop3A_270 = tpu.vector_load %arg13[%parallel_loop3A_268, %parallel_loop3A_269] {strides = array<i32>} : memref<128x64xbf16, #tpu.memory_space<vmem>>, vector<32xbf16>,
        %parallel_loop3A_271 = tpu.unpack_subelements %parallel_loop3A_270, 0 {pack_format = #tpu.pack_format<interleaved>} : vector<32xbf16> -> vector<16xf32>
        %parallel_loop3A_272 = tpu.unpack_subelements %parallel_loop3A_270, 1 {pack_format = #tpu.pack_format<interleaved>} : vector<32xbf16> -> vector<16xf32>
        %parallel_loop3A_273 = arith.mulf %parallel_loop3A_266, %parallel_loop3A_262 : vector<16xf32>
        %parallel_loop3A_274 = arith.index_cast %parallel_loop3A_217 : i32 to index
        %parallel_loop3A_275 = arith.constant 0 : index
        %parallel_loop3A_276 = tpu.vector_load %arg15[%parallel_loop3A_274, %parallel_loop3A_275] {strides = array<i32>} : memref<128x48xf32, #tpu.memory_space<vmem>>, vector<16xf32>,
        tpu.vector_store %arg15[%parallel_loop3A_274, %parallel_loop3A_275], %parallel_loop3A_273 {strides = array<i32>} : memref<128x48xf32, #tpu.memory_space<vmem>>, vector<16xf32>,
        %parallel_loop3A_277 = arith.mulf %parallel_loop3A_267, %parallel_loop3A_262 : vector<16xf32>
        %parallel_loop3A_278 = arith.index_cast %parallel_loop3A_217 : i32 to index
        %parallel_loop3A_279 = arith.constant 16 : index
        %parallel_loop3A_280 = tpu.vector_load %arg15[%parallel_loop3A_278, %parallel_loop3A_279] {strides = array<i32>} : memref<128x48xf32, #tpu.memory_space<vmem>>, vector<16xf32>,
        tpu.vector_store %arg15[%parallel_loop3A_278, %parallel_loop3A_279], %parallel_loop3A_277 {strides = array<i32>} : memref<128x48xf32, #tpu.memory_space<vmem>>, vector<16xf32>,
        %parallel_loop3A_281 = arith.mulf %parallel_loop3A_271, %parallel_loop3A_262 : vector<16xf32>
        %parallel_loop3A_282 = arith.constant 8 : i32
        %parallel_loop3A_283 = vector.broadcast %parallel_loop3A_282 : i32 to vector<16xi32>
        %parallel_loop3A_284 = arith.cmpi eq, %parallel_loop3A_218, %parallel_loop3A_283 : vector<16xi32>
        %parallel_loop3A_285 = arith.constant 0.000000e+00 : f32
        %parallel_loop3A_286 = vector.broadcast %parallel_loop3A_285 : f32 to vector<16xf32>
        %parallel_loop3A_287 = arith.select %parallel_loop3A_284, %parallel_loop3A_262, %parallel_loop3A_286 : vector<16xi1>, vector<16xf32>
        %parallel_loop3A_288 = arith.addf %parallel_loop3A_281, %parallel_loop3A_287 : vector<16xf32>
        %parallel_loop3A_289 = arith.index_cast %parallel_loop3A_217 : i32 to index
        %parallel_loop3A_290 = arith.constant 32 : index
        %parallel_loop3A_291 = tpu.vector_load %arg15[%parallel_loop3A_289, %parallel_loop3A_290] {strides = array<i32>} : memref<128x48xf32, #tpu.memory_space<vmem>>, vector<16xf32>,
        tpu.vector_store %arg15[%parallel_loop3A_289, %parallel_loop3A_290], %parallel_loop3A_288 {strides = array<i32>} : memref<128x48xf32, #tpu.memory_space<vmem>>, vector<16xf32>,
      } {sc.loop_unroll_factor = 4 : i64, sc.parallel_access}
      %dma_start3A_147 = arith.constant 0 : i32
      %dma_start3A_148 = tpu.memref_slice %arg8[%mul3A_103, %dma_start3A_147] : memref<100x128xi32, #tpu.memory_space<vmem>> -> memref<1x128xi32, #tpu.memory_space<vmem>>
      %dma_start3A_149 = tpu.memref_squeeze %dma_start3A_148 : memref<1x128xi32, #tpu.memory_space<vmem>> -> memref<128xi32, #tpu.memory_space<vmem>>
      %dma_start3A_150 = arith.constant 0 : i32
      %dma_start3A_151 = arith.constant 0 : i32
      %dma_start3A_152 = tpu.memref_slice %arg17[%dma_start3A_150, %dma_start3A_151] : memref<10240x48xf32, #tpu.memory_space<vmem_shared>> -> memref<10240x48xf32, #tpu.memory_space<vmem_shared>>
      tpu.enqueue_indirect_dma source(%arg15 : memref<128x48xf32, #tpu.memory_space<vmem>>) target(%dma_start3A_152 : memref<10240x48xf32, #tpu.memory_space<vmem_shared>>) offsets(%dma_start3A_149 : memref<128xi32, #tpu.memory_space<vmem>>) semaphore(%arg20 : memref<!tpu.dma_semaphore, #tpu.memory_space<semaphore_mem>>) {add = true}
      %add3A_153 = arith.constant 1 : i32
      %add3A_154 = arith.addi %while3A_100, %add3A_153 : i32
      %jit3A_155 = arith.constant 2 : i32
      %div3A_156 = arith.divsi %select_n3A_8, %jit3A_155 : i32
      %sign3A_157 = arith.constant 0 : i32
      %sign3A_158 = arith.cmpi sgt, %select_n3A_8, %sign3A_157 : i32
      %sign3A_159 = arith.extui %sign3A_158 : i1 to i32
      %sign3A_160 = arith.constant 0 : i32
      %sign3A_161 = arith.cmpi slt, %select_n3A_8, %sign3A_160 : i32
      %sign3A_162 = arith.extui %sign3A_161 : i1 to i32
      %sign3A_163 = arith.subi %sign3A_159, %sign3A_162 : i32
      %sign3A_164 = arith.constant 0 : i32
      %sign3A_165 = arith.cmpi sgt, %jit3A_155, %sign3A_164 : i32
      %sign3A_166 = arith.extui %sign3A_165 : i1 to i32
      %sign3A_167 = arith.constant 0 : i32
      %sign3A_168 = arith.cmpi slt, %jit3A_155, %sign3A_167 : i32
      %sign3A_169 = arith.extui %sign3A_168 : i1 to i32
      %sign3A_170 = arith.subi %sign3A_166, %sign3A_169 : i32
      %ne3A_171 = arith.cmpi ne, %sign3A_163, %sign3A_170 : i32
      %rem3A_172 = arith.remsi %select_n3A_8, %jit3A_155 : i32
      %ne3A_173 = arith.constant 0 : i32
      %ne3A_174 = arith.cmpi ne, %rem3A_172, %ne3A_173 : i32
      %and3A_175 = arith.andi %ne3A_171, %ne3A_174 : i1
      %sub3A_176 = arith.constant 1 : i32
      %sub3A_177 = arith.subi %div3A_156, %sub3A_176 : i32
      %select_n3A_178 = arith.select %and3A_175, %sub3A_177, %div3A_156 : i32
      %lt3A = arith.cmpi slt, %add3A_154, %select_n3A_178 : i32
      %convert_element_type3A_179 = arith.extui %lt3A : i1 to i32
      %cond3A_180 = arith.constant 0 : i32
      %cond3A_181 = arith.cmpi ne, %convert_element_type3A_179, %cond3A_180 : i32
      scf.if %cond3A_181 {
        %add3A_217 = arith.constant 2 : i32
        %add3A_218 = arith.addi %mul3A_103, %add3A_217 : i32
        %dma_start3A_219 = arith.constant 0 : i32
        %dma_start3A_220 = tpu.memref_slice %arg7[%add3A_218, %dma_start3A_219] : memref<100x128xi32, #tpu.memory_space<vmem>> -> memref<1x128xi32, #tpu.memory_space<vmem>>
        %dma_start3A_221 = tpu.memref_squeeze %dma_start3A_220 : memref<1x128xi32, #tpu.memory_space<vmem>> -> memref<128xi32, #tpu.memory_space<vmem>>
        %dma_start3A_222 = arith.constant 0 : i32
        %dma_start3A_223 = arith.constant 0 : i32
        %dma_start3A_224 = tpu.memref_slice %arg4[%dma_start3A_222, %dma_start3A_223] : memref<10240x16xf32, #tpu.memory_space<hbm>> -> memref<10240x16xf32, #tpu.memory_space<hbm>>
        tpu.enqueue_indirect_dma source(%dma_start3A_224 : memref<10240x16xf32, #tpu.memory_space<hbm>>) target(%arg9 : memref<128x16xf32, #tpu.memory_space<vmem>>) offsets(%dma_start3A_221 : memref<128xi32, #tpu.memory_space<vmem>>) semaphore(%arg18 : memref<!tpu.dma_semaphore, #tpu.memory_space<semaphore_mem>>)
        %dma_start3A_225 = arith.constant 0 : i32
        %dma_start3A_226 = tpu.memref_slice %arg8[%add3A_218, %dma_start3A_225] : memref<100x128xi32, #tpu.memory_space<vmem>> -> memref<1x128xi32, #tpu.memory_space<vmem>>
        %dma_start3A_227 = tpu.memref_squeeze %dma_start3A_226 : memref<1x128xi32, #tpu.memory_space<vmem>> -> memref<128xi32, #tpu.memory_space<vmem>>
        %dma_start3A_228 = arith.constant 0 : i32
        %dma_start3A_229 = arith.constant 0 : i32
        %dma_start3A_230 = tpu.memref_slice %arg4[%dma_start3A_228, %dma_start3A_229] : memref<10240x16xf32, #tpu.memory_space<hbm>> -> memref<10240x16xf32, #tpu.memory_space<hbm>>
        tpu.enqueue_indirect_dma source(%dma_start3A_230 : memref<10240x16xf32, #tpu.memory_space<hbm>>) target(%arg11 : memref<128x16xf32, #tpu.memory_space<vmem>>) offsets(%dma_start3A_227 : memref<128xi32, #tpu.memory_space<vmem>>) semaphore(%arg18 : memref<!tpu.dma_semaphore, #tpu.memory_space<semaphore_mem>>)
        %dma_start3A_231 = arith.constant 0 : i32
        %dma_start3A_232 = tpu.memref_slice %arg7[%add3A_218, %dma_start3A_231] : memref<100x128xi32, #tpu.memory_space<vmem>> -> memref<1x128xi32, #tpu.memory_space<vmem>>
        %dma_start3A_233 = tpu.memref_squeeze %dma_start3A_232 : memref<1x128xi32, #tpu.memory_space<vmem>> -> memref<128xi32, #tpu.memory_space<vmem>>
        %dma_start3A_234 = arith.constant 0 : i32
        %dma_start3A_235 = arith.constant 0 : i32
        %dma_start3A_236 = tpu.memref_slice %arg5[%dma_start3A_234, %dma_start3A_235] : memref<10240x64xbf16, #tpu.memory_space<hbm>> -> memref<10240x64xbf16, #tpu.memory_space<hbm>>
        tpu.enqueue_indirect_dma source(%dma_start3A_236 : memref<10240x64xbf16, #tpu.memory_space<hbm>>) target(%arg13 : memref<128x64xbf16, #tpu.memory_space<vmem>>) offsets(%dma_start3A_233 : memref<128xi32, #tpu.memory_space<vmem>>) semaphore(%arg18 : memref<!tpu.dma_semaphore, #tpu.memory_space<semaphore_mem>>)
      } else {
      }
      %add3A_182 = arith.constant 1 : i32
      %add3A_183 = arith.addi %mul3A_103, %add3A_182 : i32
      %dma_wait3A_184 = arith.constant 0 : i32
      %dma_wait3A_185 = tpu.memref_slice %arg7[%add3A_183, %dma_wait3A_184] : memref<100x128xi32, #tpu.memory_space<vmem>> -> memref<1x128xi32, #tpu.memory_space<vmem>>
      %dma_wait3A_186 = tpu.memref_squeeze %dma_wait3A_185 : memref<1x128xi32, #tpu.memory_space<vmem>> -> memref<128xi32, #tpu.memory_space<vmem>>
      %dma_wait3A_187 = arith.constant 0 : i32
      %dma_wait3A_188 = arith.constant 0 : i32
      %dma_wait3A_189 = tpu.memref_slice %arg4[%dma_wait3A_187, %dma_wait3A_188] : memref<10240x16xf32, #tpu.memory_space<hbm>> -> memref<10240x16xf32, #tpu.memory_space<hbm>>
      tpu.wait_indirect_dma semaphore(%arg19 : memref<!tpu.dma_semaphore, #tpu.memory_space<semaphore_mem>>) src(%dma_wait3A_189 : memref<10240x16xf32, #tpu.memory_space<hbm>>) dst(%arg10 : memref<128x16xf32, #tpu.memory_space<vmem>>)
      %dma_wait3A_190 = arith.constant 0 : i32
      %dma_wait3A_191 = tpu.memref_slice %arg8[%add3A_183, %dma_wait3A_190] : memref<100x128xi32, #tpu.memory_space<vmem>> -> memref<1x128xi32, #tpu.memory_space<vmem>>
      %dma_wait3A_192 = tpu.memref_squeeze %dma_wait3A_191 : memref<1x128xi32, #tpu.memory_space<vmem>> -> memref<128xi32, #tpu.memory_space<vmem>>
      %dma_wait3A_193 = arith.constant 0 : i32
      %dma_wait3A_194 = arith.constant 0 : i32
      %dma_wait3A_195 = tpu.memref_slice %arg4[%dma_wait3A_193, %dma_wait3A_194] : memref<10240x16xf32, #tpu.memory_space<hbm>> -> memref<10240x16xf32, #tpu.memory_space<hbm>>
      tpu.wait_indirect_dma semaphore(%arg19 : memref<!tpu.dma_semaphore, #tpu.memory_space<semaphore_mem>>) src(%dma_wait3A_195 : memref<10240x16xf32, #tpu.memory_space<hbm>>) dst(%arg12 : memref<128x16xf32, #tpu.memory_space<vmem>>)
      %dma_wait3A_196 = arith.constant 0 : i32
      %dma_wait3A_197 = tpu.memref_slice %arg7[%add3A_183, %dma_wait3A_196] : memref<100x128xi32, #tpu.memory_space<vmem>> -> memref<1x128xi32, #tpu.memory_space<vmem>>
      %dma_wait3A_198 = tpu.memref_squeeze %dma_wait3A_197 : memref<1x128xi32, #tpu.memory_space<vmem>> -> memref<128xi32, #tpu.memory_space<vmem>>
      %dma_wait3A_199 = arith.constant 0 : i32
      %dma_wait3A_200 = arith.constant 0 : i32
      %dma_wait3A_201 = tpu.memref_slice %arg5[%dma_wait3A_199, %dma_wait3A_200] : memref<10240x64xbf16, #tpu.memory_space<hbm>> -> memref<10240x64xbf16, #tpu.memory_space<hbm>>
      tpu.wait_indirect_dma semaphore(%arg19 : memref<!tpu.dma_semaphore, #tpu.memory_space<semaphore_mem>>) src(%dma_wait3A_201 : memref<10240x64xbf16, #tpu.memory_space<hbm>>) dst(%arg14 : memref<128x64xbf16, #tpu.memory_space<vmem>>)
      %ge3A_202 = arith.constant 2 : i32
      %ge3A_203 = arith.cmpi sge, %add3A_183, %ge3A_202 : i32
      %convert_element_type3A_204 = arith.extui %ge3A_203 : i1 to i32
      %cond3A_205 = arith.constant 0 : i32
      %cond3A_206 = arith.cmpi ne, %convert_element_type3A_204, %cond3A_205 : i32
      scf.if %cond3A_206 {
        %sub3A_217 = arith.constant 2 : i32
        %sub3A_218 = arith.subi %add3A_183, %sub3A_217 : i32
        %dma_wait3A_219 = arith.constant 0 : i32
        %dma_wait3A_220 = tpu.memref_slice %arg8[%sub3A_218, %dma_wait3A_219] : memref<100x128xi32, #tpu.memory_space<vmem>> -> memref<1x128xi32, #tpu.memory_space<vmem>>
        %dma_wait3A_221 = tpu.memref_squeeze %dma_wait3A_220 : memref<1x128xi32, #tpu.memory_space<vmem>> -> memref<128xi32, #tpu.memory_space<vmem>>
        %dma_wait3A_222 = arith.constant 0 : i32
        %dma_wait3A_223 = arith.constant 0 : i32
        %dma_wait3A_224 = tpu.memref_slice %arg17[%dma_wait3A_222, %dma_wait3A_223] : memref<10240x48xf32, #tpu.memory_space<vmem_shared>> -> memref<10240x48xf32, #tpu.memory_space<vmem_shared>>
        tpu.wait_indirect_dma semaphore(%arg21 : memref<!tpu.dma_semaphore, #tpu.memory_space<semaphore_mem>>) src(%arg16 : memref<128x48xf32, #tpu.memory_space<vmem>>) dst(%dma_wait3A_224 : memref<10240x48xf32, #tpu.memory_space<vmem_shared>>)
      } else {
      }
      %parallel_loop3A_207 = arith.constant 0 : i32
      %parallel_loop3A_208 = arith.constant 128 : i32
      %parallel_loop3A_209 = arith.constant 1 : i32
      scf.for %parallel_loop3A_217 = %parallel_loop3A_207 to %parallel_loop3A_208 step %parallel_loop3A_209  : i32 {
        %parallel_loop3A_218 = tpu.iota {dimensions = array<i32: 0>} : vector<16xi32>
        %parallel_loop3A_219 = arith.constant 7 : i32
        %parallel_loop3A_220 = vector.broadcast %parallel_loop3A_219 : i32 to vector<16xi32>
        %parallel_loop3A_221 = arith.andi %parallel_loop3A_218, %parallel_loop3A_220 : vector<16xi32>
        %parallel_loop3A_222 = arith.constant 8 : i32
        %parallel_loop3A_223 = vector.broadcast %parallel_loop3A_222 : i32 to vector<16xi32>
        %parallel_loop3A_224 = arith.addi %parallel_loop3A_221, %parallel_loop3A_223 : vector<16xi32>
        %parallel_loop3A_225 = arith.index_cast %parallel_loop3A_217 : i32 to index
        %parallel_loop3A_226 = arith.constant 0 : index
        %parallel_loop3A_227 = tpu.vector_load %arg10[%parallel_loop3A_225, %parallel_loop3A_226] {strides = array<i32>} : memref<128x16xf32, #tpu.memory_space<vmem>>, vector<16xf32>,
        %parallel_loop3A_228 = arith.index_cast %parallel_loop3A_217 : i32 to index
        %parallel_loop3A_229 = arith.constant 0 : index
        %parallel_loop3A_230 = tpu.vector_load %arg12[%parallel_loop3A_228, %parallel_loop3A_229] {strides = array<i32>} : memref<128x16xf32, #tpu.memory_space<vmem>>, vector<16xf32>,
        %parallel_loop3A_231 = arith.constant 0 : i32
        %parallel_loop3A_232 = vector.broadcast %parallel_loop3A_231 : i32 to vector<16xi32>
        %parallel_loop3A_233 = arith.cmpi slt, %parallel_loop3A_224, %parallel_loop3A_232 : vector<16xi32>
        %parallel_loop3A_234 = arith.constant 16 : i32
        %parallel_loop3A_235 = vector.broadcast %parallel_loop3A_234 : i32 to vector<16xi32>
        %parallel_loop3A_236 = arith.addi %parallel_loop3A_224, %parallel_loop3A_235 : vector<16xi32>
        %parallel_loop3A_237 = arith.select %parallel_loop3A_233, %parallel_loop3A_236, %parallel_loop3A_224 : vector<16xi1>, vector<16xi32>
        %parallel_loop3A_238 = vector.shape_cast %parallel_loop3A_237 : vector<16xi32> to vector<16x1xi32>
        %parallel_loop3A_239 = vector.shape_cast %parallel_loop3A_238 : vector<16x1xi32> to vector<16xi32>
        %parallel_loop3A_240 = tpu.dynamic_gather %parallel_loop3A_230[%parallel_loop3A_239] in [0] : vector<16xf32>, vector<16xi32> -> vector<16xf32>
        %parallel_loop3A_241 = arith.addf %parallel_loop3A_227, %parallel_loop3A_240 : vector<16xf32>
        %parallel_loop3A_242 = arith.constant 0.000000e+00 : f32
        %parallel_loop3A_243 = vector.broadcast %parallel_loop3A_242 : f32 to vector<16xf32>
        %parallel_loop3A_244 = arith.cmpf ogt, %parallel_loop3A_241, %parallel_loop3A_243 : vector<16xf32>
        %parallel_loop3A_245 = arith.constant 2.000000e-01 : f32
        %parallel_loop3A_246 = vector.broadcast %parallel_loop3A_245 : f32 to vector<16xf32>
        %parallel_loop3A_247 = arith.mulf %parallel_loop3A_246, %parallel_loop3A_241 : vector<16xf32>
        %parallel_loop3A_248 = arith.select %parallel_loop3A_244, %parallel_loop3A_241, %parallel_loop3A_247 : vector<16xi1>, vector<16xf32>
        %parallel_loop3A_249 = math.exp %parallel_loop3A_248 : vector<16xf32>
        %parallel_loop3A_250 = arith.constant 0 : i32
        %parallel_loop3A_251 = vector.broadcast %parallel_loop3A_250 : i32 to vector<16xi32>
        %parallel_loop3A_252 = arith.muli %parallel_loop3A_218, %parallel_loop3A_251 : vector<16xi32>
        %parallel_loop3A_253 = arith.constant 0 : i32
        %parallel_loop3A_254 = vector.broadcast %parallel_loop3A_253 : i32 to vector<16xi32>
        %parallel_loop3A_255 = arith.cmpi slt, %parallel_loop3A_252, %parallel_loop3A_254 : vector<16xi32>
        %parallel_loop3A_256 = arith.constant 16 : i32
        %parallel_loop3A_257 = vector.broadcast %parallel_loop3A_256 : i32 to vector<16xi32>
        %parallel_loop3A_258 = arith.addi %parallel_loop3A_252, %parallel_loop3A_257 : vector<16xi32>
        %parallel_loop3A_259 = arith.select %parallel_loop3A_255, %parallel_loop3A_258, %parallel_loop3A_252 : vector<16xi1>, vector<16xi32>
        %parallel_loop3A_260 = vector.shape_cast %parallel_loop3A_259 : vector<16xi32> to vector<16x1xi32>
        %parallel_loop3A_261 = vector.shape_cast %parallel_loop3A_260 : vector<16x1xi32> to vector<16xi32>
        %parallel_loop3A_262 = tpu.dynamic_gather %parallel_loop3A_249[%parallel_loop3A_261] in [0] : vector<16xf32>, vector<16xi32> -> vector<16xf32>
        %parallel_loop3A_263 = arith.index_cast %parallel_loop3A_217 : i32 to index
        %parallel_loop3A_264 = arith.constant 0 : index
        %parallel_loop3A_265 = tpu.vector_load %arg14[%parallel_loop3A_263, %parallel_loop3A_264] {strides = array<i32>} : memref<128x64xbf16, #tpu.memory_space<vmem>>, vector<32xbf16>,
        %parallel_loop3A_266 = tpu.unpack_subelements %parallel_loop3A_265, 0 {pack_format = #tpu.pack_format<interleaved>} : vector<32xbf16> -> vector<16xf32>
        %parallel_loop3A_267 = tpu.unpack_subelements %parallel_loop3A_265, 1 {pack_format = #tpu.pack_format<interleaved>} : vector<32xbf16> -> vector<16xf32>
        %parallel_loop3A_268 = arith.index_cast %parallel_loop3A_217 : i32 to index
        %parallel_loop3A_269 = arith.constant 32 : index
        %parallel_loop3A_270 = tpu.vector_load %arg14[%parallel_loop3A_268, %parallel_loop3A_269] {strides = array<i32>} : memref<128x64xbf16, #tpu.memory_space<vmem>>, vector<32xbf16>,
        %parallel_loop3A_271 = tpu.unpack_subelements %parallel_loop3A_270, 0 {pack_format = #tpu.pack_format<interleaved>} : vector<32xbf16> -> vector<16xf32>
        %parallel_loop3A_272 = tpu.unpack_subelements %parallel_loop3A_270, 1 {pack_format = #tpu.pack_format<interleaved>} : vector<32xbf16> -> vector<16xf32>
        %parallel_loop3A_273 = arith.mulf %parallel_loop3A_266, %parallel_loop3A_262 : vector<16xf32>
        %parallel_loop3A_274 = arith.index_cast %parallel_loop3A_217 : i32 to index
        %parallel_loop3A_275 = arith.constant 0 : index
        %parallel_loop3A_276 = tpu.vector_load %arg16[%parallel_loop3A_274, %parallel_loop3A_275] {strides = array<i32>} : memref<128x48xf32, #tpu.memory_space<vmem>>, vector<16xf32>,
        tpu.vector_store %arg16[%parallel_loop3A_274, %parallel_loop3A_275], %parallel_loop3A_273 {strides = array<i32>} : memref<128x48xf32, #tpu.memory_space<vmem>>, vector<16xf32>,
        %parallel_loop3A_277 = arith.mulf %parallel_loop3A_267, %parallel_loop3A_262 : vector<16xf32>
        %parallel_loop3A_278 = arith.index_cast %parallel_loop3A_217 : i32 to index
        %parallel_loop3A_279 = arith.constant 16 : index
        %parallel_loop3A_280 = tpu.vector_load %arg16[%parallel_loop3A_278, %parallel_loop3A_279] {strides = array<i32>} : memref<128x48xf32, #tpu.memory_space<vmem>>, vector<16xf32>,
        tpu.vector_store %arg16[%parallel_loop3A_278, %parallel_loop3A_279], %parallel_loop3A_277 {strides = array<i32>} : memref<128x48xf32, #tpu.memory_space<vmem>>, vector<16xf32>,
        %parallel_loop3A_281 = arith.mulf %parallel_loop3A_271, %parallel_loop3A_262 : vector<16xf32>
        %parallel_loop3A_282 = arith.constant 8 : i32
        %parallel_loop3A_283 = vector.broadcast %parallel_loop3A_282 : i32 to vector<16xi32>
        %parallel_loop3A_284 = arith.cmpi eq, %parallel_loop3A_218, %parallel_loop3A_283 : vector<16xi32>
        %parallel_loop3A_285 = arith.constant 0.000000e+00 : f32
        %parallel_loop3A_286 = vector.broadcast %parallel_loop3A_285 : f32 to vector<16xf32>
        %parallel_loop3A_287 = arith.select %parallel_loop3A_284, %parallel_loop3A_262, %parallel_loop3A_286 : vector<16xi1>, vector<16xf32>
        %parallel_loop3A_288 = arith.addf %parallel_loop3A_281, %parallel_loop3A_287 : vector<16xf32>
        %parallel_loop3A_289 = arith.index_cast %parallel_loop3A_217 : i32 to index
        %parallel_loop3A_290 = arith.constant 32 : index
        %parallel_loop3A_291 = tpu.vector_load %arg16[%parallel_loop3A_289, %parallel_loop3A_290] {strides = array<i32>} : memref<128x48xf32, #tpu.memory_space<vmem>>, vector<16xf32>,
        tpu.vector_store %arg16[%parallel_loop3A_289, %parallel_loop3A_290], %parallel_loop3A_288 {strides = array<i32>} : memref<128x48xf32, #tpu.memory_space<vmem>>, vector<16xf32>,
      } {sc.loop_unroll_factor = 4 : i64, sc.parallel_access}
      %dma_start3A_210 = arith.constant 0 : i32
      %dma_start3A_211 = tpu.memref_slice %arg8[%add3A_183, %dma_start3A_210] : memref<100x128xi32, #tpu.memory_space<vmem>> -> memref<1x128xi32, #tpu.memory_space<vmem>>
      %dma_start3A_212 = tpu.memref_squeeze %dma_start3A_211 : memref<1x128xi32, #tpu.memory_space<vmem>> -> memref<128xi32, #tpu.memory_space<vmem>>
      %dma_start3A_213 = arith.constant 0 : i32
      %dma_start3A_214 = arith.constant 0 : i32
      %dma_start3A_215 = tpu.memref_slice %arg17[%dma_start3A_213, %dma_start3A_214] : memref<10240x48xf32, #tpu.memory_space<vmem_shared>> -> memref<10240x48xf32, #tpu.memory_space<vmem_shared>>
      tpu.enqueue_indirect_dma source(%arg16 : memref<128x48xf32, #tpu.memory_space<vmem>>) target(%dma_start3A_215 : memref<10240x48xf32, #tpu.memory_space<vmem_shared>>) offsets(%dma_start3A_212 : memref<128xi32, #tpu.memory_space<vmem>>) semaphore(%arg21 : memref<!tpu.dma_semaphore, #tpu.memory_space<semaphore_mem>>) {add = true}
      %while3A_216 = arith.constant 0 : i32
      scf.yield %while3A_216 : i32
    }
    %while3A_78 = arith.constant 1 : i32
    %while3A_79 = scf.for %while3A_100 = %while3A_75 to %while3A_71 step %while3A_78 iter_args(%while3A_101 = %while3A_77) -> (i32)  : i32 {
      %mul3A_102 = arith.constant 2 : i32
      %mul3A_103 = arith.muli %mul3A_102, %while3A_100 : i32
      %add3A_104 = arith.constant 1 : i32
      %add3A_105 = arith.addi %mul3A_103, %add3A_104 : i32
      %dma_start3A_106 = arith.constant 0 : i32
      %dma_start3A_107 = tpu.memref_slice %arg7[%add3A_105, %dma_start3A_106] : memref<100x128xi32, #tpu.memory_space<vmem>> -> memref<1x128xi32, #tpu.memory_space<vmem>>
      %dma_start3A_108 = tpu.memref_squeeze %dma_start3A_107 : memref<1x128xi32, #tpu.memory_space<vmem>> -> memref<128xi32, #tpu.memory_space<vmem>>
      %dma_start3A_109 = arith.constant 0 : i32
      %dma_start3A_110 = arith.constant 0 : i32
      %dma_start3A_111 = tpu.memref_slice %arg4[%dma_start3A_109, %dma_start3A_110] : memref<10240x16xf32, #tpu.memory_space<hbm>> -> memref<10240x16xf32, #tpu.memory_space<hbm>>
      tpu.enqueue_indirect_dma source(%dma_start3A_111 : memref<10240x16xf32, #tpu.memory_space<hbm>>) target(%arg10 : memref<128x16xf32, #tpu.memory_space<vmem>>) offsets(%dma_start3A_108 : memref<128xi32, #tpu.memory_space<vmem>>) semaphore(%arg19 : memref<!tpu.dma_semaphore, #tpu.memory_space<semaphore_mem>>)
      %dma_start3A_112 = arith.constant 0 : i32
      %dma_start3A_113 = tpu.memref_slice %arg8[%add3A_105, %dma_start3A_112] : memref<100x128xi32, #tpu.memory_space<vmem>> -> memref<1x128xi32, #tpu.memory_space<vmem>>
      %dma_start3A_114 = tpu.memref_squeeze %dma_start3A_113 : memref<1x128xi32, #tpu.memory_space<vmem>> -> memref<128xi32, #tpu.memory_space<vmem>>
      %dma_start3A_115 = arith.constant 0 : i32
      %dma_start3A_116 = arith.constant 0 : i32
      %dma_start3A_117 = tpu.memref_slice %arg4[%dma_start3A_115, %dma_start3A_116] : memref<10240x16xf32, #tpu.memory_space<hbm>> -> memref<10240x16xf32, #tpu.memory_space<hbm>>
      tpu.enqueue_indirect_dma source(%dma_start3A_117 : memref<10240x16xf32, #tpu.memory_space<hbm>>) target(%arg12 : memref<128x16xf32, #tpu.memory_space<vmem>>) offsets(%dma_start3A_114 : memref<128xi32, #tpu.memory_space<vmem>>) semaphore(%arg19 : memref<!tpu.dma_semaphore, #tpu.memory_space<semaphore_mem>>)
      %dma_start3A_118 = arith.constant 0 : i32
      %dma_start3A_119 = tpu.memref_slice %arg7[%add3A_105, %dma_start3A_118] : memref<100x128xi32, #tpu.memory_space<vmem>> -> memref<1x128xi32, #tpu.memory_space<vmem>>
      %dma_start3A_120 = tpu.memref_squeeze %dma_start3A_119 : memref<1x128xi32, #tpu.memory_space<vmem>> -> memref<128xi32, #tpu.memory_space<vmem>>
      %dma_start3A_121 = arith.constant 0 : i32
      %dma_start3A_122 = arith.constant 0 : i32
      %dma_start3A_123 = tpu.memref_slice %arg5[%dma_start3A_121, %dma_start3A_122] : memref<10240x64xbf16, #tpu.memory_space<hbm>> -> memref<10240x64xbf16, #tpu.memory_space<hbm>>
      tpu.enqueue_indirect_dma source(%dma_start3A_123 : memref<10240x64xbf16, #tpu.memory_space<hbm>>) target(%arg14 : memref<128x64xbf16, #tpu.memory_space<vmem>>) offsets(%dma_start3A_120 : memref<128xi32, #tpu.memory_space<vmem>>) semaphore(%arg19 : memref<!tpu.dma_semaphore, #tpu.memory_space<semaphore_mem>>)
      %dma_wait3A_124 = arith.constant 0 : i32
      %dma_wait3A_125 = tpu.memref_slice %arg7[%mul3A_103, %dma_wait3A_124] : memref<100x128xi32, #tpu.memory_space<vmem>> -> memref<1x128xi32, #tpu.memory_space<vmem>>
      %dma_wait3A_126 = tpu.memref_squeeze %dma_wait3A_125 : memref<1x128xi32, #tpu.memory_space<vmem>> -> memref<128xi32, #tpu.memory_space<vmem>>
      %dma_wait3A_127 = arith.constant 0 : i32
      %dma_wait3A_128 = arith.constant 0 : i32
      %dma_wait3A_129 = tpu.memref_slice %arg4[%dma_wait3A_127, %dma_wait3A_128] : memref<10240x16xf32, #tpu.memory_space<hbm>> -> memref<10240x16xf32, #tpu.memory_space<hbm>>
      tpu.wait_indirect_dma semaphore(%arg18 : memref<!tpu.dma_semaphore, #tpu.memory_space<semaphore_mem>>) src(%dma_wait3A_129 : memref<10240x16xf32, #tpu.memory_space<hbm>>) dst(%arg9 : memref<128x16xf32, #tpu.memory_space<vmem>>)
      %dma_wait3A_130 = arith.constant 0 : i32
      %dma_wait3A_131 = tpu.memref_slice %arg8[%mul3A_103, %dma_wait3A_130] : memref<100x128xi32, #tpu.memory_space<vmem>> -> memref<1x128xi32, #tpu.memory_space<vmem>>
      %dma_wait3A_132 = tpu.memref_squeeze %dma_wait3A_131 : memref<1x128xi32, #tpu.memory_space<vmem>> -> memref<128xi32, #tpu.memory_space<vmem>>
      %dma_wait3A_133 = arith.constant 0 : i32
      %dma_wait3A_134 = arith.constant 0 : i32
      %dma_wait3A_135 = tpu.memref_slice %arg4[%dma_wait3A_133, %dma_wait3A_134] : memref<10240x16xf32, #tpu.memory_space<hbm>> -> memref<10240x16xf32, #tpu.memory_space<hbm>>
      tpu.wait_indirect_dma semaphore(%arg18 : memref<!tpu.dma_semaphore, #tpu.memory_space<semaphore_mem>>) src(%dma_wait3A_135 : memref<10240x16xf32, #tpu.memory_space<hbm>>) dst(%arg11 : memref<128x16xf32, #tpu.memory_space<vmem>>)
      %dma_wait3A_136 = arith.constant 0 : i32
      %dma_wait3A_137 = tpu.memref_slice %arg7[%mul3A_103, %dma_wait3A_136] : memref<100x128xi32, #tpu.memory_space<vmem>> -> memref<1x128xi32, #tpu.memory_space<vmem>>
      %dma_wait3A_138 = tpu.memref_squeeze %dma_wait3A_137 : memref<1x128xi32, #tpu.memory_space<vmem>> -> memref<128xi32, #tpu.memory_space<vmem>>
      %dma_wait3A_139 = arith.constant 0 : i32
      %dma_wait3A_140 = arith.constant 0 : i32
      %dma_wait3A_141 = tpu.memref_slice %arg5[%dma_wait3A_139, %dma_wait3A_140] : memref<10240x64xbf16, #tpu.memory_space<hbm>> -> memref<10240x64xbf16, #tpu.memory_space<hbm>>
      tpu.wait_indirect_dma semaphore(%arg18 : memref<!tpu.dma_semaphore, #tpu.memory_space<semaphore_mem>>) src(%dma_wait3A_141 : memref<10240x64xbf16, #tpu.memory_space<hbm>>) dst(%arg13 : memref<128x64xbf16, #tpu.memory_space<vmem>>)
      %ge3A = arith.constant 2 : i32
      %ge3A_142 = arith.cmpi sge, %mul3A_103, %ge3A : i32
      %convert_element_type3A = arith.extui %ge3A_142 : i1 to i32
      %cond3A = arith.constant 0 : i32
      %cond3A_143 = arith.cmpi ne, %convert_element_type3A, %cond3A : i32
      scf.if %cond3A_143 {
        %sub3A_217 = arith.constant 2 : i32
        %sub3A_218 = arith.subi %mul3A_103, %sub3A_217 : i32
        %dma_wait3A_219 = arith.constant 0 : i32
        %dma_wait3A_220 = tpu.memref_slice %arg8[%sub3A_218, %dma_wait3A_219] : memref<100x128xi32, #tpu.memory_space<vmem>> -> memref<1x128xi32, #tpu.memory_space<vmem>>
        %dma_wait3A_221 = tpu.memref_squeeze %dma_wait3A_220 : memref<1x128xi32, #tpu.memory_space<vmem>> -> memref<128xi32, #tpu.memory_space<vmem>>
        %dma_wait3A_222 = arith.constant 0 : i32
        %dma_wait3A_223 = arith.constant 0 : i32
        %dma_wait3A_224 = tpu.memref_slice %arg17[%dma_wait3A_222, %dma_wait3A_223] : memref<10240x48xf32, #tpu.memory_space<vmem_shared>> -> memref<10240x48xf32, #tpu.memory_space<vmem_shared>>
        tpu.wait_indirect_dma semaphore(%arg20 : memref<!tpu.dma_semaphore, #tpu.memory_space<semaphore_mem>>) src(%arg15 : memref<128x48xf32, #tpu.memory_space<vmem>>) dst(%dma_wait3A_224 : memref<10240x48xf32, #tpu.memory_space<vmem_shared>>)
      } else {
      }
      %parallel_loop3A_144 = arith.constant 0 : i32
      %parallel_loop3A_145 = arith.constant 128 : i32
      %parallel_loop3A_146 = arith.constant 1 : i32
      scf.for %parallel_loop3A_217 = %parallel_loop3A_144 to %parallel_loop3A_145 step %parallel_loop3A_146  : i32 {
        %parallel_loop3A_218 = tpu.iota {dimensions = array<i32: 0>} : vector<16xi32>
        %parallel_loop3A_219 = arith.constant 7 : i32
        %parallel_loop3A_220 = vector.broadcast %parallel_loop3A_219 : i32 to vector<16xi32>
        %parallel_loop3A_221 = arith.andi %parallel_loop3A_218, %parallel_loop3A_220 : vector<16xi32>
        %parallel_loop3A_222 = arith.constant 8 : i32
        %parallel_loop3A_223 = vector.broadcast %parallel_loop3A_222 : i32 to vector<16xi32>
        %parallel_loop3A_224 = arith.addi %parallel_loop3A_221, %parallel_loop3A_223 : vector<16xi32>
        %parallel_loop3A_225 = arith.index_cast %parallel_loop3A_217 : i32 to index
        %parallel_loop3A_226 = arith.constant 0 : index
        %parallel_loop3A_227 = tpu.vector_load %arg9[%parallel_loop3A_225, %parallel_loop3A_226] {strides = array<i32>} : memref<128x16xf32, #tpu.memory_space<vmem>>, vector<16xf32>,
        %parallel_loop3A_228 = arith.index_cast %parallel_loop3A_217 : i32 to index
        %parallel_loop3A_229 = arith.constant 0 : index
        %parallel_loop3A_230 = tpu.vector_load %arg11[%parallel_loop3A_228, %parallel_loop3A_229] {strides = array<i32>} : memref<128x16xf32, #tpu.memory_space<vmem>>, vector<16xf32>,
        %parallel_loop3A_231 = arith.constant 0 : i32
        %parallel_loop3A_232 = vector.broadcast %parallel_loop3A_231 : i32 to vector<16xi32>
        %parallel_loop3A_233 = arith.cmpi slt, %parallel_loop3A_224, %parallel_loop3A_232 : vector<16xi32>
        %parallel_loop3A_234 = arith.constant 16 : i32
        %parallel_loop3A_235 = vector.broadcast %parallel_loop3A_234 : i32 to vector<16xi32>
        %parallel_loop3A_236 = arith.addi %parallel_loop3A_224, %parallel_loop3A_235 : vector<16xi32>
        %parallel_loop3A_237 = arith.select %parallel_loop3A_233, %parallel_loop3A_236, %parallel_loop3A_224 : vector<16xi1>, vector<16xi32>
        %parallel_loop3A_238 = vector.shape_cast %parallel_loop3A_237 : vector<16xi32> to vector<16x1xi32>
        %parallel_loop3A_239 = vector.shape_cast %parallel_loop3A_238 : vector<16x1xi32> to vector<16xi32>
        %parallel_loop3A_240 = tpu.dynamic_gather %parallel_loop3A_230[%parallel_loop3A_239] in [0] : vector<16xf32>, vector<16xi32> -> vector<16xf32>
        %parallel_loop3A_241 = arith.addf %parallel_loop3A_227, %parallel_loop3A_240 : vector<16xf32>
        %parallel_loop3A_242 = arith.constant 0.000000e+00 : f32
        %parallel_loop3A_243 = vector.broadcast %parallel_loop3A_242 : f32 to vector<16xf32>
        %parallel_loop3A_244 = arith.cmpf ogt, %parallel_loop3A_241, %parallel_loop3A_243 : vector<16xf32>
        %parallel_loop3A_245 = arith.constant 2.000000e-01 : f32
        %parallel_loop3A_246 = vector.broadcast %parallel_loop3A_245 : f32 to vector<16xf32>
        %parallel_loop3A_247 = arith.mulf %parallel_loop3A_246, %parallel_loop3A_241 : vector<16xf32>
        %parallel_loop3A_248 = arith.select %parallel_loop3A_244, %parallel_loop3A_241, %parallel_loop3A_247 : vector<16xi1>, vector<16xf32>
        %parallel_loop3A_249 = math.exp %parallel_loop3A_248 : vector<16xf32>
        %parallel_loop3A_250 = arith.constant 0 : i32
        %parallel_loop3A_251 = vector.broadcast %parallel_loop3A_250 : i32 to vector<16xi32>
        %parallel_loop3A_252 = arith.muli %parallel_loop3A_218, %parallel_loop3A_251 : vector<16xi32>
        %parallel_loop3A_253 = arith.constant 0 : i32
        %parallel_loop3A_254 = vector.broadcast %parallel_loop3A_253 : i32 to vector<16xi32>
        %parallel_loop3A_255 = arith.cmpi slt, %parallel_loop3A_252, %parallel_loop3A_254 : vector<16xi32>
        %parallel_loop3A_256 = arith.constant 16 : i32
        %parallel_loop3A_257 = vector.broadcast %parallel_loop3A_256 : i32 to vector<16xi32>
        %parallel_loop3A_258 = arith.addi %parallel_loop3A_252, %parallel_loop3A_257 : vector<16xi32>
        %parallel_loop3A_259 = arith.select %parallel_loop3A_255, %parallel_loop3A_258, %parallel_loop3A_252 : vector<16xi1>, vector<16xi32>
        %parallel_loop3A_260 = vector.shape_cast %parallel_loop3A_259 : vector<16xi32> to vector<16x1xi32>
        %parallel_loop3A_261 = vector.shape_cast %parallel_loop3A_260 : vector<16x1xi32> to vector<16xi32>
        %parallel_loop3A_262 = tpu.dynamic_gather %parallel_loop3A_249[%parallel_loop3A_261] in [0] : vector<16xf32>, vector<16xi32> -> vector<16xf32>
        %parallel_loop3A_263 = arith.index_cast %parallel_loop3A_217 : i32 to index
        %parallel_loop3A_264 = arith.constant 0 : index
        %parallel_loop3A_265 = tpu.vector_load %arg13[%parallel_loop3A_263, %parallel_loop3A_264] {strides = array<i32>} : memref<128x64xbf16, #tpu.memory_space<vmem>>, vector<32xbf16>,
        %parallel_loop3A_266 = tpu.unpack_subelements %parallel_loop3A_265, 0 {pack_format = #tpu.pack_format<interleaved>} : vector<32xbf16> -> vector<16xf32>
        %parallel_loop3A_267 = tpu.unpack_subelements %parallel_loop3A_265, 1 {pack_format = #tpu.pack_format<interleaved>} : vector<32xbf16> -> vector<16xf32>
        %parallel_loop3A_268 = arith.index_cast %parallel_loop3A_217 : i32 to index
        %parallel_loop3A_269 = arith.constant 32 : index
        %parallel_loop3A_270 = tpu.vector_load %arg13[%parallel_loop3A_268, %parallel_loop3A_269] {strides = array<i32>} : memref<128x64xbf16, #tpu.memory_space<vmem>>, vector<32xbf16>,
        %parallel_loop3A_271 = tpu.unpack_subelements %parallel_loop3A_270, 0 {pack_format = #tpu.pack_format<interleaved>} : vector<32xbf16> -> vector<16xf32>
        %parallel_loop3A_272 = tpu.unpack_subelements %parallel_loop3A_270, 1 {pack_format = #tpu.pack_format<interleaved>} : vector<32xbf16> -> vector<16xf32>
        %parallel_loop3A_273 = arith.mulf %parallel_loop3A_266, %parallel_loop3A_262 : vector<16xf32>
        %parallel_loop3A_274 = arith.index_cast %parallel_loop3A_217 : i32 to index
        %parallel_loop3A_275 = arith.constant 0 : index
        %parallel_loop3A_276 = tpu.vector_load %arg15[%parallel_loop3A_274, %parallel_loop3A_275] {strides = array<i32>} : memref<128x48xf32, #tpu.memory_space<vmem>>, vector<16xf32>,
        tpu.vector_store %arg15[%parallel_loop3A_274, %parallel_loop3A_275], %parallel_loop3A_273 {strides = array<i32>} : memref<128x48xf32, #tpu.memory_space<vmem>>, vector<16xf32>,
        %parallel_loop3A_277 = arith.mulf %parallel_loop3A_267, %parallel_loop3A_262 : vector<16xf32>
        %parallel_loop3A_278 = arith.index_cast %parallel_loop3A_217 : i32 to index
        %parallel_loop3A_279 = arith.constant 16 : index
        %parallel_loop3A_280 = tpu.vector_load %arg15[%parallel_loop3A_278, %parallel_loop3A_279] {strides = array<i32>} : memref<128x48xf32, #tpu.memory_space<vmem>>, vector<16xf32>,
        tpu.vector_store %arg15[%parallel_loop3A_278, %parallel_loop3A_279], %parallel_loop3A_277 {strides = array<i32>} : memref<128x48xf32, #tpu.memory_space<vmem>>, vector<16xf32>,
        %parallel_loop3A_281 = arith.mulf %parallel_loop3A_271, %parallel_loop3A_262 : vector<16xf32>
        %parallel_loop3A_282 = arith.constant 8 : i32
        %parallel_loop3A_283 = vector.broadcast %parallel_loop3A_282 : i32 to vector<16xi32>
        %parallel_loop3A_284 = arith.cmpi eq, %parallel_loop3A_218, %parallel_loop3A_283 : vector<16xi32>
        %parallel_loop3A_285 = arith.constant 0.000000e+00 : f32
        %parallel_loop3A_286 = vector.broadcast %parallel_loop3A_285 : f32 to vector<16xf32>
        %parallel_loop3A_287 = arith.select %parallel_loop3A_284, %parallel_loop3A_262, %parallel_loop3A_286 : vector<16xi1>, vector<16xf32>
        %parallel_loop3A_288 = arith.addf %parallel_loop3A_281, %parallel_loop3A_287 : vector<16xf32>
        %parallel_loop3A_289 = arith.index_cast %parallel_loop3A_217 : i32 to index
        %parallel_loop3A_290 = arith.constant 32 : index
        %parallel_loop3A_291 = tpu.vector_load %arg15[%parallel_loop3A_289, %parallel_loop3A_290] {strides = array<i32>} : memref<128x48xf32, #tpu.memory_space<vmem>>, vector<16xf32>,
        tpu.vector_store %arg15[%parallel_loop3A_289, %parallel_loop3A_290], %parallel_loop3A_288 {strides = array<i32>} : memref<128x48xf32, #tpu.memory_space<vmem>>, vector<16xf32>,
      } {sc.loop_unroll_factor = 4 : i64, sc.parallel_access}
      %dma_start3A_147 = arith.constant 0 : i32
      %dma_start3A_148 = tpu.memref_slice %arg8[%mul3A_103, %dma_start3A_147] : memref<100x128xi32, #tpu.memory_space<vmem>> -> memref<1x128xi32, #tpu.memory_space<vmem>>
      %dma_start3A_149 = tpu.memref_squeeze %dma_start3A_148 : memref<1x128xi32, #tpu.memory_space<vmem>> -> memref<128xi32, #tpu.memory_space<vmem>>
      %dma_start3A_150 = arith.constant 0 : i32
      %dma_start3A_151 = arith.constant 0 : i32
      %dma_start3A_152 = tpu.memref_slice %arg17[%dma_start3A_150, %dma_start3A_151] : memref<10240x48xf32, #tpu.memory_space<vmem_shared>> -> memref<10240x48xf32, #tpu.memory_space<vmem_shared>>
      tpu.enqueue_indirect_dma source(%arg15 : memref<128x48xf32, #tpu.memory_space<vmem>>) target(%dma_start3A_152 : memref<10240x48xf32, #tpu.memory_space<vmem_shared>>) offsets(%dma_start3A_149 : memref<128xi32, #tpu.memory_space<vmem>>) semaphore(%arg20 : memref<!tpu.dma_semaphore, #tpu.memory_space<semaphore_mem>>) {add = true}
      %add3A_153 = arith.constant 1 : i32
      %add3A_154 = arith.addi %while3A_100, %add3A_153 : i32
      %jit3A_155 = arith.constant 2 : i32
      %div3A_156 = arith.divsi %select_n3A_8, %jit3A_155 : i32
      %sign3A_157 = arith.constant 0 : i32
      %sign3A_158 = arith.cmpi sgt, %select_n3A_8, %sign3A_157 : i32
      %sign3A_159 = arith.extui %sign3A_158 : i1 to i32
      %sign3A_160 = arith.constant 0 : i32
      %sign3A_161 = arith.cmpi slt, %select_n3A_8, %sign3A_160 : i32
      %sign3A_162 = arith.extui %sign3A_161 : i1 to i32
      %sign3A_163 = arith.subi %sign3A_159, %sign3A_162 : i32
      %sign3A_164 = arith.constant 0 : i32
      %sign3A_165 = arith.cmpi sgt, %jit3A_155, %sign3A_164 : i32
      %sign3A_166 = arith.extui %sign3A_165 : i1 to i32
      %sign3A_167 = arith.constant 0 : i32
      %sign3A_168 = arith.cmpi slt, %jit3A_155, %sign3A_167 : i32
      %sign3A_169 = arith.extui %sign3A_168 : i1 to i32
      %sign3A_170 = arith.subi %sign3A_166, %sign3A_169 : i32
      %ne3A_171 = arith.cmpi ne, %sign3A_163, %sign3A_170 : i32
      %rem3A_172 = arith.remsi %select_n3A_8, %jit3A_155 : i32
      %ne3A_173 = arith.constant 0 : i32
      %ne3A_174 = arith.cmpi ne, %rem3A_172, %ne3A_173 : i32
      %and3A_175 = arith.andi %ne3A_171, %ne3A_174 : i1
      %sub3A_176 = arith.constant 1 : i32
      %sub3A_177 = arith.subi %div3A_156, %sub3A_176 : i32
      %select_n3A_178 = arith.select %and3A_175, %sub3A_177, %div3A_156 : i32
      %lt3A = arith.cmpi slt, %add3A_154, %select_n3A_178 : i32
      %convert_element_type3A_179 = arith.extui %lt3A : i1 to i32
      %cond3A_180 = arith.constant 0 : i32
      %cond3A_181 = arith.cmpi ne, %convert_element_type3A_179, %cond3A_180 : i32
      scf.if %cond3A_181 {
        %add3A_217 = arith.constant 2 : i32
        %add3A_218 = arith.addi %mul3A_103, %add3A_217 : i32
        %dma_start3A_219 = arith.constant 0 : i32
        %dma_start3A_220 = tpu.memref_slice %arg7[%add3A_218, %dma_start3A_219] : memref<100x128xi32, #tpu.memory_space<vmem>> -> memref<1x128xi32, #tpu.memory_space<vmem>>
        %dma_start3A_221 = tpu.memref_squeeze %dma_start3A_220 : memref<1x128xi32, #tpu.memory_space<vmem>> -> memref<128xi32, #tpu.memory_space<vmem>>
        %dma_start3A_222 = arith.constant 0 : i32
        %dma_start3A_223 = arith.constant 0 : i32
        %dma_start3A_224 = tpu.memref_slice %arg4[%dma_start3A_222, %dma_start3A_223] : memref<10240x16xf32, #tpu.memory_space<hbm>> -> memref<10240x16xf32, #tpu.memory_space<hbm>>
        tpu.enqueue_indirect_dma source(%dma_start3A_224 : memref<10240x16xf32, #tpu.memory_space<hbm>>) target(%arg9 : memref<128x16xf32, #tpu.memory_space<vmem>>) offsets(%dma_start3A_221 : memref<128xi32, #tpu.memory_space<vmem>>) semaphore(%arg18 : memref<!tpu.dma_semaphore, #tpu.memory_space<semaphore_mem>>)
        %dma_start3A_225 = arith.constant 0 : i32
        %dma_start3A_226 = tpu.memref_slice %arg8[%add3A_218, %dma_start3A_225] : memref<100x128xi32, #tpu.memory_space<vmem>> -> memref<1x128xi32, #tpu.memory_space<vmem>>
        %dma_start3A_227 = tpu.memref_squeeze %dma_start3A_226 : memref<1x128xi32, #tpu.memory_space<vmem>> -> memref<128xi32, #tpu.memory_space<vmem>>
        %dma_start3A_228 = arith.constant 0 : i32
        %dma_start3A_229 = arith.constant 0 : i32
        %dma_start3A_230 = tpu.memref_slice %arg4[%dma_start3A_228, %dma_start3A_229] : memref<10240x16xf32, #tpu.memory_space<hbm>> -> memref<10240x16xf32, #tpu.memory_space<hbm>>
        tpu.enqueue_indirect_dma source(%dma_start3A_230 : memref<10240x16xf32, #tpu.memory_space<hbm>>) target(%arg11 : memref<128x16xf32, #tpu.memory_space<vmem>>) offsets(%dma_start3A_227 : memref<128xi32, #tpu.memory_space<vmem>>) semaphore(%arg18 : memref<!tpu.dma_semaphore, #tpu.memory_space<semaphore_mem>>)
        %dma_start3A_231 = arith.constant 0 : i32
        %dma_start3A_232 = tpu.memref_slice %arg7[%add3A_218, %dma_start3A_231] : memref<100x128xi32, #tpu.memory_space<vmem>> -> memref<1x128xi32, #tpu.memory_space<vmem>>
        %dma_start3A_233 = tpu.memref_squeeze %dma_start3A_232 : memref<1x128xi32, #tpu.memory_space<vmem>> -> memref<128xi32, #tpu.memory_space<vmem>>
        %dma_start3A_234 = arith.constant 0 : i32
        %dma_start3A_235 = arith.constant 0 : i32
        %dma_start3A_236 = tpu.memref_slice %arg5[%dma_start3A_234, %dma_start3A_235] : memref<10240x64xbf16, #tpu.memory_space<hbm>> -> memref<10240x64xbf16, #tpu.memory_space<hbm>>
        tpu.enqueue_indirect_dma source(%dma_start3A_236 : memref<10240x64xbf16, #tpu.memory_space<hbm>>) target(%arg13 : memref<128x64xbf16, #tpu.memory_space<vmem>>) offsets(%dma_start3A_233 : memref<128xi32, #tpu.memory_space<vmem>>) semaphore(%arg18 : memref<!tpu.dma_semaphore, #tpu.memory_space<semaphore_mem>>)
      } else {
      }
      %add3A_182 = arith.constant 1 : i32
      %add3A_183 = arith.addi %mul3A_103, %add3A_182 : i32
      %dma_wait3A_184 = arith.constant 0 : i32
      %dma_wait3A_185 = tpu.memref_slice %arg7[%add3A_183, %dma_wait3A_184] : memref<100x128xi32, #tpu.memory_space<vmem>> -> memref<1x128xi32, #tpu.memory_space<vmem>>
      %dma_wait3A_186 = tpu.memref_squeeze %dma_wait3A_185 : memref<1x128xi32, #tpu.memory_space<vmem>> -> memref<128xi32, #tpu.memory_space<vmem>>
      %dma_wait3A_187 = arith.constant 0 : i32
      %dma_wait3A_188 = arith.constant 0 : i32
      %dma_wait3A_189 = tpu.memref_slice %arg4[%dma_wait3A_187, %dma_wait3A_188] : memref<10240x16xf32, #tpu.memory_space<hbm>> -> memref<10240x16xf32, #tpu.memory_space<hbm>>
      tpu.wait_indirect_dma semaphore(%arg19 : memref<!tpu.dma_semaphore, #tpu.memory_space<semaphore_mem>>) src(%dma_wait3A_189 : memref<10240x16xf32, #tpu.memory_space<hbm>>) dst(%arg10 : memref<128x16xf32, #tpu.memory_space<vmem>>)
      %dma_wait3A_190 = arith.constant 0 : i32
      %dma_wait3A_191 = tpu.memref_slice %arg8[%add3A_183, %dma_wait3A_190] : memref<100x128xi32, #tpu.memory_space<vmem>> -> memref<1x128xi32, #tpu.memory_space<vmem>>
      %dma_wait3A_192 = tpu.memref_squeeze %dma_wait3A_191 : memref<1x128xi32, #tpu.memory_space<vmem>> -> memref<128xi32, #tpu.memory_space<vmem>>
      %dma_wait3A_193 = arith.constant 0 : i32
      %dma_wait3A_194 = arith.constant 0 : i32
      %dma_wait3A_195 = tpu.memref_slice %arg4[%dma_wait3A_193, %dma_wait3A_194] : memref<10240x16xf32, #tpu.memory_space<hbm>> -> memref<10240x16xf32, #tpu.memory_space<hbm>>
      tpu.wait_indirect_dma semaphore(%arg19 : memref<!tpu.dma_semaphore, #tpu.memory_space<semaphore_mem>>) src(%dma_wait3A_195 : memref<10240x16xf32, #tpu.memory_space<hbm>>) dst(%arg12 : memref<128x16xf32, #tpu.memory_space<vmem>>)
      %dma_wait3A_196 = arith.constant 0 : i32
      %dma_wait3A_197 = tpu.memref_slice %arg7[%add3A_183, %dma_wait3A_196] : memref<100x128xi32, #tpu.memory_space<vmem>> -> memref<1x128xi32, #tpu.memory_space<vmem>>
      %dma_wait3A_198 = tpu.memref_squeeze %dma_wait3A_197 : memref<1x128xi32, #tpu.memory_space<vmem>> -> memref<128xi32, #tpu.memory_space<vmem>>
      %dma_wait3A_199 = arith.constant 0 : i32
      %dma_wait3A_200 = arith.constant 0 : i32
      %dma_wait3A_201 = tpu.memref_slice %arg5[%dma_wait3A_199, %dma_wait3A_200] : memref<10240x64xbf16, #tpu.memory_space<hbm>> -> memref<10240x64xbf16, #tpu.memory_space<hbm>>
      tpu.wait_indirect_dma semaphore(%arg19 : memref<!tpu.dma_semaphore, #tpu.memory_space<semaphore_mem>>) src(%dma_wait3A_201 : memref<10240x64xbf16, #tpu.memory_space<hbm>>) dst(%arg14 : memref<128x64xbf16, #tpu.memory_space<vmem>>)
      %ge3A_202 = arith.constant 2 : i32
      %ge3A_203 = arith.cmpi sge, %add3A_183, %ge3A_202 : i32
      %convert_element_type3A_204 = arith.extui %ge3A_203 : i1 to i32
      %cond3A_205 = arith.constant 0 : i32
      %cond3A_206 = arith.cmpi ne, %convert_element_type3A_204, %cond3A_205 : i32
      scf.if %cond3A_206 {
        %sub3A_217 = arith.constant 2 : i32
        %sub3A_218 = arith.subi %add3A_183, %sub3A_217 : i32
        %dma_wait3A_219 = arith.constant 0 : i32
        %dma_wait3A_220 = tpu.memref_slice %arg8[%sub3A_218, %dma_wait3A_219] : memref<100x128xi32, #tpu.memory_space<vmem>> -> memref<1x128xi32, #tpu.memory_space<vmem>>
        %dma_wait3A_221 = tpu.memref_squeeze %dma_wait3A_220 : memref<1x128xi32, #tpu.memory_space<vmem>> -> memref<128xi32, #tpu.memory_space<vmem>>
        %dma_wait3A_222 = arith.constant 0 : i32
        %dma_wait3A_223 = arith.constant 0 : i32
        %dma_wait3A_224 = tpu.memref_slice %arg17[%dma_wait3A_222, %dma_wait3A_223] : memref<10240x48xf32, #tpu.memory_space<vmem_shared>> -> memref<10240x48xf32, #tpu.memory_space<vmem_shared>>
        tpu.wait_indirect_dma semaphore(%arg21 : memref<!tpu.dma_semaphore, #tpu.memory_space<semaphore_mem>>) src(%arg16 : memref<128x48xf32, #tpu.memory_space<vmem>>) dst(%dma_wait3A_224 : memref<10240x48xf32, #tpu.memory_space<vmem_shared>>)
      } else {
      }
      %parallel_loop3A_207 = arith.constant 0 : i32
      %parallel_loop3A_208 = arith.constant 128 : i32
      %parallel_loop3A_209 = arith.constant 1 : i32
      scf.for %parallel_loop3A_217 = %parallel_loop3A_207 to %parallel_loop3A_208 step %parallel_loop3A_209  : i32 {
        %parallel_loop3A_218 = tpu.iota {dimensions = array<i32: 0>} : vector<16xi32>
        %parallel_loop3A_219 = arith.constant 7 : i32
        %parallel_loop3A_220 = vector.broadcast %parallel_loop3A_219 : i32 to vector<16xi32>
        %parallel_loop3A_221 = arith.andi %parallel_loop3A_218, %parallel_loop3A_220 : vector<16xi32>
        %parallel_loop3A_222 = arith.constant 8 : i32
        %parallel_loop3A_223 = vector.broadcast %parallel_loop3A_222 : i32 to vector<16xi32>
        %parallel_loop3A_224 = arith.addi %parallel_loop3A_221, %parallel_loop3A_223 : vector<16xi32>
        %parallel_loop3A_225 = arith.index_cast %parallel_loop3A_217 : i32 to index
        %parallel_loop3A_226 = arith.constant 0 : index
        %parallel_loop3A_227 = tpu.vector_load %arg10[%parallel_loop3A_225, %parallel_loop3A_226] {strides = array<i32>} : memref<128x16xf32, #tpu.memory_space<vmem>>, vector<16xf32>,
        %parallel_loop3A_228 = arith.index_cast %parallel_loop3A_217 : i32 to index
        %parallel_loop3A_229 = arith.constant 0 : index
        %parallel_loop3A_230 = tpu.vector_load %arg12[%parallel_loop3A_228, %parallel_loop3A_229] {strides = array<i32>} : memref<128x16xf32, #tpu.memory_space<vmem>>, vector<16xf32>,
        %parallel_loop3A_231 = arith.constant 0 : i32
        %parallel_loop3A_232 = vector.broadcast %parallel_loop3A_231 : i32 to vector<16xi32>
        %parallel_loop3A_233 = arith.cmpi slt, %parallel_loop3A_224, %parallel_loop3A_232 : vector<16xi32>
        %parallel_loop3A_234 = arith.constant 16 : i32
        %parallel_loop3A_235 = vector.broadcast %parallel_loop3A_234 : i32 to vector<16xi32>
        %parallel_loop3A_236 = arith.addi %parallel_loop3A_224, %parallel_loop3A_235 : vector<16xi32>
        %parallel_loop3A_237 = arith.select %parallel_loop3A_233, %parallel_loop3A_236, %parallel_loop3A_224 : vector<16xi1>, vector<16xi32>
        %parallel_loop3A_238 = vector.shape_cast %parallel_loop3A_237 : vector<16xi32> to vector<16x1xi32>
        %parallel_loop3A_239 = vector.shape_cast %parallel_loop3A_238 : vector<16x1xi32> to vector<16xi32>
        %parallel_loop3A_240 = tpu.dynamic_gather %parallel_loop3A_230[%parallel_loop3A_239] in [0] : vector<16xf32>, vector<16xi32> -> vector<16xf32>
        %parallel_loop3A_241 = arith.addf %parallel_loop3A_227, %parallel_loop3A_240 : vector<16xf32>
        %parallel_loop3A_242 = arith.constant 0.000000e+00 : f32
        %parallel_loop3A_243 = vector.broadcast %parallel_loop3A_242 : f32 to vector<16xf32>
        %parallel_loop3A_244 = arith.cmpf ogt, %parallel_loop3A_241, %parallel_loop3A_243 : vector<16xf32>
        %parallel_loop3A_245 = arith.constant 2.000000e-01 : f32
        %parallel_loop3A_246 = vector.broadcast %parallel_loop3A_245 : f32 to vector<16xf32>
        %parallel_loop3A_247 = arith.mulf %parallel_loop3A_246, %parallel_loop3A_241 : vector<16xf32>
        %parallel_loop3A_248 = arith.select %parallel_loop3A_244, %parallel_loop3A_241, %parallel_loop3A_247 : vector<16xi1>, vector<16xf32>
        %parallel_loop3A_249 = math.exp %parallel_loop3A_248 : vector<16xf32>
        %parallel_loop3A_250 = arith.constant 0 : i32
        %parallel_loop3A_251 = vector.broadcast %parallel_loop3A_250 : i32 to vector<16xi32>
        %parallel_loop3A_252 = arith.muli %parallel_loop3A_218, %parallel_loop3A_251 : vector<16xi32>
        %parallel_loop3A_253 = arith.constant 0 : i32
        %parallel_loop3A_254 = vector.broadcast %parallel_loop3A_253 : i32 to vector<16xi32>
        %parallel_loop3A_255 = arith.cmpi slt, %parallel_loop3A_252, %parallel_loop3A_254 : vector<16xi32>
        %parallel_loop3A_256 = arith.constant 16 : i32
        %parallel_loop3A_257 = vector.broadcast %parallel_loop3A_256 : i32 to vector<16xi32>
        %parallel_loop3A_258 = arith.addi %parallel_loop3A_252, %parallel_loop3A_257 : vector<16xi32>
        %parallel_loop3A_259 = arith.select %parallel_loop3A_255, %parallel_loop3A_258, %parallel_loop3A_252 : vector<16xi1>, vector<16xi32>
        %parallel_loop3A_260 = vector.shape_cast %parallel_loop3A_259 : vector<16xi32> to vector<16x1xi32>
        %parallel_loop3A_261 = vector.shape_cast %parallel_loop3A_260 : vector<16x1xi32> to vector<16xi32>
        %parallel_loop3A_262 = tpu.dynamic_gather %parallel_loop3A_249[%parallel_loop3A_261] in [0] : vector<16xf32>, vector<16xi32> -> vector<16xf32>
        %parallel_loop3A_263 = arith.index_cast %parallel_loop3A_217 : i32 to index
        %parallel_loop3A_264 = arith.constant 0 : index
        %parallel_loop3A_265 = tpu.vector_load %arg14[%parallel_loop3A_263, %parallel_loop3A_264] {strides = array<i32>} : memref<128x64xbf16, #tpu.memory_space<vmem>>, vector<32xbf16>,
        %parallel_loop3A_266 = tpu.unpack_subelements %parallel_loop3A_265, 0 {pack_format = #tpu.pack_format<interleaved>} : vector<32xbf16> -> vector<16xf32>
        %parallel_loop3A_267 = tpu.unpack_subelements %parallel_loop3A_265, 1 {pack_format = #tpu.pack_format<interleaved>} : vector<32xbf16> -> vector<16xf32>
        %parallel_loop3A_268 = arith.index_cast %parallel_loop3A_217 : i32 to index
        %parallel_loop3A_269 = arith.constant 32 : index
        %parallel_loop3A_270 = tpu.vector_load %arg14[%parallel_loop3A_268, %parallel_loop3A_269] {strides = array<i32>} : memref<128x64xbf16, #tpu.memory_space<vmem>>, vector<32xbf16>,
        %parallel_loop3A_271 = tpu.unpack_subelements %parallel_loop3A_270, 0 {pack_format = #tpu.pack_format<interleaved>} : vector<32xbf16> -> vector<16xf32>
        %parallel_loop3A_272 = tpu.unpack_subelements %parallel_loop3A_270, 1 {pack_format = #tpu.pack_format<interleaved>} : vector<32xbf16> -> vector<16xf32>
        %parallel_loop3A_273 = arith.mulf %parallel_loop3A_266, %parallel_loop3A_262 : vector<16xf32>
        %parallel_loop3A_274 = arith.index_cast %parallel_loop3A_217 : i32 to index
        %parallel_loop3A_275 = arith.constant 0 : index
        %parallel_loop3A_276 = tpu.vector_load %arg16[%parallel_loop3A_274, %parallel_loop3A_275] {strides = array<i32>} : memref<128x48xf32, #tpu.memory_space<vmem>>, vector<16xf32>,
        tpu.vector_store %arg16[%parallel_loop3A_274, %parallel_loop3A_275], %parallel_loop3A_273 {strides = array<i32>} : memref<128x48xf32, #tpu.memory_space<vmem>>, vector<16xf32>,
        %parallel_loop3A_277 = arith.mulf %parallel_loop3A_267, %parallel_loop3A_262 : vector<16xf32>
        %parallel_loop3A_278 = arith.index_cast %parallel_loop3A_217 : i32 to index
        %parallel_loop3A_279 = arith.constant 16 : index
        %parallel_loop3A_280 = tpu.vector_load %arg16[%parallel_loop3A_278, %parallel_loop3A_279] {strides = array<i32>} : memref<128x48xf32, #tpu.memory_space<vmem>>, vector<16xf32>,
        tpu.vector_store %arg16[%parallel_loop3A_278, %parallel_loop3A_279], %parallel_loop3A_277 {strides = array<i32>} : memref<128x48xf32, #tpu.memory_space<vmem>>, vector<16xf32>,
        %parallel_loop3A_281 = arith.mulf %parallel_loop3A_271, %parallel_loop3A_262 : vector<16xf32>
        %parallel_loop3A_282 = arith.constant 8 : i32
        %parallel_loop3A_283 = vector.broadcast %parallel_loop3A_282 : i32 to vector<16xi32>
        %parallel_loop3A_284 = arith.cmpi eq, %parallel_loop3A_218, %parallel_loop3A_283 : vector<16xi32>
        %parallel_loop3A_285 = arith.constant 0.000000e+00 : f32
        %parallel_loop3A_286 = vector.broadcast %parallel_loop3A_285 : f32 to vector<16xf32>
        %parallel_loop3A_287 = arith.select %parallel_loop3A_284, %parallel_loop3A_262, %parallel_loop3A_286 : vector<16xi1>, vector<16xf32>
        %parallel_loop3A_288 = arith.addf %parallel_loop3A_281, %parallel_loop3A_287 : vector<16xf32>
        %parallel_loop3A_289 = arith.index_cast %parallel_loop3A_217 : i32 to index
        %parallel_loop3A_290 = arith.constant 32 : index
        %parallel_loop3A_291 = tpu.vector_load %arg16[%parallel_loop3A_289, %parallel_loop3A_290] {strides = array<i32>} : memref<128x48xf32, #tpu.memory_space<vmem>>, vector<16xf32>,
        tpu.vector_store %arg16[%parallel_loop3A_289, %parallel_loop3A_290], %parallel_loop3A_288 {strides = array<i32>} : memref<128x48xf32, #tpu.memory_space<vmem>>, vector<16xf32>,
      } {sc.loop_unroll_factor = 4 : i64, sc.parallel_access}
      %dma_start3A_210 = arith.constant 0 : i32
      %dma_start3A_211 = tpu.memref_slice %arg8[%add3A_183, %dma_start3A_210] : memref<100x128xi32, #tpu.memory_space<vmem>> -> memref<1x128xi32, #tpu.memory_space<vmem>>
      %dma_start3A_212 = tpu.memref_squeeze %dma_start3A_211 : memref<1x128xi32, #tpu.memory_space<vmem>> -> memref<128xi32, #tpu.memory_space<vmem>>
      %dma_start3A_213 = arith.constant 0 : i32
      %dma_start3A_214 = arith.constant 0 : i32
      %dma_start3A_215 = tpu.memref_slice %arg17[%dma_start3A_213, %dma_start3A_214] : memref<10240x48xf32, #tpu.memory_space<vmem_shared>> -> memref<10240x48xf32, #tpu.memory_space<vmem_shared>>
      tpu.enqueue_indirect_dma source(%arg16 : memref<128x48xf32, #tpu.memory_space<vmem>>) target(%dma_start3A_215 : memref<10240x48xf32, #tpu.memory_space<vmem_shared>>) offsets(%dma_start3A_212 : memref<128xi32, #tpu.memory_space<vmem>>) semaphore(%arg21 : memref<!tpu.dma_semaphore, #tpu.memory_space<semaphore_mem>>) {add = true}
      %while3A_216 = arith.constant 0 : i32
      scf.yield %while3A_216 : i32
    }
    %sub3A_80 = arith.constant 2 : i32
    %sub3A_81 = arith.subi %select_n3A_8, %sub3A_80 : i32
    %dma_wait3A = arith.constant 0 : i32
    %dma_wait3A_82 = tpu.memref_slice %arg8[%sub3A_81, %dma_wait3A] : memref<100x128xi32, #tpu.memory_space<vmem>> -> memref<1x128xi32, #tpu.memory_space<vmem>>
    %dma_wait3A_83 = tpu.memref_squeeze %dma_wait3A_82 : memref<1x128xi32, #tpu.memory_space<vmem>> -> memref<128xi32, #tpu.memory_space<vmem>>
    %dma_wait3A_84 = arith.constant 0 : i32
    %dma_wait3A_85 = arith.constant 0 : i32
    %dma_wait3A_86 = tpu.memref_slice %arg17[%dma_wait3A_84, %dma_wait3A_85] : memref<10240x48xf32, #tpu.memory_space<vmem_shared>> -> memref<10240x48xf32, #tpu.memory_space<vmem_shared>>
    tpu.wait_indirect_dma semaphore(%arg20 : memref<!tpu.dma_semaphore, #tpu.memory_space<semaphore_mem>>) src(%arg15 : memref<128x48xf32, #tpu.memory_space<vmem>>) dst(%dma_wait3A_86 : memref<10240x48xf32, #tpu.memory_space<vmem_shared>>)
    %sub3A_87 = arith.constant 1 : i32
    %sub3A_88 = arith.subi %select_n3A_8, %sub3A_87 : i32
    %dma_wait3A_89 = arith.constant 0 : i32
    %dma_wait3A_90 = tpu.memref_slice %arg8[%sub3A_88, %dma_wait3A_89] : memref<100x128xi32, #tpu.memory_space<vmem>> -> memref<1x128xi32, #tpu.memory_space<vmem>>
    %dma_wait3A_91 = tpu.memref_squeeze %dma_wait3A_90 : memref<1x128xi32, #tpu.memory_space<vmem>> -> memref<128xi32, #tpu.memory_space<vmem>>
    %dma_wait3A_92 = arith.constant 0 : i32
    %dma_wait3A_93 = arith.constant 0 : i32
    %dma_wait3A_94 = tpu.memref_slice %arg17[%dma_wait3A_92, %dma_wait3A_93] : memref<10240x48xf32, #tpu.memory_space<vmem_shared>> -> memref<10240x48xf32, #tpu.memory_space<vmem_shared>>
    tpu.wait_indirect_dma semaphore(%arg21 : memref<!tpu.dma_semaphore, #tpu.memory_space<semaphore_mem>>) src(%arg16 : memref<128x48xf32, #tpu.memory_space<vmem>>) dst(%dma_wait3A_94 : memref<10240x48xf32, #tpu.memory_space<vmem_shared>>)
    %barrier3A_95 = arith.constant 0 : index
    tpu.barrier barrier_id(%barrier3A_95)
    %mul3A_96 = arith.constant 640 : i32
    %mul3A_97 = arith.muli %arg1, %mul3A_96 : i32
    %mul3A_98 = arith.constant 640 : i32
    %mul3A_99 = arith.muli %arg1, %mul3A_98 : i32
    "tpu.region"() ({
      %run_scoped3A = tpu.sem_alloc : memref<!tpu.dma_semaphore, #tpu.memory_space<semaphore_mem>>
      %dma_start3A_100 = arith.constant 0 : i32
      %dma_start3A_101 = tpu.memref_slice %arg6[%arg0, %mul3A_99, %dma_start3A_100] : memref<2x10240x48xf32, #tpu.memory_space<hbm>> -> memref<1x640x48xf32, #tpu.memory_space<hbm>>
      %dma_start3A_102 = tpu.memref_squeeze %dma_start3A_101 : memref<1x640x48xf32, #tpu.memory_space<hbm>> -> memref<640x48xf32, #tpu.memory_space<hbm>>
      %dma_start3A_103 = arith.constant 0 : i32
      %dma_start3A_104 = tpu.memref_slice %arg17[%mul3A_97, %dma_start3A_103] : memref<10240x48xf32, #tpu.memory_space<vmem_shared>> -> memref<640x48xf32, #tpu.memory_space<vmem_shared>>
      tpu.enqueue_dma source(%dma_start3A_104 : memref<640x48xf32, #tpu.memory_space<vmem_shared>>) target(%dma_start3A_102 : memref<640x48xf32, #tpu.memory_space<hbm>>) target_semaphore(%run_scoped3A : memref<!tpu.dma_semaphore, #tpu.memory_space<semaphore_mem>>)
      %dma_wait3A_105 = arith.constant 0 : i32
      %dma_wait3A_106 = tpu.memref_slice %arg6[%arg0, %mul3A_99, %dma_wait3A_105] : memref<2x10240x48xf32, #tpu.memory_space<hbm>> -> memref<1x640x48xf32, #tpu.memory_space<hbm>>
      %dma_wait3A_107 = tpu.memref_squeeze %dma_wait3A_106 : memref<1x640x48xf32, #tpu.memory_space<hbm>> -> memref<640x48xf32, #tpu.memory_space<hbm>>
      %dma_wait3A_108 = arith.constant 0 : i32
      %dma_wait3A_109 = tpu.memref_slice %arg17[%mul3A_97, %dma_wait3A_108] : memref<10240x48xf32, #tpu.memory_space<vmem_shared>> -> memref<640x48xf32, #tpu.memory_space<vmem_shared>>
      tpu.wait_dma2 semaphore(%run_scoped3A : memref<!tpu.dma_semaphore, #tpu.memory_space<semaphore_mem>>) src(%dma_wait3A_109 : memref<640x48xf32, #tpu.memory_space<vmem_shared>>) dst(%dma_wait3A_107 : memref<640x48xf32, #tpu.memory_space<hbm>>)
      tpu.yield
    }) : () -> ()
    return
  }
}

module attributes {stable_mosaic.version = 14 : i64} {
  func.func @_tc_pre_body(%arg0: i32, %arg1: memref<1024x128xf32, #tpu.memory_space<vmem>>, %arg2: memref<128x64xf32, #tpu.memory_space<vmem>>, %arg3: memref<128x64xf32, #tpu.memory_space<vmem>>, %arg4: memref<64x16xf32, #tpu.memory_space<vmem>>, %arg5: memref<1024x64xbf16, #tpu.memory_space<vmem>>, %arg6: memref<1024x16xf32, #tpu.memory_space<vmem>>) attributes {dimension_semantics = [#tpu.dimension_semantics<arbitrary>], iteration_bounds = array<i64: 10>, scalar_prefetch = 0 : i64, scratch_operands = 0 : i64, tpu.core_type = #tpu.core_type<tc>, window_params = [{transform_indices = @transform_0, window_bounds = array<i64: 1024, 128>}, {pipeline_mode = #tpu.pipeline_mode<synchronous>, transform_indices = @transform_1, window_bounds = array<i64: 128, 64>}, {pipeline_mode = #tpu.pipeline_mode<synchronous>, transform_indices = @transform_2, window_bounds = array<i64: 128, 64>}, {pipeline_mode = #tpu.pipeline_mode<synchronous>, transform_indices = @transform_3, window_bounds = array<i64: 64, 16>}, {transform_indices = @transform_4, window_bounds = array<i64: 1024, 64>}, {transform_indices = @transform_5, window_bounds = array<i64: 1024, 16>}]} {
    %get3A = arith.constant 0 : index
    %get3A_0 = arith.constant 0 : index
    %get3A_1 = vector.load %arg1[%get3A, %get3A_0] : memref<1024x128xf32, #tpu.memory_space<vmem>>, vector<1024x128xf32>
    %get3A_2 = arith.constant 0 : index
    %get3A_3 = arith.constant 0 : index
    %get3A_4 = vector.load %arg2[%get3A_2, %get3A_3] : memref<128x64xf32, #tpu.memory_space<vmem>>, vector<128x64xf32>
    %dot_general3A = arith.constant dense<0.000000e+00> : vector<1024x64xf32>
    %dot_general3A_5 = tpu.matmul %get3A_1, %get3A_4, %dot_general3A {dimension_numbers = #tpu.dot_dimension_numbers<[1], [0], [0], [1], [0, 0, 1, 1], [], []>, transpose_lhs_hint = false} : vector<1024x128xf32>, vector<128x64xf32>, vector<1024x64xf32> -> vector<1024x64xf32>
    %get3A_6 = arith.constant 0 : index
    %get3A_7 = arith.constant 0 : index
    %get3A_8 = vector.load %arg4[%get3A_6, %get3A_7] : memref<64x16xf32, #tpu.memory_space<vmem>>, vector<64x16xf32>
    %dot_general3A_9 = arith.constant dense<0.000000e+00> : vector<1024x16xf32>
    %dot_general3A_10 = tpu.matmul %dot_general3A_5, %get3A_8, %dot_general3A_9 {dimension_numbers = #tpu.dot_dimension_numbers<[1], [0], [0], [1], [0, 0, 1, 1], [], []>, transpose_lhs_hint = false} : vector<1024x64xf32>, vector<64x16xf32>, vector<1024x16xf32> -> vector<1024x16xf32>
    %swap3A = arith.constant 0 : index
    %swap3A_11 = arith.constant 0 : index
    %swap3A_12 = vector.load %arg6[%swap3A, %swap3A_11] : memref<1024x16xf32, #tpu.memory_space<vmem>>, vector<1024x16xf32>
    tpu.vector_store %arg6[%swap3A, %swap3A_11], %dot_general3A_10 {strides = array<i32>} : memref<1024x16xf32, #tpu.memory_space<vmem>>, vector<1024x16xf32>,
    %get3A_13 = arith.constant 0 : index
    %get3A_14 = arith.constant 0 : index
    %get3A_15 = vector.load %arg1[%get3A_13, %get3A_14] : memref<1024x128xf32, #tpu.memory_space<vmem>>, vector<1024x128xf32>
    %get3A_16 = arith.constant 0 : index
    %get3A_17 = arith.constant 0 : index
    %get3A_18 = vector.load %arg3[%get3A_16, %get3A_17] : memref<128x64xf32, #tpu.memory_space<vmem>>, vector<128x64xf32>
    %dot_general3A_19 = arith.constant dense<0.000000e+00> : vector<1024x64xf32>
    %dot_general3A_20 = tpu.matmul %get3A_15, %get3A_18, %dot_general3A_19 {dimension_numbers = #tpu.dot_dimension_numbers<[1], [0], [0], [1], [0, 0, 1, 1], [], []>, transpose_lhs_hint = false} : vector<1024x128xf32>, vector<128x64xf32>, vector<1024x64xf32> -> vector<1024x64xf32>
    %convert_element_type3A = arith.truncf %dot_general3A_20 : vector<1024x64xf32> to vector<1024x64xbf16>
    %swap3A_21 = arith.constant 0 : index
    %swap3A_22 = arith.constant 0 : index
    %swap3A_23 = vector.load %arg5[%swap3A_21, %swap3A_22] : memref<1024x64xbf16, #tpu.memory_space<vmem>>, vector<1024x64xbf16>
    tpu.vector_store %arg5[%swap3A_21, %swap3A_22], %convert_element_type3A {strides = array<i32>} : memref<1024x64xbf16, #tpu.memory_space<vmem>>, vector<1024x64xbf16>,
    return
  }
  func.func @transform_0(%arg0: i32) -> (i32, i32) {
    %c0_i32 = arith.constant 0 : i32
    %c0_i32_0 = arith.constant 0 : i32
    return %arg0, %c0_i32 : i32, i32
  }
  func.func @transform_1(%arg0: i32) -> (i32, i32) {
    %c0_i32 = arith.constant 0 : i32
    %c0_i32_0 = arith.constant 0 : i32
    %c0_i32_1 = arith.constant 0 : i32
    return %c0_i32, %c0_i32_0 : i32, i32
  }
  func.func @transform_2(%arg0: i32) -> (i32, i32) {
    %c0_i32 = arith.constant 0 : i32
    %c0_i32_0 = arith.constant 0 : i32
    %c0_i32_1 = arith.constant 0 : i32
    return %c0_i32, %c0_i32_0 : i32, i32
  }
  func.func @transform_3(%arg0: i32) -> (i32, i32) {
    %c0_i32 = arith.constant 0 : i32
    %c0_i32_0 = arith.constant 0 : i32
    %c0_i32_1 = arith.constant 0 : i32
    return %c0_i32, %c0_i32_0 : i32, i32
  }
  func.func @transform_4(%arg0: i32) -> (i32, i32) {
    %c0_i32 = arith.constant 0 : i32
    %c0_i32_0 = arith.constant 0 : i32
    return %arg0, %c0_i32 : i32, i32
  }
  func.func @transform_5(%arg0: i32) -> (i32, i32) {
    %c0_i32 = arith.constant 0 : i32
    %c0_i32_0 = arith.constant 0 : i32
    return %arg0, %c0_i32 : i32, i32
  }
}

module attributes {stable_mosaic.version = 14 : i64} {
  func.func @_tc_mid_body(%arg0: i32, %arg1: memref<2x1024x80xf32, #tpu.memory_space<vmem>>, %arg2: memref<1x64xf32, #tpu.memory_space<vmem>>, %arg3: memref<64x48xf32, #tpu.memory_space<vmem>>, %arg4: memref<64x64xf32, #tpu.memory_space<vmem>>, %arg5: memref<48x16xf32, #tpu.memory_space<vmem>>, %arg6: memref<16x64xf32, #tpu.memory_space<vmem>>, %arg7: memref<1024x64xbf16, #tpu.memory_space<vmem>>, %arg8: memref<1024x16xf32, #tpu.memory_space<vmem>>) attributes {dimension_semantics = [#tpu.dimension_semantics<arbitrary>], iteration_bounds = array<i64: 10>, scalar_prefetch = 0 : i64, scratch_operands = 0 : i64, tpu.core_type = #tpu.core_type<tc>, window_params = [{transform_indices = @transform_0, window_bounds = array<i64: 2, 1024, 80>}, {pipeline_mode = #tpu.pipeline_mode<synchronous>, transform_indices = @transform_1, window_bounds = array<i64: 1, 64>}, {pipeline_mode = #tpu.pipeline_mode<synchronous>, transform_indices = @transform_2, window_bounds = array<i64: 64, 48>}, {pipeline_mode = #tpu.pipeline_mode<synchronous>, transform_indices = @transform_3, window_bounds = array<i64: 64, 64>}, {pipeline_mode = #tpu.pipeline_mode<synchronous>, transform_indices = @transform_4, window_bounds = array<i64: 48, 16>}, {pipeline_mode = #tpu.pipeline_mode<synchronous>, transform_indices = @transform_5, window_bounds = array<i64: 16, 64>}, {transform_indices = @transform_6, window_bounds = array<i64: 1024, 64>}, {transform_indices = @transform_7, window_bounds = array<i64: 1024, 16>}]} {
    %get3A = arith.constant 0 : index
    %get3A_0 = arith.constant 0 : index
    %get3A_1 = arith.constant 0 : index
    %get3A_2 = vector.load %arg1[%get3A, %get3A_0, %get3A_1] : memref<2x1024x80xf32, #tpu.memory_space<vmem>>, vector<1x1024x80xf32>
    %get3A_3 = vector.shape_cast %get3A_2 : vector<1x1024x80xf32> to vector<1024x80xf32>
    %get3A_4 = arith.constant 1 : index
    %get3A_5 = arith.constant 0 : index
    %get3A_6 = arith.constant 0 : index
    %get3A_7 = vector.load %arg1[%get3A_4, %get3A_5, %get3A_6] : memref<2x1024x80xf32, #tpu.memory_space<vmem>>, vector<1x1024x80xf32>
    %get3A_8 = vector.shape_cast %get3A_7 : vector<1x1024x80xf32> to vector<1024x80xf32>
    %add3A = arith.addf %get3A_3, %get3A_8 : vector<1024x80xf32>
    %slice3A = vector.extract_strided_slice %add3A {offsets = [0, 64], sizes = [1024, 16], strides = [1, 1]} : vector<1024x80xf32> to vector<1024x16xf32>
    %get3A_9 = arith.constant 0 : index
    %get3A_10 = arith.constant 0 : index
    %get3A_11 = vector.load %arg6[%get3A_9, %get3A_10] : memref<16x64xf32, #tpu.memory_space<vmem>>, vector<16x64xf32>
    %dot_general3A = arith.constant dense<0.000000e+00> : vector<1024x64xf32>
    %dot_general3A_12 = tpu.matmul %slice3A, %get3A_11, %dot_general3A {dimension_numbers = #tpu.dot_dimension_numbers<[1], [0], [0], [1], [0, 0, 1, 1], [], []>, transpose_lhs_hint = false} : vector<1024x16xf32>, vector<16x64xf32>, vector<1024x64xf32> -> vector<1024x64xf32>
    %slice3A_13 = vector.extract_strided_slice %add3A {offsets = [0, 0], sizes = [1024, 64], strides = [1, 1]} : vector<1024x80xf32> to vector<1024x64xf32>
    %add3A_14 = arith.constant 1.000000e-16 : f32
    %add3A_15 = vector.broadcast %add3A_14 : f32 to vector<1024x64xf32>
    %add3A_16 = arith.addf %dot_general3A_12, %add3A_15 : vector<1024x64xf32>
    %div3A = arith.divf %slice3A_13, %add3A_16 : vector<1024x64xf32>
    %get3A_17 = arith.constant 0 : index
    %get3A_18 = arith.constant 0 : index
    %get3A_19 = vector.load %arg2[%get3A_17, %get3A_18] : memref<1x64xf32, #tpu.memory_space<vmem>>, vector<1x64xf32>
    %add3A_20 = vector.broadcast %get3A_19 : vector<1x64xf32> to vector<1024x64xf32>
    %add3A_21 = arith.addf %div3A, %add3A_20 : vector<1024x64xf32>
    %max3A = arith.constant 0.000000e+00 : f32
    %max3A_22 = vector.broadcast %max3A : f32 to vector<1024x64xf32>
    %max3A_23 = arith.maximumf %add3A_21, %max3A_22 : vector<1024x64xf32>
    %get3A_24 = arith.constant 0 : index
    %get3A_25 = arith.constant 0 : index
    %get3A_26 = vector.load %arg3[%get3A_24, %get3A_25] : memref<64x48xf32, #tpu.memory_space<vmem>>, vector<64x48xf32>
    %dot_general3A_27 = arith.constant dense<0.000000e+00> : vector<1024x48xf32>
    %dot_general3A_28 = tpu.matmul %max3A_23, %get3A_26, %dot_general3A_27 {dimension_numbers = #tpu.dot_dimension_numbers<[1], [0], [0], [1], [0, 0, 1, 1], [], []>, transpose_lhs_hint = false} : vector<1024x64xf32>, vector<64x48xf32>, vector<1024x48xf32> -> vector<1024x48xf32>
    %get3A_29 = arith.constant 0 : index
    %get3A_30 = arith.constant 0 : index
    %get3A_31 = vector.load %arg5[%get3A_29, %get3A_30] : memref<48x16xf32, #tpu.memory_space<vmem>>, vector<48x16xf32>
    %dot_general3A_32 = arith.constant dense<0.000000e+00> : vector<1024x16xf32>
    %dot_general3A_33 = tpu.matmul %dot_general3A_28, %get3A_31, %dot_general3A_32 {dimension_numbers = #tpu.dot_dimension_numbers<[1], [0], [0], [1], [0, 0, 1, 1], [], []>, transpose_lhs_hint = false} : vector<1024x48xf32>, vector<48x16xf32>, vector<1024x16xf32> -> vector<1024x16xf32>
    %swap3A = arith.constant 0 : index
    %swap3A_34 = arith.constant 0 : index
    %swap3A_35 = vector.load %arg8[%swap3A, %swap3A_34] : memref<1024x16xf32, #tpu.memory_space<vmem>>, vector<1024x16xf32>
    tpu.vector_store %arg8[%swap3A, %swap3A_34], %dot_general3A_33 {strides = array<i32>} : memref<1024x16xf32, #tpu.memory_space<vmem>>, vector<1024x16xf32>,
    %get3A_36 = arith.constant 0 : index
    %get3A_37 = arith.constant 0 : index
    %get3A_38 = vector.load %arg4[%get3A_36, %get3A_37] : memref<64x64xf32, #tpu.memory_space<vmem>>, vector<64x64xf32>
    %dot_general3A_39 = arith.constant dense<0.000000e+00> : vector<1024x64xf32>
    %dot_general3A_40 = tpu.matmul %max3A_23, %get3A_38, %dot_general3A_39 {dimension_numbers = #tpu.dot_dimension_numbers<[1], [0], [0], [1], [0, 0, 1, 1], [], []>, transpose_lhs_hint = false} : vector<1024x64xf32>, vector<64x64xf32>, vector<1024x64xf32> -> vector<1024x64xf32>
    %convert_element_type3A = arith.truncf %dot_general3A_40 : vector<1024x64xf32> to vector<1024x64xbf16>
    %swap3A_41 = arith.constant 0 : index
    %swap3A_42 = arith.constant 0 : index
    %swap3A_43 = vector.load %arg7[%swap3A_41, %swap3A_42] : memref<1024x64xbf16, #tpu.memory_space<vmem>>, vector<1024x64xbf16>
    tpu.vector_store %arg7[%swap3A_41, %swap3A_42], %convert_element_type3A {strides = array<i32>} : memref<1024x64xbf16, #tpu.memory_space<vmem>>, vector<1024x64xbf16>,
    return
  }
  func.func @transform_0(%arg0: i32) -> (i32, i32, i32) {
    %c0_i32 = arith.constant 0 : i32
    %c0_i32_0 = arith.constant 0 : i32
    %c0_i32_1 = arith.constant 0 : i32
    return %c0_i32, %arg0, %c0_i32_0 : i32, i32, i32
  }
  func.func @transform_1(%arg0: i32) -> (i32, i32) {
    %c0_i32 = arith.constant 0 : i32
    %c0_i32_0 = arith.constant 0 : i32
    %c0_i32_1 = arith.constant 0 : i32
    return %c0_i32, %c0_i32_0 : i32, i32
  }
  func.func @transform_2(%arg0: i32) -> (i32, i32) {
    %c0_i32 = arith.constant 0 : i32
    %c0_i32_0 = arith.constant 0 : i32
    %c0_i32_1 = arith.constant 0 : i32
    return %c0_i32, %c0_i32_0 : i32, i32
  }
  func.func @transform_3(%arg0: i32) -> (i32, i32) {
    %c0_i32 = arith.constant 0 : i32
    %c0_i32_0 = arith.constant 0 : i32
    %c0_i32_1 = arith.constant 0 : i32
    return %c0_i32, %c0_i32_0 : i32, i32
  }
  func.func @transform_4(%arg0: i32) -> (i32, i32) {
    %c0_i32 = arith.constant 0 : i32
    %c0_i32_0 = arith.constant 0 : i32
    %c0_i32_1 = arith.constant 0 : i32
    return %c0_i32, %c0_i32_0 : i32, i32
  }
  func.func @transform_5(%arg0: i32) -> (i32, i32) {
    %c0_i32 = arith.constant 0 : i32
    %c0_i32_0 = arith.constant 0 : i32
    %c0_i32_1 = arith.constant 0 : i32
    return %c0_i32, %c0_i32_0 : i32, i32
  }
  func.func @transform_6(%arg0: i32) -> (i32, i32) {
    %c0_i32 = arith.constant 0 : i32
    %c0_i32_0 = arith.constant 0 : i32
    return %arg0, %c0_i32 : i32, i32
  }
  func.func @transform_7(%arg0: i32) -> (i32, i32) {
    %c0_i32 = arith.constant 0 : i32
    %c0_i32_0 = arith.constant 0 : i32
    return %arg0, %c0_i32 : i32, i32
  }
}

module attributes {stable_mosaic.version = 14 : i64} {
  func.func @_tc_post_body(%arg0: i32, %arg1: memref<2x1024x48xf32, #tpu.memory_space<vmem>>, %arg2: memref<1x40xf32, #tpu.memory_space<vmem>>, %arg3: memref<8x40xf32, #tpu.memory_space<vmem>>, %arg4: memref<1024x40xf32, #tpu.memory_space<vmem>>) attributes {dimension_semantics = [#tpu.dimension_semantics<arbitrary>], iteration_bounds = array<i64: 10>, scalar_prefetch = 0 : i64, scratch_operands = 0 : i64, tpu.core_type = #tpu.core_type<tc>, window_params = [{transform_indices = @transform_0, window_bounds = array<i64: 2, 1024, 48>}, {pipeline_mode = #tpu.pipeline_mode<synchronous>, transform_indices = @transform_1, window_bounds = array<i64: 1, 40>}, {pipeline_mode = #tpu.pipeline_mode<synchronous>, transform_indices = @transform_2, window_bounds = array<i64: 8, 40>}, {transform_indices = @transform_3, window_bounds = array<i64: 1024, 40>}]} {
    %get3A = arith.constant 0 : index
    %get3A_0 = arith.constant 0 : index
    %get3A_1 = arith.constant 0 : index
    %get3A_2 = vector.load %arg1[%get3A, %get3A_0, %get3A_1] : memref<2x1024x48xf32, #tpu.memory_space<vmem>>, vector<1x1024x48xf32>
    %get3A_3 = vector.shape_cast %get3A_2 : vector<1x1024x48xf32> to vector<1024x48xf32>
    %get3A_4 = arith.constant 1 : index
    %get3A_5 = arith.constant 0 : index
    %get3A_6 = arith.constant 0 : index
    %get3A_7 = vector.load %arg1[%get3A_4, %get3A_5, %get3A_6] : memref<2x1024x48xf32, #tpu.memory_space<vmem>>, vector<1x1024x48xf32>
    %get3A_8 = vector.shape_cast %get3A_7 : vector<1x1024x48xf32> to vector<1024x48xf32>
    %add3A = arith.addf %get3A_3, %get3A_8 : vector<1024x48xf32>
    %slice3A = vector.extract_strided_slice %add3A {offsets = [0, 40], sizes = [1024, 8], strides = [1, 1]} : vector<1024x48xf32> to vector<1024x8xf32>
    %get3A_9 = arith.constant 0 : index
    %get3A_10 = arith.constant 0 : index
    %get3A_11 = vector.load %arg3[%get3A_9, %get3A_10] : memref<8x40xf32, #tpu.memory_space<vmem>>, vector<8x40xf32>
    %dot_general3A = arith.constant dense<0.000000e+00> : vector<1024x40xf32>
    %dot_general3A_12 = tpu.matmul %slice3A, %get3A_11, %dot_general3A {dimension_numbers = #tpu.dot_dimension_numbers<[1], [0], [0], [1], [0, 0, 1, 1], [], []>, transpose_lhs_hint = false} : vector<1024x8xf32>, vector<8x40xf32>, vector<1024x40xf32> -> vector<1024x40xf32>
    %slice3A_13 = vector.extract_strided_slice %add3A {offsets = [0, 0], sizes = [1024, 40], strides = [1, 1]} : vector<1024x48xf32> to vector<1024x40xf32>
    %add3A_14 = arith.constant 1.000000e-16 : f32
    %add3A_15 = vector.broadcast %add3A_14 : f32 to vector<1024x40xf32>
    %add3A_16 = arith.addf %dot_general3A_12, %add3A_15 : vector<1024x40xf32>
    %div3A = arith.divf %slice3A_13, %add3A_16 : vector<1024x40xf32>
    %get3A_17 = arith.constant 0 : index
    %get3A_18 = arith.constant 0 : index
    %get3A_19 = vector.load %arg2[%get3A_17, %get3A_18] : memref<1x40xf32, #tpu.memory_space<vmem>>, vector<1x40xf32>
    %add3A_20 = vector.broadcast %get3A_19 : vector<1x40xf32> to vector<1024x40xf32>
    %add3A_21 = arith.addf %div3A, %add3A_20 : vector<1024x40xf32>
    %reduce_max3A = arith.constant dense<0xFF800000> : vector<1024xf32>
    %reduce_max3A_22 = vector.multi_reduction <maximumf>, %add3A_21, %reduce_max3A [1] : vector<1024x40xf32> to vector<1024xf32>
    %broadcast_in_dim3A = vector.shape_cast %reduce_max3A_22 : vector<1024xf32> to vector<1024x1xf32>
    %sub3A = vector.broadcast %broadcast_in_dim3A : vector<1024x1xf32> to vector<1024x40xf32>
    %sub3A_23 = arith.subf %add3A_21, %sub3A : vector<1024x40xf32>
    %exp3A = math.exp %sub3A_23 : vector<1024x40xf32>
    %reduce_sum3A = arith.constant dense<0.000000e+00> : vector<1024xf32>
    %reduce_sum3A_24 = vector.multi_reduction <add>, %exp3A, %reduce_sum3A [1] : vector<1024x40xf32> to vector<1024xf32>
    %broadcast_in_dim3A_25 = vector.shape_cast %reduce_sum3A_24 : vector<1024xf32> to vector<1024x1xf32>
    %log3A = math.log %broadcast_in_dim3A_25 : vector<1024x1xf32>
    %sub3A_26 = vector.broadcast %log3A : vector<1024x1xf32> to vector<1024x40xf32>
    %sub3A_27 = arith.subf %sub3A_23, %sub3A_26 : vector<1024x40xf32>
    %swap3A = arith.constant 0 : index
    %swap3A_28 = arith.constant 0 : index
    %swap3A_29 = vector.load %arg4[%swap3A, %swap3A_28] : memref<1024x40xf32, #tpu.memory_space<vmem>>, vector<1024x40xf32>
    tpu.vector_store %arg4[%swap3A, %swap3A_28], %sub3A_27 {strides = array<i32>} : memref<1024x40xf32, #tpu.memory_space<vmem>>, vector<1024x40xf32>,
    return
  }
  func.func @transform_0(%arg0: i32) -> (i32, i32, i32) {
    %c0_i32 = arith.constant 0 : i32
    %c0_i32_0 = arith.constant 0 : i32
    %c0_i32_1 = arith.constant 0 : i32
    return %c0_i32, %arg0, %c0_i32_0 : i32, i32, i32
  }
  func.func @transform_1(%arg0: i32) -> (i32, i32) {
    %c0_i32 = arith.constant 0 : i32
    %c0_i32_0 = arith.constant 0 : i32
    %c0_i32_1 = arith.constant 0 : i32
    return %c0_i32, %c0_i32_0 : i32, i32
  }
  func.func @transform_2(%arg0: i32) -> (i32, i32) {
    %c0_i32 = arith.constant 0 : i32
    %c0_i32_0 = arith.constant 0 : i32
    %c0_i32_1 = arith.constant 0 : i32
    return %c0_i32, %c0_i32_0 : i32, i32
  }
  func.func @transform_3(%arg0: i32) -> (i32, i32) {
    %c0_i32 = arith.constant 0 : i32
    %c0_i32_0 = arith.constant 0 : i32
    return %arg0, %c0_i32 : i32, i32
  }
}

</mosaic_0001>

<sc_bundles>
// kernel: kernel.10.cloned.1.call-start
scs
__scs_entry_jumppad:
0x0: {  	(pc) =	sbr.rel $0x88, $3  }
0x1: {  	(tag) =	ssettag $0x0;
	lr =	simm.s32 $0x1  }
0x2: {  	[smem:$0x3F97] =	sst lr;
	_ =	strace $0xD0000000  }
0x3: {  	_ = 	snop  }
0x4: {  	_ = 	snop  }
0x5: {  	_ = 	snop  }
0x6: {  	_ = 	snop  }
0x7: {  	_ = 	snop  }
__scs_overlays_trampoline_lowered:
0x8: {  	[smem:$0x3FA6] =	sst s0  }
0x9: {  	[smem:$0x3FA7] =	sst s1  }
0xa: {  	[smem:$0x3FA8] =	sst s2  }
0xb: {  	[smem:$0x3FA9] =	sst s3  }
0xc: {  	[smem:$0x3FAA] =	sst s4  }
0xd: {  	[smem:$0x3FAB] =	sst s5  }
0xe: {  	[smem:$0x3FAC] =	sst s6  }
0xf: {  	[smem:$0x3FAD] =	sst s7  }
0x10: {  	[smem:$0x3FAE] =	sst s8  }
0x11: {  	[smem:$0x3FAF] =	sst s9;
	s0 =	simm.s32 @!p0 $0x0  }
0x12: {  	s1 =	sld [smem:$0x3F95];
	s0 =	simm.s32 @p0 $0x1  }
0x13: {  	[smem:$0x3FB0] =	sst s0;
	s0 =	simm.s32 @!p1 $0x0  }
0x14: {  	s2 =	sld [smem:$0x3F94];
	s0 =	simm.s32 @p1 $0x1  }
0x15: {  	[smem:$0x3FB1] =	sst s0;
	s0 =	simm.s32 @!p2 $0x0  }
0x16: {  	s3 =	sld [smem:$0x3FDB];
	s0 =	simm.s32 @p2 $0x1  }
0x17: {  	s4 =	simm.s32 $0x1BF5;
	[smem:$0x3FB3] =	sst s0  }
0x18: {  	s0 =	sld [smem:$0x3F96];
	_ =	swait.ge [sflag:s4], $0x0  }
0x19: {  	s7 =	sld [smem:$0x3F97]  }
0x1a: {  	s8 =	sadd.s32 $0xFFFFE003, lr  }
0x1b: {  	s9 =	sadd.s32 $0xFFFFFEF7, lr;
	s5 =	simm.s32 $0xFFFFFFFF;
	p2 =	slt.u32 s8, $0xFFFFF086  }
0x1c: {  	p1 =	slt.u32 s9, $0xF7A;
	s5 =	simm.s32 @!p2 $0x0  }
0x1d: {  	s5 =	simm.s32 @p1 $0x1;
	p0 =	seq.s32 s7, s2  }
0x1e: {  	s7 =	smul.u32 @!p0 $0xF7A, s2;
	p2 =	seq.s32 @!p0 s5, $0x0  }
0x1f: {  	s9 =	smul.u32 $0xF7A, s1;
	s8 =	simm.s32 @!p0 $0x1BF5;
	p2 =	por !p2, p0  }
0x20: {  	[sflag:s8] =	ssyncset.s32 @!p0 $0xFFFFF086;
	s6 =	sadd.s32 @!p0 s3, s7;
	s7 =	simm.s32 @!p0 $0x108  }
0x21: {  	s3 =	sadd.s32 s3, s9;
	s6 =	sadd.s32 @!p0 $0x88, s6;
	s7 =	simm.s32 @p2 $0x1082  }
0x22: {  	[simem:s7], [sflag:s8] =	dma.local @!p0 [hbm:s6], $0xF7A  }
0x23: {  	s9 =	sor.u32 $0xD0000000, s2;
	s6 =	simm.s32 $0x108;
	_ =	swait.ge @!p0 [sflag:s8], $0x0  }
0x24: {  	s3 =	sadd.s32 $0x88, s3;
	s6 =	simm.s32 @!p1 $0x1082;
	[sflag:s4] =	ssyncset.s32 $0xFFFFF086  }
0x25: {  	[simem:s6], [sflag:s4] =	dma.local [hbm:s3], $0xF7A  }
0x26: {  	[smem:$0x3F97] =	sst s1;
	(tag) =	ssettag s2;
	_ =	strace s9  }
0x27: {  	s1 =	sld [smem:$0x3FA7]  }
0x28: {  	s2 =	sld [smem:$0x3FA8]  }
0x29: {  	s4 =	sld [smem:$0x3FAA]  }
0x2a: {  	p0 =	seq.s32 s5, $0x0;
	s5 =	sld [smem:$0x3FAB]  }
0x2b: {  	s6 =	sld [smem:$0x3FAC]  }
0x2c: {  	s7 =	sld [smem:$0x3FAD]  }
0x2d: {  	s3 =	simm.s32 $0x108;
	s8 =	sld [smem:$0x3FAE]  }
0x2e: {  	s3 =	simm.s32 @!p0 $0x1082;
	s9 =	sld [smem:$0x3FAF]  }
0x2f: {  	lr =	sadd.s32 s0, s3;
	s0 =	sld [smem:$0x3FA6]  }
0x30: {  	s3 =	sld [smem:$0x3FA9]  }
0x31: {  	[smem:$0x3FB2] =	sst s10  }
0x32: {  	s10 =	sld [smem:$0x3FB0];
	_ =	sdelay $0x3  }
0x33: {  	p0 =	seq.s32 s10, $0x1;
	s10 =	sld [smem:$0x3FB2];
	_ =	sdelay $0x3  }
0x34: {  	[smem:$0x3FB2] =	sst s10  }
0x35: {  	s10 =	sld [smem:$0x3FB1];
	_ =	sdelay $0x3  }
0x36: {  	p1 =	seq.s32 s10, $0x1;
	s10 =	sld [smem:$0x3FB2];
	_ =	sdelay $0x3  }
0x37: {  	[smem:$0x3FB2] =	sst s10  }
0x38: {  	s10 =	sld [smem:$0x3FB3]  }
0x39: {  	_ = 	snop;
	(pc) =	sbr.ind lr, $3  }
0x3a: {  	_ = 	snop  }
0x3b: {  	_ = 	snop  }
0x3c: {  	p2 =	seq.s32 s10, $0x1;
	s10 =	sld [smem:$0x3FB2]  }
0x3d: {  	_ =	shalt  }
0x3e: {  	_ =	shalt  }
0x3f: {  	_ =	shalt  }
0x40: {  	_ =	shalt  }
0x41: {  	_ =	shalt  }
0x42: {  	_ =	shalt  }
0x43: {  	_ =	shalt  }
0x44: {  	_ =	shalt  }
0x45: {  	_ =	shalt  }
0x46: {  	_ =	shalt  }
0x47: {  	_ =	shalt  }
0x48: {  	_ =	shalt  }
0x49: {  	_ =	shalt  }
0x4a: {  	_ =	shalt  }
0x4b: {  	_ =	shalt  }
0x4c: {  	_ =	shalt  }
0x4d: {  	_ =	shalt  }
0x4e: {  	_ =	shalt  }
0x4f: {  	_ =	shalt  }
0x50: {  	_ =	shalt  }
0x51: {  	_ =	shalt  }
0x52: {  	_ =	shalt  }
0x53: {  	_ =	shalt  }
0x54: {  	_ =	shalt  }
0x55: {  	_ =	shalt  }
0x56: {  	_ =	shalt  }
0x57: {  	_ =	shalt  }
0x58: {  	_ =	shalt  }
0x59: {  	_ =	shalt  }
0x5a: {  	_ =	shalt  }
0x5b: {  	_ =	shalt  }
0x5c: {  	_ =	shalt  }
0x5d: {  	_ =	shalt  }
0x5e: {  	_ =	shalt  }
0x5f: {  	_ =	shalt  }
0x60: {  	_ =	shalt  }
0x61: {  	_ =	shalt  }
0x62: {  	_ =	shalt  }
0x63: {  	_ =	shalt  }
0x64: {  	_ =	shalt  }
0x65: {  	_ =	shalt  }
0x66: {  	_ =	shalt  }
0x67: {  	_ =	shalt  }
0x68: {  	_ =	shalt  }
0x69: {  	_ =	shalt  }
0x6a: {  	_ =	shalt  }
0x6b: {  	_ =	shalt  }
0x6c: {  	_ =	shalt  }
0x6d: {  	_ =	shalt  }
0x6e: {  	_ =	shalt  }
0x6f: {  	_ =	shalt  }
0x70: {  	_ =	shalt  }
0x71: {  	_ =	shalt  }
0x72: {  	_ =	shalt  }
0x73: {  	_ =	shalt  }
0x74: {  	_ =	shalt  }
0x75: {  	_ =	shalt  }
0x76: {  	_ =	shalt  }
0x77: {  	_ =	shalt  }
0x78: {  	_ =	shalt  }
0x79: {  	_ =	shalt  }
0x7a: {  	_ =	shalt  }
0x7b: {  	_ =	shalt  }
0x7c: {  	_ =	shalt  }
0x7d: {  	_ =	shalt  }
0x7e: {  	_ =	shalt  }
0x7f: {  	_ =	shalt  }
0x80: {  	_ =	shalt  }
0x81: {  	_ =	shalt  }
0x82: {  	_ =	shalt  }
0x83: {  	_ =	shalt  }
0x84: {  	_ =	shalt  }
0x85: {  	_ =	shalt  }
0x86: {  	_ =	shalt  }
0x87: {  	_ =	shalt  }
.Lfunc_end0:
.L_simem_size_0:
called_computation.1_lowered:
.L_overlay_start_0:
0x88: {  	s2 =	sld [smem:$0x3FD9]  }
0x89: {  	s3 =	sld [smem:$0x3FFE];
	_ =	sdelay $0x1  }
0x8a: {  	s1 =	srdreg.scid  }
0x8b: {  	s0 =	sand.u32 $0x1, s1  }
0x8c: {  	s17 =	sshll.u32 s0, $0xA;
	s2 =	sadd.s32 s3, s2  }
0x8d: {  	s2 =	sadd.s32 s2, s17  }
0x8e: {  	[smem:$0x3FBE] =	sst s2  }
0x8f: {  	_ = 	snop  }
0x90: {  	s2 =	sld [smem:$0x3FD0];
	(tm) =	ssettm $0x1  }
0x91: {  	s18 =	sld [smem:$0x3FFB];
	_ =	sdelay $0x3  }
0x92: {  	_ =	strace s18  }
0x93: {  	s3 =	sld [smem:$0x3FFC];
	_ =	sdelay $0x3  }
0x94: {  	_ =	strace s3  }
0x95: {  	s3 =	sld [smem:$0x3FFD];
	_ =	sdelay $0x3  }
0x96: {  	_ =	strace s3  }
0x97: {  	_ =	strace $0x8FFFFFFF  }
0x98: {  	s19 =	sld [smem:$0x3FDB];
	_ =	sdelay $0x1  }
0x99: {  	s4 =	simm.s32 $_scs_section_size  }
0x9a: {  	s5 =	simm.s32 $_size__tile_overlayer_lowered;
	s6 =	simm.s32 $_tile_overlayer_lowered  }
0x9b: {  	s22 =	simm.s32 $0x1BFF;
	s21 =	sshll.u32 s6, $0x1;
	s3 =	sadd.s32 s4, s19  }
0x9c: {  	s7 =	simm.s32 $0x0;
	s20 =	sshll.u32 s5, $0x1;
	s5 =	sadd.s32 s21, s3  }
0x9d: {  	[timem:s7], [sflag:s22] =	dma.local [hbm:s5], s20  }
0x9e: {  	_ =	swait.ge [sflag:s22], s20  }
0x9f: {  	s4 =	ssub.s32 $0x0, s20;
	[sflag:s22] =	ssyncset.done $0x0  }
0xa0: {  	[sflag:s22] =	ssyncadd.s32 s4;
	_ =	sdelay $0x1  }
0xa1: {  	s23 =	simm.s32 $0x1B8B  }
0xa2: {  	_ =	swait.ge [sflag:s23], $0x1  }
0xa3: {  	[sflag:s23] =	ssyncset.done $0x0  }
0xa4: {  	s25 =	simm.s32 $0x1B8E;
	s24 =	sld [smem:$0x3FFE];
	[sflag:s23] =	ssyncadd.s32 $0xFFFFFFFF  }
0xa5: {  	s26 =	simm.s32 $execute0_lowered;
	[smem:$0x3FD2] =	sst s25  }
0xa6: {  	s5 =	sshll.u32 s26, $0x1;
	_ =	strace $0x80000049;
	[dreg:$0x1] =	wrdreg $0xFFFFFFFF  }
0xa7: {  	s28 =	simm.s32 $_size_execute0_lowered;
	s3 =	sadd.s32 s3, s5;
	[dreg:$0x0] =	wrdreg $0x0  }
0xa8: {  	s5 =	sshll.u32 s28, $0x1;
	[dreg:$0x2] =	wrdreg s3  }
0xa9: {  	[dreg:$0x3] =	wrdreg s5  }
0xaa: {  	[dreg:$0x4] =	wrdreg $0xC0  }
0xab: {  	_ =	task [dreg:s7], $0x5FFFF  }
0xac: {  	[dreg:$0x1] =	wrdreg $0xFFFFFFFF  }
0xad: {  	[dreg:$0x0] =	wrdreg $0x60  }
0xae: {  	[dreg:$0x2] =	wrdreg s2  }
0xaf: {  	[dreg:$0x3] =	wrdreg s24  }
0xb0: {  	[dreg:$0x4] =	wrdreg $0xD4000  }
0xb1: {  	[dreg:$0x5] =	wrdreg $0x9  }
0xb2: {  	_ =	task.clear_ibuf [dreg:s7], $0x6FFFF;
	_ =	strace $0x90000049  }
0xb3: {  	s29 =	simm.s32 $0x9;
	_ =	strace $0x8000004B  }
0xb4: {  	_ =	swait.ge [sflag:s29], $0x1  }
0xb5: {  	[sflag:s29] =	ssyncadd.s32 $0xFFFFFFFF  }
0xb6: {  	_ =	strace $0x9000004B  }
0xb7: {  	_ =	sfence  }
0xb8: {  	s30 =	sld [smem:$0x0];
	_ =	sdelay $0x2  }
0xb9: {  	s31 =	sshll.u32 s1, $0xD;
	s1 =	sshrl.u32 s1, $0x2  }
0xba: {  	s3 =	sand.u32 $0x4000, s31;
	s1 =	sadd.s32 s1, s30  }
0xbb: {  	s0 =	sor.u32 s3, s0;
	s1 =	sshll.u32 s1, $0x11  }
0xbc: {  	s0 =	sor.u32 s1, s0  }
0xbd: {  	s0 =	sadd.s32 $0x8F2B, s0  }
0xbe: {  	[sflag:s0] =	ssyncadd.remote.s32 $0x1  }
0xbf: {  	_ =	sfence.sel $0xFFFF  }
0xc0: {  	[dreg:$0x0] =	wrdreg $0xFFFFFFFF;
	(pc) =	sbr.abs _section_cstart, $3  }
0xc1: {  	[dreg:$0x1] =	wrdreg $0xFFFFFFFF  }
0xc2: {  	_ =	task.clear_ibuf [dreg:s7], $0x2FFFF;
	_ =	strace $0x9FFFFFFF  }
0xc3: {  	(tm) =	ssettm $0x7FFFFFFF  }
tec
execute0_lowered:
.L_overlay_start_1:
0x0: {  	(tag) =	ssettag $0x1  }
0x1: {  	s0 =	rddreg [dreg:$0x0]  }
0x2: {  	s2 =	rddreg [dreg:$0x1]  }
0x3: {  	s1 =	rddreg [dreg:$0x2]  }
0x4: {  	s3 =	simm.s32 $0x0;
	s20 =	srdreg.scid;
	s11 =	stileid.u32  }
0x5: {  	s12 =	simm.s32 $0x32;
	s17 =	simm.s32 $0x5;
	s19 =	simm.s32 $0xA400  }
0x6: {  	s28 =	simm.s32 $0x1;
	s29 =	simm.s32 $0x2;
	s30 =	simm.s32 $0xBC00  }
0x7: {  	s31 =	simm.s32 $0x3;
	[smem:$0x7FF] =	sst s3;
	s5 =	smul.u32 $0x64, s11  }
0x8: {  	s3 =	sand.u32 $0x1, s20;
	s4 =	sshll.u32 s11, $0x6;
	s7 =	smul.u32 $0x7800, s11  }
0x9: {  	s11 =	smul.u32 $0x1E000, s11;
	s20 =	simm.s32 $0x80;
	p0 =	seq.s32 s3, $0x0  }
0xa: {  	s6 =	sadd.s32 $0x640, s4;
	s8 =	smul.u32 $0x78000, s3;
	_ =	strace $0x8000004A  }
0xb: {  	s3 =	ssub.s32 $0x2, s3;
	s6 =	smov.u32 @p0 s5;
	s5 =	sadd.s32 $0x14E00, s2  }
0xc: {  	s22 =	sshrl.u32 s3, $0x1;
	s23 =	sshrl.u32 s11, $0x2;
	s12 =	simm.s32 @!p0 $0x20  }
0xd: {  	s9 =	sshll.u32 s6, $0x4;
	s21 =	sadd.s32 s7, s8;
	s6 =	sadd.s32 $0xAE00, s2  }
0xe: {  	s3 =	ssub.s32 s3, s22;
	s10 =	sadd.s32 s9, s2;
	s8 =	sshrl.u32 s21, $0x3  }
0xf: {  	s0 =	sadd.s32 s0, s9;
	s9 =	sadd.s32 s7, s1;
	s16 =	smax.u32 s3, $0x1  }
0x10: {  	s2 =	sadd.s32 s8, s2;
	[dreg:$0x4] =	wrdreg s0;
	s24 =	sadd.s32 $0x600, s10  }
0x11: {  	s0 =	sadd.s32 s23, s1;
	s8 =	simm.s32 $0x3200;
	[dreg:$0x5] =	wrdreg s24  }
0x12: {  	s25 =	sadd.s32 $0x1800, s0;
	s26 =	sadd.s32 $0x3000, s0;
	s13 =	sadd.s32 $0x4800, s0  }
0x13: {  	s14 =	sadd.s32 $0x6000, s0;
	s15 =	sadd.s32 $0x19E00, s2;
	s24 =	simm.s32 $0x6C00  }
0x14: {  	v0 =	vimm.f32 $0.0e+00;
	v1 =	vlaneseq.u32;
	s0 =	simm.s32 $0x4;
	s2 =	simm.s32 $0x0;
	[dreg:$0x6] =	wrdreg s25  }
0x15: {  	v2 =	vimm.s32 $0x0;
	vm0 =	vcmask $0x1F24;
	v1 =	vor.u32 $0x8, v1;
	[dreg:$0x7] =	wrdreg s26;
	s25 =	simm.s32 $0x7C00;
	s26 =	simm.s32 $0x9400  }
.LBB2_1:
0x16: {  	s3 =	simm.s32 $0x0;
	s7 =	rddreg [dreg:$0x4]  }
0x17: {  	[tilespmem:s3], [sflag:$0x5] =	stream.linear.gather [hbm4b:s7+s3], $0x3200, $0x38;
	[tilespmem:$0x14C00] =	vst v63  }
0x18: {  	_ =	swait.ge [sflag:s17], $0x3200  }
0x19: {  	[sflag:s17] =	ssyncset.done $0x0  }
0x1a: {  	s23 =	rddreg [dreg:$0x5];
	[sflag:s17] =	ssyncadd.s32 $0xFFFFCE00  }
0x1b: {  	[tilespmem:s8], [sflag:$0x5] =	stream.linear.gather [hbm4b:s23+s3], $0x3200, $0x38;
	[tilespmem:$0x14C00] =	vst v63  }
0x1c: {  	_ =	swait.ge [sflag:s17], $0x3200  }
0x1d: {  	[sflag:s17] =	ssyncset.done $0x0  }
0x1e: {  	s3 =	simm.s32 $0xA460;
	[sflag:s17] =	ssyncadd.s32 $0xFFFFCE00  }
0x1f: {  	[tilespmem:s3+$0xFFFFFFA0] =	vst v0  }
0x20: {  	[tilespmem:s3+$0x50] =	vst v0  }
0x21: {  	[tilespmem:s3+$0x40] =	vst v0  }
0x22: {  	[tilespmem:s3+$0x30] =	vst v0  }
0x23: {  	[tilespmem:s3+$0x20] =	vst v0  }
0x24: {  	[tilespmem:s3+$0x10] =	vst v0  }
0x25: {  	[tilespmem:s3+$0x0] =	vst v0  }
0x26: {  	[tilespmem:s3+$0xFFFFFFF0] =	vst v0  }
0x27: {  	[tilespmem:s3+$0xFFFFFFE0] =	vst v0  }
0x28: {  	[tilespmem:s3+$0xFFFFFFD0] =	vst v0  }
0x29: {  	s7 =	simm.s32 $0x0;
	[tilespmem:s3+$0xFFFFFFC0] =	vst v0  }
.LBB2_2:
0x2a: {  	s7 =	sadd.s32 $0x4, s7;
	[tilespmem:s3+$0xFFFFFFB0] =	vst v0;
	s3 =	sadd.s32 $0xC0, s3  }
0x2b: {  	[tilespmem:s3+$0xFFFFFFA0] =	vst v0;
	p0 =	slt.u32 s7, $0x7C  }
0x2c: {  	[tilespmem:s3+$0x50] =	vst v0  }
0x2d: {  	[tilespmem:s3+$0x40] =	vst v0  }
0x2e: {  	[tilespmem:s3+$0x30] =	vst v0  }
0x2f: {  	[tilespmem:s3+$0x20] =	vst v0  }
0x30: {  	[tilespmem:s3+$0x10] =	vst v0  }
.Ltmp0:
0x31: {  	[tilespmem:s3+$0x0] =	vst v0;
	(pc) =	sbr.rel @p0 .LBB2_2-.Ltmp0, $4  }
0x32: {  	[tilespmem:s3+$0xFFFFFFF0] =	vst v0  }
0x33: {  	[tilespmem:s3+$0xFFFFFFE0] =	vst v0  }
0x34: {  	[tilespmem:s3+$0xFFFFFFD0] =	vst v0  }
0x35: {  	[tilespmem:s3+$0xFFFFFFC0] =	vst v0  }
0x36: {  	[tilespmem:s3+$0xFFFFFFB0] =	vst v0  }
0x37: {  	[spmem:s9] =	stream.linear.scatter [tilespmem:s19], [sflag:$0x5], $0x1800, $0x38;
	[tilespmem:$0x14C00] =	vst v63  }
0x38: {  	_ =	swait.ge [sflag:s17], $0x1800  }
0x39: {  	[sflag:s17] =	ssyncset.done $0x0  }
0x3a: {  	s10 =	rddreg [dreg:$0x6];
	[sflag:s17] =	ssyncadd.s32 $0xFFFFE800  }
0x3b: {  	[spmem:s10] =	stream.linear.scatter [tilespmem:s19], [sflag:$0x5], $0x1800, $0x38;
	[tilespmem:$0x14C00] =	vst v63  }
0x3c: {  	_ =	swait.ge [sflag:s17], $0x1800  }
0x3d: {  	[sflag:s17] =	ssyncset.done $0x0  }
0x3e: {  	s11 =	rddreg [dreg:$0x7];
	[sflag:s17] =	ssyncadd.s32 $0xFFFFE800  }
0x3f: {  	[spmem:s11] =	stream.linear.scatter [tilespmem:s19], [sflag:$0x5], $0x1800, $0x38;
	[tilespmem:$0x14C00] =	vst v63  }
0x40: {  	_ =	swait.ge [sflag:s17], $0x1800  }
0x41: {  	[sflag:s17] =	ssyncset.done $0x0  }
0x42: {  	[sflag:s17] =	ssyncadd.s32 $0xFFFFE800  }
0x43: {  	[spmem:s13] =	stream.linear.scatter [tilespmem:s19], [sflag:$0x5], $0x1800, $0x38;
	[tilespmem:$0x14C00] =	vst v63  }
0x44: {  	_ =	swait.ge [sflag:s17], $0x1800  }
0x45: {  	[sflag:s17] =	ssyncset.done $0x0  }
0x46: {  	[sflag:s17] =	ssyncadd.s32 $0xFFFFE800  }
0x47: {  	[spmem:s14] =	stream.linear.scatter [tilespmem:s19], [sflag:$0x5], $0x1800, $0x38;
	[tilespmem:$0x14C00] =	vst v63  }
0x48: {  	_ =	swait.ge [sflag:s17], $0x1800  }
0x49: {  	[sflag:s17] =	ssyncset.done $0x0  }
0x4a: {  	[sflag:s17] =	ssyncadd.s32 $0xFFFFE800  }
0x4b: {  	s21 =	simm.s32 $0x0;
	s18 =	simm.s32 $0x6400;
	[bflag:$0x0] =	sbarrier.arrive $0xFFFF  }
0x4c: {  	[tilespmem:s18], [sflag:$0x1] =	stream.indirect.gather [hbm4b:s5+s20], $0x10, s21, s20, $0xb8;
	[tilespmem:$0x14C00] =	vst v63  }
0x4d: {  	s22 =	simm.s32 $0x7400  }
0x4e: {  	[tilespmem:s22], [sflag:$0x1] =	stream.indirect.gather [hbm4b:s5+s20], $0x10, s8, s20, $0xb8;
	[tilespmem:$0x14C00] =	vst v63  }
0x4f: {  	s23 =	simm.s32 $0x8400  }
0x50: {  	[tilespmem:s23], [sflag:$0x1] =	stream.indirect.gather [hbm4b:s6+s20], $0x20, s21, s20, $0xb8;
	[tilespmem:$0x14C00] =	vst v63  }
.LBB2_4:
0x51: {  	s23 =	sshll.u32 s21, $0x8  }
0x52: {  	s3 =	sor.u32 $0x80, s23  }
0x53: {  	[tilespmem:s24], [sflag:$0x2] =	stream.indirect.gather [hbm4b:s5+s20], $0x10, s3, s20, $0xb8;
	[tilespmem:$0x14C00] =	vst v63  }
0x54: {  	s22 =	sadd.s32 $0x3280, s23  }
0x55: {  	[tilespmem:s25], [sflag:$0x2] =	stream.indirect.gather [hbm4b:s5+s20], $0x10, s22, s20, $0xb8;
	[tilespmem:$0x14C00] =	vst v63  }
0x56: {  	_ = 	snop  }
0x57: {  	[tilespmem:s26], [sflag:$0x2] =	stream.indirect.gather [hbm4b:s6+s20], $0x20, s3, s20, $0xb8;
	[tilespmem:$0x14C00] =	vst v63  }
0x58: {  	_ =	swait.ge [sflag:s28], $0x800  }
0x59: {  	[sflag:s28] =	ssyncset.done $0x0  }
0x5a: {  	[sflag:s28] =	ssyncadd.s32 $0xFFFFF800  }
0x5b: {  	_ =	swait.ge [sflag:s28], $0x800  }
0x5c: {  	[sflag:s28] =	ssyncset.done $0x0  }
0x5d: {  	[sflag:s28] =	ssyncadd.s32 $0xFFFFF800  }
0x5e: {  	_ =	swait.ge [sflag:s28], $0x1000  }
0x5f: {  	p0 =	seq.s32 s21, $0x0;
	[sflag:s28] =	ssyncset.done $0x0  }
0x60: {  	s3 =	simm.s32 @!p0 $0x3;
	[sflag:s28] =	ssyncadd.s32 $0xFFFFF000  }
0x61: {  	_ =	swait.ge @!p0 [sflag:s3], $0x1800  }
0x62: {  	[sflag:s3] =	ssyncset.done @!p0 $0x0  }
0x63: {  	s11 =	simm.s32 $0x7420;
	[sflag:s3] =	ssyncadd.s32 @!p0 $0xFFFFE800  }
0x64: {  	v3 =	vld [tilespmem:s11+$0x10]  }
0x65: {  	s7 =	simm.s32 $0x6420  }
0x66: {  	v5 =	vld [tilespmem:s7+$0x10]  }
0x67: {  	v6 =	vld [tilespmem:s11+$0xFFFFFFF0]  }
0x68: {  	v7 =	vld [tilespmem:s11+$0x0]  }
0x69: {  	v4 =	vld [tilespmem:s11+$0xFFFFFFE0];
	v3 =	vperm.xlane v3, v1  }
0x6a: {  	v8 =	vld [tilespmem:s7+$0xFFFFFFF0]  }
0x6b: {  	v10 =	vld [tilespmem:s7+$0xFFFFFFE0];
	v3 =	vadd.f32 v3, v5  }
0x6c: {  	v9 =	vld [tilespmem:s7+$0x0];
	v5 =	vperm.xlane v6, v1  }
0x6d: {  	v6 =	vperm.xlane v7, v1;
	v7 =	vmul.f32 $2.000000030e-01, v3  }
0x6e: {  	v4 =	vperm.xlane v4, v1;
	vm1 =	vgt.f32 v3, $0.0e+00  }
0x6f: {  	v5 =	vadd.f32 v5, v8;
	v3 =	vsel vm1, v3, v7  }
0x70: {  	v4 =	vadd.f32 v4, v10;
	v3 =	vmul.f32 $1.442695020e+00, v3  }
0x71: {  	v6 =	vadd.f32 v6, v9;
	v7 =	vmul.f32 $2.000000030e-01, v5  }
0x72: {  	v9 =	vmul.f32 $2.000000030e-01, v4;
	vm1 =	vgt.f32 v5, $0.0e+00;
	(erf) = vpow2.f32 v3  }
0x73: {  	vm2 =	vgt.f32 v4, $0.0e+00;
	v3 =	vsel vm1, v5, v7  }
0x74: {  	s8 =	simm.s32 $0x7460;
	v8 =	vmul.f32 $2.000000030e-01, v6;
	v4 =	vsel vm2, v4, v9;
	v3 =	vmul.f32 $1.442695020e+00, v3  }
0x75: {  	v10 =	vld [tilespmem:s8+$0x0];
	v4 =	vmul.f32 $1.442695020e+00, v4;
	vm1 =	vgt.f32 v6, $0.0e+00  }
0x76: {  	s18 =	simm.s32 $0x8440;
	v9 =	vld [tilespmem:s8+$0xFFFFFFF0];
	v5 =	vsel vm1, v6, v8;
	(erf) = vpow2.f32 v3  }
0x77: {  	v5 =	vmul.f32 $1.442695020e+00, v5;
	(erf) = vpow2.f32 v4;
	v4 =	vld [tilespmem:s18+$0x30]  }
0x78: {  	v6 =	vld [tilespmem:s8+$0x10]  }
0x79: {  	(erf) = vpow2.f32 v5;
	v5 =	vld [tilespmem:s18+$0xFFFFFFD0]  }
0x7a: {  	s3 =	simm.s32 $0x6460;
	v7 =	vld [tilespmem:s8+$0xFFFFFFE0]  }
0x7b: {  	v8 =	vld [tilespmem:s3+$0x10];
	v3 =	vpop (erf)  }
0x7c: {  	v21 =	vld [tilespmem:s18+$0xFFFFFFC0];
	v4 =	vunpack.i.l.bf16.f32 v4;
	v3 =	vperm.xlane v3, v2  }
0x7d: {  	v12 =	vld [tilespmem:s3+$0xFFFFFFF0]  }
0x7e: {  	v15 =	vld [tilespmem:s3+$0x0];
	v6 =	vperm.xlane v6, v1;
	v11 =	vunpack.i.l.bf16.f32 v5;
	v5 =	vmul.f32 v4, v3  }
0x7f: {  	v17 =	vperm.xlane v10, v1;
	v9 =	vperm.xlane v9, v1;
	v4 =	vpop (erf);
	v13 =	vsel vm0, $0x0, v3  }
0x80: {  	v14 =	vperm.xlane v7, v1;
	v16 =	vadd.f32 v6, v8;
	v7 =	vpop (erf);
	v18 =	vadd.f32 v5, v13;
	v13 =	vld [tilespmem:s3+$0xFFFFFFE0]  }
0x81: {  	v22 =	vunpack.i.l.bf16.f32 v21;
	v4 =	vperm.xlane v4, v2;
	v6 =	vperm.xlane v7, v2  }
0x82: {  	v12 =	vadd.f32 v9, v12;
	v19 =	vmul.f32 $2.000000030e-01, v16;
	vm1 =	vgt.f32 v16, $0.0e+00  }
0x83: {  	v20 =	vld [tilespmem:s18+$0xFFFFFFF0];
	v7 =	vsel vm0, $0x0, v4;
	v10 =	vmul.f32 v11, v6;
	v11 =	vadd.f32 v17, v15  }
0x84: {  	v8 =	vsel vm0, $0x0, v6;
	v15 =	vsel vm1, v16, v19;
	vm1 =	vgt.f32 v12, $0.0e+00  }
0x85: {  	v5 =	vpop (erf);
	v15 =	vmul.f32 $1.442695020e+00, v15;
	v17 =	vmul.f32 $2.000000030e-01, v11;
	v13 =	vadd.f32 v14, v13  }
0x86: {  	v16 =	vld [tilespmem:s18+$0x10];
	v5 =	vperm.xlane v5, v2;
	vm2 =	vgt.f32 v11, $0.0e+00;
	v14 =	vmul.f32 $2.000000030e-01, v12  }
0x87: {  	v23 =	vld [tilespmem:s18+$0xFFFFFFE0];
	(erf) = vpow2.f32 v15;
	v11 =	vsel vm2, v11, v17;
	v19 =	vmul.f32 $2.000000030e-01, v13  }
0x88: {  	v15 =	vld [tilespmem:s18+$0x0];
	vm3 =	vgt.f32 v13, $0.0e+00;
	v12 =	vsel vm1, v12, v14;
	v14 =	vunpack.i.l.bf16.f32 v20  }
0x89: {  	v24 =	vld [tilespmem:s18+$0x20];
	v11 =	vmul.f32 $1.442695020e+00, v11;
	v12 =	vmul.f32 $1.442695020e+00, v12;
	v13 =	vsel vm3, v13, v19  }
0x8a: {  	v9 =	vsel vm0, $0x0, v5;
	v19 =	vmul.f32 v14, v4;
	v13 =	vmul.f32 $1.442695020e+00, v13  }
0x8b: {  	v14 =	vunpack.i.l.bf16.f32 v16;
	v16 =	vunpack.i.u.bf16.f32 v21;
	(erf) = vpow2.f32 v12  }
0x8c: {  	s7 =	simm.s32 $0x84C0;
	s8 =	simm.s32 $0xA460;
	v21 =	vunpack.i.l.bf16.f32 v23;
	v17 =	vmul.f32 v14, v5;
	(erf) = vpow2.f32 v13  }
0x8d: {  	[tilespmem:s8+$0x50] =	vst v18;
	v20 =	vld [tilespmem:s7+$0x30];
	v14 =	vunpack.i.u.bf16.f32 v15;
	v18 =	vunpack.i.l.bf16.f32 v15;
	(erf) = vpow2.f32 v11  }
0x8e: {  	s10 =	simm.s32 $0x4;
	s11 =	simm.s32 $0x74A0;
	s18 =	simm.s32 $0xA460;
	v12 =	vld [tilespmem:s7+$0xFFFFFFD0];
	v15 =	vunpack.i.l.bf16.f32 v24;
	v13 =	vunpack.i.u.bf16.f32 v23;
	v11 =	vunpack.i.u.bf16.f32 v24  }
.LBB2_5:
0x8f: {  	v23 =	vld [tilespmem:s11+$0x10];
	s10 =	sadd.s32 $0x4, s10;
	v22 =	vmul.f32 v22, v6;
	v8 =	vadd.f32 v10, v8;
	v7 =	vadd.f32 v19, v7  }
0x90: {  	s3 =	sadd.s32 $0x40, s3;
	v6 =	vmul.f32 v16, v6;
	v16 =	vmul.f32 v21, v4;
	v9 =	vadd.f32 v17, v9;
	v10 =	vld [tilespmem:s11+$0xFFFFFFE0];
	p1 =	slt.u32 s10, $0x7C;
	v19 =	vpop (erf)  }
0x91: {  	v13 =	vmul.f32 v13, v4;
	v17 =	vld [tilespmem:s3+$0x10];
	v19 =	vperm.xlane v19, v2;
	[tilespmem:s8+$0xFFFFFFC0] =	vst v8  }
0x92: {  	v18 =	vmul.f32 v18, v5;
	v14 =	vmul.f32 v14, v5;
	v8 =	vld [tilespmem:s11+$0xFFFFFFF0];
	v24 =	vunpack.i.l.bf16.f32 v20;
	[tilespmem:s8+$0xFFFFFFF0] =	vst v7  }
0x93: {  	v15 =	vmul.f32 v15, v3;
	v20 =	vld [tilespmem:s11+$0x0];
	v12 =	vunpack.i.l.bf16.f32 v12;
	v24 =	vmul.f32 v24, v19;
	[tilespmem:s8+$0x20] =	vst v9  }
0x94: {  	v11 =	vmul.f32 v11, v3;
	v21 =	vsel vm0, $0x0, v19;
	v9 =	vld [tilespmem:s3+$0xFFFFFFF0];
	v7 =	vperm.xlane v23, v1;
	v4 =	vpop (erf);
	[tilespmem:s8+$0xFFFFFFA0] =	vst v22  }
0x95: {  	v22 =	vperm.xlane v10, v1;
	v23 =	vld [tilespmem:s3+$0x0];
	v4 =	vperm.xlane v4, v2;
	v10 =	vadd.f32 v24, v21;
	v3 =	vpop (erf);
	[tilespmem:s8+$0xFFFFFFB0] =	vst v6  }
0x96: {  	s8 =	sadd.s32 $0xC0, s8;
	v21 =	vld [tilespmem:s3+$0xFFFFFFE0];
	v17 =	vadd.f32 v7, v17;
	v6 =	vperm.xlane v3, v2;
	v5 =	vpop (erf);
	[tilespmem:s18+$0xFFFFFFD0] =	vst v16;
	v3 =	vmov v19  }
0x97: {  	v16 =	vperm.xlane v8, v1;
	v7 =	vsel vm0, $0x0, v4;
	v5 =	vperm.xlane v5, v2;
	v24 =	vld [tilespmem:s7+$0x20];
	[tilespmem:s8+$0x50] =	vst v10  }
0x98: {  	v19 =	vperm.xlane v20, v1;
	v20 =	vmul.f32 $2.000000030e-01, v17;
	v8 =	vsel vm0, $0x0, v6;
	v25 =	vld [tilespmem:s7+$0xFFFFFFF0];
	[tilespmem:s18+$0xFFFFFFE0] =	vst v13  }
0x99: {  	vm1 =	vgt.f32 v17, $0.0e+00;
	v10 =	vmul.f32 v12, v6;
	v13 =	vadd.f32 v16, v9;
	v12 =	vld [tilespmem:s7+$0x10];
	[tilespmem:s18+$0x0] =	vst v18  }
0x9a: {  	v9 =	vsel vm0, $0x0, v5;
	v16 =	vadd.f32 v19, v23;
	v17 =	vsel vm1, v17, v20;
	v18 =	vld [tilespmem:s7+$0xFFFFFFC0];
	[tilespmem:s18+$0x10] =	vst v14  }
0x9b: {  	v14 =	vadd.f32 v22, v21;
	v19 =	vmul.f32 $2.000000030e-01, v13;
	v17 =	vmul.f32 $1.442695020e+00, v17;
	v21 =	vld [tilespmem:s7+$0xFFFFFFE0];
	[tilespmem:s18+$0x30] =	vst v15  }
0x9c: {  	vm1 =	vgt.f32 v13, $0.0e+00;
	vm2 =	vgt.f32 v16, $0.0e+00;
	v15 =	vmul.f32 $2.000000030e-01, v16;
	v23 =	vld [tilespmem:s7+$0x0];
	[tilespmem:s18+$0x40] =	vst v11;
	s18 =	smov.u32 s8  }
0x9d: {  	vm3 =	vgt.f32 v14, $0.0e+00;
	v11 =	vmul.f32 $2.000000030e-01, v14;
	(erf) = vpow2.f32 v17  }
0x9e: {  	v13 =	vsel vm1, v13, v19;
	v15 =	vsel vm2, v16, v15;
	v16 =	vunpack.i.l.bf16.f32 v25  }
0x9f: {  	v13 =	vmul.f32 $1.442695020e+00, v13;
	v11 =	vsel vm3, v14, v11;
	v14 =	vmul.f32 $1.442695020e+00, v15  }
.Ltmp1:
0xa0: {  	v12 =	vunpack.i.l.bf16.f32 v12;
	v19 =	vmul.f32 v16, v4;
	v11 =	vmul.f32 $1.442695020e+00, v11;
	(pc) =	sbr.rel @p1 .LBB2_5-.Ltmp1, $4  }
0xa1: {  	v16 =	vunpack.i.u.bf16.f32 v18;
	v17 =	vmul.f32 v12, v5;
	(erf) = vpow2.f32 v13  }
0xa2: {  	s7 =	sadd.s32 $0x80, s7;
	v22 =	vunpack.i.l.bf16.f32 v18;
	v13 =	vunpack.i.u.bf16.f32 v21;
	(erf) = vpow2.f32 v11  }
0xa3: {  	v21 =	vunpack.i.l.bf16.f32 v21;
	v20 =	vld [tilespmem:s7+$0x30];
	(erf) = vpow2.f32 v14;
	v14 =	vunpack.i.u.bf16.f32 v23  }
0xa4: {  	s11 =	sadd.s32 $0x40, s11;
	v15 =	vunpack.i.l.bf16.f32 v24;
	v18 =	vunpack.i.l.bf16.f32 v23;
	v11 =	vunpack.i.u.bf16.f32 v24;
	v12 =	vld [tilespmem:s7+$0xFFFFFFD0]  }
0xa5: {  	v8 =	vadd.f32 v10, v8  }
0xa6: {  	v7 =	vadd.f32 v19, v7  }
0xa7: {  	v9 =	vadd.f32 v17, v9;
	v10 =	vpop (erf);
	[tilespmem:s8+$0xFFFFFFC0] =	vst v8  }
0xa8: {  	v10 =	vperm.xlane v10, v2;
	v8 =	vmul.f32 v22, v6;
	[tilespmem:s8+$0xFFFFFFF0] =	vst v7  }
0xa9: {  	v6 =	vmul.f32 v16, v6;
	[tilespmem:s8+$0x20] =	vst v9;
	v17 =	vunpack.i.l.bf16.f32 v20  }
0xaa: {  	v9 =	vmul.f32 v21, v4;
	v7 =	vmul.f32 v17, v10;
	[tilespmem:s8+$0xFFFFFFA0] =	vst v8;
	v8 =	vld [tilespmem:s7+$0xFFFFFFF0]  }
0xab: {  	v4 =	vmul.f32 v13, v4;
	v16 =	vsel vm0, $0x0, v10;
	[tilespmem:s8+$0xFFFFFFB0] =	vst v6;
	v6 =	vld [tilespmem:s7+$0x10];
	v13 =	vpop (erf)  }
0xac: {  	[tilespmem:s18+$0xFFFFFFD0] =	vst v9;
	v7 =	vadd.f32 v7, v16;
	v16 =	vmul.f32 v18, v5;
	v5 =	vmul.f32 v14, v5;
	v14 =	vpop (erf)  }
0xad: {  	s3 =	sadd.s32 $0xC0, s8;
	v15 =	vmul.f32 v15, v3;
	v9 =	vld [tilespmem:s7+$0x20];
	[tilespmem:s18+$0xFFFFFFE0] =	vst v4;
	v14 =	vperm.xlane v14, v2  }
0xae: {  	v3 =	vmul.f32 v11, v3;
	v4 =	vld [tilespmem:s7+$0xFFFFFFC0];
	v11 =	vperm.xlane v13, v2;
	[tilespmem:s3+$0x50] =	vst v7;
	v7 =	vunpack.i.l.bf16.f32 v12;
	v12 =	vpop (erf)  }
0xaf: {  	[tilespmem:s18+$0x30] =	vst v15;
	v12 =	vperm.xlane v12, v2;
	v7 =	vmul.f32 v7, v14;
	v8 =	vunpack.i.l.bf16.f32 v8  }
0xb0: {  	[tilespmem:s18+$0x10] =	vst v5;
	v5 =	vld [tilespmem:s7+$0xFFFFFFE0];
	v13 =	vsel vm0, $0x0, v14;
	v6 =	vunpack.i.l.bf16.f32 v6;
	v8 =	vmul.f32 v8, v11  }
0xb1: {  	[tilespmem:s18+$0x0] =	vst v16;
	v16 =	vsel vm0, $0x0, v11;
	v6 =	vmul.f32 v6, v12;
	v7 =	vadd.f32 v7, v13  }
0xb2: {  	v15 =	vld [tilespmem:s7+$0x0];
	[tilespmem:s18+$0x40] =	vst v3;
	v13 =	vsel vm0, $0x0, v12;
	v3 =	vadd.f32 v8, v16  }
0xb3: {  	v8 =	vunpack.i.l.bf16.f32 v4;
	v6 =	vadd.f32 v6, v13;
	[tilespmem:s3+$0xFFFFFFC0] =	vst v7  }
0xb4: {  	v4 =	vunpack.i.u.bf16.f32 v4;
	v7 =	vmul.f32 v8, v14;
	[tilespmem:s3+$0xFFFFFFF0] =	vst v3  }
0xb5: {  	v4 =	vmul.f32 v4, v14;
	v3 =	vunpack.i.l.bf16.f32 v5;
	[tilespmem:s3+$0x20] =	vst v6  }
0xb6: {  	v5 =	vunpack.i.u.bf16.f32 v5;
	v3 =	vmul.f32 v3, v11;
	[tilespmem:s3+$0xFFFFFFA0] =	vst v7  }
0xb7: {  	v6 =	vunpack.i.l.bf16.f32 v15;
	v5 =	vmul.f32 v5, v11;
	[tilespmem:s3+$0xFFFFFFB0] =	vst v4  }
0xb8: {  	v4 =	vunpack.i.u.bf16.f32 v15;
	v6 =	vmul.f32 v6, v12;
	[tilespmem:s3+$0xFFFFFFD0] =	vst v3  }
0xb9: {  	v4 =	vmul.f32 v4, v12;
	v3 =	vunpack.i.l.bf16.f32 v9;
	[tilespmem:s3+$0xFFFFFFE0] =	vst v5  }
0xba: {  	v5 =	vunpack.i.u.bf16.f32 v9;
	v3 =	vmul.f32 v3, v10;
	[tilespmem:s3+$0x0] =	vst v6  }
0xbb: {  	s18 =	sshll.u32 s21, $0xA;
	v5 =	vmul.f32 v5, v10;
	[tilespmem:s3+$0x10] =	vst v4  }
0xbc: {  	s21 =	sadd.s32 $0x1, s21;
	s7 =	sshra.s32 s18, $0x2;
	[tilespmem:s3+$0x30] =	vst v3  }
0xbd: {  	p1 =	sge.u32 s21, s12;
	s8 =	sadd.s32 $0x3200, s7;
	[tilespmem:s3+$0x40] =	vst v5  }
0xbe: {  	[spmem:s1] =	stream.indirect.scatter.add.f32 [tilespmem:s19], [sflag:$0x3], $0x30, s8, s20, $0xb8;
	[tilespmem:$0x14C00] =	vst v63  }
0xbf: {  	s7 =	simm.s32 @!p1 $0x80;
	s3 =	sadd.s32 @!p1 $0x100, s23;
	s8 =	simm.s32 @!p1 $0x6400  }
0xc0: {  	[tilespmem:s8], [sflag:$0x1] =	stream.indirect.gather @!p1 [hbm4b:s5+s7], $0x10, s3, s7, $0xb8;
	[tilespmem:$0x14C00] =	vst v63  }
0xc1: {  	s10 =	simm.s32 @!p1 $0x7400;
	s8 =	sadd.s32 @!p1 $0x3300, s23  }
0xc2: {  	[tilespmem:s10], [sflag:$0x1] =	stream.indirect.gather @!p1 [hbm4b:s5+s7], $0x10, s8, s7, $0xb8;
	[tilespmem:$0x14C00] =	vst v63  }
0xc3: {  	s8 =	simm.s32 @!p1 $0x8400  }
0xc4: {  	[tilespmem:s8], [sflag:$0x1] =	stream.indirect.gather @!p1 [hbm4b:s6+s7], $0x20, s3, s7, $0xb8;
	[tilespmem:$0x14C00] =	vst v63  }
0xc5: {  	_ =	swait.ge [sflag:s29], $0x800  }
0xc6: {  	[sflag:s29] =	ssyncset.done $0x0  }
0xc7: {  	[sflag:s29] =	ssyncadd.s32 $0xFFFFF800  }
0xc8: {  	_ =	swait.ge [sflag:s29], $0x800  }
0xc9: {  	[sflag:s29] =	ssyncset.done $0x0  }
0xca: {  	[sflag:s29] =	ssyncadd.s32 $0xFFFFF800  }
0xcb: {  	_ =	swait.ge [sflag:s29], $0x1000  }
0xcc: {  	[sflag:s29] =	ssyncset.done $0x0  }
0xcd: {  	s3 =	simm.s32 @!p0 $0x4;
	[sflag:s29] =	ssyncadd.s32 $0xFFFFF000  }
0xce: {  	_ =	swait.ge @!p0 [sflag:s3], $0x1800  }
0xcf: {  	[sflag:s3] =	ssyncset.done @!p0 $0x0  }
0xd0: {  	s10 =	simm.s32 $0x7C20;
	[sflag:s3] =	ssyncadd.s32 @!p0 $0xFFFFE800  }
0xd1: {  	v3 =	vld [tilespmem:s10+$0x10]  }
0xd2: {  	s11 =	simm.s32 $0x6C20  }
0xd3: {  	v5 =	vld [tilespmem:s11+$0x10]  }
0xd4: {  	v6 =	vld [tilespmem:s10+$0xFFFFFFF0]  }
0xd5: {  	v7 =	vld [tilespmem:s10+$0x0]  }
0xd6: {  	v4 =	vld [tilespmem:s10+$0xFFFFFFE0];
	v3 =	vperm.xlane v3, v1  }
0xd7: {  	v8 =	vld [tilespmem:s11+$0xFFFFFFF0]  }
0xd8: {  	v10 =	vld [tilespmem:s11+$0xFFFFFFE0];
	v3 =	vadd.f32 v3, v5  }
0xd9: {  	v9 =	vld [tilespmem:s11+$0x0];
	v5 =	vperm.xlane v6, v1  }
0xda: {  	v6 =	vperm.xlane v7, v1;
	v7 =	vmul.f32 $2.000000030e-01, v3  }
0xdb: {  	v4 =	vperm.xlane v4, v1;
	vm1 =	vgt.f32 v3, $0.0e+00  }
0xdc: {  	v5 =	vadd.f32 v5, v8;
	v3 =	vsel vm1, v3, v7  }
0xdd: {  	v4 =	vadd.f32 v4, v10;
	v3 =	vmul.f32 $1.442695020e+00, v3  }
0xde: {  	v6 =	vadd.f32 v6, v9;
	v7 =	vmul.f32 $2.000000030e-01, v5  }
0xdf: {  	v9 =	vmul.f32 $2.000000030e-01, v4;
	vm1 =	vgt.f32 v5, $0.0e+00;
	(erf) = vpow2.f32 v3  }
0xe0: {  	vm2 =	vgt.f32 v4, $0.0e+00;
	v3 =	vsel vm1, v5, v7  }
0xe1: {  	s23 =	simm.s32 $0x7C60;
	v8 =	vmul.f32 $2.000000030e-01, v6;
	v4 =	vsel vm2, v4, v9;
	v3 =	vmul.f32 $1.442695020e+00, v3  }
0xe2: {  	v10 =	vld [tilespmem:s23+$0x0];
	v4 =	vmul.f32 $1.442695020e+00, v4;
	vm1 =	vgt.f32 v6, $0.0e+00  }
0xe3: {  	s18 =	simm.s32 $0x9440;
	v9 =	vld [tilespmem:s23+$0xFFFFFFF0];
	v5 =	vsel vm1, v6, v8;
	(erf) = vpow2.f32 v3  }
0xe4: {  	v5 =	vmul.f32 $1.442695020e+00, v5;
	(erf) = vpow2.f32 v4;
	v4 =	vld [tilespmem:s18+$0x30]  }
0xe5: {  	v6 =	vld [tilespmem:s23+$0x10]  }
0xe6: {  	(erf) = vpow2.f32 v5;
	v5 =	vld [tilespmem:s18+$0xFFFFFFD0]  }
0xe7: {  	s3 =	simm.s32 $0x6C60;
	v7 =	vld [tilespmem:s23+$0xFFFFFFE0]  }
0xe8: {  	v8 =	vld [tilespmem:s3+$0x10];
	v3 =	vpop (erf)  }
0xe9: {  	v21 =	vld [tilespmem:s18+$0xFFFFFFC0];
	v4 =	vunpack.i.l.bf16.f32 v4;
	v3 =	vperm.xlane v3, v2  }
0xea: {  	v12 =	vld [tilespmem:s3+$0xFFFFFFF0]  }
0xeb: {  	v15 =	vld [tilespmem:s3+$0x0];
	v6 =	vperm.xlane v6, v1;
	v11 =	vunpack.i.l.bf16.f32 v5;
	v5 =	vmul.f32 v4, v3  }
0xec: {  	v17 =	vperm.xlane v10, v1;
	v9 =	vperm.xlane v9, v1;
	v4 =	vpop (erf);
	v13 =	vsel vm0, $0x0, v3  }
0xed: {  	v14 =	vperm.xlane v7, v1;
	v16 =	vadd.f32 v6, v8;
	v7 =	vpop (erf);
	v18 =	vadd.f32 v5, v13;
	v13 =	vld [tilespmem:s3+$0xFFFFFFE0]  }
0xee: {  	v22 =	vunpack.i.l.bf16.f32 v21;
	v4 =	vperm.xlane v4, v2;
	v6 =	vperm.xlane v7, v2  }
0xef: {  	v12 =	vadd.f32 v9, v12;
	v19 =	vmul.f32 $2.000000030e-01, v16;
	vm1 =	vgt.f32 v16, $0.0e+00  }
0xf0: {  	v20 =	vld [tilespmem:s18+$0xFFFFFFF0];
	v7 =	vsel vm0, $0x0, v4;
	v10 =	vmul.f32 v11, v6;
	v11 =	vadd.f32 v17, v15  }
0xf1: {  	v8 =	vsel vm0, $0x0, v6;
	v15 =	vsel vm1, v16, v19;
	vm1 =	vgt.f32 v12, $0.0e+00  }
0xf2: {  	v5 =	vpop (erf);
	v15 =	vmul.f32 $1.442695020e+00, v15;
	v17 =	vmul.f32 $2.000000030e-01, v11;
	v13 =	vadd.f32 v14, v13  }
0xf3: {  	v16 =	vld [tilespmem:s18+$0x10];
	v5 =	vperm.xlane v5, v2;
	vm2 =	vgt.f32 v11, $0.0e+00;
	v14 =	vmul.f32 $2.000000030e-01, v12  }
0xf4: {  	v23 =	vld [tilespmem:s18+$0xFFFFFFE0];
	(erf) = vpow2.f32 v15;
	v11 =	vsel vm2, v11, v17;
	v19 =	vmul.f32 $2.000000030e-01, v13  }
0xf5: {  	v15 =	vld [tilespmem:s18+$0x0];
	vm3 =	vgt.f32 v13, $0.0e+00;
	v12 =	vsel vm1, v12, v14;
	v14 =	vunpack.i.l.bf16.f32 v20  }
0xf6: {  	v24 =	vld [tilespmem:s18+$0x20];
	v11 =	vmul.f32 $1.442695020e+00, v11;
	v12 =	vmul.f32 $1.442695020e+00, v12;
	v13 =	vsel vm3, v13, v19  }
0xf7: {  	v9 =	vsel vm0, $0x0, v5;
	v19 =	vmul.f32 v14, v4;
	v13 =	vmul.f32 $1.442695020e+00, v13  }
0xf8: {  	v14 =	vunpack.i.l.bf16.f32 v16;
	v16 =	vunpack.i.u.bf16.f32 v21;
	(erf) = vpow2.f32 v12  }
0xf9: {  	s7 =	simm.s32 $0x94C0;
	s8 =	simm.s32 $0xBC60;
	v21 =	vunpack.i.l.bf16.f32 v23;
	v17 =	vmul.f32 v14, v5;
	(erf) = vpow2.f32 v13  }
0xfa: {  	[tilespmem:s8+$0x50] =	vst v18;
	v20 =	vld [tilespmem:s7+$0x30];
	v14 =	vunpack.i.u.bf16.f32 v15;
	v18 =	vunpack.i.l.bf16.f32 v15;
	(erf) = vpow2.f32 v11  }
0xfb: {  	s10 =	simm.s32 $0x4;
	s11 =	simm.s32 $0x7CA0;
	s18 =	simm.s32 $0xBC60;
	v12 =	vld [tilespmem:s7+$0xFFFFFFD0];
	v15 =	vunpack.i.l.bf16.f32 v24;
	v13 =	vunpack.i.u.bf16.f32 v23;
	v11 =	vunpack.i.u.bf16.f32 v24  }
.LBB2_7:
0xfc: {  	v23 =	vld [tilespmem:s11+$0x10];
	s10 =	sadd.s32 $0x4, s10;
	v22 =	vmul.f32 v22, v6;
	v8 =	vadd.f32 v10, v8;
	v7 =	vadd.f32 v19, v7  }
0xfd: {  	s3 =	sadd.s32 $0x40, s3;
	v6 =	vmul.f32 v16, v6;
	v16 =	vmul.f32 v21, v4;
	v9 =	vadd.f32 v17, v9;
	v10 =	vld [tilespmem:s11+$0xFFFFFFE0];
	p0 =	slt.u32 s10, $0x7C;
	v19 =	vpop (erf)  }
0xfe: {  	v13 =	vmul.f32 v13, v4;
	v17 =	vld [tilespmem:s3+$0x10];
	v19 =	vperm.xlane v19, v2;
	[tilespmem:s8+$0xFFFFFFC0] =	vst v8  }
0xff: {  	v18 =	vmul.f32 v18, v5;
	v14 =	vmul.f32 v14, v5;
	v8 =	vld [tilespmem:s11+$0xFFFFFFF0];
	v24 =	vunpack.i.l.bf16.f32 v20;
	[tilespmem:s8+$0xFFFFFFF0] =	vst v7  }
0x100: {  	v15 =	vmul.f32 v15, v3;
	v20 =	vld [tilespmem:s11+$0x0];
	v12 =	vunpack.i.l.bf16.f32 v12;
	v24 =	vmul.f32 v24, v19;
	[tilespmem:s8+$0x20] =	vst v9  }
0x101: {  	v11 =	vmul.f32 v11, v3;
	v21 =	vsel vm0, $0x0, v19;
	v9 =	vld [tilespmem:s3+$0xFFFFFFF0];
	v7 =	vperm.xlane v23, v1;
	v4 =	vpop (erf);
	[tilespmem:s8+$0xFFFFFFA0] =	vst v22  }
0x102: {  	v22 =	vperm.xlane v10, v1;
	v23 =	vld [tilespmem:s3+$0x0];
	v4 =	vperm.xlane v4, v2;
	v10 =	vadd.f32 v24, v21;
	v3 =	vpop (erf);
	[tilespmem:s8+$0xFFFFFFB0] =	vst v6  }
0x103: {  	s8 =	sadd.s32 $0xC0, s8;
	v21 =	vld [tilespmem:s3+$0xFFFFFFE0];
	v17 =	vadd.f32 v7, v17;
	v6 =	vperm.xlane v3, v2;
	v5 =	vpop (erf);
	[tilespmem:s18+$0xFFFFFFD0] =	vst v16;
	v3 =	vmov v19  }
0x104: {  	v16 =	vperm.xlane v8, v1;
	v7 =	vsel vm0, $0x0, v4;
	v5 =	vperm.xlane v5, v2;
	v24 =	vld [tilespmem:s7+$0x20];
	[tilespmem:s8+$0x50] =	vst v10  }
0x105: {  	v19 =	vperm.xlane v20, v1;
	v20 =	vmul.f32 $2.000000030e-01, v17;
	v8 =	vsel vm0, $0x0, v6;
	v25 =	vld [tilespmem:s7+$0xFFFFFFF0];
	[tilespmem:s18+$0xFFFFFFE0] =	vst v13  }
0x106: {  	vm1 =	vgt.f32 v17, $0.0e+00;
	v10 =	vmul.f32 v12, v6;
	v13 =	vadd.f32 v16, v9;
	v12 =	vld [tilespmem:s7+$0x10];
	[tilespmem:s18+$0x0] =	vst v18  }
0x107: {  	v9 =	vsel vm0, $0x0, v5;
	v16 =	vadd.f32 v19, v23;
	v17 =	vsel vm1, v17, v20;
	v18 =	vld [tilespmem:s7+$0xFFFFFFC0];
	[tilespmem:s18+$0x10] =	vst v14  }
0x108: {  	v14 =	vadd.f32 v22, v21;
	v19 =	vmul.f32 $2.000000030e-01, v13;
	v17 =	vmul.f32 $1.442695020e+00, v17;
	v21 =	vld [tilespmem:s7+$0xFFFFFFE0];
	[tilespmem:s18+$0x30] =	vst v15  }
0x109: {  	vm1 =	vgt.f32 v13, $0.0e+00;
	vm2 =	vgt.f32 v16, $0.0e+00;
	v15 =	vmul.f32 $2.000000030e-01, v16;
	v23 =	vld [tilespmem:s7+$0x0];
	[tilespmem:s18+$0x40] =	vst v11;
	s18 =	smov.u32 s8  }
0x10a: {  	vm3 =	vgt.f32 v14, $0.0e+00;
	v11 =	vmul.f32 $2.000000030e-01, v14;
	(erf) = vpow2.f32 v17  }
0x10b: {  	v13 =	vsel vm1, v13, v19;
	v15 =	vsel vm2, v16, v15;
	v16 =	vunpack.i.l.bf16.f32 v25  }
0x10c: {  	v13 =	vmul.f32 $1.442695020e+00, v13;
	v11 =	vsel vm3, v14, v11;
	v14 =	vmul.f32 $1.442695020e+00, v15  }
.Ltmp2:
0x10d: {  	v12 =	vunpack.i.l.bf16.f32 v12;
	v19 =	vmul.f32 v16, v4;
	v11 =	vmul.f32 $1.442695020e+00, v11;
	(pc) =	sbr.rel @p0 .LBB2_7-.Ltmp2, $4  }
0x10e: {  	v16 =	vunpack.i.u.bf16.f32 v18;
	v17 =	vmul.f32 v12, v5;
	(erf) = vpow2.f32 v13  }
0x10f: {  	s7 =	sadd.s32 $0x80, s7;
	v22 =	vunpack.i.l.bf16.f32 v18;
	v13 =	vunpack.i.u.bf16.f32 v21;
	(erf) = vpow2.f32 v11  }
0x110: {  	v21 =	vunpack.i.l.bf16.f32 v21;
	v20 =	vld [tilespmem:s7+$0x30];
	(erf) = vpow2.f32 v14;
	v14 =	vunpack.i.u.bf16.f32 v23  }
0x111: {  	s11 =	sadd.s32 $0x40, s11;
	v15 =	vunpack.i.l.bf16.f32 v24;
	v18 =	vunpack.i.l.bf16.f32 v23;
	v11 =	vunpack.i.u.bf16.f32 v24;
	v12 =	vld [tilespmem:s7+$0xFFFFFFD0]  }
0x112: {  	v8 =	vadd.f32 v10, v8  }
0x113: {  	v7 =	vadd.f32 v19, v7  }
0x114: {  	v9 =	vadd.f32 v17, v9;
	[tilespmem:s8+$0xFFFFFFC0] =	vst v8  }
0x115: {  	v36 =	vmul.f32 v22, v6;
	[tilespmem:s8+$0xFFFFFFF0] =	vst v7  }
0x116: {  	v38 =	vmul.f32 v16, v6;
	v42 =	vld [tilespmem:s7+$0xFFFFFFF0];
	[tilespmem:s8+$0x20] =	vst v9  }
0x117: {  	v45 =	vld [tilespmem:s7+$0x10];
	v15 =	vmul.f32 v15, v3;
	[tilespmem:s8+$0xFFFFFFA0] =	vst v36  }
0x118: {  	v3 =	vmul.f32 v11, v3;
	v55 =	vld [tilespmem:s7+$0xFFFFFFE0];
	v35 =	vpop (erf);
	[tilespmem:s8+$0xFFFFFFB0] =	vst v38  }
0x119: {  	v40 =	vmul.f32 v21, v4;
	v53 =	vld [tilespmem:s7+$0xFFFFFFC0];
	v10 =	vperm.xlane v35, v2;
	[tilespmem:s18+$0x30] =	vst v15  }
0x11a: {  	v43 =	vmul.f32 v13, v4;
	v46 =	vmul.f32 v18, v5;
	[tilespmem:s18+$0x40] =	vst v3;
	v37 =	vunpack.i.l.bf16.f32 v20  }
0x11b: {  	v47 =	vmul.f32 v14, v5;
	[tilespmem:s18+$0xFFFFFFD0] =	vst v40;
	v39 =	vmul.f32 v37, v10;
	v41 =	vsel vm0, $0x0, v10;
	v44 =	vpop (erf)  }
0x11c: {  	v49 =	vld [tilespmem:s7+$0x20];
	[tilespmem:s18+$0xFFFFFFE0] =	vst v43;
	v50 =	vunpack.i.l.bf16.f32 v12;
	v8 =	vunpack.i.l.bf16.f32 v42;
	v48 =	vpop (erf);
	v51 =	vperm.xlane v44, v2  }
0x11d: {  	[tilespmem:s18+$0x0] =	vst v46;
	v5 =	vunpack.i.u.bf16.f32 v55;
	v7 =	vadd.f32 v39, v41;
	v14 =	vperm.xlane v48, v2  }
0x11e: {  	s3 =	sadd.s32 $0xC0, s8;
	[tilespmem:s18+$0x10] =	vst v47;
	v6 =	vunpack.i.l.bf16.f32 v45;
	v59 =	vunpack.i.l.bf16.f32 v53;
	v5 =	vmul.f32 v5, v51  }
0x11f: {  	v4 =	vunpack.i.u.bf16.f32 v53;
	v52 =	vpop (erf);
	[tilespmem:s3+$0x50] =	vst v7;
	v8 =	vmul.f32 v8, v51;
	v60 =	vmul.f32 v59, v14  }
0x120: {  	v58 =	vld [tilespmem:s7+$0x0];
	v12 =	vperm.xlane v52, v2;
	v56 =	vsel vm0, $0x0, v51;
	v4 =	vmul.f32 v4, v14;
	[tilespmem:s3+$0xFFFFFFE0] =	vst v5  }
0x121: {  	v63 =	vunpack.i.u.bf16.f32 v49;
	v7 =	vmul.f32 v50, v14;
	v3 =	vadd.f32 v8, v56;
	[tilespmem:s3+$0xFFFFFFA0] =	vst v60  }
0x122: {  	v54 =	vsel vm0, $0x0, v14;
	v6 =	vmul.f32 v6, v12;
	v5 =	vmul.f32 v63, v10;
	[tilespmem:s3+$0xFFFFFFB0] =	vst v4  }
0x123: {  	v57 =	vsel vm0, $0x0, v12;
	v7 =	vadd.f32 v7, v54;
	[tilespmem:s3+$0xFFFFFFF0] =	vst v3  }
0x124: {  	v6 =	vadd.f32 v6, v57;
	v3 =	vunpack.i.l.bf16.f32 v55;
	[tilespmem:s3+$0x40] =	vst v5  }
0x125: {  	v62 =	vunpack.i.u.bf16.f32 v58;
	[tilespmem:s3+$0xFFFFFFC0] =	vst v7;
	v3 =	vmul.f32 v3, v51  }
0x126: {  	p0 =	sne.s32 s21, s12;
	v61 =	vunpack.i.l.bf16.f32 v58;
	v4 =	vmul.f32 v62, v12;
	[tilespmem:s3+$0x20] =	vst v6  }
.Ltmp3:
0x127: {  	v6 =	vmul.f32 v61, v12;
	[tilespmem:s3+$0xFFFFFFD0] =	vst v3;
	v3 =	vunpack.i.l.bf16.f32 v49;
	(pc) =	sbr.rel @p0 .LBB2_4-.Ltmp3, $4  }
0x128: {  	[tilespmem:s3+$0x10] =	vst v4;
	v3 =	vmul.f32 v3, v10  }
0x129: {  	[tilespmem:s3+$0x0] =	vst v6  }
0x12a: {  	[tilespmem:s3+$0x30] =	vst v3  }
0x12b: {  	[spmem:s1] =	stream.indirect.scatter.add.f32 [tilespmem:s30], [sflag:$0x4], $0x30, s22, s20, $0xb8;
	[tilespmem:$0x14C00] =	vst v63  }
0x12c: {  	_ =	swait.ge [sflag:s31], $0x1800  }
0x12d: {  	[sflag:s31] =	ssyncset.done $0x0  }
0x12e: {  	[sflag:s31] =	ssyncadd.s32 $0xFFFFE800  }
0x12f: {  	_ =	swait.ge [sflag:s0], $0x1800  }
0x130: {  	s2 =	sadd.s32 $0x1, s2;
	[sflag:s0] =	ssyncset.done $0x0  }
0x131: {  	s3 =	sor.u32 $0x1C05, s4;
	p0 =	sne.s32 s2, s16;
	[sflag:s0] =	ssyncadd.s32 $0xFFFFE800  }
.Ltmp4:
0x132: {  	s7 =	sshrl.u32 s9, $0x3;
	[bflag:$0x0] =	sbarrier.arrive $0xFFFF;
	(pc) =	sbr.rel @p0 .LBB2_1-.Ltmp4, $4  }
0x133: {  	[hbm:s15], [sflag:s3] =	dma.local [spmem:s7], $0xF00  }
0x134: {  	_ =	swait.ge [sflag:s17], $0xF00  }
0x135: {  	[sflag:s17] =	ssyncset.done $0x0  }
0x136: {  	s8 =	simm.s32 $0x3200;
	[sflag:s17] =	ssyncadd.s32 $0xFFFFF100  }
0x137: {  	_ =	sfence.sel $0x180000  }
0x138: {  	[bflag:$0x0] =	sbarrier.arrive $0xFFFF  }
0x139: {  	_ =	strace $0x9000004A  }
0x13a: {  	s0 =	stileid.u32;
	[bflag:$0x2] =	sbarrier.arrive $0xFFFF  }
0x13b: {  	p0 =	sne.s32 s0, $0x0;
	s0 =	rddreg [dreg:$0x3]  }
0x13c: {  	s0 =	sadd.s32 @!p0 $0x100000, s0  }
0x13d: {  	[sflag:s0] =	ssyncadd.tile.s32 @!p0 $0x1;
	_ =	shalt  }
.Lfunc_end2:
_tile_overlayer_lowered:
.L_overlay_start_2:
0x13e: {  	(tag) =	ssettag $0x2  }
0x13f: {  	s0 =	rddreg [dreg:$0x0];
	s2 =	stileid.u32  }
0x140: {  	s1 =	rddreg [dreg:$0x1];
	p0 =	sne.s32 s2, $0x0  }
0x141: {  	s3 =	rddreg [dreg:$0x2];
	[bflag:$0x3] =	sbarrier.arrive $0xFFFF;
	s2 =	simm.s32 @!p0 $0x1C05  }
0x142: {  	[timem:s3], [sflag:s2] =	dma.local @!p0 [hbm:s0], s1  }
0x143: {  	s0 =	simm.s32 @!p0 $0x5  }
0x144: {  	_ =	swait.ge @!p0 [sflag:s0], s1  }
0x145: {  	s1 =	ssub.s32 @!p0 $0x0, s1;
	[sflag:s0] =	ssyncset.done @!p0 $0x0  }
0x146: {  	[sflag:s0] =	ssyncadd.s32 @!p0 s1  }
0x147: {  	[bflag:$0x3] =	sbarrier.arrive $0xFFFF  }
0x148: {  	_ =	shalt  }

// kernel: kernel.7.cloned.1.call-start
scs
__scs_entry_jumppad:
0x0: {  	(pc) =	sbr.rel $0x88, $3  }
0x1: {  	(tag) =	ssettag $0x0;
	lr =	simm.s32 $0x1  }
0x2: {  	[smem:$0x3F97] =	sst lr;
	_ =	strace $0xD0000000  }
0x3: {  	_ = 	snop  }
0x4: {  	_ = 	snop  }
0x5: {  	_ = 	snop  }
0x6: {  	_ = 	snop  }
0x7: {  	_ = 	snop  }
__scs_overlays_trampoline_lowered:
0x8: {  	[smem:$0x3FA6] =	sst s0  }
0x9: {  	[smem:$0x3FA7] =	sst s1  }
0xa: {  	[smem:$0x3FA8] =	sst s2  }
0xb: {  	[smem:$0x3FA9] =	sst s3  }
0xc: {  	[smem:$0x3FAA] =	sst s4  }
0xd: {  	[smem:$0x3FAB] =	sst s5  }
0xe: {  	[smem:$0x3FAC] =	sst s6  }
0xf: {  	[smem:$0x3FAD] =	sst s7  }
0x10: {  	[smem:$0x3FAE] =	sst s8  }
0x11: {  	[smem:$0x3FAF] =	sst s9;
	s0 =	simm.s32 @!p0 $0x0  }
0x12: {  	s1 =	sld [smem:$0x3F95];
	s0 =	simm.s32 @p0 $0x1  }
0x13: {  	[smem:$0x3FB0] =	sst s0;
	s0 =	simm.s32 @!p1 $0x0  }
0x14: {  	s2 =	sld [smem:$0x3F94];
	s0 =	simm.s32 @p1 $0x1  }
0x15: {  	[smem:$0x3FB1] =	sst s0;
	s0 =	simm.s32 @!p2 $0x0  }
0x16: {  	s3 =	sld [smem:$0x3FDB];
	s0 =	simm.s32 @p2 $0x1  }
0x17: {  	s4 =	simm.s32 $0x1BF5;
	[smem:$0x3FB3] =	sst s0  }
0x18: {  	s0 =	sld [smem:$0x3F96];
	_ =	swait.ge [sflag:s4], $0x0  }
0x19: {  	s7 =	sld [smem:$0x3F97]  }
0x1a: {  	s8 =	sadd.s32 $0xFFFFE003, lr  }
0x1b: {  	s9 =	sadd.s32 $0xFFFFFEF7, lr;
	s5 =	simm.s32 $0xFFFFFFFF;
	p2 =	slt.u32 s8, $0xFFFFF086  }
0x1c: {  	p1 =	slt.u32 s9, $0xF7A;
	s5 =	simm.s32 @!p2 $0x0  }
0x1d: {  	s5 =	simm.s32 @p1 $0x1;
	p0 =	seq.s32 s7, s2  }
0x1e: {  	s7 =	smul.u32 @!p0 $0xF7A, s2;
	p2 =	seq.s32 @!p0 s5, $0x0  }
0x1f: {  	s9 =	smul.u32 $0xF7A, s1;
	s8 =	simm.s32 @!p0 $0x1BF5;
	p2 =	por !p2, p0  }
0x20: {  	[sflag:s8] =	ssyncset.s32 @!p0 $0xFFFFF086;
	s6 =	sadd.s32 @!p0 s3, s7;
	s7 =	simm.s32 @!p0 $0x108  }
0x21: {  	s3 =	sadd.s32 s3, s9;
	s6 =	sadd.s32 @!p0 $0x88, s6;
	s7 =	simm.s32 @p2 $0x1082  }
0x22: {  	[simem:s7], [sflag:s8] =	dma.local @!p0 [hbm:s6], $0xF7A  }
0x23: {  	s9 =	sor.u32 $0xD0000000, s2;
	s6 =	simm.s32 $0x108;
	_ =	swait.ge @!p0 [sflag:s8], $0x0  }
0x24: {  	s3 =	sadd.s32 $0x88, s3;
	s6 =	simm.s32 @!p1 $0x1082;
	[sflag:s4] =	ssyncset.s32 $0xFFFFF086  }
0x25: {  	[simem:s6], [sflag:s4] =	dma.local [hbm:s3], $0xF7A  }
0x26: {  	[smem:$0x3F97] =	sst s1;
	(tag) =	ssettag s2;
	_ =	strace s9  }
0x27: {  	s1 =	sld [smem:$0x3FA7]  }
0x28: {  	s2 =	sld [smem:$0x3FA8]  }
0x29: {  	s4 =	sld [smem:$0x3FAA]  }
0x2a: {  	p0 =	seq.s32 s5, $0x0;
	s5 =	sld [smem:$0x3FAB]  }
0x2b: {  	s6 =	sld [smem:$0x3FAC]  }
0x2c: {  	s7 =	sld [smem:$0x3FAD]  }
0x2d: {  	s3 =	simm.s32 $0x108;
	s8 =	sld [smem:$0x3FAE]  }
0x2e: {  	s3 =	simm.s32 @!p0 $0x1082;
	s9 =	sld [smem:$0x3FAF]  }
0x2f: {  	lr =	sadd.s32 s0, s3;
	s0 =	sld [smem:$0x3FA6]  }
0x30: {  	s3 =	sld [smem:$0x3FA9]  }
0x31: {  	[smem:$0x3FB2] =	sst s10  }
0x32: {  	s10 =	sld [smem:$0x3FB0];
	_ =	sdelay $0x3  }
0x33: {  	p0 =	seq.s32 s10, $0x1;
	s10 =	sld [smem:$0x3FB2];
	_ =	sdelay $0x3  }
0x34: {  	[smem:$0x3FB2] =	sst s10  }
0x35: {  	s10 =	sld [smem:$0x3FB1];
	_ =	sdelay $0x3  }
0x36: {  	p1 =	seq.s32 s10, $0x1;
	s10 =	sld [smem:$0x3FB2];
	_ =	sdelay $0x3  }
0x37: {  	[smem:$0x3FB2] =	sst s10  }
0x38: {  	s10 =	sld [smem:$0x3FB3]  }
0x39: {  	_ = 	snop;
	(pc) =	sbr.ind lr, $3  }
0x3a: {  	_ = 	snop  }
0x3b: {  	_ = 	snop  }
0x3c: {  	p2 =	seq.s32 s10, $0x1;
	s10 =	sld [smem:$0x3FB2]  }
0x3d: {  	_ =	shalt  }
0x3e: {  	_ =	shalt  }
0x3f: {  	_ =	shalt  }
0x40: {  	_ =	shalt  }
0x41: {  	_ =	shalt  }
0x42: {  	_ =	shalt  }
0x43: {  	_ =	shalt  }
0x44: {  	_ =	shalt  }
0x45: {  	_ =	shalt  }
0x46: {  	_ =	shalt  }
0x47: {  	_ =	shalt  }
0x48: {  	_ =	shalt  }
0x49: {  	_ =	shalt  }
0x4a: {  	_ =	shalt  }
0x4b: {  	_ =	shalt  }
0x4c: {  	_ =	shalt  }
0x4d: {  	_ =	shalt  }
0x4e: {  	_ =	shalt  }
0x4f: {  	_ =	shalt  }
0x50: {  	_ =	shalt  }
0x51: {  	_ =	shalt  }
0x52: {  	_ =	shalt  }
0x53: {  	_ =	shalt  }
0x54: {  	_ =	shalt  }
0x55: {  	_ =	shalt  }
0x56: {  	_ =	shalt  }
0x57: {  	_ =	shalt  }
0x58: {  	_ =	shalt  }
0x59: {  	_ =	shalt  }
0x5a: {  	_ =	shalt  }
0x5b: {  	_ =	shalt  }
0x5c: {  	_ =	shalt  }
0x5d: {  	_ =	shalt  }
0x5e: {  	_ =	shalt  }
0x5f: {  	_ =	shalt  }
0x60: {  	_ =	shalt  }
0x61: {  	_ =	shalt  }
0x62: {  	_ =	shalt  }
0x63: {  	_ =	shalt  }
0x64: {  	_ =	shalt  }
0x65: {  	_ =	shalt  }
0x66: {  	_ =	shalt  }
0x67: {  	_ =	shalt  }
0x68: {  	_ =	shalt  }
0x69: {  	_ =	shalt  }
0x6a: {  	_ =	shalt  }
0x6b: {  	_ =	shalt  }
0x6c: {  	_ =	shalt  }
0x6d: {  	_ =	shalt  }
0x6e: {  	_ =	shalt  }
0x6f: {  	_ =	shalt  }
0x70: {  	_ =	shalt  }
0x71: {  	_ =	shalt  }
0x72: {  	_ =	shalt  }
0x73: {  	_ =	shalt  }
0x74: {  	_ =	shalt  }
0x75: {  	_ =	shalt  }
0x76: {  	_ =	shalt  }
0x77: {  	_ =	shalt  }
0x78: {  	_ =	shalt  }
0x79: {  	_ =	shalt  }
0x7a: {  	_ =	shalt  }
0x7b: {  	_ =	shalt  }
0x7c: {  	_ =	shalt  }
0x7d: {  	_ =	shalt  }
0x7e: {  	_ =	shalt  }
0x7f: {  	_ =	shalt  }
0x80: {  	_ =	shalt  }
0x81: {  	_ =	shalt  }
0x82: {  	_ =	shalt  }
0x83: {  	_ =	shalt  }
0x84: {  	_ =	shalt  }
0x85: {  	_ =	shalt  }
0x86: {  	_ =	shalt  }
0x87: {  	_ =	shalt  }
.Lfunc_end0:
.L_simem_size_0:
called_computation_lowered:
.L_overlay_start_0:
0x88: {  	s2 =	sld [smem:$0x3FD9]  }
0x89: {  	s3 =	sld [smem:$0x3FFE];
	_ =	sdelay $0x1  }
0x8a: {  	s1 =	srdreg.scid  }
0x8b: {  	s0 =	sand.u32 $0x1, s1  }
0x8c: {  	s17 =	sshll.u32 s0, $0xA;
	s2 =	sadd.s32 s3, s2  }
0x8d: {  	s2 =	sadd.s32 s2, s17  }
0x8e: {  	[smem:$0x3FBE] =	sst s2  }
0x8f: {  	_ = 	snop  }
0x90: {  	s2 =	sld [smem:$0x3FD0];
	(tm) =	ssettm $0x1  }
0x91: {  	s18 =	sld [smem:$0x3FFB];
	_ =	sdelay $0x3  }
0x92: {  	_ =	strace s18  }
0x93: {  	s3 =	sld [smem:$0x3FFC];
	_ =	sdelay $0x3  }
0x94: {  	_ =	strace s3  }
0x95: {  	s3 =	sld [smem:$0x3FFD];
	_ =	sdelay $0x3  }
0x96: {  	_ =	strace s3  }
0x97: {  	_ =	strace $0x8FFFFFFF  }
0x98: {  	s19 =	sld [smem:$0x3FDB];
	_ =	sdelay $0x1  }
0x99: {  	s4 =	simm.s32 $_scs_section_size  }
0x9a: {  	s5 =	simm.s32 $_size__tile_overlayer_lowered;
	s6 =	simm.s32 $_tile_overlayer_lowered  }
0x9b: {  	s22 =	simm.s32 $0x1BFF;
	s21 =	sshll.u32 s6, $0x1;
	s3 =	sadd.s32 s4, s19  }
0x9c: {  	s7 =	simm.s32 $0x0;
	s20 =	sshll.u32 s5, $0x1;
	s5 =	sadd.s32 s21, s3  }
0x9d: {  	[timem:s7], [sflag:s22] =	dma.local [hbm:s5], s20  }
0x9e: {  	_ =	swait.ge [sflag:s22], s20  }
0x9f: {  	s4 =	ssub.s32 $0x0, s20;
	[sflag:s22] =	ssyncset.done $0x0  }
0xa0: {  	[sflag:s22] =	ssyncadd.s32 s4;
	_ =	sdelay $0x1  }
0xa1: {  	s23 =	simm.s32 $0x1B8B  }
0xa2: {  	_ =	swait.ge [sflag:s23], $0x1  }
0xa3: {  	[sflag:s23] =	ssyncset.done $0x0  }
0xa4: {  	s25 =	simm.s32 $0x1B8E;
	s24 =	sld [smem:$0x3FFE];
	[sflag:s23] =	ssyncadd.s32 $0xFFFFFFFF  }
0xa5: {  	s26 =	simm.s32 $execute0_lowered;
	[smem:$0x3FD2] =	sst s25  }
0xa6: {  	s5 =	sshll.u32 s26, $0x1;
	_ =	strace $0x80000046;
	[dreg:$0x1] =	wrdreg $0xFFFFFFFF  }
0xa7: {  	s28 =	simm.s32 $_size_execute0_lowered;
	s3 =	sadd.s32 s3, s5;
	[dreg:$0x0] =	wrdreg $0x0  }
0xa8: {  	s5 =	sshll.u32 s28, $0x1;
	[dreg:$0x2] =	wrdreg s3  }
0xa9: {  	[dreg:$0x3] =	wrdreg s5  }
0xaa: {  	[dreg:$0x4] =	wrdreg $0xC0  }
0xab: {  	_ =	task [dreg:s7], $0x5FFFF  }
0xac: {  	[dreg:$0x1] =	wrdreg $0xFFFFFFFF  }
0xad: {  	[dreg:$0x0] =	wrdreg $0x60  }
0xae: {  	[dreg:$0x2] =	wrdreg s2  }
0xaf: {  	[dreg:$0x3] =	wrdreg s24  }
0xb0: {  	[dreg:$0x4] =	wrdreg $0xF4000  }
0xb1: {  	[dreg:$0x5] =	wrdreg $0x9  }
0xb2: {  	_ =	task.clear_ibuf [dreg:s7], $0x6FFFF;
	_ =	strace $0x90000046  }
0xb3: {  	s29 =	simm.s32 $0x9;
	_ =	strace $0x80000048  }
0xb4: {  	_ =	swait.ge [sflag:s29], $0x1  }
0xb5: {  	[sflag:s29] =	ssyncadd.s32 $0xFFFFFFFF  }
0xb6: {  	_ =	strace $0x90000048  }
0xb7: {  	_ =	sfence  }
0xb8: {  	s30 =	sld [smem:$0x0];
	_ =	sdelay $0x2  }
0xb9: {  	s31 =	sshll.u32 s1, $0xD;
	s1 =	sshrl.u32 s1, $0x2  }
0xba: {  	s3 =	sand.u32 $0x4000, s31;
	s1 =	sadd.s32 s1, s30  }
0xbb: {  	s0 =	sor.u32 s3, s0;
	s1 =	sshll.u32 s1, $0x11  }
0xbc: {  	s0 =	sor.u32 s1, s0  }
0xbd: {  	s0 =	sadd.s32 $0x8F2B, s0  }
0xbe: {  	[sflag:s0] =	ssyncadd.remote.s32 $0x1  }
0xbf: {  	_ =	sfence.sel $0xFFFF  }
0xc0: {  	[dreg:$0x0] =	wrdreg $0xFFFFFFFF;
	(pc) =	sbr.abs _section_cstart, $3  }
0xc1: {  	[dreg:$0x1] =	wrdreg $0xFFFFFFFF  }
0xc2: {  	_ =	task.clear_ibuf [dreg:s7], $0x2FFFF;
	_ =	strace $0x9FFFFFFF  }
0xc3: {  	(tm) =	ssettm $0x7FFFFFFF  }
tec
execute0_lowered:
.L_overlay_start_1:
0x0: {  	(tag) =	ssettag $0x1  }
0x1: {  	s0 =	rddreg [dreg:$0x0]  }
0x2: {  	s2 =	rddreg [dreg:$0x1]  }
0x3: {  	s1 =	rddreg [dreg:$0x2];
	s3 =	simm.s32 $0x0;
	s19 =	srdreg.scid  }
0x4: {  	s11 =	stileid.u32;
	s12 =	simm.s32 $0x32;
	s17 =	simm.s32 $0x5  }
0x5: {  	s28 =	simm.s32 $0x1;
	s29 =	simm.s32 $0x2;
	s30 =	simm.s32 $0xCC00  }
0x6: {  	s31 =	simm.s32 $0x3;
	[smem:$0x7FF] =	sst s3;
	s5 =	smul.u32 $0x64, s11  }
0x7: {  	s3 =	sand.u32 $0x1, s19;
	s4 =	sshll.u32 s11, $0x6;
	s7 =	smul.u32 $0xC800, s11  }
0x8: {  	s11 =	smul.u32 $0x32000, s11;
	s19 =	simm.s32 $0xA400;
	p0 =	seq.s32 s3, $0x0  }
0x9: {  	s6 =	sadd.s32 $0x640, s4;
	s8 =	smul.u32 $0xC8000, s3;
	_ =	strace $0x80000047  }
0xa: {  	s3 =	ssub.s32 $0x2, s3;
	s6 =	smov.u32 @p0 s5;
	s5 =	sadd.s32 $0x14E00, s2  }
0xb: {  	s21 =	sshrl.u32 s3, $0x1;
	s22 =	sshrl.u32 s11, $0x2;
	s12 =	simm.s32 @!p0 $0x20  }
0xc: {  	s9 =	sshll.u32 s6, $0x4;
	s20 =	sadd.s32 s7, s8;
	s6 =	sadd.s32 $0xAE00, s2  }
0xd: {  	s3 =	ssub.s32 s3, s21;
	s10 =	sadd.s32 s9, s2;
	s8 =	sshrl.u32 s20, $0x3  }
0xe: {  	s0 =	sadd.s32 s0, s9;
	s9 =	sadd.s32 s7, s1;
	s16 =	smax.u32 s3, $0x1  }
0xf: {  	[dreg:$0x4] =	wrdreg s0;
	s23 =	sadd.s32 $0x600, s10;
	s0 =	sadd.s32 s22, s1  }
0x10: {  	s20 =	simm.s32 $0x80;
	[dreg:$0x5] =	wrdreg s23;
	s24 =	sadd.s32 $0x2800, s0  }
0x11: {  	s2 =	sadd.s32 s8, s2;
	s25 =	sadd.s32 $0x5000, s0;
	[dreg:$0x6] =	wrdreg s24  }
0x12: {  	s8 =	simm.s32 $0x3200;
	s26 =	sadd.s32 $0x7800, s0;
	[dreg:$0x7] =	wrdreg s25  }
0x13: {  	v0 =	vimm.f32 $0.0e+00;
	v2 =	vlaneseq.u32;
	s0 =	sadd.s32 $0xA000, s0;
	s15 =	sadd.s32 $0x19E00, s2;
	[dreg:$0x8] =	wrdreg s26  }
0x14: {  	vm0 =	vmmov $0xff;
	v1 =	vor.u32 $0x8, v2;
	v2 =	vshrl.u32 v2, $0x3;
	s2 =	simm.s32 $0x0;
	[dreg:$0x9] =	wrdreg s0;
	s24 =	simm.s32 $0x6C00  }
0x15: {  	v3 =	vor.u32 $0x2, v2;
	v4 =	vor.u32 $0x4, v2;
	v5 =	vor.u32 $0x6, v2;
	s25 =	simm.s32 $0x7C00;
	s26 =	simm.s32 $0x9400;
	s0 =	simm.s32 $0x4  }
.LBB2_1:
0x16: {  	s3 =	simm.s32 $0x0;
	s7 =	rddreg [dreg:$0x4]  }
0x17: {  	[tilespmem:s3], [sflag:$0x5] =	stream.linear.gather [hbm4b:s7+s3], $0x3200, $0x38;
	[tilespmem:$0x1BC00] =	vst v63  }
0x18: {  	_ =	swait.ge [sflag:s17], $0x3200  }
0x19: {  	[sflag:s17] =	ssyncset.done $0x0  }
0x1a: {  	s23 =	rddreg [dreg:$0x5];
	[sflag:s17] =	ssyncadd.s32 $0xFFFFCE00  }
0x1b: {  	[tilespmem:s8], [sflag:$0x5] =	stream.linear.gather [hbm4b:s23+s3], $0x3200, $0x38;
	[tilespmem:$0x1BC00] =	vst v63  }
0x1c: {  	_ =	swait.ge [sflag:s17], $0x3200  }
0x1d: {  	[sflag:s17] =	ssyncset.done $0x0  }
0x1e: {  	s3 =	simm.s32 $0xA4A0;
	[sflag:s17] =	ssyncadd.s32 $0xFFFFCE00  }
0x1f: {  	[tilespmem:s3+$0xFFFFFF60] =	vst v0  }
0x20: {  	[tilespmem:s3+$0x90] =	vst v0  }
0x21: {  	[tilespmem:s3+$0x80] =	vst v0  }
0x22: {  	[tilespmem:s3+$0x70] =	vst v0  }
0x23: {  	[tilespmem:s3+$0x60] =	vst v0  }
0x24: {  	[tilespmem:s3+$0x50] =	vst v0  }
0x25: {  	[tilespmem:s3+$0x40] =	vst v0  }
0x26: {  	[tilespmem:s3+$0x30] =	vst v0  }
0x27: {  	[tilespmem:s3+$0x20] =	vst v0  }
0x28: {  	[tilespmem:s3+$0x10] =	vst v0  }
0x29: {  	[tilespmem:s3+$0x0] =	vst v0  }
0x2a: {  	[tilespmem:s3+$0xFFFFFFF0] =	vst v0  }
0x2b: {  	[tilespmem:s3+$0xFFFFFFE0] =	vst v0  }
0x2c: {  	[tilespmem:s3+$0xFFFFFFD0] =	vst v0  }
0x2d: {  	[tilespmem:s3+$0xFFFFFFC0] =	vst v0  }
0x2e: {  	[tilespmem:s3+$0xFFFFFFB0] =	vst v0  }
0x2f: {  	[tilespmem:s3+$0xFFFFFFA0] =	vst v0  }
0x30: {  	[tilespmem:s3+$0xFFFFFF90] =	vst v0  }
0x31: {  	s7 =	simm.s32 $0x0;
	[tilespmem:s3+$0xFFFFFF80] =	vst v0  }
.LBB2_2:
0x32: {  	s7 =	sadd.s32 $0x4, s7;
	[tilespmem:s3+$0xFFFFFF70] =	vst v0;
	s3 =	sadd.s32 $0x140, s3  }
0x33: {  	[tilespmem:s3+$0xFFFFFF60] =	vst v0;
	p0 =	slt.u32 s7, $0x7C  }
0x34: {  	[tilespmem:s3+$0x90] =	vst v0  }
0x35: {  	[tilespmem:s3+$0x80] =	vst v0  }
0x36: {  	[tilespmem:s3+$0x70] =	vst v0  }
0x37: {  	[tilespmem:s3+$0x60] =	vst v0  }
0x38: {  	[tilespmem:s3+$0x50] =	vst v0  }
0x39: {  	[tilespmem:s3+$0x40] =	vst v0  }
0x3a: {  	[tilespmem:s3+$0x30] =	vst v0  }
0x3b: {  	[tilespmem:s3+$0x20] =	vst v0  }
0x3c: {  	[tilespmem:s3+$0x10] =	vst v0  }
0x3d: {  	[tilespmem:s3+$0x0] =	vst v0  }
0x3e: {  	[tilespmem:s3+$0xFFFFFFF0] =	vst v0  }
0x3f: {  	[tilespmem:s3+$0xFFFFFFE0] =	vst v0  }
0x40: {  	[tilespmem:s3+$0xFFFFFFD0] =	vst v0  }
.Ltmp0:
0x41: {  	[tilespmem:s3+$0xFFFFFFC0] =	vst v0;
	(pc) =	sbr.rel @p0 .LBB2_2-.Ltmp0, $4  }
0x42: {  	[tilespmem:s3+$0xFFFFFFB0] =	vst v0  }
0x43: {  	[tilespmem:s3+$0xFFFFFFA0] =	vst v0  }
0x44: {  	[tilespmem:s3+$0xFFFFFF90] =	vst v0  }
0x45: {  	[tilespmem:s3+$0xFFFFFF80] =	vst v0  }
0x46: {  	[tilespmem:s3+$0xFFFFFF70] =	vst v0  }
0x47: {  	[spmem:s9] =	stream.linear.scatter [tilespmem:s19], [sflag:$0x5], $0x2800, $0x38;
	[tilespmem:$0x1BC00] =	vst v63  }
0x48: {  	_ =	swait.ge [sflag:s17], $0x2800  }
0x49: {  	[sflag:s17] =	ssyncset.done $0x0  }
0x4a: {  	s10 =	rddreg [dreg:$0x6];
	[sflag:s17] =	ssyncadd.s32 $0xFFFFD800  }
0x4b: {  	[spmem:s10] =	stream.linear.scatter [tilespmem:s19], [sflag:$0x5], $0x2800, $0x38;
	[tilespmem:$0x1BC00] =	vst v63  }
0x4c: {  	_ =	swait.ge [sflag:s17], $0x2800  }
0x4d: {  	[sflag:s17] =	ssyncset.done $0x0  }
0x4e: {  	s11 =	rddreg [dreg:$0x7];
	[sflag:s17] =	ssyncadd.s32 $0xFFFFD800  }
0x4f: {  	[spmem:s11] =	stream.linear.scatter [tilespmem:s19], [sflag:$0x5], $0x2800, $0x38;
	[tilespmem:$0x1BC00] =	vst v63  }
0x50: {  	_ =	swait.ge [sflag:s17], $0x2800  }
0x51: {  	[sflag:s17] =	ssyncset.done $0x0  }
0x52: {  	s13 =	rddreg [dreg:$0x8];
	[sflag:s17] =	ssyncadd.s32 $0xFFFFD800  }
0x53: {  	[spmem:s13] =	stream.linear.scatter [tilespmem:s19], [sflag:$0x5], $0x2800, $0x38;
	[tilespmem:$0x1BC00] =	vst v63  }
0x54: {  	_ =	swait.ge [sflag:s17], $0x2800  }
0x55: {  	[sflag:s17] =	ssyncset.done $0x0  }
0x56: {  	s14 =	rddreg [dreg:$0x9];
	[sflag:s17] =	ssyncadd.s32 $0xFFFFD800  }
0x57: {  	[spmem:s14] =	stream.linear.scatter [tilespmem:s19], [sflag:$0x5], $0x2800, $0x38;
	[tilespmem:$0x1BC00] =	vst v63  }
0x58: {  	_ =	swait.ge [sflag:s17], $0x2800  }
0x59: {  	[sflag:s17] =	ssyncset.done $0x0  }
0x5a: {  	[sflag:s17] =	ssyncadd.s32 $0xFFFFD800  }
0x5b: {  	s21 =	simm.s32 $0x0;
	s18 =	simm.s32 $0x6400;
	[bflag:$0x0] =	sbarrier.arrive $0xFFFF  }
0x5c: {  	[tilespmem:s18], [sflag:$0x1] =	stream.indirect.gather [hbm4b:s5+s20], $0x10, s21, s20, $0xb8;
	[tilespmem:$0x1BC00] =	vst v63  }
0x5d: {  	s22 =	simm.s32 $0x7400  }
0x5e: {  	[tilespmem:s22], [sflag:$0x1] =	stream.indirect.gather [hbm4b:s5+s20], $0x10, s8, s20, $0xb8;
	[tilespmem:$0x1BC00] =	vst v63  }
0x5f: {  	s23 =	simm.s32 $0x8400  }
0x60: {  	[tilespmem:s23], [sflag:$0x1] =	stream.indirect.gather [hbm4b:s6+s20], $0x20, s21, s20, $0xb8;
	[tilespmem:$0x1BC00] =	vst v63  }
.LBB2_4:
0x61: {  	s23 =	sshll.u32 s21, $0x8  }
0x62: {  	s3 =	sor.u32 $0x80, s23  }
0x63: {  	[tilespmem:s24], [sflag:$0x2] =	stream.indirect.gather [hbm4b:s5+s20], $0x10, s3, s20, $0xb8;
	[tilespmem:$0x1BC00] =	vst v63  }
0x64: {  	s22 =	sadd.s32 $0x3280, s23  }
0x65: {  	[tilespmem:s25], [sflag:$0x2] =	stream.indirect.gather [hbm4b:s5+s20], $0x10, s22, s20, $0xb8;
	[tilespmem:$0x1BC00] =	vst v63  }
0x66: {  	_ = 	snop  }
0x67: {  	[tilespmem:s26], [sflag:$0x2] =	stream.indirect.gather [hbm4b:s6+s20], $0x20, s3, s20, $0xb8;
	[tilespmem:$0x1BC00] =	vst v63  }
0x68: {  	_ =	swait.ge [sflag:s28], $0x800  }
0x69: {  	[sflag:s28] =	ssyncset.done $0x0  }
0x6a: {  	[sflag:s28] =	ssyncadd.s32 $0xFFFFF800  }
0x6b: {  	_ =	swait.ge [sflag:s28], $0x800  }
0x6c: {  	[sflag:s28] =	ssyncset.done $0x0  }
0x6d: {  	[sflag:s28] =	ssyncadd.s32 $0xFFFFF800  }
0x6e: {  	_ =	swait.ge [sflag:s28], $0x1000  }
0x6f: {  	p0 =	seq.s32 s21, $0x0;
	[sflag:s28] =	ssyncset.done $0x0  }
0x70: {  	s3 =	simm.s32 @!p0 $0x3;
	[sflag:s28] =	ssyncadd.s32 $0xFFFFF000  }
0x71: {  	_ =	swait.ge @!p0 [sflag:s3], $0x2800  }
0x72: {  	[sflag:s3] =	ssyncset.done @!p0 $0x0  }
0x73: {  	s14 =	simm.s32 $0x7420;
	[sflag:s3] =	ssyncadd.s32 @!p0 $0xFFFFD800  }
0x74: {  	v6 =	vld [tilespmem:s14+$0xFFFFFFF0]  }
0x75: {  	s7 =	simm.s32 $0x6420;
	v7 =	vld [tilespmem:s14+$0xFFFFFFE0]  }
0x76: {  	v8 =	vld [tilespmem:s7+$0xFFFFFFF0]  }
0x77: {  	v9 =	vld [tilespmem:s14+$0x0]  }
0x78: {  	v10 =	vld [tilespmem:s7+$0xFFFFFFE0]  }
0x79: {  	v11 =	vld [tilespmem:s7+$0x0]  }
0x7a: {  	v12 =	vld [tilespmem:s14+$0x10];
	v6 =	vperm.xlane v6, v1  }
0x7b: {  	v7 =	vperm.xlane v7, v1  }
0x7c: {  	v6 =	vadd.f32 v6, v8;
	v8 =	vperm.xlane v9, v1  }
0x7d: {  	v7 =	vadd.f32 v7, v10  }
0x7e: {  	v9 =	vld [tilespmem:s7+$0x10];
	v10 =	vmul.f32 $2.000000030e-01, v6;
	v8 =	vadd.f32 v8, v11  }
0x7f: {  	vm1 =	vgt.f32 v6, $0.0e+00;
	v11 =	vperm.xlane v12, v1;
	v12 =	vmul.f32 $2.000000030e-01, v7  }
0x80: {  	v6 =	vsel vm1, v6, v10;
	vm1 =	vgt.f32 v7, $0.0e+00;
	v10 =	vmul.f32 $2.000000030e-01, v8  }
0x81: {  	vm2 =	vgt.f32 v8, $0.0e+00;
	v6 =	vmul.f32 $1.442695020e+00, v6;
	v7 =	vsel vm1, v7, v12  }
0x82: {  	s18 =	simm.s32 $0x7460;
	v7 =	vmul.f32 $1.442695020e+00, v7;
	v8 =	vsel vm2, v8, v10  }
0x83: {  	s8 =	simm.s32 $0x6460;
	v16 =	vld [tilespmem:s18+$0xFFFFFFE0];
	v9 =	vadd.f32 v11, v9;
	(erf) = vpow2.f32 v6;
	v6 =	vmul.f32 $1.442695020e+00, v8  }
0x84: {  	v18 =	vld [tilespmem:s8+$0xFFFFFFE0];
	(erf) = vpow2.f32 v7  }
0x85: {  	v22 =	vld [tilespmem:s18+$0x10];
	v7 =	vmul.f32 $2.000000030e-01, v9;
	(erf) = vpow2.f32 v6  }
0x86: {  	v21 =	vld [tilespmem:s18+$0x0];
	vm1 =	vgt.f32 v9, $0.0e+00  }
0x87: {  	v28 =	vld [tilespmem:s8+$0x10];
	v6 =	vsel vm1, v9, v7  }
0x88: {  	v27 =	vld [tilespmem:s8+$0x0];
	v16 =	vperm.xlane v16, v1;
	s7 =	simm.s32 $0x8440;
	v6 =	vmul.f32 $1.442695020e+00, v6  }
0x89: {  	v8 =	vld [tilespmem:s7+$0xFFFFFFC0]  }
0x8a: {  	v16 =	vadd.f32 v16, v18;
	v18 =	vperm.xlane v22, v1;
	v9 =	vld [tilespmem:s18+$0xFFFFFFF0]  }
0x8b: {  	v21 =	vperm.xlane v21, v1  }
0x8c: {  	v14 =	vld [tilespmem:s8+$0xFFFFFFF0];
	v18 =	vadd.f32 v18, v28;
	(erf) = vpow2.f32 v6;
	v6 =	vpop (erf)  }
0x8d: {  	v21 =	vadd.f32 v21, v27;
	v12 =	vld [tilespmem:s7+$0x0];
	v11 =	vpop (erf)  }
0x8e: {  	v28 =	vmul.f32 $2.000000030e-01, v18;
	v15 =	vunpack.i.u.bf16.f32 v8;
	v17 =	vunpack.i.l.bf16.f32 v8;
	v8 =	vpop (erf)  }
0x8f: {  	v6 =	vnsel vm0, $0x0, v6;
	v20 =	vnsel vm0, $0x0, v8;
	v8 =	vperm.xlane v9, v1  }
0x90: {  	vm2 =	vgt.f32 v21, $0.0e+00;
	v19 =	vperm.xlane v6, v2;
	v11 =	vnsel vm0, $0x0, v11  }
0x91: {  	v7 =	vld [tilespmem:s7+$0x20];
	v10 =	vperm.xlane v6, v3;
	v23 =	vperm.xlane v11, v2;
	v14 =	vadd.f32 v8, v14  }
0x92: {  	v25 =	vunpack.i.l.bf16.f32 v12;
	v29 =	vperm.xlane v11, v3;
	v26 =	vperm.xlane v20, v3  }
0x93: {  	v12 =	vunpack.i.u.bf16.f32 v12;
	v9 =	vperm.xlane v20, v2;
	v30 =	vmul.f32 $2.000000030e-01, v14  }
0x94: {  	v24 =	vperm.xlane v20, v5;
	v12 =	vmul.f32 v26, v12;
	vm1 =	vgt.f32 v14, $0.0e+00  }
0x95: {  	s3 =	simm.s32 $0xA4A0;
	v17 =	vmul.f32 v23, v17;
	v25 =	vmul.f32 v9, v25;
	v14 =	vsel vm1, v14, v30  }
0x96: {  	v13 =	vunpack.i.u.bf16.f32 v7;
	[tilespmem:s3+$0x10] =	vst v12;
	v12 =	vmul.f32 $2.000000030e-01, v16;
	v14 =	vmul.f32 $1.442695020e+00, v14  }
0x97: {  	v15 =	vmul.f32 v29, v15;
	[tilespmem:s3+$0x0] =	vst v25;
	v25 =	vmul.f32 $2.000000030e-01, v21;
	vm1 =	vgt.f32 v16, $0.0e+00  }
0x98: {  	v9 =	vperm.xlane v11, v4;
	v8 =	vpop (erf);
	v23 =	vld [tilespmem:s7+$0x10];
	v12 =	vsel vm1, v16, v12;
	(erf) = vpow2.f32 v14  }
0x99: {  	v8 =	vnsel vm0, $0x0, v8;
	v16 =	vld [tilespmem:s7+$0xFFFFFFE0];
	v26 =	vmul.f32 $1.442695020e+00, v12;
	v12 =	vsel vm2, v21, v25  }
0x9a: {  	s18 =	simm.s32 $0x84C0;
	v27 =	vunpack.i.l.bf16.f32 v7;
	v21 =	vperm.xlane v8, v3;
	v25 =	vmul.f32 $1.442695020e+00, v12  }
0x9b: {  	[tilespmem:s3+$0xFFFFFF60] =	vst v17;
	v22 =	vperm.xlane v8, v2;
	vm1 =	vgt.f32 v18, $0.0e+00;
	v12 =	vld [tilespmem:s18+$0x20];
	(erf) = vpow2.f32 v26  }
0x9c: {  	v17 =	vld [tilespmem:s18+$0xFFFFFFC0];
	[tilespmem:s3+$0xFFFFFF70] =	vst v15;
	v15 =	vsel vm1, v18, v28;
	v13 =	vmul.f32 v21, v13;
	(erf) = vpow2.f32 v25  }
0x9d: {  	[tilespmem:s3+$0x40] =	vst v20;
	v14 =	vperm.xlane v20, v4;
	v20 =	vld [tilespmem:s7+$0xFFFFFFD0];
	v26 =	vunpack.i.u.bf16.f32 v23;
	v25 =	vmul.f32 v22, v27  }
0x9e: {  	v7 =	vld [tilespmem:s18+$0xFFFFFFE0];
	v18 =	vunpack.i.l.bf16.f32 v23;
	v23 =	vmul.f32 $1.442695020e+00, v15;
	v15 =	vunpack.i.l.bf16.f32 v16;
	[tilespmem:s3+$0x60] =	vst v13  }
0x9f: {  	s11 =	simm.s32 $0x4;
	v22 =	vmul.f32 v14, v18;
	v18 =	vld [tilespmem:s18+$0x0];
	v14 =	vmul.f32 v24, v26;
	v24 =	vunpack.i.u.bf16.f32 v16;
	[tilespmem:s3+$0x50] =	vst v25  }
0xa0: {  	s13 =	simm.s32 $0x74A0;
	s10 =	simm.s32 $0xA4A0;
	s14 =	simm.s32 $0x8540;
	[tilespmem:s3+$0xFFFFFFA0] =	vst v11;
	v21 =	vmul.f32 v19, v15;
	v15 =	vperm.xlane v6, v5;
	v13 =	vunpack.i.u.bf16.f32 v12;
	v19 =	vld [tilespmem:s7+$0x30]  }
.LBB2_5:
0xa1: {  	v25 =	vld [tilespmem:s13+$0xFFFFFFF0];
	s11 =	sadd.s32 $0x4, s11;
	v26 =	vunpack.i.u.bf16.f32 v17;
	s8 =	sadd.s32 $0x40, s8;
	v27 =	vpop (erf);
	(erf) = vpow2.f32 v23;
	v23 =	vperm.xlane v6, v4;
	[tilespmem:s3+$0x20] =	vst v22;
	s10 =	sadd.s32 $0x140, s10  }
0xa2: {  	v28 =	vperm.xlane v11, v5;
	v16 =	vld [tilespmem:s14+$0xFFFFFFE0];
	p1 =	slt.u32 s11, $0x7C;
	v22 =	vunpack.i.u.bf16.f32 v20;
	v20 =	vunpack.i.l.bf16.f32 v20  }
0xa3: {  	v30 =	vperm.xlane v8, v4;
	v31 =	vperm.xlane v8, v5;
	v27 =	vnsel vm0, $0x0, v27;
	v29 =	vld [tilespmem:s8+$0xFFFFFFE0]  }
0xa4: {  	v17 =	vunpack.i.l.bf16.f32 v17;
	v24 =	vmul.f32 v10, v24;
	v33 =	vperm.xlane v27, v2;
	v32 =	vld [tilespmem:s13+$0xFFFFFFE0];
	v11 =	vpop (erf)  }
0xa5: {  	v10 =	vperm.xlane v27, v3;
	v34 =	vld [tilespmem:s8+$0xFFFFFFF0];
	v11 =	vnsel vm0, $0x0, v11;
	v35 =	vpop (erf);
	[tilespmem:s3+$0xFFFFFFB0] =	vst v21;
	v21 =	vunpack.i.u.bf16.f32 v19  }
0xa6: {  	v25 =	vperm.xlane v25, v1;
	v36 =	vld [tilespmem:s13+$0x10];
	v37 =	vperm.xlane v11, v2;
	v35 =	vnsel vm0, $0x0, v35;
	[tilespmem:s3+$0xFFFFFFC0] =	vst v24  }
0xa7: {  	v24 =	vunpack.i.u.bf16.f32 v18;
	v38 =	vperm.xlane v35, v2;
	v39 =	vperm.xlane v35, v5;
	v40 =	vld [tilespmem:s7+$0xFFFFFFF0];
	s7 =	smov.u32 s18;
	s18 =	smov.u32 s14  }
0xa8: {  	v18 =	vunpack.i.l.bf16.f32 v18;
	v21 =	vmul.f32 v31, v21;
	v42 =	vperm.xlane v35, v3;
	v41 =	vld [tilespmem:s13+$0x0];
	[tilespmem:s3+$0xFFFFFFF0] =	vst v6;
	v6 =	vmovc v27  }
0xa9: {  	v22 =	vmul.f32 v28, v22;
	v19 =	vunpack.i.l.bf16.f32 v19;
	v27 =	vld [tilespmem:s8+$0x10];
	v18 =	vmul.f32 v38, v18  }
0xaa: {  	v31 =	vperm.xlane v11, v4;
	v28 =	vperm.xlane v32, v1;
	v25 =	vadd.f32 v25, v34;
	v32 =	vpop (erf);
	[tilespmem:s3+$0x80] =	vst v21  }
0xab: {  	v20 =	vmul.f32 v9, v20;
	v34 =	vperm.xlane v11, v3;
	v21 =	vld [tilespmem:s8+$0x0];
	[tilespmem:s10+$0x0] =	vst v18;
	v18 =	vnsel vm0, $0x0, v32  }
0xac: {  	v9 =	vmovc v31;
	v28 =	vadd.f32 v28, v29;
	v29 =	vperm.xlane v36, v1;
	vm1 =	vgt.f32 v25, $0.0e+00;
	[tilespmem:s3+$0xFFFFFF90] =	vst v22  }
0xad: {  	v19 =	vmul.f32 v30, v19;
	v22 =	vmul.f32 $2.000000030e-01, v25;
	[tilespmem:s3+$0xFFFFFF80] =	vst v20;
	v20 =	vunpack.i.u.bf16.f32 v40  }
0xae: {  	v24 =	vmul.f32 v42, v24;
	v30 =	vperm.xlane v41, v1;
	v27 =	vadd.f32 v29, v27;
	[tilespmem:s3+$0x90] =	vst v8  }
0xaf: {  	v17 =	vmul.f32 v37, v17;
	v22 =	vsel vm1, v25, v22;
	v25 =	vperm.xlane v18, v2;
	[tilespmem:s3+$0x70] =	vst v19  }
0xb0: {  	v8 =	vmovc v18;
	v19 =	vmul.f32 $2.000000030e-01, v28;
	v21 =	vadd.f32 v30, v21;
	[tilespmem:s10+$0x10] =	vst v24;
	v24 =	vunpack.i.l.bf16.f32 v40  }
0xb1: {  	vm1 =	vgt.f32 v28, $0.0e+00;
	v18 =	vmul.f32 $1.442695020e+00, v22;
	[tilespmem:s10+$0xFFFFFF60] =	vst v17;
	v22 =	vld [tilespmem:s7+$0x10];
	v17 =	vmul.f32 v23, v24  }
0xb2: {  	v15 =	vmul.f32 v15, v20;
	vm2 =	vgt.f32 v21, $0.0e+00;
	v23 =	vmul.f32 $2.000000030e-01, v21;
	[tilespmem:s3+$0x30] =	vst v14  }
0xb3: {  	v14 =	vsel vm1, v28, v19;
	(erf) = vpow2.f32 v18;
	v18 =	vperm.xlane v35, v4;
	[tilespmem:s3+$0xFFFFFFD0] =	vst v17  }
0xb4: {  	v19 =	vperm.xlane v8, v3;
	v14 =	vmul.f32 $1.442695020e+00, v14;
	v17 =	vsel vm2, v21, v23;
	[tilespmem:s3+$0xFFFFFFE0] =	vst v15;
	s3 =	smov.u32 s10  }
0xb5: {  	v20 =	vmul.f32 v34, v26;
	v21 =	vunpack.i.l.bf16.f32 v12;
	v15 =	vmul.f32 $1.442695020e+00, v17;
	[tilespmem:s10+$0x40] =	vst v35  }
0xb6: {  	v23 =	vmul.f32 $2.000000030e-01, v27;
	v12 =	vld [tilespmem:s14+$0x20];
	(erf) = vpow2.f32 v14;
	v14 =	vunpack.i.u.bf16.f32 v22  }
.Ltmp1:
0xb7: {  	vm1 =	vgt.f32 v27, $0.0e+00;
	v17 =	vld [tilespmem:s14+$0xFFFFFFC0];
	(erf) = vpow2.f32 v15;
	[tilespmem:s10+$0xFFFFFF70] =	vst v20;
	v15 =	vmul.f32 v25, v21;
	(pc) =	sbr.rel @p1 .LBB2_5-.Ltmp1, $4  }
0xb8: {  	v13 =	vmul.f32 v19, v13;
	v22 =	vunpack.i.l.bf16.f32 v22;
	v21 =	vsel vm1, v27, v23;
	v20 =	vld [tilespmem:s7+$0xFFFFFFD0]  }
0xb9: {  	v19 =	vunpack.i.l.bf16.f32 v7;
	v22 =	vmul.f32 v18, v22;
	v23 =	vmul.f32 $1.442695020e+00, v21;
	[tilespmem:s10+$0x50] =	vst v15  }
0xba: {  	v14 =	vmul.f32 v39, v14;
	v21 =	vmul.f32 v33, v19;
	v18 =	vld [tilespmem:s14+$0x0];
	[tilespmem:s10+$0x60] =	vst v13  }
0xbb: {  	s13 =	sadd.s32 $0x40, s13;
	v24 =	vunpack.i.u.bf16.f32 v7;
	v7 =	vmovc v16;
	v15 =	vperm.xlane v6, v5;
	s14 =	sadd.s32 $0x80, s14;
	v13 =	vunpack.i.u.bf16.f32 v12;
	[tilespmem:s10+$0xFFFFFFA0] =	vst v11;
	v19 =	vld [tilespmem:s7+$0x30]  }
0xbc: {  	_ =	sdelay $0x1  }
0xbd: {  	v16 =	vpop (erf)  }
0xbe: {  	(erf) = vpow2.f32 v23;
	v25 =	vpop (erf)  }
0xbf: {  	v10 =	vmul.f32 v10, v24;
	v24 =	vperm.xlane v8, v5;
	[tilespmem:s3+$0xFFFFFFB0] =	vst v21;
	v23 =	vpop (erf)  }
0xc0: {  	[tilespmem:s3+$0x20] =	vst v22;
	v11 =	vperm.xlane v11, v5;
	v21 =	vnsel vm0, $0x0, v23;
	v23 =	vunpack.i.u.bf16.f32 v19  }
0xc1: {  	[tilespmem:s3+$0xFFFFFFC0] =	vst v10;
	v10 =	vperm.xlane v21, v2;
	v23 =	vmul.f32 v24, v23;
	v24 =	vunpack.i.u.bf16.f32 v20  }
0xc2: {  	[tilespmem:s3+$0x90] =	vst v8;
	v26 =	vunpack.i.l.bf16.f32 v18;
	v11 =	vmul.f32 v11, v24  }
0xc3: {  	v20 =	vunpack.i.l.bf16.f32 v20;
	v10 =	vmul.f32 v10, v26;
	[tilespmem:s3+$0x80] =	vst v23;
	v23 =	vperm.xlane v8, v4  }
0xc4: {  	s11 =	sadd.s32 $0x140, s10;
	v22 =	vld [tilespmem:s7+$0xFFFFFFF0];
	[tilespmem:s3+$0xFFFFFFF0] =	vst v6;
	v9 =	vmul.f32 v9, v20;
	v20 =	vperm.xlane v21, v3  }
0xc5: {  	v18 =	vunpack.i.u.bf16.f32 v18;
	[tilespmem:s11+$0x0] =	vst v10;
	v10 =	vnsel vm0, $0x0, v25  }
0xc6: {  	v19 =	vunpack.i.l.bf16.f32 v19;
	[tilespmem:s3+$0xFFFFFF90] =	vst v11;
	v18 =	vmul.f32 v20, v18;
	v11 =	vperm.xlane v10, v2  }
0xc7: {  	[tilespmem:s3+$0xFFFFFF80] =	vst v9;
	v9 =	vmul.f32 v23, v19;
	v19 =	vunpack.i.l.bf16.f32 v17;
	v23 =	vpop (erf)  }
0xc8: {  	v6 =	vperm.xlane v6, v4;
	[tilespmem:s11+$0x10] =	vst v18;
	v8 =	vnsel vm0, $0x0, v23;
	v11 =	vmul.f32 v11, v19  }
0xc9: {  	v18 =	vunpack.i.l.bf16.f32 v22;
	[tilespmem:s3+$0x70] =	vst v9;
	v9 =	vperm.xlane v8, v2  }
0xca: {  	v12 =	vunpack.i.l.bf16.f32 v12;
	v6 =	vmul.f32 v6, v18;
	[tilespmem:s11+$0xFFFFFF60] =	vst v11;
	v11 =	vperm.xlane v8, v3  }
0xcb: {  	[tilespmem:s3+$0x30] =	vst v14;
	v18 =	vperm.xlane v10, v3;
	v9 =	vmul.f32 v9, v12  }
0xcc: {  	[tilespmem:s3+$0xFFFFFFD0] =	vst v6;
	v12 =	vunpack.i.u.bf16.f32 v17;
	v6 =	vmul.f32 v11, v13  }
0xcd: {  	v11 =	vunpack.i.u.bf16.f32 v22;
	v13 =	vld [tilespmem:s18+$0x10];
	v12 =	vmul.f32 v18, v12;
	[tilespmem:s11+$0x50] =	vst v9  }
0xce: {  	v9 =	vnsel vm0, $0x0, v16;
	v11 =	vmul.f32 v15, v11;
	[tilespmem:s11+$0x60] =	vst v6  }
0xcf: {  	v6 =	vperm.xlane v9, v2;
	[tilespmem:s11+$0xFFFFFF70] =	vst v12  }
0xd0: {  	v15 =	vunpack.i.l.bf16.f32 v7;
	v14 =	vperm.xlane v9, v3;
	[tilespmem:s3+$0xFFFFFFE0] =	vst v11;
	v11 =	vld [tilespmem:s18+$0xFFFFFFD0]  }
0xd1: {  	[tilespmem:s11+$0x40] =	vst v21;
	v16 =	vperm.xlane v21, v4;
	v7 =	vunpack.i.u.bf16.f32 v7;
	v6 =	vmul.f32 v6, v15  }
0xd2: {  	v12 =	vld [tilespmem:s18+$0x30];
	[tilespmem:s11+$0xFFFFFFA0] =	vst v10;
	v7 =	vmul.f32 v14, v7;
	v15 =	vunpack.i.l.bf16.f32 v13  }
0xd3: {  	v14 =	vmul.f32 v16, v15;
	[tilespmem:s11+$0xFFFFFFB0] =	vst v6  }
0xd4: {  	v6 =	vperm.xlane v10, v5;
	[tilespmem:s11+$0xFFFFFFC0] =	vst v7  }
0xd5: {  	v7 =	vperm.xlane v10, v4;
	[tilespmem:s11+$0x20] =	vst v14;
	v10 =	vunpack.i.u.bf16.f32 v11;
	v14 =	vld [tilespmem:s18+$0xFFFFFFF0]  }
0xd6: {  	[tilespmem:s11+$0x90] =	vst v8;
	v15 =	vperm.xlane v8, v5;
	v11 =	vunpack.i.l.bf16.f32 v11;
	v6 =	vmul.f32 v6, v10  }
0xd7: {  	v16 =	vunpack.i.u.bf16.f32 v12;
	[tilespmem:s11+$0xFFFFFFF0] =	vst v9;
	v10 =	vperm.xlane v8, v4;
	v7 =	vmul.f32 v7, v11  }
0xd8: {  	v12 =	vunpack.i.l.bf16.f32 v12;
	v15 =	vmul.f32 v15, v16;
	v11 =	vperm.xlane v21, v5;
	[tilespmem:s11+$0xFFFFFF90] =	vst v6  }
0xd9: {  	v6 =	vunpack.i.u.bf16.f32 v13;
	v13 =	vperm.xlane v9, v4;
	[tilespmem:s11+$0xFFFFFF80] =	vst v7;
	v7 =	vmul.f32 v10, v12  }
0xda: {  	[tilespmem:s11+$0x80] =	vst v15;
	v9 =	vperm.xlane v9, v5;
	v6 =	vmul.f32 v11, v6;
	v8 =	vunpack.i.l.bf16.f32 v14  }
0xdb: {  	v10 =	vunpack.i.u.bf16.f32 v14;
	[tilespmem:s11+$0x70] =	vst v7;
	v7 =	vmul.f32 v13, v8  }
0xdc: {  	s13 =	sshll.u32 s21, $0xA;
	v8 =	vmul.f32 v9, v10;
	[tilespmem:s11+$0x30] =	vst v6  }
0xdd: {  	s21 =	sadd.s32 $0x1, s21;
	s3 =	sshra.s32 s13, $0x2;
	[tilespmem:s11+$0xFFFFFFD0] =	vst v7  }
0xde: {  	p1 =	sge.u32 s21, s12;
	s3 =	sadd.s32 $0x3200, s3;
	[tilespmem:s11+$0xFFFFFFE0] =	vst v8  }
0xdf: {  	[spmem:s1] =	stream.indirect.scatter.add.f32 [tilespmem:s19], [sflag:$0x3], $0x50, s3, s20, $0xb8;
	[tilespmem:$0x1BC00] =	vst v63  }
0xe0: {  	s8 =	simm.s32 @!p1 $0x6400;
	s7 =	simm.s32 @!p1 $0x80;
	s3 =	sadd.s32 @!p1 $0x100, s23  }
0xe1: {  	[tilespmem:s8], [sflag:$0x1] =	stream.indirect.gather @!p1 [hbm4b:s5+s7], $0x10, s3, s7, $0xb8;
	[tilespmem:$0x1BC00] =	vst v63  }
0xe2: {  	s10 =	simm.s32 @!p1 $0x7400;
	s8 =	sadd.s32 @!p1 $0x3300, s23  }
0xe3: {  	[tilespmem:s10], [sflag:$0x1] =	stream.indirect.gather @!p1 [hbm4b:s5+s7], $0x10, s8, s7, $0xb8;
	[tilespmem:$0x1BC00] =	vst v63  }
0xe4: {  	s8 =	simm.s32 @!p1 $0x8400  }
0xe5: {  	[tilespmem:s8], [sflag:$0x1] =	stream.indirect.gather @!p1 [hbm4b:s6+s7], $0x20, s3, s7, $0xb8;
	[tilespmem:$0x1BC00] =	vst v63  }
0xe6: {  	_ =	swait.ge [sflag:s29], $0x800  }
0xe7: {  	[sflag:s29] =	ssyncset.done $0x0  }
0xe8: {  	[sflag:s29] =	ssyncadd.s32 $0xFFFFF800  }
0xe9: {  	_ =	swait.ge [sflag:s29], $0x800  }
0xea: {  	[sflag:s29] =	ssyncset.done $0x0  }
0xeb: {  	[sflag:s29] =	ssyncadd.s32 $0xFFFFF800  }
0xec: {  	_ =	swait.ge [sflag:s29], $0x1000  }
0xed: {  	[sflag:s29] =	ssyncset.done $0x0  }
0xee: {  	s3 =	simm.s32 @!p0 $0x4;
	[sflag:s29] =	ssyncadd.s32 $0xFFFFF000  }
0xef: {  	_ =	swait.ge @!p0 [sflag:s3], $0x2800  }
0xf0: {  	[sflag:s3] =	ssyncset.done @!p0 $0x0  }
0xf1: {  	s14 =	simm.s32 $0x7C20;
	[sflag:s3] =	ssyncadd.s32 @!p0 $0xFFFFD800  }
0xf2: {  	v6 =	vld [tilespmem:s14+$0xFFFFFFF0]  }
0xf3: {  	s18 =	simm.s32 $0x6C20;
	v7 =	vld [tilespmem:s14+$0xFFFFFFE0]  }
0xf4: {  	v8 =	vld [tilespmem:s18+$0xFFFFFFF0]  }
0xf5: {  	v9 =	vld [tilespmem:s14+$0x0]  }
0xf6: {  	v10 =	vld [tilespmem:s18+$0xFFFFFFE0]  }
0xf7: {  	v11 =	vld [tilespmem:s18+$0x0]  }
0xf8: {  	v12 =	vld [tilespmem:s14+$0x10];
	v6 =	vperm.xlane v6, v1  }
0xf9: {  	v7 =	vperm.xlane v7, v1  }
0xfa: {  	v6 =	vadd.f32 v6, v8;
	v8 =	vperm.xlane v9, v1  }
0xfb: {  	v7 =	vadd.f32 v7, v10  }
0xfc: {  	v9 =	vld [tilespmem:s18+$0x10];
	v10 =	vmul.f32 $2.000000030e-01, v6;
	v8 =	vadd.f32 v8, v11  }
0xfd: {  	vm1 =	vgt.f32 v6, $0.0e+00;
	v11 =	vperm.xlane v12, v1;
	v12 =	vmul.f32 $2.000000030e-01, v7  }
0xfe: {  	v6 =	vsel vm1, v6, v10;
	vm1 =	vgt.f32 v7, $0.0e+00;
	v10 =	vmul.f32 $2.000000030e-01, v8  }
0xff: {  	vm2 =	vgt.f32 v8, $0.0e+00;
	v6 =	vmul.f32 $1.442695020e+00, v6;
	v7 =	vsel vm1, v7, v12  }
0x100: {  	s23 =	simm.s32 $0x7C60;
	v7 =	vmul.f32 $1.442695020e+00, v7;
	v8 =	vsel vm2, v8, v10  }
0x101: {  	s8 =	simm.s32 $0x6C60;
	v16 =	vld [tilespmem:s23+$0xFFFFFFE0];
	v9 =	vadd.f32 v11, v9;
	(erf) = vpow2.f32 v6;
	v6 =	vmul.f32 $1.442695020e+00, v8  }
0x102: {  	v18 =	vld [tilespmem:s8+$0xFFFFFFE0];
	(erf) = vpow2.f32 v7  }
0x103: {  	v22 =	vld [tilespmem:s23+$0x10];
	v7 =	vmul.f32 $2.000000030e-01, v9;
	(erf) = vpow2.f32 v6  }
0x104: {  	v21 =	vld [tilespmem:s23+$0x0];
	vm1 =	vgt.f32 v9, $0.0e+00  }
0x105: {  	v28 =	vld [tilespmem:s8+$0x10];
	v6 =	vsel vm1, v9, v7  }
0x106: {  	s7 =	simm.s32 $0x9440;
	v27 =	vld [tilespmem:s8+$0x0];
	v16 =	vperm.xlane v16, v1;
	v6 =	vmul.f32 $1.442695020e+00, v6  }
0x107: {  	v8 =	vld [tilespmem:s7+$0xFFFFFFC0]  }
0x108: {  	v16 =	vadd.f32 v16, v18;
	v18 =	vperm.xlane v22, v1;
	v9 =	vld [tilespmem:s23+$0xFFFFFFF0]  }
0x109: {  	v21 =	vperm.xlane v21, v1  }
0x10a: {  	v14 =	vld [tilespmem:s8+$0xFFFFFFF0];
	v18 =	vadd.f32 v18, v28;
	(erf) = vpow2.f32 v6;
	v6 =	vpop (erf)  }
0x10b: {  	v21 =	vadd.f32 v21, v27;
	v12 =	vld [tilespmem:s7+$0x0];
	v11 =	vpop (erf)  }
0x10c: {  	v28 =	vmul.f32 $2.000000030e-01, v18;
	v15 =	vunpack.i.u.bf16.f32 v8;
	v17 =	vunpack.i.l.bf16.f32 v8;
	v8 =	vpop (erf)  }
0x10d: {  	v6 =	vnsel vm0, $0x0, v6;
	v20 =	vnsel vm0, $0x0, v8;
	v8 =	vperm.xlane v9, v1  }
0x10e: {  	vm2 =	vgt.f32 v21, $0.0e+00;
	v19 =	vperm.xlane v6, v2;
	v11 =	vnsel vm0, $0x0, v11  }
0x10f: {  	v7 =	vld [tilespmem:s7+$0x20];
	v10 =	vperm.xlane v6, v3;
	v23 =	vperm.xlane v11, v2;
	v14 =	vadd.f32 v8, v14  }
0x110: {  	v25 =	vunpack.i.l.bf16.f32 v12;
	v29 =	vperm.xlane v11, v3;
	v26 =	vperm.xlane v20, v3  }
0x111: {  	v12 =	vunpack.i.u.bf16.f32 v12;
	v9 =	vperm.xlane v20, v2;
	v30 =	vmul.f32 $2.000000030e-01, v14  }
0x112: {  	v24 =	vperm.xlane v20, v5;
	v12 =	vmul.f32 v26, v12;
	vm1 =	vgt.f32 v14, $0.0e+00  }
0x113: {  	s3 =	simm.s32 $0xCCA0;
	v17 =	vmul.f32 v23, v17;
	v25 =	vmul.f32 v9, v25;
	v14 =	vsel vm1, v14, v30  }
0x114: {  	v13 =	vunpack.i.u.bf16.f32 v7;
	[tilespmem:s3+$0x10] =	vst v12;
	v12 =	vmul.f32 $2.000000030e-01, v16;
	v14 =	vmul.f32 $1.442695020e+00, v14  }
0x115: {  	v15 =	vmul.f32 v29, v15;
	[tilespmem:s3+$0x0] =	vst v25;
	v25 =	vmul.f32 $2.000000030e-01, v21;
	vm1 =	vgt.f32 v16, $0.0e+00  }
0x116: {  	v9 =	vperm.xlane v11, v4;
	v8 =	vpop (erf);
	v23 =	vld [tilespmem:s7+$0x10];
	v12 =	vsel vm1, v16, v12;
	(erf) = vpow2.f32 v14  }
0x117: {  	v8 =	vnsel vm0, $0x0, v8;
	v16 =	vld [tilespmem:s7+$0xFFFFFFE0];
	v26 =	vmul.f32 $1.442695020e+00, v12;
	v12 =	vsel vm2, v21, v25  }
0x118: {  	s18 =	simm.s32 $0x94C0;
	v27 =	vunpack.i.l.bf16.f32 v7;
	v21 =	vperm.xlane v8, v3;
	v25 =	vmul.f32 $1.442695020e+00, v12  }
0x119: {  	[tilespmem:s3+$0xFFFFFF60] =	vst v17;
	v22 =	vperm.xlane v8, v2;
	vm1 =	vgt.f32 v18, $0.0e+00;
	v12 =	vld [tilespmem:s18+$0x20];
	(erf) = vpow2.f32 v26  }
0x11a: {  	v17 =	vld [tilespmem:s18+$0xFFFFFFC0];
	[tilespmem:s3+$0xFFFFFF70] =	vst v15;
	v15 =	vsel vm1, v18, v28;
	v13 =	vmul.f32 v21, v13;
	(erf) = vpow2.f32 v25  }
0x11b: {  	[tilespmem:s3+$0x40] =	vst v20;
	v14 =	vperm.xlane v20, v4;
	v20 =	vld [tilespmem:s7+$0xFFFFFFD0];
	v26 =	vunpack.i.u.bf16.f32 v23;
	v25 =	vmul.f32 v22, v27  }
0x11c: {  	v7 =	vld [tilespmem:s18+$0xFFFFFFE0];
	v18 =	vunpack.i.l.bf16.f32 v23;
	v23 =	vmul.f32 $1.442695020e+00, v15;
	v15 =	vunpack.i.l.bf16.f32 v16;
	[tilespmem:s3+$0x60] =	vst v13  }
0x11d: {  	s13 =	simm.s32 $0x7CA0;
	v22 =	vmul.f32 v14, v18;
	v18 =	vld [tilespmem:s18+$0x0];
	v14 =	vmul.f32 v24, v26;
	v24 =	vunpack.i.u.bf16.f32 v16;
	[tilespmem:s3+$0x50] =	vst v25  }
0x11e: {  	s11 =	simm.s32 $0x4;
	s10 =	simm.s32 $0xCCA0;
	s14 =	simm.s32 $0x9540;
	[tilespmem:s3+$0xFFFFFFA0] =	vst v11;
	v21 =	vmul.f32 v19, v15;
	v15 =	vperm.xlane v6, v5;
	v13 =	vunpack.i.u.bf16.f32 v12;
	v19 =	vld [tilespmem:s7+$0x30]  }
.LBB2_7:
0x11f: {  	v25 =	vld [tilespmem:s13+$0xFFFFFFF0];
	s11 =	sadd.s32 $0x4, s11;
	v26 =	vunpack.i.u.bf16.f32 v17;
	s8 =	sadd.s32 $0x40, s8;
	v27 =	vpop (erf);
	(erf) = vpow2.f32 v23;
	v23 =	vperm.xlane v6, v4;
	[tilespmem:s3+$0x20] =	vst v22;
	s10 =	sadd.s32 $0x140, s10  }
0x120: {  	v28 =	vperm.xlane v11, v5;
	v16 =	vld [tilespmem:s14+$0xFFFFFFE0];
	p0 =	slt.u32 s11, $0x7C;
	v22 =	vunpack.i.u.bf16.f32 v20;
	v20 =	vunpack.i.l.bf16.f32 v20  }
0x121: {  	v30 =	vperm.xlane v8, v4;
	v31 =	vperm.xlane v8, v5;
	v27 =	vnsel vm0, $0x0, v27;
	v29 =	vld [tilespmem:s8+$0xFFFFFFE0]  }
0x122: {  	v17 =	vunpack.i.l.bf16.f32 v17;
	v24 =	vmul.f32 v10, v24;
	v33 =	vperm.xlane v27, v2;
	v32 =	vld [tilespmem:s13+$0xFFFFFFE0];
	v11 =	vpop (erf)  }
0x123: {  	v10 =	vperm.xlane v27, v3;
	v34 =	vld [tilespmem:s8+$0xFFFFFFF0];
	v11 =	vnsel vm0, $0x0, v11;
	v35 =	vpop (erf);
	[tilespmem:s3+$0xFFFFFFB0] =	vst v21;
	v21 =	vunpack.i.u.bf16.f32 v19  }
0x124: {  	v25 =	vperm.xlane v25, v1;
	v36 =	vld [tilespmem:s13+$0x10];
	v37 =	vperm.xlane v11, v2;
	v35 =	vnsel vm0, $0x0, v35;
	[tilespmem:s3+$0xFFFFFFC0] =	vst v24  }
0x125: {  	v24 =	vunpack.i.u.bf16.f32 v18;
	v38 =	vperm.xlane v35, v2;
	v39 =	vperm.xlane v35, v5;
	v40 =	vld [tilespmem:s7+$0xFFFFFFF0];
	s7 =	smov.u32 s18;
	s18 =	smov.u32 s14  }
0x126: {  	v18 =	vunpack.i.l.bf16.f32 v18;
	v21 =	vmul.f32 v31, v21;
	v42 =	vperm.xlane v35, v3;
	v41 =	vld [tilespmem:s13+$0x0];
	[tilespmem:s3+$0xFFFFFFF0] =	vst v6;
	v6 =	vmovc v27  }
0x127: {  	v22 =	vmul.f32 v28, v22;
	v19 =	vunpack.i.l.bf16.f32 v19;
	v27 =	vld [tilespmem:s8+$0x10];
	v18 =	vmul.f32 v38, v18  }
0x128: {  	v31 =	vperm.xlane v11, v4;
	v28 =	vperm.xlane v32, v1;
	v25 =	vadd.f32 v25, v34;
	v32 =	vpop (erf);
	[tilespmem:s3+$0x80] =	vst v21  }
0x129: {  	v20 =	vmul.f32 v9, v20;
	v34 =	vperm.xlane v11, v3;
	v21 =	vld [tilespmem:s8+$0x0];
	[tilespmem:s10+$0x0] =	vst v18;
	v18 =	vnsel vm0, $0x0, v32  }
0x12a: {  	v9 =	vmovc v31;
	v28 =	vadd.f32 v28, v29;
	v29 =	vperm.xlane v36, v1;
	vm1 =	vgt.f32 v25, $0.0e+00;
	[tilespmem:s3+$0xFFFFFF90] =	vst v22  }
0x12b: {  	v19 =	vmul.f32 v30, v19;
	v22 =	vmul.f32 $2.000000030e-01, v25;
	[tilespmem:s3+$0xFFFFFF80] =	vst v20;
	v20 =	vunpack.i.u.bf16.f32 v40  }
0x12c: {  	v24 =	vmul.f32 v42, v24;
	v30 =	vperm.xlane v41, v1;
	v27 =	vadd.f32 v29, v27;
	[tilespmem:s3+$0x90] =	vst v8  }
0x12d: {  	v17 =	vmul.f32 v37, v17;
	v22 =	vsel vm1, v25, v22;
	v25 =	vperm.xlane v18, v2;
	[tilespmem:s3+$0x70] =	vst v19  }
0x12e: {  	v8 =	vmovc v18;
	v19 =	vmul.f32 $2.000000030e-01, v28;
	v21 =	vadd.f32 v30, v21;
	[tilespmem:s10+$0x10] =	vst v24;
	v24 =	vunpack.i.l.bf16.f32 v40  }
0x12f: {  	vm1 =	vgt.f32 v28, $0.0e+00;
	v18 =	vmul.f32 $1.442695020e+00, v22;
	[tilespmem:s10+$0xFFFFFF60] =	vst v17;
	v22 =	vld [tilespmem:s7+$0x10];
	v17 =	vmul.f32 v23, v24  }
0x130: {  	v15 =	vmul.f32 v15, v20;
	vm2 =	vgt.f32 v21, $0.0e+00;
	v23 =	vmul.f32 $2.000000030e-01, v21;
	[tilespmem:s3+$0x30] =	vst v14  }
0x131: {  	v14 =	vsel vm1, v28, v19;
	(erf) = vpow2.f32 v18;
	v18 =	vperm.xlane v35, v4;
	[tilespmem:s3+$0xFFFFFFD0] =	vst v17  }
0x132: {  	v19 =	vperm.xlane v8, v3;
	v14 =	vmul.f32 $1.442695020e+00, v14;
	v17 =	vsel vm2, v21, v23;
	[tilespmem:s3+$0xFFFFFFE0] =	vst v15;
	s3 =	smov.u32 s10  }
0x133: {  	v20 =	vmul.f32 v34, v26;
	v21 =	vunpack.i.l.bf16.f32 v12;
	v15 =	vmul.f32 $1.442695020e+00, v17;
	[tilespmem:s10+$0x40] =	vst v35  }
0x134: {  	v23 =	vmul.f32 $2.000000030e-01, v27;
	v12 =	vld [tilespmem:s14+$0x20];
	(erf) = vpow2.f32 v14;
	v14 =	vunpack.i.u.bf16.f32 v22  }
.Ltmp2:
0x135: {  	vm1 =	vgt.f32 v27, $0.0e+00;
	v17 =	vld [tilespmem:s14+$0xFFFFFFC0];
	(erf) = vpow2.f32 v15;
	[tilespmem:s10+$0xFFFFFF70] =	vst v20;
	v15 =	vmul.f32 v25, v21;
	(pc) =	sbr.rel @p0 .LBB2_7-.Ltmp2, $4  }
0x136: {  	v13 =	vmul.f32 v19, v13;
	v22 =	vunpack.i.l.bf16.f32 v22;
	v21 =	vsel vm1, v27, v23;
	v20 =	vld [tilespmem:s7+$0xFFFFFFD0]  }
0x137: {  	v19 =	vunpack.i.l.bf16.f32 v7;
	v22 =	vmul.f32 v18, v22;
	v23 =	vmul.f32 $1.442695020e+00, v21;
	[tilespmem:s10+$0x50] =	vst v15  }
0x138: {  	v14 =	vmul.f32 v39, v14;
	v21 =	vmul.f32 v33, v19;
	v18 =	vld [tilespmem:s14+$0x0];
	[tilespmem:s10+$0x60] =	vst v13  }
0x139: {  	s13 =	sadd.s32 $0x40, s13;
	v24 =	vunpack.i.u.bf16.f32 v7;
	v7 =	vmovc v16;
	v15 =	vperm.xlane v6, v5;
	s14 =	sadd.s32 $0x80, s14;
	v13 =	vunpack.i.u.bf16.f32 v12;
	[tilespmem:s10+$0xFFFFFFA0] =	vst v11;
	v19 =	vld [tilespmem:s7+$0x30]  }
0x13a: {  	v16 =	vpop (erf);
	(erf) = vpow2.f32 v23;
	v10 =	vmul.f32 v10, v24;
	[tilespmem:s3+$0xFFFFFFB0] =	vst v21  }
0x13b: {  	v58 =	vperm.xlane v8, v5;
	[tilespmem:s3+$0x20] =	vst v22;
	v11 =	vperm.xlane v11, v5  }
0x13c: {  	v29 =	vperm.xlane v8, v4;
	v36 =	vunpack.i.l.bf16.f32 v17;
	[tilespmem:s3+$0x90] =	vst v8;
	v50 =	vunpack.i.l.bf16.f32 v7  }
0x13d: {  	[tilespmem:s3+$0x30] =	vst v14;
	v7 =	vunpack.i.u.bf16.f32 v7;
	v63 =	vunpack.i.u.bf16.f32 v20;
	v46 =	vnsel vm0, $0x0, v16  }
0x13e: {  	v28 =	vunpack.i.l.bf16.f32 v20;
	[tilespmem:s3+$0xFFFFFFC0] =	vst v10;
	v11 =	vmul.f32 v11, v63;
	v48 =	vperm.xlane v46, v3  }
0x13f: {  	v9 =	vmul.f32 v9, v28;
	v25 =	vpop (erf);
	v62 =	vld [tilespmem:s7+$0xFFFFFFF0];
	[tilespmem:s3+$0xFFFFFFF0] =	vst v6;
	v6 =	vperm.xlane v6, v4;
	v60 =	vunpack.i.u.bf16.f32 v19  }
0x140: {  	v57 =	vpop (erf);
	v30 =	vnsel vm0, $0x0, v25;
	v32 =	vunpack.i.l.bf16.f32 v19;
	[tilespmem:s3+$0xFFFFFF90] =	vst v11;
	v7 =	vmul.f32 v48, v7  }
0x141: {  	s23 =	sadd.s32 $0x140, s10;
	[tilespmem:s3+$0xFFFFFF80] =	vst v9;
	v59 =	vnsel vm0, $0x0, v57;
	v23 =	vmul.f32 v58, v60;
	v33 =	vperm.xlane v30, v2  }
0x142: {  	v12 =	vunpack.i.l.bf16.f32 v12;
	v35 =	vmul.f32 v29, v32;
	v61 =	vperm.xlane v59, v2;
	[tilespmem:s23+$0xFFFFFFC0] =	vst v7  }
0x143: {  	v26 =	vunpack.i.l.bf16.f32 v18;
	v31 =	vperm.xlane v59, v3;
	[tilespmem:s3+$0x80] =	vst v23;
	v11 =	vmul.f32 v33, v36  }
0x144: {  	v34 =	vunpack.i.u.bf16.f32 v18;
	v42 =	vperm.xlane v30, v3;
	[tilespmem:s3+$0x70] =	vst v35;
	v10 =	vmul.f32 v61, v26;
	v37 =	vpop (erf)  }
0x145: {  	v18 =	vmul.f32 v31, v34;
	v40 =	vunpack.i.l.bf16.f32 v62;
	[tilespmem:s23+$0xFFFFFF60] =	vst v11;
	v38 =	vnsel vm0, $0x0, v37  }
0x146: {  	v44 =	vunpack.i.u.bf16.f32 v62;
	v6 =	vmul.f32 v6, v40;
	[tilespmem:s23+$0x0] =	vst v10;
	v39 =	vperm.xlane v38, v2  }
0x147: {  	v43 =	vunpack.i.u.bf16.f32 v17;
	v11 =	vmul.f32 v15, v44;
	[tilespmem:s23+$0x10] =	vst v18;
	v41 =	vperm.xlane v38, v3  }
0x148: {  	[tilespmem:s3+$0xFFFFFFD0] =	vst v6;
	v9 =	vmul.f32 v39, v12;
	v12 =	vmul.f32 v42, v43  }
0x149: {  	v45 =	vld [tilespmem:s18+$0x10];
	[tilespmem:s3+$0xFFFFFFE0] =	vst v11;
	v6 =	vmul.f32 v41, v13  }
0x14a: {  	[tilespmem:s23+$0xFFFFFF70] =	vst v12  }
0x14b: {  	[tilespmem:s23+$0x60] =	vst v6;
	v6 =	vperm.xlane v46, v2;
	v49 =	vld [tilespmem:s18+$0xFFFFFFD0]  }
0x14c: {  	[tilespmem:s23+$0x50] =	vst v9  }
0x14d: {  	v51 =	vperm.xlane v59, v4;
	[tilespmem:s23+$0x40] =	vst v59;
	v47 =	vld [tilespmem:s18+$0x30];
	v6 =	vmul.f32 v6, v50  }
0x14e: {  	v52 =	vunpack.i.l.bf16.f32 v45;
	[tilespmem:s23+$0xFFFFFFA0] =	vst v30  }
0x14f: {  	v53 =	vmul.f32 v51, v52;
	[tilespmem:s23+$0xFFFFFFB0] =	vst v6;
	v6 =	vperm.xlane v30, v5  }
0x150: {  	v7 =	vperm.xlane v30, v4;
	[tilespmem:s23+$0x90] =	vst v38;
	v57 =	vld [tilespmem:s18+$0xFFFFFFF0];
	v56 =	vunpack.i.u.bf16.f32 v49  }
0x151: {  	v54 =	vperm.xlane v38, v5;
	[tilespmem:s23+$0x20] =	vst v53;
	v11 =	vunpack.i.l.bf16.f32 v49;
	v6 =	vmul.f32 v6, v56  }
0x152: {  	v58 =	vperm.xlane v38, v4;
	[tilespmem:s23+$0xFFFFFFF0] =	vst v46;
	v55 =	vunpack.i.u.bf16.f32 v47;
	v7 =	vmul.f32 v7, v11  }
0x153: {  	v59 =	vperm.xlane v59, v5;
	v12 =	vunpack.i.l.bf16.f32 v47;
	v15 =	vmul.f32 v54, v55;
	[tilespmem:s23+$0xFFFFFF90] =	vst v6  }
0x154: {  	v60 =	vperm.xlane v46, v4;
	v6 =	vunpack.i.u.bf16.f32 v45;
	[tilespmem:s23+$0xFFFFFF80] =	vst v7;
	v7 =	vmul.f32 v58, v12  }
0x155: {  	p0 =	sne.s32 s21, s12;
	v9 =	vperm.xlane v46, v5;
	[tilespmem:s23+$0x80] =	vst v15;
	v6 =	vmul.f32 v59, v6;
	v61 =	vunpack.i.l.bf16.f32 v57  }
.Ltmp3:
0x156: {  	v62 =	vunpack.i.u.bf16.f32 v57;
	[tilespmem:s23+$0x70] =	vst v7;
	v7 =	vmul.f32 v60, v61;
	(pc) =	sbr.rel @p0 .LBB2_4-.Ltmp3, $4  }
0x157: {  	v63 =	vmul.f32 v9, v62;
	[tilespmem:s23+$0x30] =	vst v6  }
0x158: {  	[tilespmem:s23+$0xFFFFFFD0] =	vst v7  }
0x159: {  	[tilespmem:s23+$0xFFFFFFE0] =	vst v63  }
0x15a: {  	[spmem:s1] =	stream.indirect.scatter.add.f32 [tilespmem:s30], [sflag:$0x4], $0x50, s22, s20, $0xb8;
	[tilespmem:$0x1BC00] =	vst v63  }
0x15b: {  	_ =	swait.ge [sflag:s31], $0x2800  }
0x15c: {  	[sflag:s31] =	ssyncset.done $0x0  }
0x15d: {  	[sflag:s31] =	ssyncadd.s32 $0xFFFFD800  }
0x15e: {  	_ =	swait.ge [sflag:s0], $0x2800  }
0x15f: {  	s2 =	sadd.s32 $0x1, s2;
	[sflag:s0] =	ssyncset.done $0x0  }
0x160: {  	s3 =	sor.u32 $0x1C05, s4;
	p0 =	sne.s32 s2, s16;
	[sflag:s0] =	ssyncadd.s32 $0xFFFFD800  }
.Ltmp4:
0x161: {  	s7 =	sshrl.u32 s9, $0x3;
	[bflag:$0x0] =	sbarrier.arrive $0xFFFF;
	(pc) =	sbr.rel @p0 .LBB2_1-.Ltmp4, $4  }
0x162: {  	[hbm:s15], [sflag:s3] =	dma.local [spmem:s7], $0x1900  }
0x163: {  	_ =	swait.ge [sflag:s17], $0x1900  }
0x164: {  	[sflag:s17] =	ssyncset.done $0x0  }
0x165: {  	s8 =	simm.s32 $0x3200;
	[sflag:s17] =	ssyncadd.s32 $0xFFFFE700  }
0x166: {  	_ =	sfence.sel $0x180000  }
0x167: {  	[bflag:$0x0] =	sbarrier.arrive $0xFFFF  }
0x168: {  	_ =	strace $0x90000047  }
0x169: {  	s0 =	stileid.u32;
	[bflag:$0x2] =	sbarrier.arrive $0xFFFF  }
0x16a: {  	p0 =	sne.s32 s0, $0x0;
	s0 =	rddreg [dreg:$0x3]  }
0x16b: {  	s0 =	sadd.s32 @!p0 $0x100000, s0  }
0x16c: {  	[sflag:s0] =	ssyncadd.tile.s32 @!p0 $0x1;
	_ =	shalt  }
.Lfunc_end2:
_tile_overlayer_lowered:
.L_overlay_start_2:
0x16d: {  	(tag) =	ssettag $0x2  }
0x16e: {  	s0 =	rddreg [dreg:$0x0];
	s2 =	stileid.u32  }
0x16f: {  	s1 =	rddreg [dreg:$0x1];
	p0 =	sne.s32 s2, $0x0  }
0x170: {  	s3 =	rddreg [dreg:$0x2];
	[bflag:$0x3] =	sbarrier.arrive $0xFFFF;
	s2 =	simm.s32 @!p0 $0x1C05  }
0x171: {  	[timem:s3], [sflag:s2] =	dma.local @!p0 [hbm:s0], s1  }
0x172: {  	s0 =	simm.s32 @!p0 $0x5  }
0x173: {  	_ =	swait.ge @!p0 [sflag:s0], s1  }
0x174: {  	s1 =	ssub.s32 @!p0 $0x0, s1;
	[sflag:s0] =	ssyncset.done @!p0 $0x0  }
0x175: {  	[sflag:s0] =	ssyncadd.s32 @!p0 s1  }
0x176: {  	[bflag:$0x3] =	sbarrier.arrive $0xFFFF  }
0x177: {  	_ =	shalt  }

</sc_bundles>
